<compile_context>
chip_gen: v7x
topology: tpu7x:2x2x1
jax: 0.10.2.dev20260603
libtpu: 0.0.44.dev20260713+nightly
codegen_flags: <defaults>
</compile_context>

<pallas_src>
import functools

import jax
import jax.numpy as jnp
from jax import lax
from jax.experimental import pallas as pl
from jax.experimental.pallas import tpu as pltpu
from jax.experimental.pallas import tpu_sc as plsc

N_NODES = 10000
D_FEAT = 128
N_EDGES = 320000

NUM_CORES = 2
NUM_SUBCORES = 16
NUM_TILES = NUM_CORES * NUM_SUBCORES
EDGES_PER_TILE = N_EDGES // NUM_TILES
BLOCK_E = 80
NUM_BLOCKS = EDGES_PER_TILE // BLOCK_E
NROW = 4
NIDX = 8
N_PAD = 10240
ROWS_PER_TILE = N_PAD // NUM_SUBCORES
ZROWS = 32


def _make_sc_kernel():
    mesh = plsc.VectorSubcoreMesh(core_axis_name="c", subcore_axis_name="s")

    @functools.partial(
        pl.kernel,
        mesh=mesh,
        out_type=[jax.ShapeDtypeStruct((N_PAD, D_FEAT), jnp.float32),
                  jax.ShapeDtypeStruct((N_PAD, D_FEAT), jnp.float32)],
        scratch_types=[
            [pltpu.VMEM((BLOCK_E, D_FEAT), jnp.float32) for _ in range(NROW)],
            [pltpu.VMEM((2, BLOCK_E), jnp.int32) for _ in range(NIDX)],
            pltpu.VMEM((ZROWS, D_FEAT), jnp.float32),
            pltpu.VMEM_SHARED((N_PAD, D_FEAT), jnp.float32),
            [pltpu.SemaphoreType.DMA for _ in range(NROW)],
            [pltpu.SemaphoreType.DMA for _ in range(NIDX)],
        ],
    )
    def sc_segment_sum(edge_hbm, x_hbm, out0_hbm, out1_hbm,
                       rows, ibufs, zbuf, acc, gsems, isems):
        cid = lax.axis_index("c")
        sid = lax.axis_index("s")
        wid = cid * NUM_SUBCORES + sid
        ebase = wid * EDGES_PER_TILE
        row0 = sid * ROWS_PER_TILE

        def start_idx(b, m):
            off = pl.multiple_of(ebase + b * BLOCK_E, BLOCK_E)
            pltpu.async_copy(edge_hbm.at[pl.ds(off, BLOCK_E)],
                             ibufs[m].at[0], isems[m])
            pltpu.async_copy(edge_hbm.at[pl.ds(N_EDGES + off, BLOCK_E)],
                             ibufs[m].at[1], isems[m])

        def wait_idx(m):
            pltpu.make_async_copy(edge_hbm.at[pl.ds(0, BLOCK_E)],
                                  ibufs[m].at[0], isems[m]).wait()
            pltpu.make_async_copy(edge_hbm.at[pl.ds(0, BLOCK_E)],
                                  ibufs[m].at[1], isems[m]).wait()

        def start_gather(k, m):
            wait_idx(m)
            pltpu.async_copy(x_hbm.at[ibufs[m].at[0]], rows[k], gsems[k])

        def scatter(k, m):
            pltpu.make_async_copy(x_hbm.at[ibufs[m].at[0]],
                                  rows[k], gsems[k]).wait()
            pltpu.sync_copy(rows[k], acc.at[ibufs[m].at[1]], add=True)

        for m in range(NIDX):
            start_idx(m, m)
        for g in range(NROW):
            start_gather(g, g)

        zvec = jnp.zeros((16,), jnp.float32)
        for r in range(ZROWS):
            for c in range(D_FEAT // 16):
                zbuf[r, pl.ds(c * 16, 16)] = zvec

        def zcopy(j, carry):
            zoff = pl.multiple_of(row0 + j * ZROWS, ZROWS)
            pltpu.sync_copy(zbuf, acc.at[pl.ds(zoff, ZROWS)])
            return carry

        lax.fori_loop(0, ROWS_PER_TILE // ZROWS, zcopy, 0)

        plsc.subcore_barrier()

        main_steps = ((NUM_BLOCKS - NIDX) // NIDX) * NIDX

        def outer(j, carry):
            for t in range(NIDX):
                b = j * NIDX + t
                k, m = t % NROW, t % NIDX
                scatter(k, m)
                start_idx(b + NIDX, m)
                start_gather(k, (t + NROW) % NIDX)
            return carry

        lax.fori_loop(0, main_steps // NIDX, outer, 0)

        for b in range(main_steps, NUM_BLOCKS):
            t = b % NIDX
            k, m = t % NROW, t % NIDX
            scatter(k, m)
            if b + NIDX < NUM_BLOCKS:
                start_idx(b + NIDX, m)
            if b + NROW < NUM_BLOCKS:
                start_gather(k, (t + NROW) % NIDX)

        plsc.subcore_barrier()

        wb = pl.multiple_of(row0, ROWS_PER_TILE)

        @pl.when(cid == 0)
        def _():
            pltpu.sync_copy(acc.at[pl.ds(wb, ROWS_PER_TILE)],
                            out0_hbm.at[pl.ds(wb, ROWS_PER_TILE)])

        @pl.when(cid == 1)
        def _():
            pltpu.sync_copy(acc.at[pl.ds(wb, ROWS_PER_TILE)],
                            out1_hbm.at[pl.ds(wb, ROWS_PER_TILE)])

    return sc_segment_sum


_SC_KERNEL = _make_sc_kernel()


def _add_body(a_ref, b_ref, o_ref):
    o_ref[...] = a_ref[...] + b_ref[...]


_ADD_BLOCK = 2000


def _combine(p0, p1):
    return pl.pallas_call(
        _add_body,
        out_shape=jax.ShapeDtypeStruct((N_NODES, D_FEAT), jnp.float32),
        grid=(N_NODES // _ADD_BLOCK,),
        in_specs=[
            pl.BlockSpec((_ADD_BLOCK, D_FEAT), lambda i: (i, 0)),
            pl.BlockSpec((_ADD_BLOCK, D_FEAT), lambda i: (i, 0)),
        ],
        out_specs=pl.BlockSpec((_ADD_BLOCK, D_FEAT), lambda i: (i, 0)),
    )(p0, p1)


@jax.jit
def kernel(x, edge_index, att_w, att_b):
    del att_w, att_b
    edge_flat = edge_index.astype(jnp.int32).reshape(-1)
    p0, p1 = _SC_KERNEL(edge_flat, x.astype(jnp.float32))
    return _combine(p0, p1)

# --- scband reference (transcript-rebuilt; emitter-appended) ---
"""Pipeline reference for scband-attention-ginconv-83743272337691 (READ-ONLY COPY).

The authoritative reference and input builder live on the scoring server;
editing this copy changes nothing except your own understanding.
"""

import jax, jax.numpy as jnp
import numpy as np

N_NODES = 10000
D_FEAT = 128
N_EDGES = 320000


def setup_inputs(seed: int = 0) -> dict:
    key = jax.random.key(seed)
    k1, k2, k3 = jax.random.split(key, 3)
    x = jax.random.normal(k1, (N_NODES, D_FEAT), dtype=jnp.float32)
    edge_index = jax.random.randint(k2, (2, N_EDGES), 0, N_NODES)
    # attention layer params: Linear(2*out_channels -> 1)
    att_w = jax.random.normal(k3, (2 * D_FEAT, 1), dtype=jnp.float32) * 0.05
    att_b = jnp.zeros((1,), dtype=jnp.float32)
    return {"x": x, "edge_index": edge_index, "att_w": att_w, "att_b": att_b}


def reference(x, edge_index, att_w, att_b):
    # edge_index is already in sparse COO [2, E] form (dense_to_sparse is identity here)
    src = edge_index[0]
    dst = edge_index[1]
    # message(x_i, x_j): x_i = target (dst) features, x_j = source (src) features
    x_i = jnp.take(x, dst, axis=0)
    x_j = jnp.take(x, src, axis=0)
    x_cat = jnp.concatenate([x_i, x_j], axis=-1)          # [E, 2d]
    alpha = x_cat @ att_w + att_b                         # [E, 1]
    # faithful to F.softmax(alpha, dim=1) on a [E, 1] tensor
    alpha = jax.nn.softmax(alpha, axis=1)
    msg = x_j * alpha                                     # [E, d]
    # propagate with default sum aggregation into destination nodes
    out = jax.ops.segment_sum(msg, dst, num_segments=x.shape[0])
    return out

if __name__ == "__main__":
    import jax
    _d = setup_inputs()
    print(jax.jit(kernel)(*tuple(_d.values())))

</pallas_src>

<mosaic_0001>
#map = affine_map<(d0, d1) -> (0)>
#map1 = affine_map<(d0, d1) -> (0, 0)>
module attributes {stable_mosaic.version = 14 : i64} {
  func.func @sc_segment_sum(%arg0: i32, %arg1: i32, %arg2: memref<640000xi32, #tpu.memory_space<hbm>>, %arg3: memref<10000x128xf32, #tpu.memory_space<hbm>>, %arg4: memref<10240x128xf32, #tpu.memory_space<hbm>>, %arg5: memref<10240x128xf32, #tpu.memory_space<hbm>>, %arg6: memref<80x128xf32, #tpu.memory_space<vmem>>, %arg7: memref<80x128xf32, #tpu.memory_space<vmem>>, %arg8: memref<80x128xf32, #tpu.memory_space<vmem>>, %arg9: memref<80x128xf32, #tpu.memory_space<vmem>>, %arg10: memref<2x80xi32, #tpu.memory_space<vmem>>, %arg11: memref<2x80xi32, #tpu.memory_space<vmem>>, %arg12: memref<2x80xi32, #tpu.memory_space<vmem>>, %arg13: memref<2x80xi32, #tpu.memory_space<vmem>>, %arg14: memref<2x80xi32, #tpu.memory_space<vmem>>, %arg15: memref<2x80xi32, #tpu.memory_space<vmem>>, %arg16: memref<2x80xi32, #tpu.memory_space<vmem>>, %arg17: memref<2x80xi32, #tpu.memory_space<vmem>>, %arg18: memref<32x128xf32, #tpu.memory_space<vmem>>, %arg19: memref<10240x128xf32, #tpu.memory_space<vmem_shared>>, %arg20: memref<!tpu.dma_semaphore, #tpu.memory_space<semaphore_mem>>, %arg21: memref<!tpu.dma_semaphore, #tpu.memory_space<semaphore_mem>>, %arg22: memref<!tpu.dma_semaphore, #tpu.memory_space<semaphore_mem>>, %arg23: memref<!tpu.dma_semaphore, #tpu.memory_space<semaphore_mem>>, %arg24: memref<!tpu.dma_semaphore, #tpu.memory_space<semaphore_mem>>, %arg25: memref<!tpu.dma_semaphore, #tpu.memory_space<semaphore_mem>>, %arg26: memref<!tpu.dma_semaphore, #tpu.memory_space<semaphore_mem>>, %arg27: memref<!tpu.dma_semaphore, #tpu.memory_space<semaphore_mem>>, %arg28: memref<!tpu.dma_semaphore, #tpu.memory_space<semaphore_mem>>, %arg29: memref<!tpu.dma_semaphore, #tpu.memory_space<semaphore_mem>>, %arg30: memref<!tpu.dma_semaphore, #tpu.memory_space<semaphore_mem>>, %arg31: memref<!tpu.dma_semaphore, #tpu.memory_space<semaphore_mem>>) attributes {dimension_semantics = [#tpu.dimension_semantics<core_parallel>, #tpu.dimension_semantics<subcore_parallel>], iteration_bounds = array<i64: 2, 16>, scalar_prefetch = 0 : i64, scratch_operands = 26 : i64, tpu.core_type = #tpu.core_type<sc_vector_subcore>, window_params = [{transform_indices = #map}, {transform_indices = #map1}, {transform_indices = #map1}, {transform_indices = #map1}]} {
    %mul3A = arith.constant 16 : i32
    %mul3A_0 = arith.muli %arg0, %mul3A : i32
    %add3A = arith.addi %mul3A_0, %arg1 : i32
    %mul3A_1 = arith.constant 10000 : i32
    %mul3A_2 = arith.muli %add3A, %mul3A_1 : i32
    %mul3A_3 = arith.constant 640 : i32
    %mul3A_4 = arith.muli %arg1, %mul3A_3 : i32
    %add3A_5 = arith.constant 0 : i32
    %add3A_6 = arith.addi %mul3A_2, %add3A_5 : i32
    %multiple_of3A = tpu.assume_multiple %add3A_6, 80 : i32
    %dma_start3A = arith.constant 0 : i32
    %dma_start3A_7 = arith.constant 0 : i32
    %dma_start3A_8 = tpu.memref_slice %arg10[%dma_start3A, %dma_start3A_7] : memref<2x80xi32, #tpu.memory_space<vmem>> -> memref<1x80xi32, #tpu.memory_space<vmem>>
    %dma_start3A_9 = tpu.memref_squeeze %dma_start3A_8 : memref<1x80xi32, #tpu.memory_space<vmem>> -> memref<80xi32, #tpu.memory_space<vmem>>
    %dma_start3A_10 = tpu.memref_slice %arg2[%multiple_of3A] : memref<640000xi32, #tpu.memory_space<hbm>> -> memref<80xi32, #tpu.memory_space<hbm>>
    %dma_start3A_11 = arith.constant 0 : i32
    %dma_start3A_12 = tpu.memref_slice %arg10[%dma_start3A, %dma_start3A_11] : memref<2x80xi32, #tpu.memory_space<vmem>> -> memref<1x80xi32, #tpu.memory_space<vmem>>
    %dma_start3A_13 = tpu.memref_squeeze %dma_start3A_12 : memref<1x80xi32, #tpu.memory_space<vmem>> -> memref<80xi32, #tpu.memory_space<vmem>>
    %dma_start3A_14 = tpu.memref_slice %arg2[%multiple_of3A] : memref<640000xi32, #tpu.memory_space<hbm>> -> memref<80xi32, #tpu.memory_space<hbm>>
    tpu.enqueue_dma source(%dma_start3A_14 : memref<80xi32, #tpu.memory_space<hbm>>) target(%dma_start3A_13 : memref<80xi32, #tpu.memory_space<vmem>>) target_semaphore(%arg24 : memref<!tpu.dma_semaphore, #tpu.memory_space<semaphore_mem>>)
    %add3A_15 = arith.constant 320000 : i32
    %add3A_16 = arith.addi %add3A_15, %multiple_of3A : i32
    %dma_start3A_17 = arith.constant 1 : i32
    %dma_start3A_18 = arith.constant 0 : i32
    %dma_start3A_19 = tpu.memref_slice %arg10[%dma_start3A_17, %dma_start3A_18] : memref<2x80xi32, #tpu.memory_space<vmem>> -> memref<1x80xi32, #tpu.memory_space<vmem>>
    %dma_start3A_20 = tpu.memref_squeeze %dma_start3A_19 : memref<1x80xi32, #tpu.memory_space<vmem>> -> memref<80xi32, #tpu.memory_space<vmem>>
    %dma_start3A_21 = tpu.memref_slice %arg2[%add3A_16] : memref<640000xi32, #tpu.memory_space<hbm>> -> memref<80xi32, #tpu.memory_space<hbm>>
    %dma_start3A_22 = arith.constant 0 : i32
    %dma_start3A_23 = tpu.memref_slice %arg10[%dma_start3A_17, %dma_start3A_22] : memref<2x80xi32, #tpu.memory_space<vmem>> -> memref<1x80xi32, #tpu.memory_space<vmem>>
    %dma_start3A_24 = tpu.memref_squeeze %dma_start3A_23 : memref<1x80xi32, #tpu.memory_space<vmem>> -> memref<80xi32, #tpu.memory_space<vmem>>
    %dma_start3A_25 = tpu.memref_slice %arg2[%add3A_16] : memref<640000xi32, #tpu.memory_space<hbm>> -> memref<80xi32, #tpu.memory_space<hbm>>
    tpu.enqueue_dma source(%dma_start3A_25 : memref<80xi32, #tpu.memory_space<hbm>>) target(%dma_start3A_24 : memref<80xi32, #tpu.memory_space<vmem>>) target_semaphore(%arg24 : memref<!tpu.dma_semaphore, #tpu.memory_space<semaphore_mem>>)
    %add3A_26 = arith.constant 80 : i32
    %add3A_27 = arith.addi %mul3A_2, %add3A_26 : i32
    %multiple_of3A_28 = tpu.assume_multiple %add3A_27, 80 : i32
    %dma_start3A_29 = arith.constant 0 : i32
    %dma_start3A_30 = arith.constant 0 : i32
    %dma_start3A_31 = tpu.memref_slice %arg11[%dma_start3A_29, %dma_start3A_30] : memref<2x80xi32, #tpu.memory_space<vmem>> -> memref<1x80xi32, #tpu.memory_space<vmem>>
    %dma_start3A_32 = tpu.memref_squeeze %dma_start3A_31 : memref<1x80xi32, #tpu.memory_space<vmem>> -> memref<80xi32, #tpu.memory_space<vmem>>
    %dma_start3A_33 = tpu.memref_slice %arg2[%multiple_of3A_28] : memref<640000xi32, #tpu.memory_space<hbm>> -> memref<80xi32, #tpu.memory_space<hbm>>
    %dma_start3A_34 = arith.constant 0 : i32
    %dma_start3A_35 = tpu.memref_slice %arg11[%dma_start3A_29, %dma_start3A_34] : memref<2x80xi32, #tpu.memory_space<vmem>> -> memref<1x80xi32, #tpu.memory_space<vmem>>
    %dma_start3A_36 = tpu.memref_squeeze %dma_start3A_35 : memref<1x80xi32, #tpu.memory_space<vmem>> -> memref<80xi32, #tpu.memory_space<vmem>>
    %dma_start3A_37 = tpu.memref_slice %arg2[%multiple_of3A_28] : memref<640000xi32, #tpu.memory_space<hbm>> -> memref<80xi32, #tpu.memory_space<hbm>>
    tpu.enqueue_dma source(%dma_start3A_37 : memref<80xi32, #tpu.memory_space<hbm>>) target(%dma_start3A_36 : memref<80xi32, #tpu.memory_space<vmem>>) target_semaphore(%arg25 : memref<!tpu.dma_semaphore, #tpu.memory_space<semaphore_mem>>)
    %add3A_38 = arith.constant 320000 : i32
    %add3A_39 = arith.addi %add3A_38, %multiple_of3A_28 : i32
    %dma_start3A_40 = arith.constant 1 : i32
    %dma_start3A_41 = arith.constant 0 : i32
    %dma_start3A_42 = tpu.memref_slice %arg11[%dma_start3A_40, %dma_start3A_41] : memref<2x80xi32, #tpu.memory_space<vmem>> -> memref<1x80xi32, #tpu.memory_space<vmem>>
    %dma_start3A_43 = tpu.memref_squeeze %dma_start3A_42 : memref<1x80xi32, #tpu.memory_space<vmem>> -> memref<80xi32, #tpu.memory_space<vmem>>
    %dma_start3A_44 = tpu.memref_slice %arg2[%add3A_39] : memref<640000xi32, #tpu.memory_space<hbm>> -> memref<80xi32, #tpu.memory_space<hbm>>
    %dma_start3A_45 = arith.constant 0 : i32
    %dma_start3A_46 = tpu.memref_slice %arg11[%dma_start3A_40, %dma_start3A_45] : memref<2x80xi32, #tpu.memory_space<vmem>> -> memref<1x80xi32, #tpu.memory_space<vmem>>
    %dma_start3A_47 = tpu.memref_squeeze %dma_start3A_46 : memref<1x80xi32, #tpu.memory_space<vmem>> -> memref<80xi32, #tpu.memory_space<vmem>>
    %dma_start3A_48 = tpu.memref_slice %arg2[%add3A_39] : memref<640000xi32, #tpu.memory_space<hbm>> -> memref<80xi32, #tpu.memory_space<hbm>>
    tpu.enqueue_dma source(%dma_start3A_48 : memref<80xi32, #tpu.memory_space<hbm>>) target(%dma_start3A_47 : memref<80xi32, #tpu.memory_space<vmem>>) target_semaphore(%arg25 : memref<!tpu.dma_semaphore, #tpu.memory_space<semaphore_mem>>)
    %add3A_49 = arith.constant 160 : i32
    %add3A_50 = arith.addi %mul3A_2, %add3A_49 : i32
    %multiple_of3A_51 = tpu.assume_multiple %add3A_50, 80 : i32
    %dma_start3A_52 = arith.constant 0 : i32
    %dma_start3A_53 = arith.constant 0 : i32
    %dma_start3A_54 = tpu.memref_slice %arg12[%dma_start3A_52, %dma_start3A_53] : memref<2x80xi32, #tpu.memory_space<vmem>> -> memref<1x80xi32, #tpu.memory_space<vmem>>
    %dma_start3A_55 = tpu.memref_squeeze %dma_start3A_54 : memref<1x80xi32, #tpu.memory_space<vmem>> -> memref<80xi32, #tpu.memory_space<vmem>>
    %dma_start3A_56 = tpu.memref_slice %arg2[%multiple_of3A_51] : memref<640000xi32, #tpu.memory_space<hbm>> -> memref<80xi32, #tpu.memory_space<hbm>>
    %dma_start3A_57 = arith.constant 0 : i32
    %dma_start3A_58 = tpu.memref_slice %arg12[%dma_start3A_52, %dma_start3A_57] : memref<2x80xi32, #tpu.memory_space<vmem>> -> memref<1x80xi32, #tpu.memory_space<vmem>>
    %dma_start3A_59 = tpu.memref_squeeze %dma_start3A_58 : memref<1x80xi32, #tpu.memory_space<vmem>> -> memref<80xi32, #tpu.memory_space<vmem>>
    %dma_start3A_60 = tpu.memref_slice %arg2[%multiple_of3A_51] : memref<640000xi32, #tpu.memory_space<hbm>> -> memref<80xi32, #tpu.memory_space<hbm>>
    tpu.enqueue_dma source(%dma_start3A_60 : memref<80xi32, #tpu.memory_space<hbm>>) target(%dma_start3A_59 : memref<80xi32, #tpu.memory_space<vmem>>) target_semaphore(%arg26 : memref<!tpu.dma_semaphore, #tpu.memory_space<semaphore_mem>>)
    %add3A_61 = arith.constant 320000 : i32
    %add3A_62 = arith.addi %add3A_61, %multiple_of3A_51 : i32
    %dma_start3A_63 = arith.constant 1 : i32
    %dma_start3A_64 = arith.constant 0 : i32
    %dma_start3A_65 = tpu.memref_slice %arg12[%dma_start3A_63, %dma_start3A_64] : memref<2x80xi32, #tpu.memory_space<vmem>> -> memref<1x80xi32, #tpu.memory_space<vmem>>
    %dma_start3A_66 = tpu.memref_squeeze %dma_start3A_65 : memref<1x80xi32, #tpu.memory_space<vmem>> -> memref<80xi32, #tpu.memory_space<vmem>>
    %dma_start3A_67 = tpu.memref_slice %arg2[%add3A_62] : memref<640000xi32, #tpu.memory_space<hbm>> -> memref<80xi32, #tpu.memory_space<hbm>>
    %dma_start3A_68 = arith.constant 0 : i32
    %dma_start3A_69 = tpu.memref_slice %arg12[%dma_start3A_63, %dma_start3A_68] : memref<2x80xi32, #tpu.memory_space<vmem>> -> memref<1x80xi32, #tpu.memory_space<vmem>>
    %dma_start3A_70 = tpu.memref_squeeze %dma_start3A_69 : memref<1x80xi32, #tpu.memory_space<vmem>> -> memref<80xi32, #tpu.memory_space<vmem>>
    %dma_start3A_71 = tpu.memref_slice %arg2[%add3A_62] : memref<640000xi32, #tpu.memory_space<hbm>> -> memref<80xi32, #tpu.memory_space<hbm>>
    tpu.enqueue_dma source(%dma_start3A_71 : memref<80xi32, #tpu.memory_space<hbm>>) target(%dma_start3A_70 : memref<80xi32, #tpu.memory_space<vmem>>) target_semaphore(%arg26 : memref<!tpu.dma_semaphore, #tpu.memory_space<semaphore_mem>>)
    %add3A_72 = arith.constant 240 : i32
    %add3A_73 = arith.addi %mul3A_2, %add3A_72 : i32
    %multiple_of3A_74 = tpu.assume_multiple %add3A_73, 80 : i32
    %dma_start3A_75 = arith.constant 0 : i32
    %dma_start3A_76 = arith.constant 0 : i32
    %dma_start3A_77 = tpu.memref_slice %arg13[%dma_start3A_75, %dma_start3A_76] : memref<2x80xi32, #tpu.memory_space<vmem>> -> memref<1x80xi32, #tpu.memory_space<vmem>>
    %dma_start3A_78 = tpu.memref_squeeze %dma_start3A_77 : memref<1x80xi32, #tpu.memory_space<vmem>> -> memref<80xi32, #tpu.memory_space<vmem>>
    %dma_start3A_79 = tpu.memref_slice %arg2[%multiple_of3A_74] : memref<640000xi32, #tpu.memory_space<hbm>> -> memref<80xi32, #tpu.memory_space<hbm>>
    %dma_start3A_80 = arith.constant 0 : i32
    %dma_start3A_81 = tpu.memref_slice %arg13[%dma_start3A_75, %dma_start3A_80] : memref<2x80xi32, #tpu.memory_space<vmem>> -> memref<1x80xi32, #tpu.memory_space<vmem>>
    %dma_start3A_82 = tpu.memref_squeeze %dma_start3A_81 : memref<1x80xi32, #tpu.memory_space<vmem>> -> memref<80xi32, #tpu.memory_space<vmem>>
    %dma_start3A_83 = tpu.memref_slice %arg2[%multiple_of3A_74] : memref<640000xi32, #tpu.memory_space<hbm>> -> memref<80xi32, #tpu.memory_space<hbm>>
    tpu.enqueue_dma source(%dma_start3A_83 : memref<80xi32, #tpu.memory_space<hbm>>) target(%dma_start3A_82 : memref<80xi32, #tpu.memory_space<vmem>>) target_semaphore(%arg27 : memref<!tpu.dma_semaphore, #tpu.memory_space<semaphore_mem>>)
    %add3A_84 = arith.constant 320000 : i32
    %add3A_85 = arith.addi %add3A_84, %multiple_of3A_74 : i32
    %dma_start3A_86 = arith.constant 1 : i32
    %dma_start3A_87 = arith.constant 0 : i32
    %dma_start3A_88 = tpu.memref_slice %arg13[%dma_start3A_86, %dma_start3A_87] : memref<2x80xi32, #tpu.memory_space<vmem>> -> memref<1x80xi32, #tpu.memory_space<vmem>>
    %dma_start3A_89 = tpu.memref_squeeze %dma_start3A_88 : memref<1x80xi32, #tpu.memory_space<vmem>> -> memref<80xi32, #tpu.memory_space<vmem>>
    %dma_start3A_90 = tpu.memref_slice %arg2[%add3A_85] : memref<640000xi32, #tpu.memory_space<hbm>> -> memref<80xi32, #tpu.memory_space<hbm>>
    %dma_start3A_91 = arith.constant 0 : i32
    %dma_start3A_92 = tpu.memref_slice %arg13[%dma_start3A_86, %dma_start3A_91] : memref<2x80xi32, #tpu.memory_space<vmem>> -> memref<1x80xi32, #tpu.memory_space<vmem>>
    %dma_start3A_93 = tpu.memref_squeeze %dma_start3A_92 : memref<1x80xi32, #tpu.memory_space<vmem>> -> memref<80xi32, #tpu.memory_space<vmem>>
    %dma_start3A_94 = tpu.memref_slice %arg2[%add3A_85] : memref<640000xi32, #tpu.memory_space<hbm>> -> memref<80xi32, #tpu.memory_space<hbm>>
    tpu.enqueue_dma source(%dma_start3A_94 : memref<80xi32, #tpu.memory_space<hbm>>) target(%dma_start3A_93 : memref<80xi32, #tpu.memory_space<vmem>>) target_semaphore(%arg27 : memref<!tpu.dma_semaphore, #tpu.memory_space<semaphore_mem>>)
    %add3A_95 = arith.constant 320 : i32
    %add3A_96 = arith.addi %mul3A_2, %add3A_95 : i32
    %multiple_of3A_97 = tpu.assume_multiple %add3A_96, 80 : i32
    %dma_start3A_98 = arith.constant 0 : i32
    %dma_start3A_99 = arith.constant 0 : i32
    %dma_start3A_100 = tpu.memref_slice %arg14[%dma_start3A_98, %dma_start3A_99] : memref<2x80xi32, #tpu.memory_space<vmem>> -> memref<1x80xi32, #tpu.memory_space<vmem>>
    %dma_start3A_101 = tpu.memref_squeeze %dma_start3A_100 : memref<1x80xi32, #tpu.memory_space<vmem>> -> memref<80xi32, #tpu.memory_space<vmem>>
    %dma_start3A_102 = tpu.memref_slice %arg2[%multiple_of3A_97] : memref<640000xi32, #tpu.memory_space<hbm>> -> memref<80xi32, #tpu.memory_space<hbm>>
    %dma_start3A_103 = arith.constant 0 : i32
    %dma_start3A_104 = tpu.memref_slice %arg14[%dma_start3A_98, %dma_start3A_103] : memref<2x80xi32, #tpu.memory_space<vmem>> -> memref<1x80xi32, #tpu.memory_space<vmem>>
    %dma_start3A_105 = tpu.memref_squeeze %dma_start3A_104 : memref<1x80xi32, #tpu.memory_space<vmem>> -> memref<80xi32, #tpu.memory_space<vmem>>
    %dma_start3A_106 = tpu.memref_slice %arg2[%multiple_of3A_97] : memref<640000xi32, #tpu.memory_space<hbm>> -> memref<80xi32, #tpu.memory_space<hbm>>
    tpu.enqueue_dma source(%dma_start3A_106 : memref<80xi32, #tpu.memory_space<hbm>>) target(%dma_start3A_105 : memref<80xi32, #tpu.memory_space<vmem>>) target_semaphore(%arg28 : memref<!tpu.dma_semaphore, #tpu.memory_space<semaphore_mem>>)
    %add3A_107 = arith.constant 320000 : i32
    %add3A_108 = arith.addi %add3A_107, %multiple_of3A_97 : i32
    %dma_start3A_109 = arith.constant 1 : i32
    %dma_start3A_110 = arith.constant 0 : i32
    %dma_start3A_111 = tpu.memref_slice %arg14[%dma_start3A_109, %dma_start3A_110] : memref<2x80xi32, #tpu.memory_space<vmem>> -> memref<1x80xi32, #tpu.memory_space<vmem>>
    %dma_start3A_112 = tpu.memref_squeeze %dma_start3A_111 : memref<1x80xi32, #tpu.memory_space<vmem>> -> memref<80xi32, #tpu.memory_space<vmem>>
    %dma_start3A_113 = tpu.memref_slice %arg2[%add3A_108] : memref<640000xi32, #tpu.memory_space<hbm>> -> memref<80xi32, #tpu.memory_space<hbm>>
    %dma_start3A_114 = arith.constant 0 : i32
    %dma_start3A_115 = tpu.memref_slice %arg14[%dma_start3A_109, %dma_start3A_114] : memref<2x80xi32, #tpu.memory_space<vmem>> -> memref<1x80xi32, #tpu.memory_space<vmem>>
    %dma_start3A_116 = tpu.memref_squeeze %dma_start3A_115 : memref<1x80xi32, #tpu.memory_space<vmem>> -> memref<80xi32, #tpu.memory_space<vmem>>
    %dma_start3A_117 = tpu.memref_slice %arg2[%add3A_108] : memref<640000xi32, #tpu.memory_space<hbm>> -> memref<80xi32, #tpu.memory_space<hbm>>
    tpu.enqueue_dma source(%dma_start3A_117 : memref<80xi32, #tpu.memory_space<hbm>>) target(%dma_start3A_116 : memref<80xi32, #tpu.memory_space<vmem>>) target_semaphore(%arg28 : memref<!tpu.dma_semaphore, #tpu.memory_space<semaphore_mem>>)
    %add3A_118 = arith.constant 400 : i32
    %add3A_119 = arith.addi %mul3A_2, %add3A_118 : i32
    %multiple_of3A_120 = tpu.assume_multiple %add3A_119, 80 : i32
    %dma_start3A_121 = arith.constant 0 : i32
    %dma_start3A_122 = arith.constant 0 : i32
    %dma_start3A_123 = tpu.memref_slice %arg15[%dma_start3A_121, %dma_start3A_122] : memref<2x80xi32, #tpu.memory_space<vmem>> -> memref<1x80xi32, #tpu.memory_space<vmem>>
    %dma_start3A_124 = tpu.memref_squeeze %dma_start3A_123 : memref<1x80xi32, #tpu.memory_space<vmem>> -> memref<80xi32, #tpu.memory_space<vmem>>
    %dma_start3A_125 = tpu.memref_slice %arg2[%multiple_of3A_120] : memref<640000xi32, #tpu.memory_space<hbm>> -> memref<80xi32, #tpu.memory_space<hbm>>
    %dma_start3A_126 = arith.constant 0 : i32
    %dma_start3A_127 = tpu.memref_slice %arg15[%dma_start3A_121, %dma_start3A_126] : memref<2x80xi32, #tpu.memory_space<vmem>> -> memref<1x80xi32, #tpu.memory_space<vmem>>
    %dma_start3A_128 = tpu.memref_squeeze %dma_start3A_127 : memref<1x80xi32, #tpu.memory_space<vmem>> -> memref<80xi32, #tpu.memory_space<vmem>>
    %dma_start3A_129 = tpu.memref_slice %arg2[%multiple_of3A_120] : memref<640000xi32, #tpu.memory_space<hbm>> -> memref<80xi32, #tpu.memory_space<hbm>>
    tpu.enqueue_dma source(%dma_start3A_129 : memref<80xi32, #tpu.memory_space<hbm>>) target(%dma_start3A_128 : memref<80xi32, #tpu.memory_space<vmem>>) target_semaphore(%arg29 : memref<!tpu.dma_semaphore, #tpu.memory_space<semaphore_mem>>)
    %add3A_130 = arith.constant 320000 : i32
    %add3A_131 = arith.addi %add3A_130, %multiple_of3A_120 : i32
    %dma_start3A_132 = arith.constant 1 : i32
    %dma_start3A_133 = arith.constant 0 : i32
    %dma_start3A_134 = tpu.memref_slice %arg15[%dma_start3A_132, %dma_start3A_133] : memref<2x80xi32, #tpu.memory_space<vmem>> -> memref<1x80xi32, #tpu.memory_space<vmem>>
    %dma_start3A_135 = tpu.memref_squeeze %dma_start3A_134 : memref<1x80xi32, #tpu.memory_space<vmem>> -> memref<80xi32, #tpu.memory_space<vmem>>
    %dma_start3A_136 = tpu.memref_slice %arg2[%add3A_131] : memref<640000xi32, #tpu.memory_space<hbm>> -> memref<80xi32, #tpu.memory_space<hbm>>
    %dma_start3A_137 = arith.constant 0 : i32
    %dma_start3A_138 = tpu.memref_slice %arg15[%dma_start3A_132, %dma_start3A_137] : memref<2x80xi32, #tpu.memory_space<vmem>> -> memref<1x80xi32, #tpu.memory_space<vmem>>
    %dma_start3A_139 = tpu.memref_squeeze %dma_start3A_138 : memref<1x80xi32, #tpu.memory_space<vmem>> -> memref<80xi32, #tpu.memory_space<vmem>>
    %dma_start3A_140 = tpu.memref_slice %arg2[%add3A_131] : memref<640000xi32, #tpu.memory_space<hbm>> -> memref<80xi32, #tpu.memory_space<hbm>>
    tpu.enqueue_dma source(%dma_start3A_140 : memref<80xi32, #tpu.memory_space<hbm>>) target(%dma_start3A_139 : memref<80xi32, #tpu.memory_space<vmem>>) target_semaphore(%arg29 : memref<!tpu.dma_semaphore, #tpu.memory_space<semaphore_mem>>)
    %add3A_141 = arith.constant 480 : i32
    %add3A_142 = arith.addi %mul3A_2, %add3A_141 : i32
    %multiple_of3A_143 = tpu.assume_multiple %add3A_142, 80 : i32
    %dma_start3A_144 = arith.constant 0 : i32
    %dma_start3A_145 = arith.constant 0 : i32
    %dma_start3A_146 = tpu.memref_slice %arg16[%dma_start3A_144, %dma_start3A_145] : memref<2x80xi32, #tpu.memory_space<vmem>> -> memref<1x80xi32, #tpu.memory_space<vmem>>
    %dma_start3A_147 = tpu.memref_squeeze %dma_start3A_146 : memref<1x80xi32, #tpu.memory_space<vmem>> -> memref<80xi32, #tpu.memory_space<vmem>>
    %dma_start3A_148 = tpu.memref_slice %arg2[%multiple_of3A_143] : memref<640000xi32, #tpu.memory_space<hbm>> -> memref<80xi32, #tpu.memory_space<hbm>>
    %dma_start3A_149 = arith.constant 0 : i32
    %dma_start3A_150 = tpu.memref_slice %arg16[%dma_start3A_144, %dma_start3A_149] : memref<2x80xi32, #tpu.memory_space<vmem>> -> memref<1x80xi32, #tpu.memory_space<vmem>>
    %dma_start3A_151 = tpu.memref_squeeze %dma_start3A_150 : memref<1x80xi32, #tpu.memory_space<vmem>> -> memref<80xi32, #tpu.memory_space<vmem>>
    %dma_start3A_152 = tpu.memref_slice %arg2[%multiple_of3A_143] : memref<640000xi32, #tpu.memory_space<hbm>> -> memref<80xi32, #tpu.memory_space<hbm>>
    tpu.enqueue_dma source(%dma_start3A_152 : memref<80xi32, #tpu.memory_space<hbm>>) target(%dma_start3A_151 : memref<80xi32, #tpu.memory_space<vmem>>) target_semaphore(%arg30 : memref<!tpu.dma_semaphore, #tpu.memory_space<semaphore_mem>>)
    %add3A_153 = arith.constant 320000 : i32
    %add3A_154 = arith.addi %add3A_153, %multiple_of3A_143 : i32
    %dma_start3A_155 = arith.constant 1 : i32
    %dma_start3A_156 = arith.constant 0 : i32
    %dma_start3A_157 = tpu.memref_slice %arg16[%dma_start3A_155, %dma_start3A_156] : memref<2x80xi32, #tpu.memory_space<vmem>> -> memref<1x80xi32, #tpu.memory_space<vmem>>
    %dma_start3A_158 = tpu.memref_squeeze %dma_start3A_157 : memref<1x80xi32, #tpu.memory_space<vmem>> -> memref<80xi32, #tpu.memory_space<vmem>>
    %dma_start3A_159 = tpu.memref_slice %arg2[%add3A_154] : memref<640000xi32, #tpu.memory_space<hbm>> -> memref<80xi32, #tpu.memory_space<hbm>>
    %dma_start3A_160 = arith.constant 0 : i32
    %dma_start3A_161 = tpu.memref_slice %arg16[%dma_start3A_155, %dma_start3A_160] : memref<2x80xi32, #tpu.memory_space<vmem>> -> memref<1x80xi32, #tpu.memory_space<vmem>>
    %dma_start3A_162 = tpu.memref_squeeze %dma_start3A_161 : memref<1x80xi32, #tpu.memory_space<vmem>> -> memref<80xi32, #tpu.memory_space<vmem>>
    %dma_start3A_163 = tpu.memref_slice %arg2[%add3A_154] : memref<640000xi32, #tpu.memory_space<hbm>> -> memref<80xi32, #tpu.memory_space<hbm>>
    tpu.enqueue_dma source(%dma_start3A_163 : memref<80xi32, #tpu.memory_space<hbm>>) target(%dma_start3A_162 : memref<80xi32, #tpu.memory_space<vmem>>) target_semaphore(%arg30 : memref<!tpu.dma_semaphore, #tpu.memory_space<semaphore_mem>>)
    %add3A_164 = arith.constant 560 : i32
    %add3A_165 = arith.addi %mul3A_2, %add3A_164 : i32
    %multiple_of3A_166 = tpu.assume_multiple %add3A_165, 80 : i32
    %dma_start3A_167 = arith.constant 0 : i32
    %dma_start3A_168 = arith.constant 0 : i32
    %dma_start3A_169 = tpu.memref_slice %arg17[%dma_start3A_167, %dma_start3A_168] : memref<2x80xi32, #tpu.memory_space<vmem>> -> memref<1x80xi32, #tpu.memory_space<vmem>>
    %dma_start3A_170 = tpu.memref_squeeze %dma_start3A_169 : memref<1x80xi32, #tpu.memory_space<vmem>> -> memref<80xi32, #tpu.memory_space<vmem>>
    %dma_start3A_171 = tpu.memref_slice %arg2[%multiple_of3A_166] : memref<640000xi32, #tpu.memory_space<hbm>> -> memref<80xi32, #tpu.memory_space<hbm>>
    %dma_start3A_172 = arith.constant 0 : i32
    %dma_start3A_173 = tpu.memref_slice %arg17[%dma_start3A_167, %dma_start3A_172] : memref<2x80xi32, #tpu.memory_space<vmem>> -> memref<1x80xi32, #tpu.memory_space<vmem>>
    %dma_start3A_174 = tpu.memref_squeeze %dma_start3A_173 : memref<1x80xi32, #tpu.memory_space<vmem>> -> memref<80xi32, #tpu.memory_space<vmem>>
    %dma_start3A_175 = tpu.memref_slice %arg2[%multiple_of3A_166] : memref<640000xi32, #tpu.memory_space<hbm>> -> memref<80xi32, #tpu.memory_space<hbm>>
    tpu.enqueue_dma source(%dma_start3A_175 : memref<80xi32, #tpu.memory_space<hbm>>) target(%dma_start3A_174 : memref<80xi32, #tpu.memory_space<vmem>>) target_semaphore(%arg31 : memref<!tpu.dma_semaphore, #tpu.memory_space<semaphore_mem>>)
    %add3A_176 = arith.constant 320000 : i32
    %add3A_177 = arith.addi %add3A_176, %multiple_of3A_166 : i32
    %dma_start3A_178 = arith.constant 1 : i32
    %dma_start3A_179 = arith.constant 0 : i32
    %dma_start3A_180 = tpu.memref_slice %arg17[%dma_start3A_178, %dma_start3A_179] : memref<2x80xi32, #tpu.memory_space<vmem>> -> memref<1x80xi32, #tpu.memory_space<vmem>>
    %dma_start3A_181 = tpu.memref_squeeze %dma_start3A_180 : memref<1x80xi32, #tpu.memory_space<vmem>> -> memref<80xi32, #tpu.memory_space<vmem>>
    %dma_start3A_182 = tpu.memref_slice %arg2[%add3A_177] : memref<640000xi32, #tpu.memory_space<hbm>> -> memref<80xi32, #tpu.memory_space<hbm>>
    %dma_start3A_183 = arith.constant 0 : i32
    %dma_start3A_184 = tpu.memref_slice %arg17[%dma_start3A_178, %dma_start3A_183] : memref<2x80xi32, #tpu.memory_space<vmem>> -> memref<1x80xi32, #tpu.memory_space<vmem>>
    %dma_start3A_185 = tpu.memref_squeeze %dma_start3A_184 : memref<1x80xi32, #tpu.memory_space<vmem>> -> memref<80xi32, #tpu.memory_space<vmem>>
    %dma_start3A_186 = tpu.memref_slice %arg2[%add3A_177] : memref<640000xi32, #tpu.memory_space<hbm>> -> memref<80xi32, #tpu.memory_space<hbm>>
    tpu.enqueue_dma source(%dma_start3A_186 : memref<80xi32, #tpu.memory_space<hbm>>) target(%dma_start3A_185 : memref<80xi32, #tpu.memory_space<vmem>>) target_semaphore(%arg31 : memref<!tpu.dma_semaphore, #tpu.memory_space<semaphore_mem>>)
    %dma_wait3A = arith.constant 0 : i32
    %dma_wait3A_187 = arith.constant 0 : i32
    %dma_wait3A_188 = tpu.memref_slice %arg10[%dma_wait3A, %dma_wait3A_187] : memref<2x80xi32, #tpu.memory_space<vmem>> -> memref<1x80xi32, #tpu.memory_space<vmem>>
    %dma_wait3A_189 = tpu.memref_squeeze %dma_wait3A_188 : memref<1x80xi32, #tpu.memory_space<vmem>> -> memref<80xi32, #tpu.memory_space<vmem>>
    %dma_wait3A_190 = arith.constant 0 : i32
    %dma_wait3A_191 = tpu.memref_slice %arg2[%dma_wait3A_190] : memref<640000xi32, #tpu.memory_space<hbm>> -> memref<80xi32, #tpu.memory_space<hbm>>
    %dma_wait3A_192 = arith.constant 0 : i32
    %dma_wait3A_193 = tpu.memref_slice %arg10[%dma_wait3A, %dma_wait3A_192] : memref<2x80xi32, #tpu.memory_space<vmem>> -> memref<1x80xi32, #tpu.memory_space<vmem>>
    %dma_wait3A_194 = tpu.memref_squeeze %dma_wait3A_193 : memref<1x80xi32, #tpu.memory_space<vmem>> -> memref<80xi32, #tpu.memory_space<vmem>>
    %dma_wait3A_195 = arith.constant 0 : i32
    %dma_wait3A_196 = tpu.memref_slice %arg2[%dma_wait3A_195] : memref<640000xi32, #tpu.memory_space<hbm>> -> memref<80xi32, #tpu.memory_space<hbm>>
    tpu.wait_dma2 semaphore(%arg24 : memref<!tpu.dma_semaphore, #tpu.memory_space<semaphore_mem>>) src(%dma_wait3A_196 : memref<80xi32, #tpu.memory_space<hbm>>) dst(%dma_wait3A_194 : memref<80xi32, #tpu.memory_space<vmem>>)
    %dma_wait3A_197 = arith.constant 1 : i32
    %dma_wait3A_198 = arith.constant 0 : i32
    %dma_wait3A_199 = tpu.memref_slice %arg10[%dma_wait3A_197, %dma_wait3A_198] : memref<2x80xi32, #tpu.memory_space<vmem>> -> memref<1x80xi32, #tpu.memory_space<vmem>>
    %dma_wait3A_200 = tpu.memref_squeeze %dma_wait3A_199 : memref<1x80xi32, #tpu.memory_space<vmem>> -> memref<80xi32, #tpu.memory_space<vmem>>
    %dma_wait3A_201 = arith.constant 0 : i32
    %dma_wait3A_202 = tpu.memref_slice %arg2[%dma_wait3A_201] : memref<640000xi32, #tpu.memory_space<hbm>> -> memref<80xi32, #tpu.memory_space<hbm>>
    %dma_wait3A_203 = arith.constant 0 : i32
    %dma_wait3A_204 = tpu.memref_slice %arg10[%dma_wait3A_197, %dma_wait3A_203] : memref<2x80xi32, #tpu.memory_space<vmem>> -> memref<1x80xi32, #tpu.memory_space<vmem>>
    %dma_wait3A_205 = tpu.memref_squeeze %dma_wait3A_204 : memref<1x80xi32, #tpu.memory_space<vmem>> -> memref<80xi32, #tpu.memory_space<vmem>>
    %dma_wait3A_206 = arith.constant 0 : i32
    %dma_wait3A_207 = tpu.memref_slice %arg2[%dma_wait3A_206] : memref<640000xi32, #tpu.memory_space<hbm>> -> memref<80xi32, #tpu.memory_space<hbm>>
    tpu.wait_dma2 semaphore(%arg24 : memref<!tpu.dma_semaphore, #tpu.memory_space<semaphore_mem>>) src(%dma_wait3A_207 : memref<80xi32, #tpu.memory_space<hbm>>) dst(%dma_wait3A_205 : memref<80xi32, #tpu.memory_space<vmem>>)
    %dma_start3A_208 = arith.constant 0 : i32
    %dma_start3A_209 = arith.constant 0 : i32
    %dma_start3A_210 = tpu.memref_slice %arg10[%dma_start3A_208, %dma_start3A_209] : memref<2x80xi32, #tpu.memory_space<vmem>> -> memref<1x80xi32, #tpu.memory_space<vmem>>
    %dma_start3A_211 = tpu.memref_squeeze %dma_start3A_210 : memref<1x80xi32, #tpu.memory_space<vmem>> -> memref<80xi32, #tpu.memory_space<vmem>>
    %dma_start3A_212 = arith.constant 0 : i32
    %dma_start3A_213 = arith.constant 0 : i32
    %dma_start3A_214 = tpu.memref_slice %arg3[%dma_start3A_212, %dma_start3A_213] : memref<10000x128xf32, #tpu.memory_space<hbm>> -> memref<10000x128xf32, #tpu.memory_space<hbm>>
    tpu.enqueue_indirect_dma source(%dma_start3A_214 : memref<10000x128xf32, #tpu.memory_space<hbm>>) target(%arg6 : memref<80x128xf32, #tpu.memory_space<vmem>>) offsets(%dma_start3A_211 : memref<80xi32, #tpu.memory_space<vmem>>) semaphore(%arg20 : memref<!tpu.dma_semaphore, #tpu.memory_space<semaphore_mem>>)
    %dma_wait3A_215 = arith.constant 0 : i32
    %dma_wait3A_216 = arith.constant 0 : i32
    %dma_wait3A_217 = tpu.memref_slice %arg11[%dma_wait3A_215, %dma_wait3A_216] : memref<2x80xi32, #tpu.memory_space<vmem>> -> memref<1x80xi32, #tpu.memory_space<vmem>>
    %dma_wait3A_218 = tpu.memref_squeeze %dma_wait3A_217 : memref<1x80xi32, #tpu.memory_space<vmem>> -> memref<80xi32, #tpu.memory_space<vmem>>
    %dma_wait3A_219 = arith.constant 0 : i32
    %dma_wait3A_220 = tpu.memref_slice %arg2[%dma_wait3A_219] : memref<640000xi32, #tpu.memory_space<hbm>> -> memref<80xi32, #tpu.memory_space<hbm>>
    %dma_wait3A_221 = arith.constant 0 : i32
    %dma_wait3A_222 = tpu.memref_slice %arg11[%dma_wait3A_215, %dma_wait3A_221] : memref<2x80xi32, #tpu.memory_space<vmem>> -> memref<1x80xi32, #tpu.memory_space<vmem>>
    %dma_wait3A_223 = tpu.memref_squeeze %dma_wait3A_222 : memref<1x80xi32, #tpu.memory_space<vmem>> -> memref<80xi32, #tpu.memory_space<vmem>>
    %dma_wait3A_224 = arith.constant 0 : i32
    %dma_wait3A_225 = tpu.memref_slice %arg2[%dma_wait3A_224] : memref<640000xi32, #tpu.memory_space<hbm>> -> memref<80xi32, #tpu.memory_space<hbm>>
    tpu.wait_dma2 semaphore(%arg25 : memref<!tpu.dma_semaphore, #tpu.memory_space<semaphore_mem>>) src(%dma_wait3A_225 : memref<80xi32, #tpu.memory_space<hbm>>) dst(%dma_wait3A_223 : memref<80xi32, #tpu.memory_space<vmem>>)
    %dma_wait3A_226 = arith.constant 1 : i32
    %dma_wait3A_227 = arith.constant 0 : i32
    %dma_wait3A_228 = tpu.memref_slice %arg11[%dma_wait3A_226, %dma_wait3A_227] : memref<2x80xi32, #tpu.memory_space<vmem>> -> memref<1x80xi32, #tpu.memory_space<vmem>>
    %dma_wait3A_229 = tpu.memref_squeeze %dma_wait3A_228 : memref<1x80xi32, #tpu.memory_space<vmem>> -> memref<80xi32, #tpu.memory_space<vmem>>
    %dma_wait3A_230 = arith.constant 0 : i32
    %dma_wait3A_231 = tpu.memref_slice %arg2[%dma_wait3A_230] : memref<640000xi32, #tpu.memory_space<hbm>> -> memref<80xi32, #tpu.memory_space<hbm>>
    %dma_wait3A_232 = arith.constant 0 : i32
    %dma_wait3A_233 = tpu.memref_slice %arg11[%dma_wait3A_226, %dma_wait3A_232] : memref<2x80xi32, #tpu.memory_space<vmem>> -> memref<1x80xi32, #tpu.memory_space<vmem>>
    %dma_wait3A_234 = tpu.memref_squeeze %dma_wait3A_233 : memref<1x80xi32, #tpu.memory_space<vmem>> -> memref<80xi32, #tpu.memory_space<vmem>>
    %dma_wait3A_235 = arith.constant 0 : i32
    %dma_wait3A_236 = tpu.memref_slice %arg2[%dma_wait3A_235] : memref<640000xi32, #tpu.memory_space<hbm>> -> memref<80xi32, #tpu.memory_space<hbm>>
    tpu.wait_dma2 semaphore(%arg25 : memref<!tpu.dma_semaphore, #tpu.memory_space<semaphore_mem>>) src(%dma_wait3A_236 : memref<80xi32, #tpu.memory_space<hbm>>) dst(%dma_wait3A_234 : memref<80xi32, #tpu.memory_space<vmem>>)
    %dma_start3A_237 = arith.constant 0 : i32
    %dma_start3A_238 = arith.constant 0 : i32
    %dma_start3A_239 = tpu.memref_slice %arg11[%dma_start3A_237, %dma_start3A_238] : memref<2x80xi32, #tpu.memory_space<vmem>> -> memref<1x80xi32, #tpu.memory_space<vmem>>
    %dma_start3A_240 = tpu.memref_squeeze %dma_start3A_239 : memref<1x80xi32, #tpu.memory_space<vmem>> -> memref<80xi32, #tpu.memory_space<vmem>>
    %dma_start3A_241 = arith.constant 0 : i32
    %dma_start3A_242 = arith.constant 0 : i32
    %dma_start3A_243 = tpu.memref_slice %arg3[%dma_start3A_241, %dma_start3A_242] : memref<10000x128xf32, #tpu.memory_space<hbm>> -> memref<10000x128xf32, #tpu.memory_space<hbm>>
    tpu.enqueue_indirect_dma source(%dma_start3A_243 : memref<10000x128xf32, #tpu.memory_space<hbm>>) target(%arg7 : memref<80x128xf32, #tpu.memory_space<vmem>>) offsets(%dma_start3A_240 : memref<80xi32, #tpu.memory_space<vmem>>) semaphore(%arg21 : memref<!tpu.dma_semaphore, #tpu.memory_space<semaphore_mem>>)
    %dma_wait3A_244 = arith.constant 0 : i32
    %dma_wait3A_245 = arith.constant 0 : i32
    %dma_wait3A_246 = tpu.memref_slice %arg12[%dma_wait3A_244, %dma_wait3A_245] : memref<2x80xi32, #tpu.memory_space<vmem>> -> memref<1x80xi32, #tpu.memory_space<vmem>>
    %dma_wait3A_247 = tpu.memref_squeeze %dma_wait3A_246 : memref<1x80xi32, #tpu.memory_space<vmem>> -> memref<80xi32, #tpu.memory_space<vmem>>
    %dma_wait3A_248 = arith.constant 0 : i32
    %dma_wait3A_249 = tpu.memref_slice %arg2[%dma_wait3A_248] : memref<640000xi32, #tpu.memory_space<hbm>> -> memref<80xi32, #tpu.memory_space<hbm>>
    %dma_wait3A_250 = arith.constant 0 : i32
    %dma_wait3A_251 = tpu.memref_slice %arg12[%dma_wait3A_244, %dma_wait3A_250] : memref<2x80xi32, #tpu.memory_space<vmem>> -> memref<1x80xi32, #tpu.memory_space<vmem>>
    %dma_wait3A_252 = tpu.memref_squeeze %dma_wait3A_251 : memref<1x80xi32, #tpu.memory_space<vmem>> -> memref<80xi32, #tpu.memory_space<vmem>>
    %dma_wait3A_253 = arith.constant 0 : i32
    %dma_wait3A_254 = tpu.memref_slice %arg2[%dma_wait3A_253] : memref<640000xi32, #tpu.memory_space<hbm>> -> memref<80xi32, #tpu.memory_space<hbm>>
    tpu.wait_dma2 semaphore(%arg26 : memref<!tpu.dma_semaphore, #tpu.memory_space<semaphore_mem>>) src(%dma_wait3A_254 : memref<80xi32, #tpu.memory_space<hbm>>) dst(%dma_wait3A_252 : memref<80xi32, #tpu.memory_space<vmem>>)
    %dma_wait3A_255 = arith.constant 1 : i32
    %dma_wait3A_256 = arith.constant 0 : i32
    %dma_wait3A_257 = tpu.memref_slice %arg12[%dma_wait3A_255, %dma_wait3A_256] : memref<2x80xi32, #tpu.memory_space<vmem>> -> memref<1x80xi32, #tpu.memory_space<vmem>>
    %dma_wait3A_258 = tpu.memref_squeeze %dma_wait3A_257 : memref<1x80xi32, #tpu.memory_space<vmem>> -> memref<80xi32, #tpu.memory_space<vmem>>
    %dma_wait3A_259 = arith.constant 0 : i32
    %dma_wait3A_260 = tpu.memref_slice %arg2[%dma_wait3A_259] : memref<640000xi32, #tpu.memory_space<hbm>> -> memref<80xi32, #tpu.memory_space<hbm>>
    %dma_wait3A_261 = arith.constant 0 : i32
    %dma_wait3A_262 = tpu.memref_slice %arg12[%dma_wait3A_255, %dma_wait3A_261] : memref<2x80xi32, #tpu.memory_space<vmem>> -> memref<1x80xi32, #tpu.memory_space<vmem>>
    %dma_wait3A_263 = tpu.memref_squeeze %dma_wait3A_262 : memref<1x80xi32, #tpu.memory_space<vmem>> -> memref<80xi32, #tpu.memory_space<vmem>>
    %dma_wait3A_264 = arith.constant 0 : i32
    %dma_wait3A_265 = tpu.memref_slice %arg2[%dma_wait3A_264] : memref<640000xi32, #tpu.memory_space<hbm>> -> memref<80xi32, #tpu.memory_space<hbm>>
    tpu.wait_dma2 semaphore(%arg26 : memref<!tpu.dma_semaphore, #tpu.memory_space<semaphore_mem>>) src(%dma_wait3A_265 : memref<80xi32, #tpu.memory_space<hbm>>) dst(%dma_wait3A_263 : memref<80xi32, #tpu.memory_space<vmem>>)
    %dma_start3A_266 = arith.constant 0 : i32
    %dma_start3A_267 = arith.constant 0 : i32
    %dma_start3A_268 = tpu.memref_slice %arg12[%dma_start3A_266, %dma_start3A_267] : memref<2x80xi32, #tpu.memory_space<vmem>> -> memref<1x80xi32, #tpu.memory_space<vmem>>
    %dma_start3A_269 = tpu.memref_squeeze %dma_start3A_268 : memref<1x80xi32, #tpu.memory_space<vmem>> -> memref<80xi32, #tpu.memory_space<vmem>>
    %dma_start3A_270 = arith.constant 0 : i32
    %dma_start3A_271 = arith.constant 0 : i32
    %dma_start3A_272 = tpu.memref_slice %arg3[%dma_start3A_270, %dma_start3A_271] : memref<10000x128xf32, #tpu.memory_space<hbm>> -> memref<10000x128xf32, #tpu.memory_space<hbm>>
    tpu.enqueue_indirect_dma source(%dma_start3A_272 : memref<10000x128xf32, #tpu.memory_space<hbm>>) target(%arg8 : memref<80x128xf32, #tpu.memory_space<vmem>>) offsets(%dma_start3A_269 : memref<80xi32, #tpu.memory_space<vmem>>) semaphore(%arg22 : memref<!tpu.dma_semaphore, #tpu.memory_space<semaphore_mem>>)
    %dma_wait3A_273 = arith.constant 0 : i32
    %dma_wait3A_274 = arith.constant 0 : i32
    %dma_wait3A_275 = tpu.memref_slice %arg13[%dma_wait3A_273, %dma_wait3A_274] : memref<2x80xi32, #tpu.memory_space<vmem>> -> memref<1x80xi32, #tpu.memory_space<vmem>>
    %dma_wait3A_276 = tpu.memref_squeeze %dma_wait3A_275 : memref<1x80xi32, #tpu.memory_space<vmem>> -> memref<80xi32, #tpu.memory_space<vmem>>
    %dma_wait3A_277 = arith.constant 0 : i32
    %dma_wait3A_278 = tpu.memref_slice %arg2[%dma_wait3A_277] : memref<640000xi32, #tpu.memory_space<hbm>> -> memref<80xi32, #tpu.memory_space<hbm>>
    %dma_wait3A_279 = arith.constant 0 : i32
    %dma_wait3A_280 = tpu.memref_slice %arg13[%dma_wait3A_273, %dma_wait3A_279] : memref<2x80xi32, #tpu.memory_space<vmem>> -> memref<1x80xi32, #tpu.memory_space<vmem>>
    %dma_wait3A_281 = tpu.memref_squeeze %dma_wait3A_280 : memref<1x80xi32, #tpu.memory_space<vmem>> -> memref<80xi32, #tpu.memory_space<vmem>>
    %dma_wait3A_282 = arith.constant 0 : i32
    %dma_wait3A_283 = tpu.memref_slice %arg2[%dma_wait3A_282] : memref<640000xi32, #tpu.memory_space<hbm>> -> memref<80xi32, #tpu.memory_space<hbm>>
    tpu.wait_dma2 semaphore(%arg27 : memref<!tpu.dma_semaphore, #tpu.memory_space<semaphore_mem>>) src(%dma_wait3A_283 : memref<80xi32, #tpu.memory_space<hbm>>) dst(%dma_wait3A_281 : memref<80xi32, #tpu.memory_space<vmem>>)
    %dma_wait3A_284 = arith.constant 1 : i32
    %dma_wait3A_285 = arith.constant 0 : i32
    %dma_wait3A_286 = tpu.memref_slice %arg13[%dma_wait3A_284, %dma_wait3A_285] : memref<2x80xi32, #tpu.memory_space<vmem>> -> memref<1x80xi32, #tpu.memory_space<vmem>>
    %dma_wait3A_287 = tpu.memref_squeeze %dma_wait3A_286 : memref<1x80xi32, #tpu.memory_space<vmem>> -> memref<80xi32, #tpu.memory_space<vmem>>
    %dma_wait3A_288 = arith.constant 0 : i32
    %dma_wait3A_289 = tpu.memref_slice %arg2[%dma_wait3A_288] : memref<640000xi32, #tpu.memory_space<hbm>> -> memref<80xi32, #tpu.memory_space<hbm>>
    %dma_wait3A_290 = arith.constant 0 : i32
    %dma_wait3A_291 = tpu.memref_slice %arg13[%dma_wait3A_284, %dma_wait3A_290] : memref<2x80xi32, #tpu.memory_space<vmem>> -> memref<1x80xi32, #tpu.memory_space<vmem>>
    %dma_wait3A_292 = tpu.memref_squeeze %dma_wait3A_291 : memref<1x80xi32, #tpu.memory_space<vmem>> -> memref<80xi32, #tpu.memory_space<vmem>>
    %dma_wait3A_293 = arith.constant 0 : i32
    %dma_wait3A_294 = tpu.memref_slice %arg2[%dma_wait3A_293] : memref<640000xi32, #tpu.memory_space<hbm>> -> memref<80xi32, #tpu.memory_space<hbm>>
    tpu.wait_dma2 semaphore(%arg27 : memref<!tpu.dma_semaphore, #tpu.memory_space<semaphore_mem>>) src(%dma_wait3A_294 : memref<80xi32, #tpu.memory_space<hbm>>) dst(%dma_wait3A_292 : memref<80xi32, #tpu.memory_space<vmem>>)
    %dma_start3A_295 = arith.constant 0 : i32
    %dma_start3A_296 = arith.constant 0 : i32
    %dma_start3A_297 = tpu.memref_slice %arg13[%dma_start3A_295, %dma_start3A_296] : memref<2x80xi32, #tpu.memory_space<vmem>> -> memref<1x80xi32, #tpu.memory_space<vmem>>
    %dma_start3A_298 = tpu.memref_squeeze %dma_start3A_297 : memref<1x80xi32, #tpu.memory_space<vmem>> -> memref<80xi32, #tpu.memory_space<vmem>>
    %dma_start3A_299 = arith.constant 0 : i32
    %dma_start3A_300 = arith.constant 0 : i32
    %dma_start3A_301 = tpu.memref_slice %arg3[%dma_start3A_299, %dma_start3A_300] : memref<10000x128xf32, #tpu.memory_space<hbm>> -> memref<10000x128xf32, #tpu.memory_space<hbm>>
    tpu.enqueue_indirect_dma source(%dma_start3A_301 : memref<10000x128xf32, #tpu.memory_space<hbm>>) target(%arg9 : memref<80x128xf32, #tpu.memory_space<vmem>>) offsets(%dma_start3A_298 : memref<80xi32, #tpu.memory_space<vmem>>) semaphore(%arg23 : memref<!tpu.dma_semaphore, #tpu.memory_space<semaphore_mem>>)
    %broadcast_in_dim3A = arith.constant 0.000000e+00 : f32
    %broadcast_in_dim3A_302 = vector.broadcast %broadcast_in_dim3A : f32 to vector<16xf32>
    %swap3A = arith.constant 0 : i32
    %swap3A_303 = arith.index_cast %swap3A : i32 to index
    %swap3A_304 = arith.constant 0 : index
    %swap3A_305 = tpu.vector_load %arg18[%swap3A_303, %swap3A_304] {strides = array<i32>} : memref<32x128xf32, #tpu.memory_space<vmem>>, vector<1x16xf32>,
    %swap3A_306 = vector.shape_cast %swap3A_305 : vector<1x16xf32> to vector<16xf32>
    %swap3A_307 = vector.shape_cast %broadcast_in_dim3A_302 : vector<16xf32> to vector<1x16xf32>
    tpu.vector_store %arg18[%swap3A_303, %swap3A_304], %swap3A_307 {strides = array<i32>} : memref<32x128xf32, #tpu.memory_space<vmem>>, vector<1x16xf32>,
    %swap3A_308 = arith.constant 0 : i32
    %swap3A_309 = arith.index_cast %swap3A_308 : i32 to index
    %swap3A_310 = arith.constant 16 : index
    %swap3A_311 = tpu.vector_load %arg18[%swap3A_309, %swap3A_310] {strides = array<i32>} : memref<32x128xf32, #tpu.memory_space<vmem>>, vector<1x16xf32>,
    %swap3A_312 = vector.shape_cast %swap3A_311 : vector<1x16xf32> to vector<16xf32>
    %swap3A_313 = vector.shape_cast %broadcast_in_dim3A_302 : vector<16xf32> to vector<1x16xf32>
    tpu.vector_store %arg18[%swap3A_309, %swap3A_310], %swap3A_313 {strides = array<i32>} : memref<32x128xf32, #tpu.memory_space<vmem>>, vector<1x16xf32>,
    %swap3A_314 = arith.constant 0 : i32
    %swap3A_315 = arith.index_cast %swap3A_314 : i32 to index
    %swap3A_316 = arith.constant 32 : index
    %swap3A_317 = tpu.vector_load %arg18[%swap3A_315, %swap3A_316] {strides = array<i32>} : memref<32x128xf32, #tpu.memory_space<vmem>>, vector<1x16xf32>,
    %swap3A_318 = vector.shape_cast %swap3A_317 : vector<1x16xf32> to vector<16xf32>
    %swap3A_319 = vector.shape_cast %broadcast_in_dim3A_302 : vector<16xf32> to vector<1x16xf32>
    tpu.vector_store %arg18[%swap3A_315, %swap3A_316], %swap3A_319 {strides = array<i32>} : memref<32x128xf32, #tpu.memory_space<vmem>>, vector<1x16xf32>,
    %swap3A_320 = arith.constant 0 : i32
    %swap3A_321 = arith.index_cast %swap3A_320 : i32 to index
    %swap3A_322 = arith.constant 48 : index
    %swap3A_323 = tpu.vector_load %arg18[%swap3A_321, %swap3A_322] {strides = array<i32>} : memref<32x128xf32, #tpu.memory_space<vmem>>, vector<1x16xf32>,
    %swap3A_324 = vector.shape_cast %swap3A_323 : vector<1x16xf32> to vector<16xf32>
    %swap3A_325 = vector.shape_cast %broadcast_in_dim3A_302 : vector<16xf32> to vector<1x16xf32>
    tpu.vector_store %arg18[%swap3A_321, %swap3A_322], %swap3A_325 {strides = array<i32>} : memref<32x128xf32, #tpu.memory_space<vmem>>, vector<1x16xf32>,
    %swap3A_326 = arith.constant 0 : i32
    %swap3A_327 = arith.index_cast %swap3A_326 : i32 to index
    %swap3A_328 = arith.constant 64 : index
    %swap3A_329 = tpu.vector_load %arg18[%swap3A_327, %swap3A_328] {strides = array<i32>} : memref<32x128xf32, #tpu.memory_space<vmem>>, vector<1x16xf32>,
    %swap3A_330 = vector.shape_cast %swap3A_329 : vector<1x16xf32> to vector<16xf32>
    %swap3A_331 = vector.shape_cast %broadcast_in_dim3A_302 : vector<16xf32> to vector<1x16xf32>
    tpu.vector_store %arg18[%swap3A_327, %swap3A_328], %swap3A_331 {strides = array<i32>} : memref<32x128xf32, #tpu.memory_space<vmem>>, vector<1x16xf32>,
    %swap3A_332 = arith.constant 0 : i32
    %swap3A_333 = arith.index_cast %swap3A_332 : i32 to index
    %swap3A_334 = arith.constant 80 : index
    %swap3A_335 = tpu.vector_load %arg18[%swap3A_333, %swap3A_334] {strides = array<i32>} : memref<32x128xf32, #tpu.memory_space<vmem>>, vector<1x16xf32>,
    %swap3A_336 = vector.shape_cast %swap3A_335 : vector<1x16xf32> to vector<16xf32>
    %swap3A_337 = vector.shape_cast %broadcast_in_dim3A_302 : vector<16xf32> to vector<1x16xf32>
    tpu.vector_store %arg18[%swap3A_333, %swap3A_334], %swap3A_337 {strides = array<i32>} : memref<32x128xf32, #tpu.memory_space<vmem>>, vector<1x16xf32>,
    %swap3A_338 = arith.constant 0 : i32
    %swap3A_339 = arith.index_cast %swap3A_338 : i32 to index
    %swap3A_340 = arith.constant 96 : index
    %swap3A_341 = tpu.vector_load %arg18[%swap3A_339, %swap3A_340] {strides = array<i32>} : memref<32x128xf32, #tpu.memory_space<vmem>>, vector<1x16xf32>,
    %swap3A_342 = vector.shape_cast %swap3A_341 : vector<1x16xf32> to vector<16xf32>
    %swap3A_343 = vector.shape_cast %broadcast_in_dim3A_302 : vector<16xf32> to vector<1x16xf32>
    tpu.vector_store %arg18[%swap3A_339, %swap3A_340], %swap3A_343 {strides = array<i32>} : memref<32x128xf32, #tpu.memory_space<vmem>>, vector<1x16xf32>,
    %swap3A_344 = arith.constant 0 : i32
    %swap3A_345 = arith.index_cast %swap3A_344 : i32 to index
    %swap3A_346 = arith.constant 112 : index
    %swap3A_347 = tpu.vector_load %arg18[%swap3A_345, %swap3A_346] {strides = array<i32>} : memref<32x128xf32, #tpu.memory_space<vmem>>, vector<1x16xf32>,
    %swap3A_348 = vector.shape_cast %swap3A_347 : vector<1x16xf32> to vector<16xf32>
    %swap3A_349 = vector.shape_cast %broadcast_in_dim3A_302 : vector<16xf32> to vector<1x16xf32>
    tpu.vector_store %arg18[%swap3A_345, %swap3A_346], %swap3A_349 {strides = array<i32>} : memref<32x128xf32, #tpu.memory_space<vmem>>, vector<1x16xf32>,
    %swap3A_350 = arith.constant 1 : i32
    %swap3A_351 = arith.index_cast %swap3A_350 : i32 to index
    %swap3A_352 = arith.constant 0 : index
    %swap3A_353 = tpu.vector_load %arg18[%swap3A_351, %swap3A_352] {strides = array<i32>} : memref<32x128xf32, #tpu.memory_space<vmem>>, vector<1x16xf32>,
    %swap3A_354 = vector.shape_cast %swap3A_353 : vector<1x16xf32> to vector<16xf32>
    %swap3A_355 = vector.shape_cast %broadcast_in_dim3A_302 : vector<16xf32> to vector<1x16xf32>
    tpu.vector_store %arg18[%swap3A_351, %swap3A_352], %swap3A_355 {strides = array<i32>} : memref<32x128xf32, #tpu.memory_space<vmem>>, vector<1x16xf32>,
    %swap3A_356 = arith.constant 1 : i32
    %swap3A_357 = arith.index_cast %swap3A_356 : i32 to index
    %swap3A_358 = arith.constant 16 : index
    %swap3A_359 = tpu.vector_load %arg18[%swap3A_357, %swap3A_358] {strides = array<i32>} : memref<32x128xf32, #tpu.memory_space<vmem>>, vector<1x16xf32>,
    %swap3A_360 = vector.shape_cast %swap3A_359 : vector<1x16xf32> to vector<16xf32>
    %swap3A_361 = vector.shape_cast %broadcast_in_dim3A_302 : vector<16xf32> to vector<1x16xf32>
    tpu.vector_store %arg18[%swap3A_357, %swap3A_358], %swap3A_361 {strides = array<i32>} : memref<32x128xf32, #tpu.memory_space<vmem>>, vector<1x16xf32>,
    %swap3A_362 = arith.constant 1 : i32
    %swap3A_363 = arith.index_cast %swap3A_362 : i32 to index
    %swap3A_364 = arith.constant 32 : index
    %swap3A_365 = tpu.vector_load %arg18[%swap3A_363, %swap3A_364] {strides = array<i32>} : memref<32x128xf32, #tpu.memory_space<vmem>>, vector<1x16xf32>,
    %swap3A_366 = vector.shape_cast %swap3A_365 : vector<1x16xf32> to vector<16xf32>
    %swap3A_367 = vector.shape_cast %broadcast_in_dim3A_302 : vector<16xf32> to vector<1x16xf32>
    tpu.vector_store %arg18[%swap3A_363, %swap3A_364], %swap3A_367 {strides = array<i32>} : memref<32x128xf32, #tpu.memory_space<vmem>>, vector<1x16xf32>,
    %swap3A_368 = arith.constant 1 : i32
    %swap3A_369 = arith.index_cast %swap3A_368 : i32 to index
    %swap3A_370 = arith.constant 48 : index
    %swap3A_371 = tpu.vector_load %arg18[%swap3A_369, %swap3A_370] {strides = array<i32>} : memref<32x128xf32, #tpu.memory_space<vmem>>, vector<1x16xf32>,
    %swap3A_372 = vector.shape_cast %swap3A_371 : vector<1x16xf32> to vector<16xf32>
    %swap3A_373 = vector.shape_cast %broadcast_in_dim3A_302 : vector<16xf32> to vector<1x16xf32>
    tpu.vector_store %arg18[%swap3A_369, %swap3A_370], %swap3A_373 {strides = array<i32>} : memref<32x128xf32, #tpu.memory_space<vmem>>, vector<1x16xf32>,
    %swap3A_374 = arith.constant 1 : i32
    %swap3A_375 = arith.index_cast %swap3A_374 : i32 to index
    %swap3A_376 = arith.constant 64 : index
    %swap3A_377 = tpu.vector_load %arg18[%swap3A_375, %swap3A_376] {strides = array<i32>} : memref<32x128xf32, #tpu.memory_space<vmem>>, vector<1x16xf32>,
    %swap3A_378 = vector.shape_cast %swap3A_377 : vector<1x16xf32> to vector<16xf32>
    %swap3A_379 = vector.shape_cast %broadcast_in_dim3A_302 : vector<16xf32> to vector<1x16xf32>
    tpu.vector_store %arg18[%swap3A_375, %swap3A_376], %swap3A_379 {strides = array<i32>} : memref<32x128xf32, #tpu.memory_space<vmem>>, vector<1x16xf32>,
    %swap3A_380 = arith.constant 1 : i32
    %swap3A_381 = arith.index_cast %swap3A_380 : i32 to index
    %swap3A_382 = arith.constant 80 : index
    %swap3A_383 = tpu.vector_load %arg18[%swap3A_381, %swap3A_382] {strides = array<i32>} : memref<32x128xf32, #tpu.memory_space<vmem>>, vector<1x16xf32>,
    %swap3A_384 = vector.shape_cast %swap3A_383 : vector<1x16xf32> to vector<16xf32>
    %swap3A_385 = vector.shape_cast %broadcast_in_dim3A_302 : vector<16xf32> to vector<1x16xf32>
    tpu.vector_store %arg18[%swap3A_381, %swap3A_382], %swap3A_385 {strides = array<i32>} : memref<32x128xf32, #tpu.memory_space<vmem>>, vector<1x16xf32>,
    %swap3A_386 = arith.constant 1 : i32
    %swap3A_387 = arith.index_cast %swap3A_386 : i32 to index
    %swap3A_388 = arith.constant 96 : index
    %swap3A_389 = tpu.vector_load %arg18[%swap3A_387, %swap3A_388] {strides = array<i32>} : memref<32x128xf32, #tpu.memory_space<vmem>>, vector<1x16xf32>,
    %swap3A_390 = vector.shape_cast %swap3A_389 : vector<1x16xf32> to vector<16xf32>
    %swap3A_391 = vector.shape_cast %broadcast_in_dim3A_302 : vector<16xf32> to vector<1x16xf32>
    tpu.vector_store %arg18[%swap3A_387, %swap3A_388], %swap3A_391 {strides = array<i32>} : memref<32x128xf32, #tpu.memory_space<vmem>>, vector<1x16xf32>,
    %swap3A_392 = arith.constant 1 : i32
    %swap3A_393 = arith.index_cast %swap3A_392 : i32 to index
    %swap3A_394 = arith.constant 112 : index
    %swap3A_395 = tpu.vector_load %arg18[%swap3A_393, %swap3A_394] {strides = array<i32>} : memref<32x128xf32, #tpu.memory_space<vmem>>, vector<1x16xf32>,
    %swap3A_396 = vector.shape_cast %swap3A_395 : vector<1x16xf32> to vector<16xf32>
    %swap3A_397 = vector.shape_cast %broadcast_in_dim3A_302 : vector<16xf32> to vector<1x16xf32>
    tpu.vector_store %arg18[%swap3A_393, %swap3A_394], %swap3A_397 {strides = array<i32>} : memref<32x128xf32, #tpu.memory_space<vmem>>, vector<1x16xf32>,
    %swap3A_398 = arith.constant 2 : i32
    %swap3A_399 = arith.index_cast %swap3A_398 : i32 to index
    %swap3A_400 = arith.constant 0 : index
    %swap3A_401 = tpu.vector_load %arg18[%swap3A_399, %swap3A_400] {strides = array<i32>} : memref<32x128xf32, #tpu.memory_space<vmem>>, vector<1x16xf32>,
    %swap3A_402 = vector.shape_cast %swap3A_401 : vector<1x16xf32> to vector<16xf32>
    %swap3A_403 = vector.shape_cast %broadcast_in_dim3A_302 : vector<16xf32> to vector<1x16xf32>
    tpu.vector_store %arg18[%swap3A_399, %swap3A_400], %swap3A_403 {strides = array<i32>} : memref<32x128xf32, #tpu.memory_space<vmem>>, vector<1x16xf32>,
    %swap3A_404 = arith.constant 2 : i32
    %swap3A_405 = arith.index_cast %swap3A_404 : i32 to index
    %swap3A_406 = arith.constant 16 : index
    %swap3A_407 = tpu.vector_load %arg18[%swap3A_405, %swap3A_406] {strides = array<i32>} : memref<32x128xf32, #tpu.memory_space<vmem>>, vector<1x16xf32>,
    %swap3A_408 = vector.shape_cast %swap3A_407 : vector<1x16xf32> to vector<16xf32>
    %swap3A_409 = vector.shape_cast %broadcast_in_dim3A_302 : vector<16xf32> to vector<1x16xf32>
    tpu.vector_store %arg18[%swap3A_405, %swap3A_406], %swap3A_409 {strides = array<i32>} : memref<32x128xf32, #tpu.memory_space<vmem>>, vector<1x16xf32>,
    %swap3A_410 = arith.constant 2 : i32
    %swap3A_411 = arith.index_cast %swap3A_410 : i32 to index
    %swap3A_412 = arith.constant 32 : index
    %swap3A_413 = tpu.vector_load %arg18[%swap3A_411, %swap3A_412] {strides = array<i32>} : memref<32x128xf32, #tpu.memory_space<vmem>>, vector<1x16xf32>,
    %swap3A_414 = vector.shape_cast %swap3A_413 : vector<1x16xf32> to vector<16xf32>
    %swap3A_415 = vector.shape_cast %broadcast_in_dim3A_302 : vector<16xf32> to vector<1x16xf32>
    tpu.vector_store %arg18[%swap3A_411, %swap3A_412], %swap3A_415 {strides = array<i32>} : memref<32x128xf32, #tpu.memory_space<vmem>>, vector<1x16xf32>,
    %swap3A_416 = arith.constant 2 : i32
    %swap3A_417 = arith.index_cast %swap3A_416 : i32 to index
    %swap3A_418 = arith.constant 48 : index
    %swap3A_419 = tpu.vector_load %arg18[%swap3A_417, %swap3A_418] {strides = array<i32>} : memref<32x128xf32, #tpu.memory_space<vmem>>, vector<1x16xf32>,
    %swap3A_420 = vector.shape_cast %swap3A_419 : vector<1x16xf32> to vector<16xf32>
    %swap3A_421 = vector.shape_cast %broadcast_in_dim3A_302 : vector<16xf32> to vector<1x16xf32>
    tpu.vector_store %arg18[%swap3A_417, %swap3A_418], %swap3A_421 {strides = array<i32>} : memref<32x128xf32, #tpu.memory_space<vmem>>, vector<1x16xf32>,
    %swap3A_422 = arith.constant 2 : i32
    %swap3A_423 = arith.index_cast %swap3A_422 : i32 to index
    %swap3A_424 = arith.constant 64 : index
    %swap3A_425 = tpu.vector_load %arg18[%swap3A_423, %swap3A_424] {strides = array<i32>} : memref<32x128xf32, #tpu.memory_space<vmem>>, vector<1x16xf32>,
    %swap3A_426 = vector.shape_cast %swap3A_425 : vector<1x16xf32> to vector<16xf32>
    %swap3A_427 = vector.shape_cast %broadcast_in_dim3A_302 : vector<16xf32> to vector<1x16xf32>
    tpu.vector_store %arg18[%swap3A_423, %swap3A_424], %swap3A_427 {strides = array<i32>} : memref<32x128xf32, #tpu.memory_space<vmem>>, vector<1x16xf32>,
    %swap3A_428 = arith.constant 2 : i32
    %swap3A_429 = arith.index_cast %swap3A_428 : i32 to index
    %swap3A_430 = arith.constant 80 : index
    %swap3A_431 = tpu.vector_load %arg18[%swap3A_429, %swap3A_430] {strides = array<i32>} : memref<32x128xf32, #tpu.memory_space<vmem>>, vector<1x16xf32>,
    %swap3A_432 = vector.shape_cast %swap3A_431 : vector<1x16xf32> to vector<16xf32>
    %swap3A_433 = vector.shape_cast %broadcast_in_dim3A_302 : vector<16xf32> to vector<1x16xf32>
    tpu.vector_store %arg18[%swap3A_429, %swap3A_430], %swap3A_433 {strides = array<i32>} : memref<32x128xf32, #tpu.memory_space<vmem>>, vector<1x16xf32>,
    %swap3A_434 = arith.constant 2 : i32
    %swap3A_435 = arith.index_cast %swap3A_434 : i32 to index
    %swap3A_436 = arith.constant 96 : index
    %swap3A_437 = tpu.vector_load %arg18[%swap3A_435, %swap3A_436] {strides = array<i32>} : memref<32x128xf32, #tpu.memory_space<vmem>>, vector<1x16xf32>,
    %swap3A_438 = vector.shape_cast %swap3A_437 : vector<1x16xf32> to vector<16xf32>
    %swap3A_439 = vector.shape_cast %broadcast_in_dim3A_302 : vector<16xf32> to vector<1x16xf32>
    tpu.vector_store %arg18[%swap3A_435, %swap3A_436], %swap3A_439 {strides = array<i32>} : memref<32x128xf32, #tpu.memory_space<vmem>>, vector<1x16xf32>,
    %swap3A_440 = arith.constant 2 : i32
    %swap3A_441 = arith.index_cast %swap3A_440 : i32 to index
    %swap3A_442 = arith.constant 112 : index
    %swap3A_443 = tpu.vector_load %arg18[%swap3A_441, %swap3A_442] {strides = array<i32>} : memref<32x128xf32, #tpu.memory_space<vmem>>, vector<1x16xf32>,
    %swap3A_444 = vector.shape_cast %swap3A_443 : vector<1x16xf32> to vector<16xf32>
    %swap3A_445 = vector.shape_cast %broadcast_in_dim3A_302 : vector<16xf32> to vector<1x16xf32>
    tpu.vector_store %arg18[%swap3A_441, %swap3A_442], %swap3A_445 {strides = array<i32>} : memref<32x128xf32, #tpu.memory_space<vmem>>, vector<1x16xf32>,
    %swap3A_446 = arith.constant 3 : i32
    %swap3A_447 = arith.index_cast %swap3A_446 : i32 to index
    %swap3A_448 = arith.constant 0 : index
    %swap3A_449 = tpu.vector_load %arg18[%swap3A_447, %swap3A_448] {strides = array<i32>} : memref<32x128xf32, #tpu.memory_space<vmem>>, vector<1x16xf32>,
    %swap3A_450 = vector.shape_cast %swap3A_449 : vector<1x16xf32> to vector<16xf32>
    %swap3A_451 = vector.shape_cast %broadcast_in_dim3A_302 : vector<16xf32> to vector<1x16xf32>
    tpu.vector_store %arg18[%swap3A_447, %swap3A_448], %swap3A_451 {strides = array<i32>} : memref<32x128xf32, #tpu.memory_space<vmem>>, vector<1x16xf32>,
    %swap3A_452 = arith.constant 3 : i32
    %swap3A_453 = arith.index_cast %swap3A_452 : i32 to index
    %swap3A_454 = arith.constant 16 : index
    %swap3A_455 = tpu.vector_load %arg18[%swap3A_453, %swap3A_454] {strides = array<i32>} : memref<32x128xf32, #tpu.memory_space<vmem>>, vector<1x16xf32>,
    %swap3A_456 = vector.shape_cast %swap3A_455 : vector<1x16xf32> to vector<16xf32>
    %swap3A_457 = vector.shape_cast %broadcast_in_dim3A_302 : vector<16xf32> to vector<1x16xf32>
    tpu.vector_store %arg18[%swap3A_453, %swap3A_454], %swap3A_457 {strides = array<i32>} : memref<32x128xf32, #tpu.memory_space<vmem>>, vector<1x16xf32>,
    %swap3A_458 = arith.constant 3 : i32
    %swap3A_459 = arith.index_cast %swap3A_458 : i32 to index
    %swap3A_460 = arith.constant 32 : index
    %swap3A_461 = tpu.vector_load %arg18[%swap3A_459, %swap3A_460] {strides = array<i32>} : memref<32x128xf32, #tpu.memory_space<vmem>>, vector<1x16xf32>,
    %swap3A_462 = vector.shape_cast %swap3A_461 : vector<1x16xf32> to vector<16xf32>
    %swap3A_463 = vector.shape_cast %broadcast_in_dim3A_302 : vector<16xf32> to vector<1x16xf32>
    tpu.vector_store %arg18[%swap3A_459, %swap3A_460], %swap3A_463 {strides = array<i32>} : memref<32x128xf32, #tpu.memory_space<vmem>>, vector<1x16xf32>,
    %swap3A_464 = arith.constant 3 : i32
    %swap3A_465 = arith.index_cast %swap3A_464 : i32 to index
    %swap3A_466 = arith.constant 48 : index
    %swap3A_467 = tpu.vector_load %arg18[%swap3A_465, %swap3A_466] {strides = array<i32>} : memref<32x128xf32, #tpu.memory_space<vmem>>, vector<1x16xf32>,
    %swap3A_468 = vector.shape_cast %swap3A_467 : vector<1x16xf32> to vector<16xf32>
    %swap3A_469 = vector.shape_cast %broadcast_in_dim3A_302 : vector<16xf32> to vector<1x16xf32>
    tpu.vector_store %arg18[%swap3A_465, %swap3A_466], %swap3A_469 {strides = array<i32>} : memref<32x128xf32, #tpu.memory_space<vmem>>, vector<1x16xf32>,
    %swap3A_470 = arith.constant 3 : i32
    %swap3A_471 = arith.index_cast %swap3A_470 : i32 to index
    %swap3A_472 = arith.constant 64 : index
    %swap3A_473 = tpu.vector_load %arg18[%swap3A_471, %swap3A_472] {strides = array<i32>} : memref<32x128xf32, #tpu.memory_space<vmem>>, vector<1x16xf32>,
    %swap3A_474 = vector.shape_cast %swap3A_473 : vector<1x16xf32> to vector<16xf32>
    %swap3A_475 = vector.shape_cast %broadcast_in_dim3A_302 : vector<16xf32> to vector<1x16xf32>
    tpu.vector_store %arg18[%swap3A_471, %swap3A_472], %swap3A_475 {strides = array<i32>} : memref<32x128xf32, #tpu.memory_space<vmem>>, vector<1x16xf32>,
    %swap3A_476 = arith.constant 3 : i32
    %swap3A_477 = arith.index_cast %swap3A_476 : i32 to index
    %swap3A_478 = arith.constant 80 : index
    %swap3A_479 = tpu.vector_load %arg18[%swap3A_477, %swap3A_478] {strides = array<i32>} : memref<32x128xf32, #tpu.memory_space<vmem>>, vector<1x16xf32>,
    %swap3A_480 = vector.shape_cast %swap3A_479 : vector<1x16xf32> to vector<16xf32>
    %swap3A_481 = vector.shape_cast %broadcast_in_dim3A_302 : vector<16xf32> to vector<1x16xf32>
    tpu.vector_store %arg18[%swap3A_477, %swap3A_478], %swap3A_481 {strides = array<i32>} : memref<32x128xf32, #tpu.memory_space<vmem>>, vector<1x16xf32>,
    %swap3A_482 = arith.constant 3 : i32
    %swap3A_483 = arith.index_cast %swap3A_482 : i32 to index
    %swap3A_484 = arith.constant 96 : index
    %swap3A_485 = tpu.vector_load %arg18[%swap3A_483, %swap3A_484] {strides = array<i32>} : memref<32x128xf32, #tpu.memory_space<vmem>>, vector<1x16xf32>,
    %swap3A_486 = vector.shape_cast %swap3A_485 : vector<1x16xf32> to vector<16xf32>
    %swap3A_487 = vector.shape_cast %broadcast_in_dim3A_302 : vector<16xf32> to vector<1x16xf32>
    tpu.vector_store %arg18[%swap3A_483, %swap3A_484], %swap3A_487 {strides = array<i32>} : memref<32x128xf32, #tpu.memory_space<vmem>>, vector<1x16xf32>,
    %swap3A_488 = arith.constant 3 : i32
    %swap3A_489 = arith.index_cast %swap3A_488 : i32 to index
    %swap3A_490 = arith.constant 112 : index
    %swap3A_491 = tpu.vector_load %arg18[%swap3A_489, %swap3A_490] {strides = array<i32>} : memref<32x128xf32, #tpu.memory_space<vmem>>, vector<1x16xf32>,
    %swap3A_492 = vector.shape_cast %swap3A_491 : vector<1x16xf32> to vector<16xf32>
    %swap3A_493 = vector.shape_cast %broadcast_in_dim3A_302 : vector<16xf32> to vector<1x16xf32>
    tpu.vector_store %arg18[%swap3A_489, %swap3A_490], %swap3A_493 {strides = array<i32>} : memref<32x128xf32, #tpu.memory_space<vmem>>, vector<1x16xf32>,
    %swap3A_494 = arith.constant 4 : i32
    %swap3A_495 = arith.index_cast %swap3A_494 : i32 to index
    %swap3A_496 = arith.constant 0 : index
    %swap3A_497 = tpu.vector_load %arg18[%swap3A_495, %swap3A_496] {strides = array<i32>} : memref<32x128xf32, #tpu.memory_space<vmem>>, vector<1x16xf32>,
    %swap3A_498 = vector.shape_cast %swap3A_497 : vector<1x16xf32> to vector<16xf32>
    %swap3A_499 = vector.shape_cast %broadcast_in_dim3A_302 : vector<16xf32> to vector<1x16xf32>
    tpu.vector_store %arg18[%swap3A_495, %swap3A_496], %swap3A_499 {strides = array<i32>} : memref<32x128xf32, #tpu.memory_space<vmem>>, vector<1x16xf32>,
    %swap3A_500 = arith.constant 4 : i32
    %swap3A_501 = arith.index_cast %swap3A_500 : i32 to index
    %swap3A_502 = arith.constant 16 : index
    %swap3A_503 = tpu.vector_load %arg18[%swap3A_501, %swap3A_502] {strides = array<i32>} : memref<32x128xf32, #tpu.memory_space<vmem>>, vector<1x16xf32>,
    %swap3A_504 = vector.shape_cast %swap3A_503 : vector<1x16xf32> to vector<16xf32>
    %swap3A_505 = vector.shape_cast %broadcast_in_dim3A_302 : vector<16xf32> to vector<1x16xf32>
    tpu.vector_store %arg18[%swap3A_501, %swap3A_502], %swap3A_505 {strides = array<i32>} : memref<32x128xf32, #tpu.memory_space<vmem>>, vector<1x16xf32>,
    %swap3A_506 = arith.constant 4 : i32
    %swap3A_507 = arith.index_cast %swap3A_506 : i32 to index
    %swap3A_508 = arith.constant 32 : index
    %swap3A_509 = tpu.vector_load %arg18[%swap3A_507, %swap3A_508] {strides = array<i32>} : memref<32x128xf32, #tpu.memory_space<vmem>>, vector<1x16xf32>,
    %swap3A_510 = vector.shape_cast %swap3A_509 : vector<1x16xf32> to vector<16xf32>
    %swap3A_511 = vector.shape_cast %broadcast_in_dim3A_302 : vector<16xf32> to vector<1x16xf32>
    tpu.vector_store %arg18[%swap3A_507, %swap3A_508], %swap3A_511 {strides = array<i32>} : memref<32x128xf32, #tpu.memory_space<vmem>>, vector<1x16xf32>,
    %swap3A_512 = arith.constant 4 : i32
    %swap3A_513 = arith.index_cast %swap3A_512 : i32 to index
    %swap3A_514 = arith.constant 48 : index
    %swap3A_515 = tpu.vector_load %arg18[%swap3A_513, %swap3A_514] {strides = array<i32>} : memref<32x128xf32, #tpu.memory_space<vmem>>, vector<1x16xf32>,
    %swap3A_516 = vector.shape_cast %swap3A_515 : vector<1x16xf32> to vector<16xf32>
    %swap3A_517 = vector.shape_cast %broadcast_in_dim3A_302 : vector<16xf32> to vector<1x16xf32>
    tpu.vector_store %arg18[%swap3A_513, %swap3A_514], %swap3A_517 {strides = array<i32>} : memref<32x128xf32, #tpu.memory_space<vmem>>, vector<1x16xf32>,
    %swap3A_518 = arith.constant 4 : i32
    %swap3A_519 = arith.index_cast %swap3A_518 : i32 to index
    %swap3A_520 = arith.constant 64 : index
    %swap3A_521 = tpu.vector_load %arg18[%swap3A_519, %swap3A_520] {strides = array<i32>} : memref<32x128xf32, #tpu.memory_space<vmem>>, vector<1x16xf32>,
    %swap3A_522 = vector.shape_cast %swap3A_521 : vector<1x16xf32> to vector<16xf32>
    %swap3A_523 = vector.shape_cast %broadcast_in_dim3A_302 : vector<16xf32> to vector<1x16xf32>
    tpu.vector_store %arg18[%swap3A_519, %swap3A_520], %swap3A_523 {strides = array<i32>} : memref<32x128xf32, #tpu.memory_space<vmem>>, vector<1x16xf32>,
    %swap3A_524 = arith.constant 4 : i32
    %swap3A_525 = arith.index_cast %swap3A_524 : i32 to index
    %swap3A_526 = arith.constant 80 : index
    %swap3A_527 = tpu.vector_load %arg18[%swap3A_525, %swap3A_526] {strides = array<i32>} : memref<32x128xf32, #tpu.memory_space<vmem>>, vector<1x16xf32>,
    %swap3A_528 = vector.shape_cast %swap3A_527 : vector<1x16xf32> to vector<16xf32>
    %swap3A_529 = vector.shape_cast %broadcast_in_dim3A_302 : vector<16xf32> to vector<1x16xf32>
    tpu.vector_store %arg18[%swap3A_525, %swap3A_526], %swap3A_529 {strides = array<i32>} : memref<32x128xf32, #tpu.memory_space<vmem>>, vector<1x16xf32>,
    %swap3A_530 = arith.constant 4 : i32
    %swap3A_531 = arith.index_cast %swap3A_530 : i32 to index
    %swap3A_532 = arith.constant 96 : index
    %swap3A_533 = tpu.vector_load %arg18[%swap3A_531, %swap3A_532] {strides = array<i32>} : memref<32x128xf32, #tpu.memory_space<vmem>>, vector<1x16xf32>,
    %swap3A_534 = vector.shape_cast %swap3A_533 : vector<1x16xf32> to vector<16xf32>
    %swap3A_535 = vector.shape_cast %broadcast_in_dim3A_302 : vector<16xf32> to vector<1x16xf32>
    tpu.vector_store %arg18[%swap3A_531, %swap3A_532], %swap3A_535 {strides = array<i32>} : memref<32x128xf32, #tpu.memory_space<vmem>>, vector<1x16xf32>,
    %swap3A_536 = arith.constant 4 : i32
    %swap3A_537 = arith.index_cast %swap3A_536 : i32 to index
    %swap3A_538 = arith.constant 112 : index
    %swap3A_539 = tpu.vector_load %arg18[%swap3A_537, %swap3A_538] {strides = array<i32>} : memref<32x128xf32, #tpu.memory_space<vmem>>, vector<1x16xf32>,
    %swap3A_540 = vector.shape_cast %swap3A_539 : vector<1x16xf32> to vector<16xf32>
    %swap3A_541 = vector.shape_cast %broadcast_in_dim3A_302 : vector<16xf32> to vector<1x16xf32>
    tpu.vector_store %arg18[%swap3A_537, %swap3A_538], %swap3A_541 {strides = array<i32>} : memref<32x128xf32, #tpu.memory_space<vmem>>, vector<1x16xf32>,
    %swap3A_542 = arith.constant 5 : i32
    %swap3A_543 = arith.index_cast %swap3A_542 : i32 to index
    %swap3A_544 = arith.constant 0 : index
    %swap3A_545 = tpu.vector_load %arg18[%swap3A_543, %swap3A_544] {strides = array<i32>} : memref<32x128xf32, #tpu.memory_space<vmem>>, vector<1x16xf32>,
    %swap3A_546 = vector.shape_cast %swap3A_545 : vector<1x16xf32> to vector<16xf32>
    %swap3A_547 = vector.shape_cast %broadcast_in_dim3A_302 : vector<16xf32> to vector<1x16xf32>
    tpu.vector_store %arg18[%swap3A_543, %swap3A_544], %swap3A_547 {strides = array<i32>} : memref<32x128xf32, #tpu.memory_space<vmem>>, vector<1x16xf32>,
    %swap3A_548 = arith.constant 5 : i32
    %swap3A_549 = arith.index_cast %swap3A_548 : i32 to index
    %swap3A_550 = arith.constant 16 : index
    %swap3A_551 = tpu.vector_load %arg18[%swap3A_549, %swap3A_550] {strides = array<i32>} : memref<32x128xf32, #tpu.memory_space<vmem>>, vector<1x16xf32>,
    %swap3A_552 = vector.shape_cast %swap3A_551 : vector<1x16xf32> to vector<16xf32>
    %swap3A_553 = vector.shape_cast %broadcast_in_dim3A_302 : vector<16xf32> to vector<1x16xf32>
    tpu.vector_store %arg18[%swap3A_549, %swap3A_550], %swap3A_553 {strides = array<i32>} : memref<32x128xf32, #tpu.memory_space<vmem>>, vector<1x16xf32>,
    %swap3A_554 = arith.constant 5 : i32
    %swap3A_555 = arith.index_cast %swap3A_554 : i32 to index
    %swap3A_556 = arith.constant 32 : index
    %swap3A_557 = tpu.vector_load %arg18[%swap3A_555, %swap3A_556] {strides = array<i32>} : memref<32x128xf32, #tpu.memory_space<vmem>>, vector<1x16xf32>,
    %swap3A_558 = vector.shape_cast %swap3A_557 : vector<1x16xf32> to vector<16xf32>
    %swap3A_559 = vector.shape_cast %broadcast_in_dim3A_302 : vector<16xf32> to vector<1x16xf32>
    tpu.vector_store %arg18[%swap3A_555, %swap3A_556], %swap3A_559 {strides = array<i32>} : memref<32x128xf32, #tpu.memory_space<vmem>>, vector<1x16xf32>,
    %swap3A_560 = arith.constant 5 : i32
    %swap3A_561 = arith.index_cast %swap3A_560 : i32 to index
    %swap3A_562 = arith.constant 48 : index
    %swap3A_563 = tpu.vector_load %arg18[%swap3A_561, %swap3A_562] {strides = array<i32>} : memref<32x128xf32, #tpu.memory_space<vmem>>, vector<1x16xf32>,
    %swap3A_564 = vector.shape_cast %swap3A_563 : vector<1x16xf32> to vector<16xf32>
    %swap3A_565 = vector.shape_cast %broadcast_in_dim3A_302 : vector<16xf32> to vector<1x16xf32>
    tpu.vector_store %arg18[%swap3A_561, %swap3A_562], %swap3A_565 {strides = array<i32>} : memref<32x128xf32, #tpu.memory_space<vmem>>, vector<1x16xf32>,
    %swap3A_566 = arith.constant 5 : i32
    %swap3A_567 = arith.index_cast %swap3A_566 : i32 to index
    %swap3A_568 = arith.constant 64 : index
    %swap3A_569 = tpu.vector_load %arg18[%swap3A_567, %swap3A_568] {strides = array<i32>} : memref<32x128xf32, #tpu.memory_space<vmem>>, vector<1x16xf32>,
    %swap3A_570 = vector.shape_cast %swap3A_569 : vector<1x16xf32> to vector<16xf32>
    %swap3A_571 = vector.shape_cast %broadcast_in_dim3A_302 : vector<16xf32> to vector<1x16xf32>
    tpu.vector_store %arg18[%swap3A_567, %swap3A_568], %swap3A_571 {strides = array<i32>} : memref<32x128xf32, #tpu.memory_space<vmem>>, vector<1x16xf32>,
    %swap3A_572 = arith.constant 5 : i32
    %swap3A_573 = arith.index_cast %swap3A_572 : i32 to index
    %swap3A_574 = arith.constant 80 : index
    %swap3A_575 = tpu.vector_load %arg18[%swap3A_573, %swap3A_574] {strides = array<i32>} : memref<32x128xf32, #tpu.memory_space<vmem>>, vector<1x16xf32>,
    %swap3A_576 = vector.shape_cast %swap3A_575 : vector<1x16xf32> to vector<16xf32>
    %swap3A_577 = vector.shape_cast %broadcast_in_dim3A_302 : vector<16xf32> to vector<1x16xf32>
    tpu.vector_store %arg18[%swap3A_573, %swap3A_574], %swap3A_577 {strides = array<i32>} : memref<32x128xf32, #tpu.memory_space<vmem>>, vector<1x16xf32>,
    %swap3A_578 = arith.constant 5 : i32
    %swap3A_579 = arith.index_cast %swap3A_578 : i32 to index
    %swap3A_580 = arith.constant 96 : index
    %swap3A_581 = tpu.vector_load %arg18[%swap3A_579, %swap3A_580] {strides = array<i32>} : memref<32x128xf32, #tpu.memory_space<vmem>>, vector<1x16xf32>,
    %swap3A_582 = vector.shape_cast %swap3A_581 : vector<1x16xf32> to vector<16xf32>
    %swap3A_583 = vector.shape_cast %broadcast_in_dim3A_302 : vector<16xf32> to vector<1x16xf32>
    tpu.vector_store %arg18[%swap3A_579, %swap3A_580], %swap3A_583 {strides = array<i32>} : memref<32x128xf32, #tpu.memory_space<vmem>>, vector<1x16xf32>,
    %swap3A_584 = arith.constant 5 : i32
    %swap3A_585 = arith.index_cast %swap3A_584 : i32 to index
    %swap3A_586 = arith.constant 112 : index
    %swap3A_587 = tpu.vector_load %arg18[%swap3A_585, %swap3A_586] {strides = array<i32>} : memref<32x128xf32, #tpu.memory_space<vmem>>, vector<1x16xf32>,
    %swap3A_588 = vector.shape_cast %swap3A_587 : vector<1x16xf32> to vector<16xf32>
    %swap3A_589 = vector.shape_cast %broadcast_in_dim3A_302 : vector<16xf32> to vector<1x16xf32>
    tpu.vector_store %arg18[%swap3A_585, %swap3A_586], %swap3A_589 {strides = array<i32>} : memref<32x128xf32, #tpu.memory_space<vmem>>, vector<1x16xf32>,
    %swap3A_590 = arith.constant 6 : i32
    %swap3A_591 = arith.index_cast %swap3A_590 : i32 to index
    %swap3A_592 = arith.constant 0 : index
    %swap3A_593 = tpu.vector_load %arg18[%swap3A_591, %swap3A_592] {strides = array<i32>} : memref<32x128xf32, #tpu.memory_space<vmem>>, vector<1x16xf32>,
    %swap3A_594 = vector.shape_cast %swap3A_593 : vector<1x16xf32> to vector<16xf32>
    %swap3A_595 = vector.shape_cast %broadcast_in_dim3A_302 : vector<16xf32> to vector<1x16xf32>
    tpu.vector_store %arg18[%swap3A_591, %swap3A_592], %swap3A_595 {strides = array<i32>} : memref<32x128xf32, #tpu.memory_space<vmem>>, vector<1x16xf32>,
    %swap3A_596 = arith.constant 6 : i32
    %swap3A_597 = arith.index_cast %swap3A_596 : i32 to index
    %swap3A_598 = arith.constant 16 : index
    %swap3A_599 = tpu.vector_load %arg18[%swap3A_597, %swap3A_598] {strides = array<i32>} : memref<32x128xf32, #tpu.memory_space<vmem>>, vector<1x16xf32>,
    %swap3A_600 = vector.shape_cast %swap3A_599 : vector<1x16xf32> to vector<16xf32>
    %swap3A_601 = vector.shape_cast %broadcast_in_dim3A_302 : vector<16xf32> to vector<1x16xf32>
    tpu.vector_store %arg18[%swap3A_597, %swap3A_598], %swap3A_601 {strides = array<i32>} : memref<32x128xf32, #tpu.memory_space<vmem>>, vector<1x16xf32>,
    %swap3A_602 = arith.constant 6 : i32
    %swap3A_603 = arith.index_cast %swap3A_602 : i32 to index
    %swap3A_604 = arith.constant 32 : index
    %swap3A_605 = tpu.vector_load %arg18[%swap3A_603, %swap3A_604] {strides = array<i32>} : memref<32x128xf32, #tpu.memory_space<vmem>>, vector<1x16xf32>,
    %swap3A_606 = vector.shape_cast %swap3A_605 : vector<1x16xf32> to vector<16xf32>
    %swap3A_607 = vector.shape_cast %broadcast_in_dim3A_302 : vector<16xf32> to vector<1x16xf32>
    tpu.vector_store %arg18[%swap3A_603, %swap3A_604], %swap3A_607 {strides = array<i32>} : memref<32x128xf32, #tpu.memory_space<vmem>>, vector<1x16xf32>,
    %swap3A_608 = arith.constant 6 : i32
    %swap3A_609 = arith.index_cast %swap3A_608 : i32 to index
    %swap3A_610 = arith.constant 48 : index
    %swap3A_611 = tpu.vector_load %arg18[%swap3A_609, %swap3A_610] {strides = array<i32>} : memref<32x128xf32, #tpu.memory_space<vmem>>, vector<1x16xf32>,
    %swap3A_612 = vector.shape_cast %swap3A_611 : vector<1x16xf32> to vector<16xf32>
    %swap3A_613 = vector.shape_cast %broadcast_in_dim3A_302 : vector<16xf32> to vector<1x16xf32>
    tpu.vector_store %arg18[%swap3A_609, %swap3A_610], %swap3A_613 {strides = array<i32>} : memref<32x128xf32, #tpu.memory_space<vmem>>, vector<1x16xf32>,
    %swap3A_614 = arith.constant 6 : i32
    %swap3A_615 = arith.index_cast %swap3A_614 : i32 to index
    %swap3A_616 = arith.constant 64 : index
    %swap3A_617 = tpu.vector_load %arg18[%swap3A_615, %swap3A_616] {strides = array<i32>} : memref<32x128xf32, #tpu.memory_space<vmem>>, vector<1x16xf32>,
    %swap3A_618 = vector.shape_cast %swap3A_617 : vector<1x16xf32> to vector<16xf32>
    %swap3A_619 = vector.shape_cast %broadcast_in_dim3A_302 : vector<16xf32> to vector<1x16xf32>
    tpu.vector_store %arg18[%swap3A_615, %swap3A_616], %swap3A_619 {strides = array<i32>} : memref<32x128xf32, #tpu.memory_space<vmem>>, vector<1x16xf32>,
    %swap3A_620 = arith.constant 6 : i32
    %swap3A_621 = arith.index_cast %swap3A_620 : i32 to index
    %swap3A_622 = arith.constant 80 : index
    %swap3A_623 = tpu.vector_load %arg18[%swap3A_621, %swap3A_622] {strides = array<i32>} : memref<32x128xf32, #tpu.memory_space<vmem>>, vector<1x16xf32>,
    %swap3A_624 = vector.shape_cast %swap3A_623 : vector<1x16xf32> to vector<16xf32>
    %swap3A_625 = vector.shape_cast %broadcast_in_dim3A_302 : vector<16xf32> to vector<1x16xf32>
    tpu.vector_store %arg18[%swap3A_621, %swap3A_622], %swap3A_625 {strides = array<i32>} : memref<32x128xf32, #tpu.memory_space<vmem>>, vector<1x16xf32>,
    %swap3A_626 = arith.constant 6 : i32
    %swap3A_627 = arith.index_cast %swap3A_626 : i32 to index
    %swap3A_628 = arith.constant 96 : index
    %swap3A_629 = tpu.vector_load %arg18[%swap3A_627, %swap3A_628] {strides = array<i32>} : memref<32x128xf32, #tpu.memory_space<vmem>>, vector<1x16xf32>,
    %swap3A_630 = vector.shape_cast %swap3A_629 : vector<1x16xf32> to vector<16xf32>
    %swap3A_631 = vector.shape_cast %broadcast_in_dim3A_302 : vector<16xf32> to vector<1x16xf32>
    tpu.vector_store %arg18[%swap3A_627, %swap3A_628], %swap3A_631 {strides = array<i32>} : memref<32x128xf32, #tpu.memory_space<vmem>>, vector<1x16xf32>,
    %swap3A_632 = arith.constant 6 : i32
    %swap3A_633 = arith.index_cast %swap3A_632 : i32 to index
    %swap3A_634 = arith.constant 112 : index
    %swap3A_635 = tpu.vector_load %arg18[%swap3A_633, %swap3A_634] {strides = array<i32>} : memref<32x128xf32, #tpu.memory_space<vmem>>, vector<1x16xf32>,
    %swap3A_636 = vector.shape_cast %swap3A_635 : vector<1x16xf32> to vector<16xf32>
    %swap3A_637 = vector.shape_cast %broadcast_in_dim3A_302 : vector<16xf32> to vector<1x16xf32>
    tpu.vector_store %arg18[%swap3A_633, %swap3A_634], %swap3A_637 {strides = array<i32>} : memref<32x128xf32, #tpu.memory_space<vmem>>, vector<1x16xf32>,
    %swap3A_638 = arith.constant 7 : i32
    %swap3A_639 = arith.index_cast %swap3A_638 : i32 to index
    %swap3A_640 = arith.constant 0 : index
    %swap3A_641 = tpu.vector_load %arg18[%swap3A_639, %swap3A_640] {strides = array<i32>} : memref<32x128xf32, #tpu.memory_space<vmem>>, vector<1x16xf32>,
    %swap3A_642 = vector.shape_cast %swap3A_641 : vector<1x16xf32> to vector<16xf32>
    %swap3A_643 = vector.shape_cast %broadcast_in_dim3A_302 : vector<16xf32> to vector<1x16xf32>
    tpu.vector_store %arg18[%swap3A_639, %swap3A_640], %swap3A_643 {strides = array<i32>} : memref<32x128xf32, #tpu.memory_space<vmem>>, vector<1x16xf32>,
    %swap3A_644 = arith.constant 7 : i32
    %swap3A_645 = arith.index_cast %swap3A_644 : i32 to index
    %swap3A_646 = arith.constant 16 : index
    %swap3A_647 = tpu.vector_load %arg18[%swap3A_645, %swap3A_646] {strides = array<i32>} : memref<32x128xf32, #tpu.memory_space<vmem>>, vector<1x16xf32>,
    %swap3A_648 = vector.shape_cast %swap3A_647 : vector<1x16xf32> to vector<16xf32>
    %swap3A_649 = vector.shape_cast %broadcast_in_dim3A_302 : vector<16xf32> to vector<1x16xf32>
    tpu.vector_store %arg18[%swap3A_645, %swap3A_646], %swap3A_649 {strides = array<i32>} : memref<32x128xf32, #tpu.memory_space<vmem>>, vector<1x16xf32>,
    %swap3A_650 = arith.constant 7 : i32
    %swap3A_651 = arith.index_cast %swap3A_650 : i32 to index
    %swap3A_652 = arith.constant 32 : index
    %swap3A_653 = tpu.vector_load %arg18[%swap3A_651, %swap3A_652] {strides = array<i32>} : memref<32x128xf32, #tpu.memory_space<vmem>>, vector<1x16xf32>,
    %swap3A_654 = vector.shape_cast %swap3A_653 : vector<1x16xf32> to vector<16xf32>
    %swap3A_655 = vector.shape_cast %broadcast_in_dim3A_302 : vector<16xf32> to vector<1x16xf32>
    tpu.vector_store %arg18[%swap3A_651, %swap3A_652], %swap3A_655 {strides = array<i32>} : memref<32x128xf32, #tpu.memory_space<vmem>>, vector<1x16xf32>,
    %swap3A_656 = arith.constant 7 : i32
    %swap3A_657 = arith.index_cast %swap3A_656 : i32 to index
    %swap3A_658 = arith.constant 48 : index
    %swap3A_659 = tpu.vector_load %arg18[%swap3A_657, %swap3A_658] {strides = array<i32>} : memref<32x128xf32, #tpu.memory_space<vmem>>, vector<1x16xf32>,
    %swap3A_660 = vector.shape_cast %swap3A_659 : vector<1x16xf32> to vector<16xf32>
    %swap3A_661 = vector.shape_cast %broadcast_in_dim3A_302 : vector<16xf32> to vector<1x16xf32>
    tpu.vector_store %arg18[%swap3A_657, %swap3A_658], %swap3A_661 {strides = array<i32>} : memref<32x128xf32, #tpu.memory_space<vmem>>, vector<1x16xf32>,
    %swap3A_662 = arith.constant 7 : i32
    %swap3A_663 = arith.index_cast %swap3A_662 : i32 to index
    %swap3A_664 = arith.constant 64 : index
    %swap3A_665 = tpu.vector_load %arg18[%swap3A_663, %swap3A_664] {strides = array<i32>} : memref<32x128xf32, #tpu.memory_space<vmem>>, vector<1x16xf32>,
    %swap3A_666 = vector.shape_cast %swap3A_665 : vector<1x16xf32> to vector<16xf32>
    %swap3A_667 = vector.shape_cast %broadcast_in_dim3A_302 : vector<16xf32> to vector<1x16xf32>
    tpu.vector_store %arg18[%swap3A_663, %swap3A_664], %swap3A_667 {strides = array<i32>} : memref<32x128xf32, #tpu.memory_space<vmem>>, vector<1x16xf32>,
    %swap3A_668 = arith.constant 7 : i32
    %swap3A_669 = arith.index_cast %swap3A_668 : i32 to index
    %swap3A_670 = arith.constant 80 : index
    %swap3A_671 = tpu.vector_load %arg18[%swap3A_669, %swap3A_670] {strides = array<i32>} : memref<32x128xf32, #tpu.memory_space<vmem>>, vector<1x16xf32>,
    %swap3A_672 = vector.shape_cast %swap3A_671 : vector<1x16xf32> to vector<16xf32>
    %swap3A_673 = vector.shape_cast %broadcast_in_dim3A_302 : vector<16xf32> to vector<1x16xf32>
    tpu.vector_store %arg18[%swap3A_669, %swap3A_670], %swap3A_673 {strides = array<i32>} : memref<32x128xf32, #tpu.memory_space<vmem>>, vector<1x16xf32>,
    %swap3A_674 = arith.constant 7 : i32
    %swap3A_675 = arith.index_cast %swap3A_674 : i32 to index
    %swap3A_676 = arith.constant 96 : index
    %swap3A_677 = tpu.vector_load %arg18[%swap3A_675, %swap3A_676] {strides = array<i32>} : memref<32x128xf32, #tpu.memory_space<vmem>>, vector<1x16xf32>,
    %swap3A_678 = vector.shape_cast %swap3A_677 : vector<1x16xf32> to vector<16xf32>
    %swap3A_679 = vector.shape_cast %broadcast_in_dim3A_302 : vector<16xf32> to vector<1x16xf32>
    tpu.vector_store %arg18[%swap3A_675, %swap3A_676], %swap3A_679 {strides = array<i32>} : memref<32x128xf32, #tpu.memory_space<vmem>>, vector<1x16xf32>,
    %swap3A_680 = arith.constant 7 : i32
    %swap3A_681 = arith.index_cast %swap3A_680 : i32 to index
    %swap3A_682 = arith.constant 112 : index
    %swap3A_683 = tpu.vector_load %arg18[%swap3A_681, %swap3A_682] {strides = array<i32>} : memref<32x128xf32, #tpu.memory_space<vmem>>, vector<1x16xf32>,
    %swap3A_684 = vector.shape_cast %swap3A_683 : vector<1x16xf32> to vector<16xf32>
    %swap3A_685 = vector.shape_cast %broadcast_in_dim3A_302 : vector<16xf32> to vector<1x16xf32>
    tpu.vector_store %arg18[%swap3A_681, %swap3A_682], %swap3A_685 {strides = array<i32>} : memref<32x128xf32, #tpu.memory_space<vmem>>, vector<1x16xf32>,
    %swap3A_686 = arith.constant 8 : i32
    %swap3A_687 = arith.index_cast %swap3A_686 : i32 to index
    %swap3A_688 = arith.constant 0 : index
    %swap3A_689 = tpu.vector_load %arg18[%swap3A_687, %swap3A_688] {strides = array<i32>} : memref<32x128xf32, #tpu.memory_space<vmem>>, vector<1x16xf32>,
    %swap3A_690 = vector.shape_cast %swap3A_689 : vector<1x16xf32> to vector<16xf32>
    %swap3A_691 = vector.shape_cast %broadcast_in_dim3A_302 : vector<16xf32> to vector<1x16xf32>
    tpu.vector_store %arg18[%swap3A_687, %swap3A_688], %swap3A_691 {strides = array<i32>} : memref<32x128xf32, #tpu.memory_space<vmem>>, vector<1x16xf32>,
    %swap3A_692 = arith.constant 8 : i32
    %swap3A_693 = arith.index_cast %swap3A_692 : i32 to index
    %swap3A_694 = arith.constant 16 : index
    %swap3A_695 = tpu.vector_load %arg18[%swap3A_693, %swap3A_694] {strides = array<i32>} : memref<32x128xf32, #tpu.memory_space<vmem>>, vector<1x16xf32>,
    %swap3A_696 = vector.shape_cast %swap3A_695 : vector<1x16xf32> to vector<16xf32>
    %swap3A_697 = vector.shape_cast %broadcast_in_dim3A_302 : vector<16xf32> to vector<1x16xf32>
    tpu.vector_store %arg18[%swap3A_693, %swap3A_694], %swap3A_697 {strides = array<i32>} : memref<32x128xf32, #tpu.memory_space<vmem>>, vector<1x16xf32>,
    %swap3A_698 = arith.constant 8 : i32
    %swap3A_699 = arith.index_cast %swap3A_698 : i32 to index
    %swap3A_700 = arith.constant 32 : index
    %swap3A_701 = tpu.vector_load %arg18[%swap3A_699, %swap3A_700] {strides = array<i32>} : memref<32x128xf32, #tpu.memory_space<vmem>>, vector<1x16xf32>,
    %swap3A_702 = vector.shape_cast %swap3A_701 : vector<1x16xf32> to vector<16xf32>
    %swap3A_703 = vector.shape_cast %broadcast_in_dim3A_302 : vector<16xf32> to vector<1x16xf32>
    tpu.vector_store %arg18[%swap3A_699, %swap3A_700], %swap3A_703 {strides = array<i32>} : memref<32x128xf32, #tpu.memory_space<vmem>>, vector<1x16xf32>,
    %swap3A_704 = arith.constant 8 : i32
    %swap3A_705 = arith.index_cast %swap3A_704 : i32 to index
    %swap3A_706 = arith.constant 48 : index
    %swap3A_707 = tpu.vector_load %arg18[%swap3A_705, %swap3A_706] {strides = array<i32>} : memref<32x128xf32, #tpu.memory_space<vmem>>, vector<1x16xf32>,
    %swap3A_708 = vector.shape_cast %swap3A_707 : vector<1x16xf32> to vector<16xf32>
    %swap3A_709 = vector.shape_cast %broadcast_in_dim3A_302 : vector<16xf32> to vector<1x16xf32>
    tpu.vector_store %arg18[%swap3A_705, %swap3A_706], %swap3A_709 {strides = array<i32>} : memref<32x128xf32, #tpu.memory_space<vmem>>, vector<1x16xf32>,
    %swap3A_710 = arith.constant 8 : i32
    %swap3A_711 = arith.index_cast %swap3A_710 : i32 to index
    %swap3A_712 = arith.constant 64 : index
    %swap3A_713 = tpu.vector_load %arg18[%swap3A_711, %swap3A_712] {strides = array<i32>} : memref<32x128xf32, #tpu.memory_space<vmem>>, vector<1x16xf32>,
    %swap3A_714 = vector.shape_cast %swap3A_713 : vector<1x16xf32> to vector<16xf32>
    %swap3A_715 = vector.shape_cast %broadcast_in_dim3A_302 : vector<16xf32> to vector<1x16xf32>
    tpu.vector_store %arg18[%swap3A_711, %swap3A_712], %swap3A_715 {strides = array<i32>} : memref<32x128xf32, #tpu.memory_space<vmem>>, vector<1x16xf32>,
    %swap3A_716 = arith.constant 8 : i32
    %swap3A_717 = arith.index_cast %swap3A_716 : i32 to index
    %swap3A_718 = arith.constant 80 : index
    %swap3A_719 = tpu.vector_load %arg18[%swap3A_717, %swap3A_718] {strides = array<i32>} : memref<32x128xf32, #tpu.memory_space<vmem>>, vector<1x16xf32>,
    %swap3A_720 = vector.shape_cast %swap3A_719 : vector<1x16xf32> to vector<16xf32>
    %swap3A_721 = vector.shape_cast %broadcast_in_dim3A_302 : vector<16xf32> to vector<1x16xf32>
    tpu.vector_store %arg18[%swap3A_717, %swap3A_718], %swap3A_721 {strides = array<i32>} : memref<32x128xf32, #tpu.memory_space<vmem>>, vector<1x16xf32>,
    %swap3A_722 = arith.constant 8 : i32
    %swap3A_723 = arith.index_cast %swap3A_722 : i32 to index
    %swap3A_724 = arith.constant 96 : index
    %swap3A_725 = tpu.vector_load %arg18[%swap3A_723, %swap3A_724] {strides = array<i32>} : memref<32x128xf32, #tpu.memory_space<vmem>>, vector<1x16xf32>,
    %swap3A_726 = vector.shape_cast %swap3A_725 : vector<1x16xf32> to vector<16xf32>
    %swap3A_727 = vector.shape_cast %broadcast_in_dim3A_302 : vector<16xf32> to vector<1x16xf32>
    tpu.vector_store %arg18[%swap3A_723, %swap3A_724], %swap3A_727 {strides = array<i32>} : memref<32x128xf32, #tpu.memory_space<vmem>>, vector<1x16xf32>,
    %swap3A_728 = arith.constant 8 : i32
    %swap3A_729 = arith.index_cast %swap3A_728 : i32 to index
    %swap3A_730 = arith.constant 112 : index
    %swap3A_731 = tpu.vector_load %arg18[%swap3A_729, %swap3A_730] {strides = array<i32>} : memref<32x128xf32, #tpu.memory_space<vmem>>, vector<1x16xf32>,
    %swap3A_732 = vector.shape_cast %swap3A_731 : vector<1x16xf32> to vector<16xf32>
    %swap3A_733 = vector.shape_cast %broadcast_in_dim3A_302 : vector<16xf32> to vector<1x16xf32>
    tpu.vector_store %arg18[%swap3A_729, %swap3A_730], %swap3A_733 {strides = array<i32>} : memref<32x128xf32, #tpu.memory_space<vmem>>, vector<1x16xf32>,
    %swap3A_734 = arith.constant 9 : i32
    %swap3A_735 = arith.index_cast %swap3A_734 : i32 to index
    %swap3A_736 = arith.constant 0 : index
    %swap3A_737 = tpu.vector_load %arg18[%swap3A_735, %swap3A_736] {strides = array<i32>} : memref<32x128xf32, #tpu.memory_space<vmem>>, vector<1x16xf32>,
    %swap3A_738 = vector.shape_cast %swap3A_737 : vector<1x16xf32> to vector<16xf32>
    %swap3A_739 = vector.shape_cast %broadcast_in_dim3A_302 : vector<16xf32> to vector<1x16xf32>
    tpu.vector_store %arg18[%swap3A_735, %swap3A_736], %swap3A_739 {strides = array<i32>} : memref<32x128xf32, #tpu.memory_space<vmem>>, vector<1x16xf32>,
    %swap3A_740 = arith.constant 9 : i32
    %swap3A_741 = arith.index_cast %swap3A_740 : i32 to index
    %swap3A_742 = arith.constant 16 : index
    %swap3A_743 = tpu.vector_load %arg18[%swap3A_741, %swap3A_742] {strides = array<i32>} : memref<32x128xf32, #tpu.memory_space<vmem>>, vector<1x16xf32>,
    %swap3A_744 = vector.shape_cast %swap3A_743 : vector<1x16xf32> to vector<16xf32>
    %swap3A_745 = vector.shape_cast %broadcast_in_dim3A_302 : vector<16xf32> to vector<1x16xf32>
    tpu.vector_store %arg18[%swap3A_741, %swap3A_742], %swap3A_745 {strides = array<i32>} : memref<32x128xf32, #tpu.memory_space<vmem>>, vector<1x16xf32>,
    %swap3A_746 = arith.constant 9 : i32
    %swap3A_747 = arith.index_cast %swap3A_746 : i32 to index
    %swap3A_748 = arith.constant 32 : index
    %swap3A_749 = tpu.vector_load %arg18[%swap3A_747, %swap3A_748] {strides = array<i32>} : memref<32x128xf32, #tpu.memory_space<vmem>>, vector<1x16xf32>,
    %swap3A_750 = vector.shape_cast %swap3A_749 : vector<1x16xf32> to vector<16xf32>
    %swap3A_751 = vector.shape_cast %broadcast_in_dim3A_302 : vector<16xf32> to vector<1x16xf32>
    tpu.vector_store %arg18[%swap3A_747, %swap3A_748], %swap3A_751 {strides = array<i32>} : memref<32x128xf32, #tpu.memory_space<vmem>>, vector<1x16xf32>,
    %swap3A_752 = arith.constant 9 : i32
    %swap3A_753 = arith.index_cast %swap3A_752 : i32 to index
    %swap3A_754 = arith.constant 48 : index
    %swap3A_755 = tpu.vector_load %arg18[%swap3A_753, %swap3A_754] {strides = array<i32>} : memref<32x128xf32, #tpu.memory_space<vmem>>, vector<1x16xf32>,
    %swap3A_756 = vector.shape_cast %swap3A_755 : vector<1x16xf32> to vector<16xf32>
    %swap3A_757 = vector.shape_cast %broadcast_in_dim3A_302 : vector<16xf32> to vector<1x16xf32>
    tpu.vector_store %arg18[%swap3A_753, %swap3A_754], %swap3A_757 {strides = array<i32>} : memref<32x128xf32, #tpu.memory_space<vmem>>, vector<1x16xf32>,
    %swap3A_758 = arith.constant 9 : i32
    %swap3A_759 = arith.index_cast %swap3A_758 : i32 to index
    %swap3A_760 = arith.constant 64 : index
    %swap3A_761 = tpu.vector_load %arg18[%swap3A_759, %swap3A_760] {strides = array<i32>} : memref<32x128xf32, #tpu.memory_space<vmem>>, vector<1x16xf32>,
    %swap3A_762 = vector.shape_cast %swap3A_761 : vector<1x16xf32> to vector<16xf32>
    %swap3A_763 = vector.shape_cast %broadcast_in_dim3A_302 : vector<16xf32> to vector<1x16xf32>
    tpu.vector_store %arg18[%swap3A_759, %swap3A_760], %swap3A_763 {strides = array<i32>} : memref<32x128xf32, #tpu.memory_space<vmem>>, vector<1x16xf32>,
    %swap3A_764 = arith.constant 9 : i32
    %swap3A_765 = arith.index_cast %swap3A_764 : i32 to index
    %swap3A_766 = arith.constant 80 : index
    %swap3A_767 = tpu.vector_load %arg18[%swap3A_765, %swap3A_766] {strides = array<i32>} : memref<32x128xf32, #tpu.memory_space<vmem>>, vector<1x16xf32>,
    %swap3A_768 = vector.shape_cast %swap3A_767 : vector<1x16xf32> to vector<16xf32>
    %swap3A_769 = vector.shape_cast %broadcast_in_dim3A_302 : vector<16xf32> to vector<1x16xf32>
    tpu.vector_store %arg18[%swap3A_765, %swap3A_766], %swap3A_769 {strides = array<i32>} : memref<32x128xf32, #tpu.memory_space<vmem>>, vector<1x16xf32>,
    %swap3A_770 = arith.constant 9 : i32
    %swap3A_771 = arith.index_cast %swap3A_770 : i32 to index
    %swap3A_772 = arith.constant 96 : index
    %swap3A_773 = tpu.vector_load %arg18[%swap3A_771, %swap3A_772] {strides = array<i32>} : memref<32x128xf32, #tpu.memory_space<vmem>>, vector<1x16xf32>,
    %swap3A_774 = vector.shape_cast %swap3A_773 : vector<1x16xf32> to vector<16xf32>
    %swap3A_775 = vector.shape_cast %broadcast_in_dim3A_302 : vector<16xf32> to vector<1x16xf32>
    tpu.vector_store %arg18[%swap3A_771, %swap3A_772], %swap3A_775 {strides = array<i32>} : memref<32x128xf32, #tpu.memory_space<vmem>>, vector<1x16xf32>,
    %swap3A_776 = arith.constant 9 : i32
    %swap3A_777 = arith.index_cast %swap3A_776 : i32 to index
    %swap3A_778 = arith.constant 112 : index
    %swap3A_779 = tpu.vector_load %arg18[%swap3A_777, %swap3A_778] {strides = array<i32>} : memref<32x128xf32, #tpu.memory_space<vmem>>, vector<1x16xf32>,
    %swap3A_780 = vector.shape_cast %swap3A_779 : vector<1x16xf32> to vector<16xf32>
    %swap3A_781 = vector.shape_cast %broadcast_in_dim3A_302 : vector<16xf32> to vector<1x16xf32>
    tpu.vector_store %arg18[%swap3A_777, %swap3A_778], %swap3A_781 {strides = array<i32>} : memref<32x128xf32, #tpu.memory_space<vmem>>, vector<1x16xf32>,
    %swap3A_782 = arith.constant 10 : i32
    %swap3A_783 = arith.index_cast %swap3A_782 : i32 to index
    %swap3A_784 = arith.constant 0 : index
    %swap3A_785 = tpu.vector_load %arg18[%swap3A_783, %swap3A_784] {strides = array<i32>} : memref<32x128xf32, #tpu.memory_space<vmem>>, vector<1x16xf32>,
    %swap3A_786 = vector.shape_cast %swap3A_785 : vector<1x16xf32> to vector<16xf32>
    %swap3A_787 = vector.shape_cast %broadcast_in_dim3A_302 : vector<16xf32> to vector<1x16xf32>
    tpu.vector_store %arg18[%swap3A_783, %swap3A_784], %swap3A_787 {strides = array<i32>} : memref<32x128xf32, #tpu.memory_space<vmem>>, vector<1x16xf32>,
    %swap3A_788 = arith.constant 10 : i32
    %swap3A_789 = arith.index_cast %swap3A_788 : i32 to index
    %swap3A_790 = arith.constant 16 : index
    %swap3A_791 = tpu.vector_load %arg18[%swap3A_789, %swap3A_790] {strides = array<i32>} : memref<32x128xf32, #tpu.memory_space<vmem>>, vector<1x16xf32>,
    %swap3A_792 = vector.shape_cast %swap3A_791 : vector<1x16xf32> to vector<16xf32>
    %swap3A_793 = vector.shape_cast %broadcast_in_dim3A_302 : vector<16xf32> to vector<1x16xf32>
    tpu.vector_store %arg18[%swap3A_789, %swap3A_790], %swap3A_793 {strides = array<i32>} : memref<32x128xf32, #tpu.memory_space<vmem>>, vector<1x16xf32>,
    %swap3A_794 = arith.constant 10 : i32
    %swap3A_795 = arith.index_cast %swap3A_794 : i32 to index
    %swap3A_796 = arith.constant 32 : index
    %swap3A_797 = tpu.vector_load %arg18[%swap3A_795, %swap3A_796] {strides = array<i32>} : memref<32x128xf32, #tpu.memory_space<vmem>>, vector<1x16xf32>,
    %swap3A_798 = vector.shape_cast %swap3A_797 : vector<1x16xf32> to vector<16xf32>
    %swap3A_799 = vector.shape_cast %broadcast_in_dim3A_302 : vector<16xf32> to vector<1x16xf32>
    tpu.vector_store %arg18[%swap3A_795, %swap3A_796], %swap3A_799 {strides = array<i32>} : memref<32x128xf32, #tpu.memory_space<vmem>>, vector<1x16xf32>,
    %swap3A_800 = arith.constant 10 : i32
    %swap3A_801 = arith.index_cast %swap3A_800 : i32 to index
    %swap3A_802 = arith.constant 48 : index
    %swap3A_803 = tpu.vector_load %arg18[%swap3A_801, %swap3A_802] {strides = array<i32>} : memref<32x128xf32, #tpu.memory_space<vmem>>, vector<1x16xf32>,
    %swap3A_804 = vector.shape_cast %swap3A_803 : vector<1x16xf32> to vector<16xf32>
    %swap3A_805 = vector.shape_cast %broadcast_in_dim3A_302 : vector<16xf32> to vector<1x16xf32>
    tpu.vector_store %arg18[%swap3A_801, %swap3A_802], %swap3A_805 {strides = array<i32>} : memref<32x128xf32, #tpu.memory_space<vmem>>, vector<1x16xf32>,
    %swap3A_806 = arith.constant 10 : i32
    %swap3A_807 = arith.index_cast %swap3A_806 : i32 to index
    %swap3A_808 = arith.constant 64 : index
    %swap3A_809 = tpu.vector_load %arg18[%swap3A_807, %swap3A_808] {strides = array<i32>} : memref<32x128xf32, #tpu.memory_space<vmem>>, vector<1x16xf32>,
    %swap3A_810 = vector.shape_cast %swap3A_809 : vector<1x16xf32> to vector<16xf32>
    %swap3A_811 = vector.shape_cast %broadcast_in_dim3A_302 : vector<16xf32> to vector<1x16xf32>
    tpu.vector_store %arg18[%swap3A_807, %swap3A_808], %swap3A_811 {strides = array<i32>} : memref<32x128xf32, #tpu.memory_space<vmem>>, vector<1x16xf32>,
    %swap3A_812 = arith.constant 10 : i32
    %swap3A_813 = arith.index_cast %swap3A_812 : i32 to index
    %swap3A_814 = arith.constant 80 : index
    %swap3A_815 = tpu.vector_load %arg18[%swap3A_813, %swap3A_814] {strides = array<i32>} : memref<32x128xf32, #tpu.memory_space<vmem>>, vector<1x16xf32>,
    %swap3A_816 = vector.shape_cast %swap3A_815 : vector<1x16xf32> to vector<16xf32>
    %swap3A_817 = vector.shape_cast %broadcast_in_dim3A_302 : vector<16xf32> to vector<1x16xf32>
    tpu.vector_store %arg18[%swap3A_813, %swap3A_814], %swap3A_817 {strides = array<i32>} : memref<32x128xf32, #tpu.memory_space<vmem>>, vector<1x16xf32>,
    %swap3A_818 = arith.constant 10 : i32
    %swap3A_819 = arith.index_cast %swap3A_818 : i32 to index
    %swap3A_820 = arith.constant 96 : index
    %swap3A_821 = tpu.vector_load %arg18[%swap3A_819, %swap3A_820] {strides = array<i32>} : memref<32x128xf32, #tpu.memory_space<vmem>>, vector<1x16xf32>,
    %swap3A_822 = vector.shape_cast %swap3A_821 : vector<1x16xf32> to vector<16xf32>
    %swap3A_823 = vector.shape_cast %broadcast_in_dim3A_302 : vector<16xf32> to vector<1x16xf32>
    tpu.vector_store %arg18[%swap3A_819, %swap3A_820], %swap3A_823 {strides = array<i32>} : memref<32x128xf32, #tpu.memory_space<vmem>>, vector<1x16xf32>,
    %swap3A_824 = arith.constant 10 : i32
    %swap3A_825 = arith.index_cast %swap3A_824 : i32 to index
    %swap3A_826 = arith.constant 112 : index
    %swap3A_827 = tpu.vector_load %arg18[%swap3A_825, %swap3A_826] {strides = array<i32>} : memref<32x128xf32, #tpu.memory_space<vmem>>, vector<1x16xf32>,
    %swap3A_828 = vector.shape_cast %swap3A_827 : vector<1x16xf32> to vector<16xf32>
    %swap3A_829 = vector.shape_cast %broadcast_in_dim3A_302 : vector<16xf32> to vector<1x16xf32>
    tpu.vector_store %arg18[%swap3A_825, %swap3A_826], %swap3A_829 {strides = array<i32>} : memref<32x128xf32, #tpu.memory_space<vmem>>, vector<1x16xf32>,
    %swap3A_830 = arith.constant 11 : i32
    %swap3A_831 = arith.index_cast %swap3A_830 : i32 to index
    %swap3A_832 = arith.constant 0 : index
    %swap3A_833 = tpu.vector_load %arg18[%swap3A_831, %swap3A_832] {strides = array<i32>} : memref<32x128xf32, #tpu.memory_space<vmem>>, vector<1x16xf32>,
    %swap3A_834 = vector.shape_cast %swap3A_833 : vector<1x16xf32> to vector<16xf32>
    %swap3A_835 = vector.shape_cast %broadcast_in_dim3A_302 : vector<16xf32> to vector<1x16xf32>
    tpu.vector_store %arg18[%swap3A_831, %swap3A_832], %swap3A_835 {strides = array<i32>} : memref<32x128xf32, #tpu.memory_space<vmem>>, vector<1x16xf32>,
    %swap3A_836 = arith.constant 11 : i32
    %swap3A_837 = arith.index_cast %swap3A_836 : i32 to index
    %swap3A_838 = arith.constant 16 : index
    %swap3A_839 = tpu.vector_load %arg18[%swap3A_837, %swap3A_838] {strides = array<i32>} : memref<32x128xf32, #tpu.memory_space<vmem>>, vector<1x16xf32>,
    %swap3A_840 = vector.shape_cast %swap3A_839 : vector<1x16xf32> to vector<16xf32>
    %swap3A_841 = vector.shape_cast %broadcast_in_dim3A_302 : vector<16xf32> to vector<1x16xf32>
    tpu.vector_store %arg18[%swap3A_837, %swap3A_838], %swap3A_841 {strides = array<i32>} : memref<32x128xf32, #tpu.memory_space<vmem>>, vector<1x16xf32>,
    %swap3A_842 = arith.constant 11 : i32
    %swap3A_843 = arith.index_cast %swap3A_842 : i32 to index
    %swap3A_844 = arith.constant 32 : index
    %swap3A_845 = tpu.vector_load %arg18[%swap3A_843, %swap3A_844] {strides = array<i32>} : memref<32x128xf32, #tpu.memory_space<vmem>>, vector<1x16xf32>,
    %swap3A_846 = vector.shape_cast %swap3A_845 : vector<1x16xf32> to vector<16xf32>
    %swap3A_847 = vector.shape_cast %broadcast_in_dim3A_302 : vector<16xf32> to vector<1x16xf32>
    tpu.vector_store %arg18[%swap3A_843, %swap3A_844], %swap3A_847 {strides = array<i32>} : memref<32x128xf32, #tpu.memory_space<vmem>>, vector<1x16xf32>,
    %swap3A_848 = arith.constant 11 : i32
    %swap3A_849 = arith.index_cast %swap3A_848 : i32 to index
    %swap3A_850 = arith.constant 48 : index
    %swap3A_851 = tpu.vector_load %arg18[%swap3A_849, %swap3A_850] {strides = array<i32>} : memref<32x128xf32, #tpu.memory_space<vmem>>, vector<1x16xf32>,
    %swap3A_852 = vector.shape_cast %swap3A_851 : vector<1x16xf32> to vector<16xf32>
    %swap3A_853 = vector.shape_cast %broadcast_in_dim3A_302 : vector<16xf32> to vector<1x16xf32>
    tpu.vector_store %arg18[%swap3A_849, %swap3A_850], %swap3A_853 {strides = array<i32>} : memref<32x128xf32, #tpu.memory_space<vmem>>, vector<1x16xf32>,
    %swap3A_854 = arith.constant 11 : i32
    %swap3A_855 = arith.index_cast %swap3A_854 : i32 to index
    %swap3A_856 = arith.constant 64 : index
    %swap3A_857 = tpu.vector_load %arg18[%swap3A_855, %swap3A_856] {strides = array<i32>} : memref<32x128xf32, #tpu.memory_space<vmem>>, vector<1x16xf32>,
    %swap3A_858 = vector.shape_cast %swap3A_857 : vector<1x16xf32> to vector<16xf32>
    %swap3A_859 = vector.shape_cast %broadcast_in_dim3A_302 : vector<16xf32> to vector<1x16xf32>
    tpu.vector_store %arg18[%swap3A_855, %swap3A_856], %swap3A_859 {strides = array<i32>} : memref<32x128xf32, #tpu.memory_space<vmem>>, vector<1x16xf32>,
    %swap3A_860 = arith.constant 11 : i32
    %swap3A_861 = arith.index_cast %swap3A_860 : i32 to index
    %swap3A_862 = arith.constant 80 : index
    %swap3A_863 = tpu.vector_load %arg18[%swap3A_861, %swap3A_862] {strides = array<i32>} : memref<32x128xf32, #tpu.memory_space<vmem>>, vector<1x16xf32>,
    %swap3A_864 = vector.shape_cast %swap3A_863 : vector<1x16xf32> to vector<16xf32>
    %swap3A_865 = vector.shape_cast %broadcast_in_dim3A_302 : vector<16xf32> to vector<1x16xf32>
    tpu.vector_store %arg18[%swap3A_861, %swap3A_862], %swap3A_865 {strides = array<i32>} : memref<32x128xf32, #tpu.memory_space<vmem>>, vector<1x16xf32>,
    %swap3A_866 = arith.constant 11 : i32
    %swap3A_867 = arith.index_cast %swap3A_866 : i32 to index
    %swap3A_868 = arith.constant 96 : index
    %swap3A_869 = tpu.vector_load %arg18[%swap3A_867, %swap3A_868] {strides = array<i32>} : memref<32x128xf32, #tpu.memory_space<vmem>>, vector<1x16xf32>,
    %swap3A_870 = vector.shape_cast %swap3A_869 : vector<1x16xf32> to vector<16xf32>
    %swap3A_871 = vector.shape_cast %broadcast_in_dim3A_302 : vector<16xf32> to vector<1x16xf32>
    tpu.vector_store %arg18[%swap3A_867, %swap3A_868], %swap3A_871 {strides = array<i32>} : memref<32x128xf32, #tpu.memory_space<vmem>>, vector<1x16xf32>,
    %swap3A_872 = arith.constant 11 : i32
    %swap3A_873 = arith.index_cast %swap3A_872 : i32 to index
    %swap3A_874 = arith.constant 112 : index
    %swap3A_875 = tpu.vector_load %arg18[%swap3A_873, %swap3A_874] {strides = array<i32>} : memref<32x128xf32, #tpu.memory_space<vmem>>, vector<1x16xf32>,
    %swap3A_876 = vector.shape_cast %swap3A_875 : vector<1x16xf32> to vector<16xf32>
    %swap3A_877 = vector.shape_cast %broadcast_in_dim3A_302 : vector<16xf32> to vector<1x16xf32>
    tpu.vector_store %arg18[%swap3A_873, %swap3A_874], %swap3A_877 {strides = array<i32>} : memref<32x128xf32, #tpu.memory_space<vmem>>, vector<1x16xf32>,
    %swap3A_878 = arith.constant 12 : i32
    %swap3A_879 = arith.index_cast %swap3A_878 : i32 to index
    %swap3A_880 = arith.constant 0 : index
    %swap3A_881 = tpu.vector_load %arg18[%swap3A_879, %swap3A_880] {strides = array<i32>} : memref<32x128xf32, #tpu.memory_space<vmem>>, vector<1x16xf32>,
    %swap3A_882 = vector.shape_cast %swap3A_881 : vector<1x16xf32> to vector<16xf32>
    %swap3A_883 = vector.shape_cast %broadcast_in_dim3A_302 : vector<16xf32> to vector<1x16xf32>
    tpu.vector_store %arg18[%swap3A_879, %swap3A_880], %swap3A_883 {strides = array<i32>} : memref<32x128xf32, #tpu.memory_space<vmem>>, vector<1x16xf32>,
    %swap3A_884 = arith.constant 12 : i32
    %swap3A_885 = arith.index_cast %swap3A_884 : i32 to index
    %swap3A_886 = arith.constant 16 : index
    %swap3A_887 = tpu.vector_load %arg18[%swap3A_885, %swap3A_886] {strides = array<i32>} : memref<32x128xf32, #tpu.memory_space<vmem>>, vector<1x16xf32>,
    %swap3A_888 = vector.shape_cast %swap3A_887 : vector<1x16xf32> to vector<16xf32>
    %swap3A_889 = vector.shape_cast %broadcast_in_dim3A_302 : vector<16xf32> to vector<1x16xf32>
    tpu.vector_store %arg18[%swap3A_885, %swap3A_886], %swap3A_889 {strides = array<i32>} : memref<32x128xf32, #tpu.memory_space<vmem>>, vector<1x16xf32>,
    %swap3A_890 = arith.constant 12 : i32
    %swap3A_891 = arith.index_cast %swap3A_890 : i32 to index
    %swap3A_892 = arith.constant 32 : index
    %swap3A_893 = tpu.vector_load %arg18[%swap3A_891, %swap3A_892] {strides = array<i32>} : memref<32x128xf32, #tpu.memory_space<vmem>>, vector<1x16xf32>,
    %swap3A_894 = vector.shape_cast %swap3A_893 : vector<1x16xf32> to vector<16xf32>
    %swap3A_895 = vector.shape_cast %broadcast_in_dim3A_302 : vector<16xf32> to vector<1x16xf32>
    tpu.vector_store %arg18[%swap3A_891, %swap3A_892], %swap3A_895 {strides = array<i32>} : memref<32x128xf32, #tpu.memory_space<vmem>>, vector<1x16xf32>,
    %swap3A_896 = arith.constant 12 : i32
    %swap3A_897 = arith.index_cast %swap3A_896 : i32 to index
    %swap3A_898 = arith.constant 48 : index
    %swap3A_899 = tpu.vector_load %arg18[%swap3A_897, %swap3A_898] {strides = array<i32>} : memref<32x128xf32, #tpu.memory_space<vmem>>, vector<1x16xf32>,
    %swap3A_900 = vector.shape_cast %swap3A_899 : vector<1x16xf32> to vector<16xf32>
    %swap3A_901 = vector.shape_cast %broadcast_in_dim3A_302 : vector<16xf32> to vector<1x16xf32>
    tpu.vector_store %arg18[%swap3A_897, %swap3A_898], %swap3A_901 {strides = array<i32>} : memref<32x128xf32, #tpu.memory_space<vmem>>, vector<1x16xf32>,
    %swap3A_902 = arith.constant 12 : i32
    %swap3A_903 = arith.index_cast %swap3A_902 : i32 to index
    %swap3A_904 = arith.constant 64 : index
    %swap3A_905 = tpu.vector_load %arg18[%swap3A_903, %swap3A_904] {strides = array<i32>} : memref<32x128xf32, #tpu.memory_space<vmem>>, vector<1x16xf32>,
    %swap3A_906 = vector.shape_cast %swap3A_905 : vector<1x16xf32> to vector<16xf32>
    %swap3A_907 = vector.shape_cast %broadcast_in_dim3A_302 : vector<16xf32> to vector<1x16xf32>
    tpu.vector_store %arg18[%swap3A_903, %swap3A_904], %swap3A_907 {strides = array<i32>} : memref<32x128xf32, #tpu.memory_space<vmem>>, vector<1x16xf32>,
    %swap3A_908 = arith.constant 12 : i32
    %swap3A_909 = arith.index_cast %swap3A_908 : i32 to index
    %swap3A_910 = arith.constant 80 : index
    %swap3A_911 = tpu.vector_load %arg18[%swap3A_909, %swap3A_910] {strides = array<i32>} : memref<32x128xf32, #tpu.memory_space<vmem>>, vector<1x16xf32>,
    %swap3A_912 = vector.shape_cast %swap3A_911 : vector<1x16xf32> to vector<16xf32>
    %swap3A_913 = vector.shape_cast %broadcast_in_dim3A_302 : vector<16xf32> to vector<1x16xf32>
    tpu.vector_store %arg18[%swap3A_909, %swap3A_910], %swap3A_913 {strides = array<i32>} : memref<32x128xf32, #tpu.memory_space<vmem>>, vector<1x16xf32>,
    %swap3A_914 = arith.constant 12 : i32
    %swap3A_915 = arith.index_cast %swap3A_914 : i32 to index
    %swap3A_916 = arith.constant 96 : index
    %swap3A_917 = tpu.vector_load %arg18[%swap3A_915, %swap3A_916] {strides = array<i32>} : memref<32x128xf32, #tpu.memory_space<vmem>>, vector<1x16xf32>,
    %swap3A_918 = vector.shape_cast %swap3A_917 : vector<1x16xf32> to vector<16xf32>
    %swap3A_919 = vector.shape_cast %broadcast_in_dim3A_302 : vector<16xf32> to vector<1x16xf32>
    tpu.vector_store %arg18[%swap3A_915, %swap3A_916], %swap3A_919 {strides = array<i32>} : memref<32x128xf32, #tpu.memory_space<vmem>>, vector<1x16xf32>,
    %swap3A_920 = arith.constant 12 : i32
    %swap3A_921 = arith.index_cast %swap3A_920 : i32 to index
    %swap3A_922 = arith.constant 112 : index
    %swap3A_923 = tpu.vector_load %arg18[%swap3A_921, %swap3A_922] {strides = array<i32>} : memref<32x128xf32, #tpu.memory_space<vmem>>, vector<1x16xf32>,
    %swap3A_924 = vector.shape_cast %swap3A_923 : vector<1x16xf32> to vector<16xf32>
    %swap3A_925 = vector.shape_cast %broadcast_in_dim3A_302 : vector<16xf32> to vector<1x16xf32>
    tpu.vector_store %arg18[%swap3A_921, %swap3A_922], %swap3A_925 {strides = array<i32>} : memref<32x128xf32, #tpu.memory_space<vmem>>, vector<1x16xf32>,
    %swap3A_926 = arith.constant 13 : i32
    %swap3A_927 = arith.index_cast %swap3A_926 : i32 to index
    %swap3A_928 = arith.constant 0 : index
    %swap3A_929 = tpu.vector_load %arg18[%swap3A_927, %swap3A_928] {strides = array<i32>} : memref<32x128xf32, #tpu.memory_space<vmem>>, vector<1x16xf32>,
    %swap3A_930 = vector.shape_cast %swap3A_929 : vector<1x16xf32> to vector<16xf32>
    %swap3A_931 = vector.shape_cast %broadcast_in_dim3A_302 : vector<16xf32> to vector<1x16xf32>
    tpu.vector_store %arg18[%swap3A_927, %swap3A_928], %swap3A_931 {strides = array<i32>} : memref<32x128xf32, #tpu.memory_space<vmem>>, vector<1x16xf32>,
    %swap3A_932 = arith.constant 13 : i32
    %swap3A_933 = arith.index_cast %swap3A_932 : i32 to index
    %swap3A_934 = arith.constant 16 : index
    %swap3A_935 = tpu.vector_load %arg18[%swap3A_933, %swap3A_934] {strides = array<i32>} : memref<32x128xf32, #tpu.memory_space<vmem>>, vector<1x16xf32>,
    %swap3A_936 = vector.shape_cast %swap3A_935 : vector<1x16xf32> to vector<16xf32>
    %swap3A_937 = vector.shape_cast %broadcast_in_dim3A_302 : vector<16xf32> to vector<1x16xf32>
    tpu.vector_store %arg18[%swap3A_933, %swap3A_934], %swap3A_937 {strides = array<i32>} : memref<32x128xf32, #tpu.memory_space<vmem>>, vector<1x16xf32>,
    %swap3A_938 = arith.constant 13 : i32
    %swap3A_939 = arith.index_cast %swap3A_938 : i32 to index
    %swap3A_940 = arith.constant 32 : index
    %swap3A_941 = tpu.vector_load %arg18[%swap3A_939, %swap3A_940] {strides = array<i32>} : memref<32x128xf32, #tpu.memory_space<vmem>>, vector<1x16xf32>,
    %swap3A_942 = vector.shape_cast %swap3A_941 : vector<1x16xf32> to vector<16xf32>
    %swap3A_943 = vector.shape_cast %broadcast_in_dim3A_302 : vector<16xf32> to vector<1x16xf32>
    tpu.vector_store %arg18[%swap3A_939, %swap3A_940], %swap3A_943 {strides = array<i32>} : memref<32x128xf32, #tpu.memory_space<vmem>>, vector<1x16xf32>,
    %swap3A_944 = arith.constant 13 : i32
    %swap3A_945 = arith.index_cast %swap3A_944 : i32 to index
    %swap3A_946 = arith.constant 48 : index
    %swap3A_947 = tpu.vector_load %arg18[%swap3A_945, %swap3A_946] {strides = array<i32>} : memref<32x128xf32, #tpu.memory_space<vmem>>, vector<1x16xf32>,
    %swap3A_948 = vector.shape_cast %swap3A_947 : vector<1x16xf32> to vector<16xf32>
    %swap3A_949 = vector.shape_cast %broadcast_in_dim3A_302 : vector<16xf32> to vector<1x16xf32>
    tpu.vector_store %arg18[%swap3A_945, %swap3A_946], %swap3A_949 {strides = array<i32>} : memref<32x128xf32, #tpu.memory_space<vmem>>, vector<1x16xf32>,
    %swap3A_950 = arith.constant 13 : i32
    %swap3A_951 = arith.index_cast %swap3A_950 : i32 to index
    %swap3A_952 = arith.constant 64 : index
    %swap3A_953 = tpu.vector_load %arg18[%swap3A_951, %swap3A_952] {strides = array<i32>} : memref<32x128xf32, #tpu.memory_space<vmem>>, vector<1x16xf32>,
    %swap3A_954 = vector.shape_cast %swap3A_953 : vector<1x16xf32> to vector<16xf32>
    %swap3A_955 = vector.shape_cast %broadcast_in_dim3A_302 : vector<16xf32> to vector<1x16xf32>
    tpu.vector_store %arg18[%swap3A_951, %swap3A_952], %swap3A_955 {strides = array<i32>} : memref<32x128xf32, #tpu.memory_space<vmem>>, vector<1x16xf32>,
    %swap3A_956 = arith.constant 13 : i32
    %swap3A_957 = arith.index_cast %swap3A_956 : i32 to index
    %swap3A_958 = arith.constant 80 : index
    %swap3A_959 = tpu.vector_load %arg18[%swap3A_957, %swap3A_958] {strides = array<i32>} : memref<32x128xf32, #tpu.memory_space<vmem>>, vector<1x16xf32>,
    %swap3A_960 = vector.shape_cast %swap3A_959 : vector<1x16xf32> to vector<16xf32>
    %swap3A_961 = vector.shape_cast %broadcast_in_dim3A_302 : vector<16xf32> to vector<1x16xf32>
    tpu.vector_store %arg18[%swap3A_957, %swap3A_958], %swap3A_961 {strides = array<i32>} : memref<32x128xf32, #tpu.memory_space<vmem>>, vector<1x16xf32>,
    %swap3A_962 = arith.constant 13 : i32
    %swap3A_963 = arith.index_cast %swap3A_962 : i32 to index
    %swap3A_964 = arith.constant 96 : index
    %swap3A_965 = tpu.vector_load %arg18[%swap3A_963, %swap3A_964] {strides = array<i32>} : memref<32x128xf32, #tpu.memory_space<vmem>>, vector<1x16xf32>,
    %swap3A_966 = vector.shape_cast %swap3A_965 : vector<1x16xf32> to vector<16xf32>
    %swap3A_967 = vector.shape_cast %broadcast_in_dim3A_302 : vector<16xf32> to vector<1x16xf32>
    tpu.vector_store %arg18[%swap3A_963, %swap3A_964], %swap3A_967 {strides = array<i32>} : memref<32x128xf32, #tpu.memory_space<vmem>>, vector<1x16xf32>,
    %swap3A_968 = arith.constant 13 : i32
    %swap3A_969 = arith.index_cast %swap3A_968 : i32 to index
    %swap3A_970 = arith.constant 112 : index
    %swap3A_971 = tpu.vector_load %arg18[%swap3A_969, %swap3A_970] {strides = array<i32>} : memref<32x128xf32, #tpu.memory_space<vmem>>, vector<1x16xf32>,
    %swap3A_972 = vector.shape_cast %swap3A_971 : vector<1x16xf32> to vector<16xf32>
    %swap3A_973 = vector.shape_cast %broadcast_in_dim3A_302 : vector<16xf32> to vector<1x16xf32>
    tpu.vector_store %arg18[%swap3A_969, %swap3A_970], %swap3A_973 {strides = array<i32>} : memref<32x128xf32, #tpu.memory_space<vmem>>, vector<1x16xf32>,
    %swap3A_974 = arith.constant 14 : i32
    %swap3A_975 = arith.index_cast %swap3A_974 : i32 to index
    %swap3A_976 = arith.constant 0 : index
    %swap3A_977 = tpu.vector_load %arg18[%swap3A_975, %swap3A_976] {strides = array<i32>} : memref<32x128xf32, #tpu.memory_space<vmem>>, vector<1x16xf32>,
    %swap3A_978 = vector.shape_cast %swap3A_977 : vector<1x16xf32> to vector<16xf32>
    %swap3A_979 = vector.shape_cast %broadcast_in_dim3A_302 : vector<16xf32> to vector<1x16xf32>
    tpu.vector_store %arg18[%swap3A_975, %swap3A_976], %swap3A_979 {strides = array<i32>} : memref<32x128xf32, #tpu.memory_space<vmem>>, vector<1x16xf32>,
    %swap3A_980 = arith.constant 14 : i32
    %swap3A_981 = arith.index_cast %swap3A_980 : i32 to index
    %swap3A_982 = arith.constant 16 : index
    %swap3A_983 = tpu.vector_load %arg18[%swap3A_981, %swap3A_982] {strides = array<i32>} : memref<32x128xf32, #tpu.memory_space<vmem>>, vector<1x16xf32>,
    %swap3A_984 = vector.shape_cast %swap3A_983 : vector<1x16xf32> to vector<16xf32>
    %swap3A_985 = vector.shape_cast %broadcast_in_dim3A_302 : vector<16xf32> to vector<1x16xf32>
    tpu.vector_store %arg18[%swap3A_981, %swap3A_982], %swap3A_985 {strides = array<i32>} : memref<32x128xf32, #tpu.memory_space<vmem>>, vector<1x16xf32>,
    %swap3A_986 = arith.constant 14 : i32
    %swap3A_987 = arith.index_cast %swap3A_986 : i32 to index
    %swap3A_988 = arith.constant 32 : index
    %swap3A_989 = tpu.vector_load %arg18[%swap3A_987, %swap3A_988] {strides = array<i32>} : memref<32x128xf32, #tpu.memory_space<vmem>>, vector<1x16xf32>,
    %swap3A_990 = vector.shape_cast %swap3A_989 : vector<1x16xf32> to vector<16xf32>
    %swap3A_991 = vector.shape_cast %broadcast_in_dim3A_302 : vector<16xf32> to vector<1x16xf32>
    tpu.vector_store %arg18[%swap3A_987, %swap3A_988], %swap3A_991 {strides = array<i32>} : memref<32x128xf32, #tpu.memory_space<vmem>>, vector<1x16xf32>,
    %swap3A_992 = arith.constant 14 : i32
    %swap3A_993 = arith.index_cast %swap3A_992 : i32 to index
    %swap3A_994 = arith.constant 48 : index
    %swap3A_995 = tpu.vector_load %arg18[%swap3A_993, %swap3A_994] {strides = array<i32>} : memref<32x128xf32, #tpu.memory_space<vmem>>, vector<1x16xf32>,
    %swap3A_996 = vector.shape_cast %swap3A_995 : vector<1x16xf32> to vector<16xf32>
    %swap3A_997 = vector.shape_cast %broadcast_in_dim3A_302 : vector<16xf32> to vector<1x16xf32>
    tpu.vector_store %arg18[%swap3A_993, %swap3A_994], %swap3A_997 {strides = array<i32>} : memref<32x128xf32, #tpu.memory_space<vmem>>, vector<1x16xf32>,
    %swap3A_998 = arith.constant 14 : i32
    %swap3A_999 = arith.index_cast %swap3A_998 : i32 to index
    %swap3A_1000 = arith.constant 64 : index
    %swap3A_1001 = tpu.vector_load %arg18[%swap3A_999, %swap3A_1000] {strides = array<i32>} : memref<32x128xf32, #tpu.memory_space<vmem>>, vector<1x16xf32>,
    %swap3A_1002 = vector.shape_cast %swap3A_1001 : vector<1x16xf32> to vector<16xf32>
    %swap3A_1003 = vector.shape_cast %broadcast_in_dim3A_302 : vector<16xf32> to vector<1x16xf32>
    tpu.vector_store %arg18[%swap3A_999, %swap3A_1000], %swap3A_1003 {strides = array<i32>} : memref<32x128xf32, #tpu.memory_space<vmem>>, vector<1x16xf32>,
    %swap3A_1004 = arith.constant 14 : i32
    %swap3A_1005 = arith.index_cast %swap3A_1004 : i32 to index
    %swap3A_1006 = arith.constant 80 : index
    %swap3A_1007 = tpu.vector_load %arg18[%swap3A_1005, %swap3A_1006] {strides = array<i32>} : memref<32x128xf32, #tpu.memory_space<vmem>>, vector<1x16xf32>,
    %swap3A_1008 = vector.shape_cast %swap3A_1007 : vector<1x16xf32> to vector<16xf32>
    %swap3A_1009 = vector.shape_cast %broadcast_in_dim3A_302 : vector<16xf32> to vector<1x16xf32>
    tpu.vector_store %arg18[%swap3A_1005, %swap3A_1006], %swap3A_1009 {strides = array<i32>} : memref<32x128xf32, #tpu.memory_space<vmem>>, vector<1x16xf32>,
    %swap3A_1010 = arith.constant 14 : i32
    %swap3A_1011 = arith.index_cast %swap3A_1010 : i32 to index
    %swap3A_1012 = arith.constant 96 : index
    %swap3A_1013 = tpu.vector_load %arg18[%swap3A_1011, %swap3A_1012] {strides = array<i32>} : memref<32x128xf32, #tpu.memory_space<vmem>>, vector<1x16xf32>,
    %swap3A_1014 = vector.shape_cast %swap3A_1013 : vector<1x16xf32> to vector<16xf32>
    %swap3A_1015 = vector.shape_cast %broadcast_in_dim3A_302 : vector<16xf32> to vector<1x16xf32>
    tpu.vector_store %arg18[%swap3A_1011, %swap3A_1012], %swap3A_1015 {strides = array<i32>} : memref<32x128xf32, #tpu.memory_space<vmem>>, vector<1x16xf32>,
    %swap3A_1016 = arith.constant 14 : i32
    %swap3A_1017 = arith.index_cast %swap3A_1016 : i32 to index
    %swap3A_1018 = arith.constant 112 : index
    %swap3A_1019 = tpu.vector_load %arg18[%swap3A_1017, %swap3A_1018] {strides = array<i32>} : memref<32x128xf32, #tpu.memory_space<vmem>>, vector<1x16xf32>,
    %swap3A_1020 = vector.shape_cast %swap3A_1019 : vector<1x16xf32> to vector<16xf32>
    %swap3A_1021 = vector.shape_cast %broadcast_in_dim3A_302 : vector<16xf32> to vector<1x16xf32>
    tpu.vector_store %arg18[%swap3A_1017, %swap3A_1018], %swap3A_1021 {strides = array<i32>} : memref<32x128xf32, #tpu.memory_space<vmem>>, vector<1x16xf32>,
    %swap3A_1022 = arith.constant 15 : i32
    %swap3A_1023 = arith.index_cast %swap3A_1022 : i32 to index
    %swap3A_1024 = arith.constant 0 : index
    %swap3A_1025 = tpu.vector_load %arg18[%swap3A_1023, %swap3A_1024] {strides = array<i32>} : memref<32x128xf32, #tpu.memory_space<vmem>>, vector<1x16xf32>,
    %swap3A_1026 = vector.shape_cast %swap3A_1025 : vector<1x16xf32> to vector<16xf32>
    %swap3A_1027 = vector.shape_cast %broadcast_in_dim3A_302 : vector<16xf32> to vector<1x16xf32>
    tpu.vector_store %arg18[%swap3A_1023, %swap3A_1024], %swap3A_1027 {strides = array<i32>} : memref<32x128xf32, #tpu.memory_space<vmem>>, vector<1x16xf32>,
    %swap3A_1028 = arith.constant 15 : i32
    %swap3A_1029 = arith.index_cast %swap3A_1028 : i32 to index
    %swap3A_1030 = arith.constant 16 : index
    %swap3A_1031 = tpu.vector_load %arg18[%swap3A_1029, %swap3A_1030] {strides = array<i32>} : memref<32x128xf32, #tpu.memory_space<vmem>>, vector<1x16xf32>,
    %swap3A_1032 = vector.shape_cast %swap3A_1031 : vector<1x16xf32> to vector<16xf32>
    %swap3A_1033 = vector.shape_cast %broadcast_in_dim3A_302 : vector<16xf32> to vector<1x16xf32>
    tpu.vector_store %arg18[%swap3A_1029, %swap3A_1030], %swap3A_1033 {strides = array<i32>} : memref<32x128xf32, #tpu.memory_space<vmem>>, vector<1x16xf32>,
    %swap3A_1034 = arith.constant 15 : i32
    %swap3A_1035 = arith.index_cast %swap3A_1034 : i32 to index
    %swap3A_1036 = arith.constant 32 : index
    %swap3A_1037 = tpu.vector_load %arg18[%swap3A_1035, %swap3A_1036] {strides = array<i32>} : memref<32x128xf32, #tpu.memory_space<vmem>>, vector<1x16xf32>,
    %swap3A_1038 = vector.shape_cast %swap3A_1037 : vector<1x16xf32> to vector<16xf32>
    %swap3A_1039 = vector.shape_cast %broadcast_in_dim3A_302 : vector<16xf32> to vector<1x16xf32>
    tpu.vector_store %arg18[%swap3A_1035, %swap3A_1036], %swap3A_1039 {strides = array<i32>} : memref<32x128xf32, #tpu.memory_space<vmem>>, vector<1x16xf32>,
    %swap3A_1040 = arith.constant 15 : i32
    %swap3A_1041 = arith.index_cast %swap3A_1040 : i32 to index
    %swap3A_1042 = arith.constant 48 : index
    %swap3A_1043 = tpu.vector_load %arg18[%swap3A_1041, %swap3A_1042] {strides = array<i32>} : memref<32x128xf32, #tpu.memory_space<vmem>>, vector<1x16xf32>,
    %swap3A_1044 = vector.shape_cast %swap3A_1043 : vector<1x16xf32> to vector<16xf32>
    %swap3A_1045 = vector.shape_cast %broadcast_in_dim3A_302 : vector<16xf32> to vector<1x16xf32>
    tpu.vector_store %arg18[%swap3A_1041, %swap3A_1042], %swap3A_1045 {strides = array<i32>} : memref<32x128xf32, #tpu.memory_space<vmem>>, vector<1x16xf32>,
    %swap3A_1046 = arith.constant 15 : i32
    %swap3A_1047 = arith.index_cast %swap3A_1046 : i32 to index
    %swap3A_1048 = arith.constant 64 : index
    %swap3A_1049 = tpu.vector_load %arg18[%swap3A_1047, %swap3A_1048] {strides = array<i32>} : memref<32x128xf32, #tpu.memory_space<vmem>>, vector<1x16xf32>,
    %swap3A_1050 = vector.shape_cast %swap3A_1049 : vector<1x16xf32> to vector<16xf32>
    %swap3A_1051 = vector.shape_cast %broadcast_in_dim3A_302 : vector<16xf32> to vector<1x16xf32>
    tpu.vector_store %arg18[%swap3A_1047, %swap3A_1048], %swap3A_1051 {strides = array<i32>} : memref<32x128xf32, #tpu.memory_space<vmem>>, vector<1x16xf32>,
    %swap3A_1052 = arith.constant 15 : i32
    %swap3A_1053 = arith.index_cast %swap3A_1052 : i32 to index
    %swap3A_1054 = arith.constant 80 : index
    %swap3A_1055 = tpu.vector_load %arg18[%swap3A_1053, %swap3A_1054] {strides = array<i32>} : memref<32x128xf32, #tpu.memory_space<vmem>>, vector<1x16xf32>,
    %swap3A_1056 = vector.shape_cast %swap3A_1055 : vector<1x16xf32> to vector<16xf32>
    %swap3A_1057 = vector.shape_cast %broadcast_in_dim3A_302 : vector<16xf32> to vector<1x16xf32>
    tpu.vector_store %arg18[%swap3A_1053, %swap3A_1054], %swap3A_1057 {strides = array<i32>} : memref<32x128xf32, #tpu.memory_space<vmem>>, vector<1x16xf32>,
    %swap3A_1058 = arith.constant 15 : i32
    %swap3A_1059 = arith.index_cast %swap3A_1058 : i32 to index
    %swap3A_1060 = arith.constant 96 : index
    %swap3A_1061 = tpu.vector_load %arg18[%swap3A_1059, %swap3A_1060] {strides = array<i32>} : memref<32x128xf32, #tpu.memory_space<vmem>>, vector<1x16xf32>,
    %swap3A_1062 = vector.shape_cast %swap3A_1061 : vector<1x16xf32> to vector<16xf32>
    %swap3A_1063 = vector.shape_cast %broadcast_in_dim3A_302 : vector<16xf32> to vector<1x16xf32>
    tpu.vector_store %arg18[%swap3A_1059, %swap3A_1060], %swap3A_1063 {strides = array<i32>} : memref<32x128xf32, #tpu.memory_space<vmem>>, vector<1x16xf32>,
    %swap3A_1064 = arith.constant 15 : i32
    %swap3A_1065 = arith.index_cast %swap3A_1064 : i32 to index
    %swap3A_1066 = arith.constant 112 : index
    %swap3A_1067 = tpu.vector_load %arg18[%swap3A_1065, %swap3A_1066] {strides = array<i32>} : memref<32x128xf32, #tpu.memory_space<vmem>>, vector<1x16xf32>,
    %swap3A_1068 = vector.shape_cast %swap3A_1067 : vector<1x16xf32> to vector<16xf32>
    %swap3A_1069 = vector.shape_cast %broadcast_in_dim3A_302 : vector<16xf32> to vector<1x16xf32>
    tpu.vector_store %arg18[%swap3A_1065, %swap3A_1066], %swap3A_1069 {strides = array<i32>} : memref<32x128xf32, #tpu.memory_space<vmem>>, vector<1x16xf32>,
    %swap3A_1070 = arith.constant 16 : i32
    %swap3A_1071 = arith.index_cast %swap3A_1070 : i32 to index
    %swap3A_1072 = arith.constant 0 : index
    %swap3A_1073 = tpu.vector_load %arg18[%swap3A_1071, %swap3A_1072] {strides = array<i32>} : memref<32x128xf32, #tpu.memory_space<vmem>>, vector<1x16xf32>,
    %swap3A_1074 = vector.shape_cast %swap3A_1073 : vector<1x16xf32> to vector<16xf32>
    %swap3A_1075 = vector.shape_cast %broadcast_in_dim3A_302 : vector<16xf32> to vector<1x16xf32>
    tpu.vector_store %arg18[%swap3A_1071, %swap3A_1072], %swap3A_1075 {strides = array<i32>} : memref<32x128xf32, #tpu.memory_space<vmem>>, vector<1x16xf32>,
    %swap3A_1076 = arith.constant 16 : i32
    %swap3A_1077 = arith.index_cast %swap3A_1076 : i32 to index
    %swap3A_1078 = arith.constant 16 : index
    %swap3A_1079 = tpu.vector_load %arg18[%swap3A_1077, %swap3A_1078] {strides = array<i32>} : memref<32x128xf32, #tpu.memory_space<vmem>>, vector<1x16xf32>,
    %swap3A_1080 = vector.shape_cast %swap3A_1079 : vector<1x16xf32> to vector<16xf32>
    %swap3A_1081 = vector.shape_cast %broadcast_in_dim3A_302 : vector<16xf32> to vector<1x16xf32>
    tpu.vector_store %arg18[%swap3A_1077, %swap3A_1078], %swap3A_1081 {strides = array<i32>} : memref<32x128xf32, #tpu.memory_space<vmem>>, vector<1x16xf32>,
    %swap3A_1082 = arith.constant 16 : i32
    %swap3A_1083 = arith.index_cast %swap3A_1082 : i32 to index
    %swap3A_1084 = arith.constant 32 : index
    %swap3A_1085 = tpu.vector_load %arg18[%swap3A_1083, %swap3A_1084] {strides = array<i32>} : memref<32x128xf32, #tpu.memory_space<vmem>>, vector<1x16xf32>,
    %swap3A_1086 = vector.shape_cast %swap3A_1085 : vector<1x16xf32> to vector<16xf32>
    %swap3A_1087 = vector.shape_cast %broadcast_in_dim3A_302 : vector<16xf32> to vector<1x16xf32>
    tpu.vector_store %arg18[%swap3A_1083, %swap3A_1084], %swap3A_1087 {strides = array<i32>} : memref<32x128xf32, #tpu.memory_space<vmem>>, vector<1x16xf32>,
    %swap3A_1088 = arith.constant 16 : i32
    %swap3A_1089 = arith.index_cast %swap3A_1088 : i32 to index
    %swap3A_1090 = arith.constant 48 : index
    %swap3A_1091 = tpu.vector_load %arg18[%swap3A_1089, %swap3A_1090] {strides = array<i32>} : memref<32x128xf32, #tpu.memory_space<vmem>>, vector<1x16xf32>,
    %swap3A_1092 = vector.shape_cast %swap3A_1091 : vector<1x16xf32> to vector<16xf32>
    %swap3A_1093 = vector.shape_cast %broadcast_in_dim3A_302 : vector<16xf32> to vector<1x16xf32>
    tpu.vector_store %arg18[%swap3A_1089, %swap3A_1090], %swap3A_1093 {strides = array<i32>} : memref<32x128xf32, #tpu.memory_space<vmem>>, vector<1x16xf32>,
    %swap3A_1094 = arith.constant 16 : i32
    %swap3A_1095 = arith.index_cast %swap3A_1094 : i32 to index
    %swap3A_1096 = arith.constant 64 : index
    %swap3A_1097 = tpu.vector_load %arg18[%swap3A_1095, %swap3A_1096] {strides = array<i32>} : memref<32x128xf32, #tpu.memory_space<vmem>>, vector<1x16xf32>,
    %swap3A_1098 = vector.shape_cast %swap3A_1097 : vector<1x16xf32> to vector<16xf32>
    %swap3A_1099 = vector.shape_cast %broadcast_in_dim3A_302 : vector<16xf32> to vector<1x16xf32>
    tpu.vector_store %arg18[%swap3A_1095, %swap3A_1096], %swap3A_1099 {strides = array<i32>} : memref<32x128xf32, #tpu.memory_space<vmem>>, vector<1x16xf32>,
    %swap3A_1100 = arith.constant 16 : i32
    %swap3A_1101 = arith.index_cast %swap3A_1100 : i32 to index
    %swap3A_1102 = arith.constant 80 : index
    %swap3A_1103 = tpu.vector_load %arg18[%swap3A_1101, %swap3A_1102] {strides = array<i32>} : memref<32x128xf32, #tpu.memory_space<vmem>>, vector<1x16xf32>,
    %swap3A_1104 = vector.shape_cast %swap3A_1103 : vector<1x16xf32> to vector<16xf32>
    %swap3A_1105 = vector.shape_cast %broadcast_in_dim3A_302 : vector<16xf32> to vector<1x16xf32>
    tpu.vector_store %arg18[%swap3A_1101, %swap3A_1102], %swap3A_1105 {strides = array<i32>} : memref<32x128xf32, #tpu.memory_space<vmem>>, vector<1x16xf32>,
    %swap3A_1106 = arith.constant 16 : i32
    %swap3A_1107 = arith.index_cast %swap3A_1106 : i32 to index
    %swap3A_1108 = arith.constant 96 : index
    %swap3A_1109 = tpu.vector_load %arg18[%swap3A_1107, %swap3A_1108] {strides = array<i32>} : memref<32x128xf32, #tpu.memory_space<vmem>>, vector<1x16xf32>,
    %swap3A_1110 = vector.shape_cast %swap3A_1109 : vector<1x16xf32> to vector<16xf32>
    %swap3A_1111 = vector.shape_cast %broadcast_in_dim3A_302 : vector<16xf32> to vector<1x16xf32>
    tpu.vector_store %arg18[%swap3A_1107, %swap3A_1108], %swap3A_1111 {strides = array<i32>} : memref<32x128xf32, #tpu.memory_space<vmem>>, vector<1x16xf32>,
    %swap3A_1112 = arith.constant 16 : i32
    %swap3A_1113 = arith.index_cast %swap3A_1112 : i32 to index
    %swap3A_1114 = arith.constant 112 : index
    %swap3A_1115 = tpu.vector_load %arg18[%swap3A_1113, %swap3A_1114] {strides = array<i32>} : memref<32x128xf32, #tpu.memory_space<vmem>>, vector<1x16xf32>,
    %swap3A_1116 = vector.shape_cast %swap3A_1115 : vector<1x16xf32> to vector<16xf32>
    %swap3A_1117 = vector.shape_cast %broadcast_in_dim3A_302 : vector<16xf32> to vector<1x16xf32>
    tpu.vector_store %arg18[%swap3A_1113, %swap3A_1114], %swap3A_1117 {strides = array<i32>} : memref<32x128xf32, #tpu.memory_space<vmem>>, vector<1x16xf32>,
    %swap3A_1118 = arith.constant 17 : i32
    %swap3A_1119 = arith.index_cast %swap3A_1118 : i32 to index
    %swap3A_1120 = arith.constant 0 : index
    %swap3A_1121 = tpu.vector_load %arg18[%swap3A_1119, %swap3A_1120] {strides = array<i32>} : memref<32x128xf32, #tpu.memory_space<vmem>>, vector<1x16xf32>,
    %swap3A_1122 = vector.shape_cast %swap3A_1121 : vector<1x16xf32> to vector<16xf32>
    %swap3A_1123 = vector.shape_cast %broadcast_in_dim3A_302 : vector<16xf32> to vector<1x16xf32>
    tpu.vector_store %arg18[%swap3A_1119, %swap3A_1120], %swap3A_1123 {strides = array<i32>} : memref<32x128xf32, #tpu.memory_space<vmem>>, vector<1x16xf32>,
    %swap3A_1124 = arith.constant 17 : i32
    %swap3A_1125 = arith.index_cast %swap3A_1124 : i32 to index
    %swap3A_1126 = arith.constant 16 : index
    %swap3A_1127 = tpu.vector_load %arg18[%swap3A_1125, %swap3A_1126] {strides = array<i32>} : memref<32x128xf32, #tpu.memory_space<vmem>>, vector<1x16xf32>,
    %swap3A_1128 = vector.shape_cast %swap3A_1127 : vector<1x16xf32> to vector<16xf32>
    %swap3A_1129 = vector.shape_cast %broadcast_in_dim3A_302 : vector<16xf32> to vector<1x16xf32>
    tpu.vector_store %arg18[%swap3A_1125, %swap3A_1126], %swap3A_1129 {strides = array<i32>} : memref<32x128xf32, #tpu.memory_space<vmem>>, vector<1x16xf32>,
    %swap3A_1130 = arith.constant 17 : i32
    %swap3A_1131 = arith.index_cast %swap3A_1130 : i32 to index
    %swap3A_1132 = arith.constant 32 : index
    %swap3A_1133 = tpu.vector_load %arg18[%swap3A_1131, %swap3A_1132] {strides = array<i32>} : memref<32x128xf32, #tpu.memory_space<vmem>>, vector<1x16xf32>,
    %swap3A_1134 = vector.shape_cast %swap3A_1133 : vector<1x16xf32> to vector<16xf32>
    %swap3A_1135 = vector.shape_cast %broadcast_in_dim3A_302 : vector<16xf32> to vector<1x16xf32>
    tpu.vector_store %arg18[%swap3A_1131, %swap3A_1132], %swap3A_1135 {strides = array<i32>} : memref<32x128xf32, #tpu.memory_space<vmem>>, vector<1x16xf32>,
    %swap3A_1136 = arith.constant 17 : i32
    %swap3A_1137 = arith.index_cast %swap3A_1136 : i32 to index
    %swap3A_1138 = arith.constant 48 : index
    %swap3A_1139 = tpu.vector_load %arg18[%swap3A_1137, %swap3A_1138] {strides = array<i32>} : memref<32x128xf32, #tpu.memory_space<vmem>>, vector<1x16xf32>,
    %swap3A_1140 = vector.shape_cast %swap3A_1139 : vector<1x16xf32> to vector<16xf32>
    %swap3A_1141 = vector.shape_cast %broadcast_in_dim3A_302 : vector<16xf32> to vector<1x16xf32>
    tpu.vector_store %arg18[%swap3A_1137, %swap3A_1138], %swap3A_1141 {strides = array<i32>} : memref<32x128xf32, #tpu.memory_space<vmem>>, vector<1x16xf32>,
    %swap3A_1142 = arith.constant 17 : i32
    %swap3A_1143 = arith.index_cast %swap3A_1142 : i32 to index
    %swap3A_1144 = arith.constant 64 : index
    %swap3A_1145 = tpu.vector_load %arg18[%swap3A_1143, %swap3A_1144] {strides = array<i32>} : memref<32x128xf32, #tpu.memory_space<vmem>>, vector<1x16xf32>,
    %swap3A_1146 = vector.shape_cast %swap3A_1145 : vector<1x16xf32> to vector<16xf32>
    %swap3A_1147 = vector.shape_cast %broadcast_in_dim3A_302 : vector<16xf32> to vector<1x16xf32>
    tpu.vector_store %arg18[%swap3A_1143, %swap3A_1144], %swap3A_1147 {strides = array<i32>} : memref<32x128xf32, #tpu.memory_space<vmem>>, vector<1x16xf32>,
    %swap3A_1148 = arith.constant 17 : i32
    %swap3A_1149 = arith.index_cast %swap3A_1148 : i32 to index
    %swap3A_1150 = arith.constant 80 : index
    %swap3A_1151 = tpu.vector_load %arg18[%swap3A_1149, %swap3A_1150] {strides = array<i32>} : memref<32x128xf32, #tpu.memory_space<vmem>>, vector<1x16xf32>,
    %swap3A_1152 = vector.shape_cast %swap3A_1151 : vector<1x16xf32> to vector<16xf32>
    %swap3A_1153 = vector.shape_cast %broadcast_in_dim3A_302 : vector<16xf32> to vector<1x16xf32>
    tpu.vector_store %arg18[%swap3A_1149, %swap3A_1150], %swap3A_1153 {strides = array<i32>} : memref<32x128xf32, #tpu.memory_space<vmem>>, vector<1x16xf32>,
    %swap3A_1154 = arith.constant 17 : i32
    %swap3A_1155 = arith.index_cast %swap3A_1154 : i32 to index
    %swap3A_1156 = arith.constant 96 : index
    %swap3A_1157 = tpu.vector_load %arg18[%swap3A_1155, %swap3A_1156] {strides = array<i32>} : memref<32x128xf32, #tpu.memory_space<vmem>>, vector<1x16xf32>,
    %swap3A_1158 = vector.shape_cast %swap3A_1157 : vector<1x16xf32> to vector<16xf32>
    %swap3A_1159 = vector.shape_cast %broadcast_in_dim3A_302 : vector<16xf32> to vector<1x16xf32>
    tpu.vector_store %arg18[%swap3A_1155, %swap3A_1156], %swap3A_1159 {strides = array<i32>} : memref<32x128xf32, #tpu.memory_space<vmem>>, vector<1x16xf32>,
    %swap3A_1160 = arith.constant 17 : i32
    %swap3A_1161 = arith.index_cast %swap3A_1160 : i32 to index
    %swap3A_1162 = arith.constant 112 : index
    %swap3A_1163 = tpu.vector_load %arg18[%swap3A_1161, %swap3A_1162] {strides = array<i32>} : memref<32x128xf32, #tpu.memory_space<vmem>>, vector<1x16xf32>,
    %swap3A_1164 = vector.shape_cast %swap3A_1163 : vector<1x16xf32> to vector<16xf32>
    %swap3A_1165 = vector.shape_cast %broadcast_in_dim3A_302 : vector<16xf32> to vector<1x16xf32>
    tpu.vector_store %arg18[%swap3A_1161, %swap3A_1162], %swap3A_1165 {strides = array<i32>} : memref<32x128xf32, #tpu.memory_space<vmem>>, vector<1x16xf32>,
    %swap3A_1166 = arith.constant 18 : i32
    %swap3A_1167 = arith.index_cast %swap3A_1166 : i32 to index
    %swap3A_1168 = arith.constant 0 : index
    %swap3A_1169 = tpu.vector_load %arg18[%swap3A_1167, %swap3A_1168] {strides = array<i32>} : memref<32x128xf32, #tpu.memory_space<vmem>>, vector<1x16xf32>,
    %swap3A_1170 = vector.shape_cast %swap3A_1169 : vector<1x16xf32> to vector<16xf32>
    %swap3A_1171 = vector.shape_cast %broadcast_in_dim3A_302 : vector<16xf32> to vector<1x16xf32>
    tpu.vector_store %arg18[%swap3A_1167, %swap3A_1168], %swap3A_1171 {strides = array<i32>} : memref<32x128xf32, #tpu.memory_space<vmem>>, vector<1x16xf32>,
    %swap3A_1172 = arith.constant 18 : i32
    %swap3A_1173 = arith.index_cast %swap3A_1172 : i32 to index
    %swap3A_1174 = arith.constant 16 : index
    %swap3A_1175 = tpu.vector_load %arg18[%swap3A_1173, %swap3A_1174] {strides = array<i32>} : memref<32x128xf32, #tpu.memory_space<vmem>>, vector<1x16xf32>,
    %swap3A_1176 = vector.shape_cast %swap3A_1175 : vector<1x16xf32> to vector<16xf32>
    %swap3A_1177 = vector.shape_cast %broadcast_in_dim3A_302 : vector<16xf32> to vector<1x16xf32>
    tpu.vector_store %arg18[%swap3A_1173, %swap3A_1174], %swap3A_1177 {strides = array<i32>} : memref<32x128xf32, #tpu.memory_space<vmem>>, vector<1x16xf32>,
    %swap3A_1178 = arith.constant 18 : i32
    %swap3A_1179 = arith.index_cast %swap3A_1178 : i32 to index
    %swap3A_1180 = arith.constant 32 : index
    %swap3A_1181 = tpu.vector_load %arg18[%swap3A_1179, %swap3A_1180] {strides = array<i32>} : memref<32x128xf32, #tpu.memory_space<vmem>>, vector<1x16xf32>,
    %swap3A_1182 = vector.shape_cast %swap3A_1181 : vector<1x16xf32> to vector<16xf32>
    %swap3A_1183 = vector.shape_cast %broadcast_in_dim3A_302 : vector<16xf32> to vector<1x16xf32>
    tpu.vector_store %arg18[%swap3A_1179, %swap3A_1180], %swap3A_1183 {strides = array<i32>} : memref<32x128xf32, #tpu.memory_space<vmem>>, vector<1x16xf32>,
    %swap3A_1184 = arith.constant 18 : i32
    %swap3A_1185 = arith.index_cast %swap3A_1184 : i32 to index
    %swap3A_1186 = arith.constant 48 : index
    %swap3A_1187 = tpu.vector_load %arg18[%swap3A_1185, %swap3A_1186] {strides = array<i32>} : memref<32x128xf32, #tpu.memory_space<vmem>>, vector<1x16xf32>,
    %swap3A_1188 = vector.shape_cast %swap3A_1187 : vector<1x16xf32> to vector<16xf32>
    %swap3A_1189 = vector.shape_cast %broadcast_in_dim3A_302 : vector<16xf32> to vector<1x16xf32>
    tpu.vector_store %arg18[%swap3A_1185, %swap3A_1186], %swap3A_1189 {strides = array<i32>} : memref<32x128xf32, #tpu.memory_space<vmem>>, vector<1x16xf32>,
    %swap3A_1190 = arith.constant 18 : i32
    %swap3A_1191 = arith.index_cast %swap3A_1190 : i32 to index
    %swap3A_1192 = arith.constant 64 : index
    %swap3A_1193 = tpu.vector_load %arg18[%swap3A_1191, %swap3A_1192] {strides = array<i32>} : memref<32x128xf32, #tpu.memory_space<vmem>>, vector<1x16xf32>,
    %swap3A_1194 = vector.shape_cast %swap3A_1193 : vector<1x16xf32> to vector<16xf32>
    %swap3A_1195 = vector.shape_cast %broadcast_in_dim3A_302 : vector<16xf32> to vector<1x16xf32>
    tpu.vector_store %arg18[%swap3A_1191, %swap3A_1192], %swap3A_1195 {strides = array<i32>} : memref<32x128xf32, #tpu.memory_space<vmem>>, vector<1x16xf32>,
    %swap3A_1196 = arith.constant 18 : i32
    %swap3A_1197 = arith.index_cast %swap3A_1196 : i32 to index
    %swap3A_1198 = arith.constant 80 : index
    %swap3A_1199 = tpu.vector_load %arg18[%swap3A_1197, %swap3A_1198] {strides = array<i32>} : memref<32x128xf32, #tpu.memory_space<vmem>>, vector<1x16xf32>,
    %swap3A_1200 = vector.shape_cast %swap3A_1199 : vector<1x16xf32> to vector<16xf32>
    %swap3A_1201 = vector.shape_cast %broadcast_in_dim3A_302 : vector<16xf32> to vector<1x16xf32>
    tpu.vector_store %arg18[%swap3A_1197, %swap3A_1198], %swap3A_1201 {strides = array<i32>} : memref<32x128xf32, #tpu.memory_space<vmem>>, vector<1x16xf32>,
    %swap3A_1202 = arith.constant 18 : i32
    %swap3A_1203 = arith.index_cast %swap3A_1202 : i32 to index
    %swap3A_1204 = arith.constant 96 : index
    %swap3A_1205 = tpu.vector_load %arg18[%swap3A_1203, %swap3A_1204] {strides = array<i32>} : memref<32x128xf32, #tpu.memory_space<vmem>>, vector<1x16xf32>,
    %swap3A_1206 = vector.shape_cast %swap3A_1205 : vector<1x16xf32> to vector<16xf32>
    %swap3A_1207 = vector.shape_cast %broadcast_in_dim3A_302 : vector<16xf32> to vector<1x16xf32>
    tpu.vector_store %arg18[%swap3A_1203, %swap3A_1204], %swap3A_1207 {strides = array<i32>} : memref<32x128xf32, #tpu.memory_space<vmem>>, vector<1x16xf32>,
    %swap3A_1208 = arith.constant 18 : i32
    %swap3A_1209 = arith.index_cast %swap3A_1208 : i32 to index
    %swap3A_1210 = arith.constant 112 : index
    %swap3A_1211 = tpu.vector_load %arg18[%swap3A_1209, %swap3A_1210] {strides = array<i32>} : memref<32x128xf32, #tpu.memory_space<vmem>>, vector<1x16xf32>,
    %swap3A_1212 = vector.shape_cast %swap3A_1211 : vector<1x16xf32> to vector<16xf32>
    %swap3A_1213 = vector.shape_cast %broadcast_in_dim3A_302 : vector<16xf32> to vector<1x16xf32>
    tpu.vector_store %arg18[%swap3A_1209, %swap3A_1210], %swap3A_1213 {strides = array<i32>} : memref<32x128xf32, #tpu.memory_space<vmem>>, vector<1x16xf32>,
    %swap3A_1214 = arith.constant 19 : i32
    %swap3A_1215 = arith.index_cast %swap3A_1214 : i32 to index
    %swap3A_1216 = arith.constant 0 : index
    %swap3A_1217 = tpu.vector_load %arg18[%swap3A_1215, %swap3A_1216] {strides = array<i32>} : memref<32x128xf32, #tpu.memory_space<vmem>>, vector<1x16xf32>,
    %swap3A_1218 = vector.shape_cast %swap3A_1217 : vector<1x16xf32> to vector<16xf32>
    %swap3A_1219 = vector.shape_cast %broadcast_in_dim3A_302 : vector<16xf32> to vector<1x16xf32>
    tpu.vector_store %arg18[%swap3A_1215, %swap3A_1216], %swap3A_1219 {strides = array<i32>} : memref<32x128xf32, #tpu.memory_space<vmem>>, vector<1x16xf32>,
    %swap3A_1220 = arith.constant 19 : i32
    %swap3A_1221 = arith.index_cast %swap3A_1220 : i32 to index
    %swap3A_1222 = arith.constant 16 : index
    %swap3A_1223 = tpu.vector_load %arg18[%swap3A_1221, %swap3A_1222] {strides = array<i32>} : memref<32x128xf32, #tpu.memory_space<vmem>>, vector<1x16xf32>,
    %swap3A_1224 = vector.shape_cast %swap3A_1223 : vector<1x16xf32> to vector<16xf32>
    %swap3A_1225 = vector.shape_cast %broadcast_in_dim3A_302 : vector<16xf32> to vector<1x16xf32>
    tpu.vector_store %arg18[%swap3A_1221, %swap3A_1222], %swap3A_1225 {strides = array<i32>} : memref<32x128xf32, #tpu.memory_space<vmem>>, vector<1x16xf32>,
    %swap3A_1226 = arith.constant 19 : i32
    %swap3A_1227 = arith.index_cast %swap3A_1226 : i32 to index
    %swap3A_1228 = arith.constant 32 : index
    %swap3A_1229 = tpu.vector_load %arg18[%swap3A_1227, %swap3A_1228] {strides = array<i32>} : memref<32x128xf32, #tpu.memory_space<vmem>>, vector<1x16xf32>,
    %swap3A_1230 = vector.shape_cast %swap3A_1229 : vector<1x16xf32> to vector<16xf32>
    %swap3A_1231 = vector.shape_cast %broadcast_in_dim3A_302 : vector<16xf32> to vector<1x16xf32>
    tpu.vector_store %arg18[%swap3A_1227, %swap3A_1228], %swap3A_1231 {strides = array<i32>} : memref<32x128xf32, #tpu.memory_space<vmem>>, vector<1x16xf32>,
    %swap3A_1232 = arith.constant 19 : i32
    %swap3A_1233 = arith.index_cast %swap3A_1232 : i32 to index
    %swap3A_1234 = arith.constant 48 : index
    %swap3A_1235 = tpu.vector_load %arg18[%swap3A_1233, %swap3A_1234] {strides = array<i32>} : memref<32x128xf32, #tpu.memory_space<vmem>>, vector<1x16xf32>,
    %swap3A_1236 = vector.shape_cast %swap3A_1235 : vector<1x16xf32> to vector<16xf32>
    %swap3A_1237 = vector.shape_cast %broadcast_in_dim3A_302 : vector<16xf32> to vector<1x16xf32>
    tpu.vector_store %arg18[%swap3A_1233, %swap3A_1234], %swap3A_1237 {strides = array<i32>} : memref<32x128xf32, #tpu.memory_space<vmem>>, vector<1x16xf32>,
    %swap3A_1238 = arith.constant 19 : i32
    %swap3A_1239 = arith.index_cast %swap3A_1238 : i32 to index
    %swap3A_1240 = arith.constant 64 : index
    %swap3A_1241 = tpu.vector_load %arg18[%swap3A_1239, %swap3A_1240] {strides = array<i32>} : memref<32x128xf32, #tpu.memory_space<vmem>>, vector<1x16xf32>,
    %swap3A_1242 = vector.shape_cast %swap3A_1241 : vector<1x16xf32> to vector<16xf32>
    %swap3A_1243 = vector.shape_cast %broadcast_in_dim3A_302 : vector<16xf32> to vector<1x16xf32>
    tpu.vector_store %arg18[%swap3A_1239, %swap3A_1240], %swap3A_1243 {strides = array<i32>} : memref<32x128xf32, #tpu.memory_space<vmem>>, vector<1x16xf32>,
    %swap3A_1244 = arith.constant 19 : i32
    %swap3A_1245 = arith.index_cast %swap3A_1244 : i32 to index
    %swap3A_1246 = arith.constant 80 : index
    %swap3A_1247 = tpu.vector_load %arg18[%swap3A_1245, %swap3A_1246] {strides = array<i32>} : memref<32x128xf32, #tpu.memory_space<vmem>>, vector<1x16xf32>,
    %swap3A_1248 = vector.shape_cast %swap3A_1247 : vector<1x16xf32> to vector<16xf32>
    %swap3A_1249 = vector.shape_cast %broadcast_in_dim3A_302 : vector<16xf32> to vector<1x16xf32>
    tpu.vector_store %arg18[%swap3A_1245, %swap3A_1246], %swap3A_1249 {strides = array<i32>} : memref<32x128xf32, #tpu.memory_space<vmem>>, vector<1x16xf32>,
    %swap3A_1250 = arith.constant 19 : i32
    %swap3A_1251 = arith.index_cast %swap3A_1250 : i32 to index
    %swap3A_1252 = arith.constant 96 : index
    %swap3A_1253 = tpu.vector_load %arg18[%swap3A_1251, %swap3A_1252] {strides = array<i32>} : memref<32x128xf32, #tpu.memory_space<vmem>>, vector<1x16xf32>,
    %swap3A_1254 = vector.shape_cast %swap3A_1253 : vector<1x16xf32> to vector<16xf32>
    %swap3A_1255 = vector.shape_cast %broadcast_in_dim3A_302 : vector<16xf32> to vector<1x16xf32>
    tpu.vector_store %arg18[%swap3A_1251, %swap3A_1252], %swap3A_1255 {strides = array<i32>} : memref<32x128xf32, #tpu.memory_space<vmem>>, vector<1x16xf32>,
    %swap3A_1256 = arith.constant 19 : i32
    %swap3A_1257 = arith.index_cast %swap3A_1256 : i32 to index
    %swap3A_1258 = arith.constant 112 : index
    %swap3A_1259 = tpu.vector_load %arg18[%swap3A_1257, %swap3A_1258] {strides = array<i32>} : memref<32x128xf32, #tpu.memory_space<vmem>>, vector<1x16xf32>,
    %swap3A_1260 = vector.shape_cast %swap3A_1259 : vector<1x16xf32> to vector<16xf32>
    %swap3A_1261 = vector.shape_cast %broadcast_in_dim3A_302 : vector<16xf32> to vector<1x16xf32>
    tpu.vector_store %arg18[%swap3A_1257, %swap3A_1258], %swap3A_1261 {strides = array<i32>} : memref<32x128xf32, #tpu.memory_space<vmem>>, vector<1x16xf32>,
    %swap3A_1262 = arith.constant 20 : i32
    %swap3A_1263 = arith.index_cast %swap3A_1262 : i32 to index
    %swap3A_1264 = arith.constant 0 : index
    %swap3A_1265 = tpu.vector_load %arg18[%swap3A_1263, %swap3A_1264] {strides = array<i32>} : memref<32x128xf32, #tpu.memory_space<vmem>>, vector<1x16xf32>,
    %swap3A_1266 = vector.shape_cast %swap3A_1265 : vector<1x16xf32> to vector<16xf32>
    %swap3A_1267 = vector.shape_cast %broadcast_in_dim3A_302 : vector<16xf32> to vector<1x16xf32>
    tpu.vector_store %arg18[%swap3A_1263, %swap3A_1264], %swap3A_1267 {strides = array<i32>} : memref<32x128xf32, #tpu.memory_space<vmem>>, vector<1x16xf32>,
    %swap3A_1268 = arith.constant 20 : i32
    %swap3A_1269 = arith.index_cast %swap3A_1268 : i32 to index
    %swap3A_1270 = arith.constant 16 : index
    %swap3A_1271 = tpu.vector_load %arg18[%swap3A_1269, %swap3A_1270] {strides = array<i32>} : memref<32x128xf32, #tpu.memory_space<vmem>>, vector<1x16xf32>,
    %swap3A_1272 = vector.shape_cast %swap3A_1271 : vector<1x16xf32> to vector<16xf32>
    %swap3A_1273 = vector.shape_cast %broadcast_in_dim3A_302 : vector<16xf32> to vector<1x16xf32>
    tpu.vector_store %arg18[%swap3A_1269, %swap3A_1270], %swap3A_1273 {strides = array<i32>} : memref<32x128xf32, #tpu.memory_space<vmem>>, vector<1x16xf32>,
    %swap3A_1274 = arith.constant 20 : i32
    %swap3A_1275 = arith.index_cast %swap3A_1274 : i32 to index
    %swap3A_1276 = arith.constant 32 : index
    %swap3A_1277 = tpu.vector_load %arg18[%swap3A_1275, %swap3A_1276] {strides = array<i32>} : memref<32x128xf32, #tpu.memory_space<vmem>>, vector<1x16xf32>,
    %swap3A_1278 = vector.shape_cast %swap3A_1277 : vector<1x16xf32> to vector<16xf32>
    %swap3A_1279 = vector.shape_cast %broadcast_in_dim3A_302 : vector<16xf32> to vector<1x16xf32>
    tpu.vector_store %arg18[%swap3A_1275, %swap3A_1276], %swap3A_1279 {strides = array<i32>} : memref<32x128xf32, #tpu.memory_space<vmem>>, vector<1x16xf32>,
    %swap3A_1280 = arith.constant 20 : i32
    %swap3A_1281 = arith.index_cast %swap3A_1280 : i32 to index
    %swap3A_1282 = arith.constant 48 : index
    %swap3A_1283 = tpu.vector_load %arg18[%swap3A_1281, %swap3A_1282] {strides = array<i32>} : memref<32x128xf32, #tpu.memory_space<vmem>>, vector<1x16xf32>,
    %swap3A_1284 = vector.shape_cast %swap3A_1283 : vector<1x16xf32> to vector<16xf32>
    %swap3A_1285 = vector.shape_cast %broadcast_in_dim3A_302 : vector<16xf32> to vector<1x16xf32>
    tpu.vector_store %arg18[%swap3A_1281, %swap3A_1282], %swap3A_1285 {strides = array<i32>} : memref<32x128xf32, #tpu.memory_space<vmem>>, vector<1x16xf32>,
    %swap3A_1286 = arith.constant 20 : i32
    %swap3A_1287 = arith.index_cast %swap3A_1286 : i32 to index
    %swap3A_1288 = arith.constant 64 : index
    %swap3A_1289 = tpu.vector_load %arg18[%swap3A_1287, %swap3A_1288] {strides = array<i32>} : memref<32x128xf32, #tpu.memory_space<vmem>>, vector<1x16xf32>,
    %swap3A_1290 = vector.shape_cast %swap3A_1289 : vector<1x16xf32> to vector<16xf32>
    %swap3A_1291 = vector.shape_cast %broadcast_in_dim3A_302 : vector<16xf32> to vector<1x16xf32>
    tpu.vector_store %arg18[%swap3A_1287, %swap3A_1288], %swap3A_1291 {strides = array<i32>} : memref<32x128xf32, #tpu.memory_space<vmem>>, vector<1x16xf32>,
    %swap3A_1292 = arith.constant 20 : i32
    %swap3A_1293 = arith.index_cast %swap3A_1292 : i32 to index
    %swap3A_1294 = arith.constant 80 : index
    %swap3A_1295 = tpu.vector_load %arg18[%swap3A_1293, %swap3A_1294] {strides = array<i32>} : memref<32x128xf32, #tpu.memory_space<vmem>>, vector<1x16xf32>,
    %swap3A_1296 = vector.shape_cast %swap3A_1295 : vector<1x16xf32> to vector<16xf32>
    %swap3A_1297 = vector.shape_cast %broadcast_in_dim3A_302 : vector<16xf32> to vector<1x16xf32>
    tpu.vector_store %arg18[%swap3A_1293, %swap3A_1294], %swap3A_1297 {strides = array<i32>} : memref<32x128xf32, #tpu.memory_space<vmem>>, vector<1x16xf32>,
    %swap3A_1298 = arith.constant 20 : i32
    %swap3A_1299 = arith.index_cast %swap3A_1298 : i32 to index
    %swap3A_1300 = arith.constant 96 : index
    %swap3A_1301 = tpu.vector_load %arg18[%swap3A_1299, %swap3A_1300] {strides = array<i32>} : memref<32x128xf32, #tpu.memory_space<vmem>>, vector<1x16xf32>,
    %swap3A_1302 = vector.shape_cast %swap3A_1301 : vector<1x16xf32> to vector<16xf32>
    %swap3A_1303 = vector.shape_cast %broadcast_in_dim3A_302 : vector<16xf32> to vector<1x16xf32>
    tpu.vector_store %arg18[%swap3A_1299, %swap3A_1300], %swap3A_1303 {strides = array<i32>} : memref<32x128xf32, #tpu.memory_space<vmem>>, vector<1x16xf32>,
    %swap3A_1304 = arith.constant 20 : i32
    %swap3A_1305 = arith.index_cast %swap3A_1304 : i32 to index
    %swap3A_1306 = arith.constant 112 : index
    %swap3A_1307 = tpu.vector_load %arg18[%swap3A_1305, %swap3A_1306] {strides = array<i32>} : memref<32x128xf32, #tpu.memory_space<vmem>>, vector<1x16xf32>,
    %swap3A_1308 = vector.shape_cast %swap3A_1307 : vector<1x16xf32> to vector<16xf32>
    %swap3A_1309 = vector.shape_cast %broadcast_in_dim3A_302 : vector<16xf32> to vector<1x16xf32>
    tpu.vector_store %arg18[%swap3A_1305, %swap3A_1306], %swap3A_1309 {strides = array<i32>} : memref<32x128xf32, #tpu.memory_space<vmem>>, vector<1x16xf32>,
    %swap3A_1310 = arith.constant 21 : i32
    %swap3A_1311 = arith.index_cast %swap3A_1310 : i32 to index
    %swap3A_1312 = arith.constant 0 : index
    %swap3A_1313 = tpu.vector_load %arg18[%swap3A_1311, %swap3A_1312] {strides = array<i32>} : memref<32x128xf32, #tpu.memory_space<vmem>>, vector<1x16xf32>,
    %swap3A_1314 = vector.shape_cast %swap3A_1313 : vector<1x16xf32> to vector<16xf32>
    %swap3A_1315 = vector.shape_cast %broadcast_in_dim3A_302 : vector<16xf32> to vector<1x16xf32>
    tpu.vector_store %arg18[%swap3A_1311, %swap3A_1312], %swap3A_1315 {strides = array<i32>} : memref<32x128xf32, #tpu.memory_space<vmem>>, vector<1x16xf32>,
    %swap3A_1316 = arith.constant 21 : i32
    %swap3A_1317 = arith.index_cast %swap3A_1316 : i32 to index
    %swap3A_1318 = arith.constant 16 : index
    %swap3A_1319 = tpu.vector_load %arg18[%swap3A_1317, %swap3A_1318] {strides = array<i32>} : memref<32x128xf32, #tpu.memory_space<vmem>>, vector<1x16xf32>,
    %swap3A_1320 = vector.shape_cast %swap3A_1319 : vector<1x16xf32> to vector<16xf32>
    %swap3A_1321 = vector.shape_cast %broadcast_in_dim3A_302 : vector<16xf32> to vector<1x16xf32>
    tpu.vector_store %arg18[%swap3A_1317, %swap3A_1318], %swap3A_1321 {strides = array<i32>} : memref<32x128xf32, #tpu.memory_space<vmem>>, vector<1x16xf32>,
    %swap3A_1322 = arith.constant 21 : i32
    %swap3A_1323 = arith.index_cast %swap3A_1322 : i32 to index
    %swap3A_1324 = arith.constant 32 : index
    %swap3A_1325 = tpu.vector_load %arg18[%swap3A_1323, %swap3A_1324] {strides = array<i32>} : memref<32x128xf32, #tpu.memory_space<vmem>>, vector<1x16xf32>,
    %swap3A_1326 = vector.shape_cast %swap3A_1325 : vector<1x16xf32> to vector<16xf32>
    %swap3A_1327 = vector.shape_cast %broadcast_in_dim3A_302 : vector<16xf32> to vector<1x16xf32>
    tpu.vector_store %arg18[%swap3A_1323, %swap3A_1324], %swap3A_1327 {strides = array<i32>} : memref<32x128xf32, #tpu.memory_space<vmem>>, vector<1x16xf32>,
    %swap3A_1328 = arith.constant 21 : i32
    %swap3A_1329 = arith.index_cast %swap3A_1328 : i32 to index
    %swap3A_1330 = arith.constant 48 : index
    %swap3A_1331 = tpu.vector_load %arg18[%swap3A_1329, %swap3A_1330] {strides = array<i32>} : memref<32x128xf32, #tpu.memory_space<vmem>>, vector<1x16xf32>,
    %swap3A_1332 = vector.shape_cast %swap3A_1331 : vector<1x16xf32> to vector<16xf32>
    %swap3A_1333 = vector.shape_cast %broadcast_in_dim3A_302 : vector<16xf32> to vector<1x16xf32>
    tpu.vector_store %arg18[%swap3A_1329, %swap3A_1330], %swap3A_1333 {strides = array<i32>} : memref<32x128xf32, #tpu.memory_space<vmem>>, vector<1x16xf32>,
    %swap3A_1334 = arith.constant 21 : i32
    %swap3A_1335 = arith.index_cast %swap3A_1334 : i32 to index
    %swap3A_1336 = arith.constant 64 : index
    %swap3A_1337 = tpu.vector_load %arg18[%swap3A_1335, %swap3A_1336] {strides = array<i32>} : memref<32x128xf32, #tpu.memory_space<vmem>>, vector<1x16xf32>,
    %swap3A_1338 = vector.shape_cast %swap3A_1337 : vector<1x16xf32> to vector<16xf32>
    %swap3A_1339 = vector.shape_cast %broadcast_in_dim3A_302 : vector<16xf32> to vector<1x16xf32>
    tpu.vector_store %arg18[%swap3A_1335, %swap3A_1336], %swap3A_1339 {strides = array<i32>} : memref<32x128xf32, #tpu.memory_space<vmem>>, vector<1x16xf32>,
    %swap3A_1340 = arith.constant 21 : i32
    %swap3A_1341 = arith.index_cast %swap3A_1340 : i32 to index
    %swap3A_1342 = arith.constant 80 : index
    %swap3A_1343 = tpu.vector_load %arg18[%swap3A_1341, %swap3A_1342] {strides = array<i32>} : memref<32x128xf32, #tpu.memory_space<vmem>>, vector<1x16xf32>,
    %swap3A_1344 = vector.shape_cast %swap3A_1343 : vector<1x16xf32> to vector<16xf32>
    %swap3A_1345 = vector.shape_cast %broadcast_in_dim3A_302 : vector<16xf32> to vector<1x16xf32>
    tpu.vector_store %arg18[%swap3A_1341, %swap3A_1342], %swap3A_1345 {strides = array<i32>} : memref<32x128xf32, #tpu.memory_space<vmem>>, vector<1x16xf32>,
    %swap3A_1346 = arith.constant 21 : i32
    %swap3A_1347 = arith.index_cast %swap3A_1346 : i32 to index
    %swap3A_1348 = arith.constant 96 : index
    %swap3A_1349 = tpu.vector_load %arg18[%swap3A_1347, %swap3A_1348] {strides = array<i32>} : memref<32x128xf32, #tpu.memory_space<vmem>>, vector<1x16xf32>,
    %swap3A_1350 = vector.shape_cast %swap3A_1349 : vector<1x16xf32> to vector<16xf32>
    %swap3A_1351 = vector.shape_cast %broadcast_in_dim3A_302 : vector<16xf32> to vector<1x16xf32>
    tpu.vector_store %arg18[%swap3A_1347, %swap3A_1348], %swap3A_1351 {strides = array<i32>} : memref<32x128xf32, #tpu.memory_space<vmem>>, vector<1x16xf32>,
    %swap3A_1352 = arith.constant 21 : i32
    %swap3A_1353 = arith.index_cast %swap3A_1352 : i32 to index
    %swap3A_1354 = arith.constant 112 : index
    %swap3A_1355 = tpu.vector_load %arg18[%swap3A_1353, %swap3A_1354] {strides = array<i32>} : memref<32x128xf32, #tpu.memory_space<vmem>>, vector<1x16xf32>,
    %swap3A_1356 = vector.shape_cast %swap3A_1355 : vector<1x16xf32> to vector<16xf32>
    %swap3A_1357 = vector.shape_cast %broadcast_in_dim3A_302 : vector<16xf32> to vector<1x16xf32>
    tpu.vector_store %arg18[%swap3A_1353, %swap3A_1354], %swap3A_1357 {strides = array<i32>} : memref<32x128xf32, #tpu.memory_space<vmem>>, vector<1x16xf32>,
    %swap3A_1358 = arith.constant 22 : i32
    %swap3A_1359 = arith.index_cast %swap3A_1358 : i32 to index
    %swap3A_1360 = arith.constant 0 : index
    %swap3A_1361 = tpu.vector_load %arg18[%swap3A_1359, %swap3A_1360] {strides = array<i32>} : memref<32x128xf32, #tpu.memory_space<vmem>>, vector<1x16xf32>,
    %swap3A_1362 = vector.shape_cast %swap3A_1361 : vector<1x16xf32> to vector<16xf32>
    %swap3A_1363 = vector.shape_cast %broadcast_in_dim3A_302 : vector<16xf32> to vector<1x16xf32>
    tpu.vector_store %arg18[%swap3A_1359, %swap3A_1360], %swap3A_1363 {strides = array<i32>} : memref<32x128xf32, #tpu.memory_space<vmem>>, vector<1x16xf32>,
    %swap3A_1364 = arith.constant 22 : i32
    %swap3A_1365 = arith.index_cast %swap3A_1364 : i32 to index
    %swap3A_1366 = arith.constant 16 : index
    %swap3A_1367 = tpu.vector_load %arg18[%swap3A_1365, %swap3A_1366] {strides = array<i32>} : memref<32x128xf32, #tpu.memory_space<vmem>>, vector<1x16xf32>,
    %swap3A_1368 = vector.shape_cast %swap3A_1367 : vector<1x16xf32> to vector<16xf32>
    %swap3A_1369 = vector.shape_cast %broadcast_in_dim3A_302 : vector<16xf32> to vector<1x16xf32>
    tpu.vector_store %arg18[%swap3A_1365, %swap3A_1366], %swap3A_1369 {strides = array<i32>} : memref<32x128xf32, #tpu.memory_space<vmem>>, vector<1x16xf32>,
    %swap3A_1370 = arith.constant 22 : i32
    %swap3A_1371 = arith.index_cast %swap3A_1370 : i32 to index
    %swap3A_1372 = arith.constant 32 : index
    %swap3A_1373 = tpu.vector_load %arg18[%swap3A_1371, %swap3A_1372] {strides = array<i32>} : memref<32x128xf32, #tpu.memory_space<vmem>>, vector<1x16xf32>,
    %swap3A_1374 = vector.shape_cast %swap3A_1373 : vector<1x16xf32> to vector<16xf32>
    %swap3A_1375 = vector.shape_cast %broadcast_in_dim3A_302 : vector<16xf32> to vector<1x16xf32>
    tpu.vector_store %arg18[%swap3A_1371, %swap3A_1372], %swap3A_1375 {strides = array<i32>} : memref<32x128xf32, #tpu.memory_space<vmem>>, vector<1x16xf32>,
    %swap3A_1376 = arith.constant 22 : i32
    %swap3A_1377 = arith.index_cast %swap3A_1376 : i32 to index
    %swap3A_1378 = arith.constant 48 : index
    %swap3A_1379 = tpu.vector_load %arg18[%swap3A_1377, %swap3A_1378] {strides = array<i32>} : memref<32x128xf32, #tpu.memory_space<vmem>>, vector<1x16xf32>,
    %swap3A_1380 = vector.shape_cast %swap3A_1379 : vector<1x16xf32> to vector<16xf32>
    %swap3A_1381 = vector.shape_cast %broadcast_in_dim3A_302 : vector<16xf32> to vector<1x16xf32>
    tpu.vector_store %arg18[%swap3A_1377, %swap3A_1378], %swap3A_1381 {strides = array<i32>} : memref<32x128xf32, #tpu.memory_space<vmem>>, vector<1x16xf32>,
    %swap3A_1382 = arith.constant 22 : i32
    %swap3A_1383 = arith.index_cast %swap3A_1382 : i32 to index
    %swap3A_1384 = arith.constant 64 : index
    %swap3A_1385 = tpu.vector_load %arg18[%swap3A_1383, %swap3A_1384] {strides = array<i32>} : memref<32x128xf32, #tpu.memory_space<vmem>>, vector<1x16xf32>,
    %swap3A_1386 = vector.shape_cast %swap3A_1385 : vector<1x16xf32> to vector<16xf32>
    %swap3A_1387 = vector.shape_cast %broadcast_in_dim3A_302 : vector<16xf32> to vector<1x16xf32>
    tpu.vector_store %arg18[%swap3A_1383, %swap3A_1384], %swap3A_1387 {strides = array<i32>} : memref<32x128xf32, #tpu.memory_space<vmem>>, vector<1x16xf32>,
    %swap3A_1388 = arith.constant 22 : i32
    %swap3A_1389 = arith.index_cast %swap3A_1388 : i32 to index
    %swap3A_1390 = arith.constant 80 : index
    %swap3A_1391 = tpu.vector_load %arg18[%swap3A_1389, %swap3A_1390] {strides = array<i32>} : memref<32x128xf32, #tpu.memory_space<vmem>>, vector<1x16xf32>,
    %swap3A_1392 = vector.shape_cast %swap3A_1391 : vector<1x16xf32> to vector<16xf32>
    %swap3A_1393 = vector.shape_cast %broadcast_in_dim3A_302 : vector<16xf32> to vector<1x16xf32>
    tpu.vector_store %arg18[%swap3A_1389, %swap3A_1390], %swap3A_1393 {strides = array<i32>} : memref<32x128xf32, #tpu.memory_space<vmem>>, vector<1x16xf32>,
    %swap3A_1394 = arith.constant 22 : i32
    %swap3A_1395 = arith.index_cast %swap3A_1394 : i32 to index
    %swap3A_1396 = arith.constant 96 : index
    %swap3A_1397 = tpu.vector_load %arg18[%swap3A_1395, %swap3A_1396] {strides = array<i32>} : memref<32x128xf32, #tpu.memory_space<vmem>>, vector<1x16xf32>,
    %swap3A_1398 = vector.shape_cast %swap3A_1397 : vector<1x16xf32> to vector<16xf32>
    %swap3A_1399 = vector.shape_cast %broadcast_in_dim3A_302 : vector<16xf32> to vector<1x16xf32>
    tpu.vector_store %arg18[%swap3A_1395, %swap3A_1396], %swap3A_1399 {strides = array<i32>} : memref<32x128xf32, #tpu.memory_space<vmem>>, vector<1x16xf32>,
    %swap3A_1400 = arith.constant 22 : i32
    %swap3A_1401 = arith.index_cast %swap3A_1400 : i32 to index
    %swap3A_1402 = arith.constant 112 : index
    %swap3A_1403 = tpu.vector_load %arg18[%swap3A_1401, %swap3A_1402] {strides = array<i32>} : memref<32x128xf32, #tpu.memory_space<vmem>>, vector<1x16xf32>,
    %swap3A_1404 = vector.shape_cast %swap3A_1403 : vector<1x16xf32> to vector<16xf32>
    %swap3A_1405 = vector.shape_cast %broadcast_in_dim3A_302 : vector<16xf32> to vector<1x16xf32>
    tpu.vector_store %arg18[%swap3A_1401, %swap3A_1402], %swap3A_1405 {strides = array<i32>} : memref<32x128xf32, #tpu.memory_space<vmem>>, vector<1x16xf32>,
    %swap3A_1406 = arith.constant 23 : i32
    %swap3A_1407 = arith.index_cast %swap3A_1406 : i32 to index
    %swap3A_1408 = arith.constant 0 : index
    %swap3A_1409 = tpu.vector_load %arg18[%swap3A_1407, %swap3A_1408] {strides = array<i32>} : memref<32x128xf32, #tpu.memory_space<vmem>>, vector<1x16xf32>,
    %swap3A_1410 = vector.shape_cast %swap3A_1409 : vector<1x16xf32> to vector<16xf32>
    %swap3A_1411 = vector.shape_cast %broadcast_in_dim3A_302 : vector<16xf32> to vector<1x16xf32>
    tpu.vector_store %arg18[%swap3A_1407, %swap3A_1408], %swap3A_1411 {strides = array<i32>} : memref<32x128xf32, #tpu.memory_space<vmem>>, vector<1x16xf32>,
    %swap3A_1412 = arith.constant 23 : i32
    %swap3A_1413 = arith.index_cast %swap3A_1412 : i32 to index
    %swap3A_1414 = arith.constant 16 : index
    %swap3A_1415 = tpu.vector_load %arg18[%swap3A_1413, %swap3A_1414] {strides = array<i32>} : memref<32x128xf32, #tpu.memory_space<vmem>>, vector<1x16xf32>,
    %swap3A_1416 = vector.shape_cast %swap3A_1415 : vector<1x16xf32> to vector<16xf32>
    %swap3A_1417 = vector.shape_cast %broadcast_in_dim3A_302 : vector<16xf32> to vector<1x16xf32>
    tpu.vector_store %arg18[%swap3A_1413, %swap3A_1414], %swap3A_1417 {strides = array<i32>} : memref<32x128xf32, #tpu.memory_space<vmem>>, vector<1x16xf32>,
    %swap3A_1418 = arith.constant 23 : i32
    %swap3A_1419 = arith.index_cast %swap3A_1418 : i32 to index
    %swap3A_1420 = arith.constant 32 : index
    %swap3A_1421 = tpu.vector_load %arg18[%swap3A_1419, %swap3A_1420] {strides = array<i32>} : memref<32x128xf32, #tpu.memory_space<vmem>>, vector<1x16xf32>,
    %swap3A_1422 = vector.shape_cast %swap3A_1421 : vector<1x16xf32> to vector<16xf32>
    %swap3A_1423 = vector.shape_cast %broadcast_in_dim3A_302 : vector<16xf32> to vector<1x16xf32>
    tpu.vector_store %arg18[%swap3A_1419, %swap3A_1420], %swap3A_1423 {strides = array<i32>} : memref<32x128xf32, #tpu.memory_space<vmem>>, vector<1x16xf32>,
    %swap3A_1424 = arith.constant 23 : i32
    %swap3A_1425 = arith.index_cast %swap3A_1424 : i32 to index
    %swap3A_1426 = arith.constant 48 : index
    %swap3A_1427 = tpu.vector_load %arg18[%swap3A_1425, %swap3A_1426] {strides = array<i32>} : memref<32x128xf32, #tpu.memory_space<vmem>>, vector<1x16xf32>,
    %swap3A_1428 = vector.shape_cast %swap3A_1427 : vector<1x16xf32> to vector<16xf32>
    %swap3A_1429 = vector.shape_cast %broadcast_in_dim3A_302 : vector<16xf32> to vector<1x16xf32>
    tpu.vector_store %arg18[%swap3A_1425, %swap3A_1426], %swap3A_1429 {strides = array<i32>} : memref<32x128xf32, #tpu.memory_space<vmem>>, vector<1x16xf32>,
    %swap3A_1430 = arith.constant 23 : i32
    %swap3A_1431 = arith.index_cast %swap3A_1430 : i32 to index
    %swap3A_1432 = arith.constant 64 : index
    %swap3A_1433 = tpu.vector_load %arg18[%swap3A_1431, %swap3A_1432] {strides = array<i32>} : memref<32x128xf32, #tpu.memory_space<vmem>>, vector<1x16xf32>,
    %swap3A_1434 = vector.shape_cast %swap3A_1433 : vector<1x16xf32> to vector<16xf32>
    %swap3A_1435 = vector.shape_cast %broadcast_in_dim3A_302 : vector<16xf32> to vector<1x16xf32>
    tpu.vector_store %arg18[%swap3A_1431, %swap3A_1432], %swap3A_1435 {strides = array<i32>} : memref<32x128xf32, #tpu.memory_space<vmem>>, vector<1x16xf32>,
    %swap3A_1436 = arith.constant 23 : i32
    %swap3A_1437 = arith.index_cast %swap3A_1436 : i32 to index
    %swap3A_1438 = arith.constant 80 : index
    %swap3A_1439 = tpu.vector_load %arg18[%swap3A_1437, %swap3A_1438] {strides = array<i32>} : memref<32x128xf32, #tpu.memory_space<vmem>>, vector<1x16xf32>,
    %swap3A_1440 = vector.shape_cast %swap3A_1439 : vector<1x16xf32> to vector<16xf32>
    %swap3A_1441 = vector.shape_cast %broadcast_in_dim3A_302 : vector<16xf32> to vector<1x16xf32>
    tpu.vector_store %arg18[%swap3A_1437, %swap3A_1438], %swap3A_1441 {strides = array<i32>} : memref<32x128xf32, #tpu.memory_space<vmem>>, vector<1x16xf32>,
    %swap3A_1442 = arith.constant 23 : i32
    %swap3A_1443 = arith.index_cast %swap3A_1442 : i32 to index
    %swap3A_1444 = arith.constant 96 : index
    %swap3A_1445 = tpu.vector_load %arg18[%swap3A_1443, %swap3A_1444] {strides = array<i32>} : memref<32x128xf32, #tpu.memory_space<vmem>>, vector<1x16xf32>,
    %swap3A_1446 = vector.shape_cast %swap3A_1445 : vector<1x16xf32> to vector<16xf32>
    %swap3A_1447 = vector.shape_cast %broadcast_in_dim3A_302 : vector<16xf32> to vector<1x16xf32>
    tpu.vector_store %arg18[%swap3A_1443, %swap3A_1444], %swap3A_1447 {strides = array<i32>} : memref<32x128xf32, #tpu.memory_space<vmem>>, vector<1x16xf32>,
    %swap3A_1448 = arith.constant 23 : i32
    %swap3A_1449 = arith.index_cast %swap3A_1448 : i32 to index
    %swap3A_1450 = arith.constant 112 : index
    %swap3A_1451 = tpu.vector_load %arg18[%swap3A_1449, %swap3A_1450] {strides = array<i32>} : memref<32x128xf32, #tpu.memory_space<vmem>>, vector<1x16xf32>,
    %swap3A_1452 = vector.shape_cast %swap3A_1451 : vector<1x16xf32> to vector<16xf32>
    %swap3A_1453 = vector.shape_cast %broadcast_in_dim3A_302 : vector<16xf32> to vector<1x16xf32>
    tpu.vector_store %arg18[%swap3A_1449, %swap3A_1450], %swap3A_1453 {strides = array<i32>} : memref<32x128xf32, #tpu.memory_space<vmem>>, vector<1x16xf32>,
    %swap3A_1454 = arith.constant 24 : i32
    %swap3A_1455 = arith.index_cast %swap3A_1454 : i32 to index
    %swap3A_1456 = arith.constant 0 : index
    %swap3A_1457 = tpu.vector_load %arg18[%swap3A_1455, %swap3A_1456] {strides = array<i32>} : memref<32x128xf32, #tpu.memory_space<vmem>>, vector<1x16xf32>,
    %swap3A_1458 = vector.shape_cast %swap3A_1457 : vector<1x16xf32> to vector<16xf32>
    %swap3A_1459 = vector.shape_cast %broadcast_in_dim3A_302 : vector<16xf32> to vector<1x16xf32>
    tpu.vector_store %arg18[%swap3A_1455, %swap3A_1456], %swap3A_1459 {strides = array<i32>} : memref<32x128xf32, #tpu.memory_space<vmem>>, vector<1x16xf32>,
    %swap3A_1460 = arith.constant 24 : i32
    %swap3A_1461 = arith.index_cast %swap3A_1460 : i32 to index
    %swap3A_1462 = arith.constant 16 : index
    %swap3A_1463 = tpu.vector_load %arg18[%swap3A_1461, %swap3A_1462] {strides = array<i32>} : memref<32x128xf32, #tpu.memory_space<vmem>>, vector<1x16xf32>,
    %swap3A_1464 = vector.shape_cast %swap3A_1463 : vector<1x16xf32> to vector<16xf32>
    %swap3A_1465 = vector.shape_cast %broadcast_in_dim3A_302 : vector<16xf32> to vector<1x16xf32>
    tpu.vector_store %arg18[%swap3A_1461, %swap3A_1462], %swap3A_1465 {strides = array<i32>} : memref<32x128xf32, #tpu.memory_space<vmem>>, vector<1x16xf32>,
    %swap3A_1466 = arith.constant 24 : i32
    %swap3A_1467 = arith.index_cast %swap3A_1466 : i32 to index
    %swap3A_1468 = arith.constant 32 : index
    %swap3A_1469 = tpu.vector_load %arg18[%swap3A_1467, %swap3A_1468] {strides = array<i32>} : memref<32x128xf32, #tpu.memory_space<vmem>>, vector<1x16xf32>,
    %swap3A_1470 = vector.shape_cast %swap3A_1469 : vector<1x16xf32> to vector<16xf32>
    %swap3A_1471 = vector.shape_cast %broadcast_in_dim3A_302 : vector<16xf32> to vector<1x16xf32>
    tpu.vector_store %arg18[%swap3A_1467, %swap3A_1468], %swap3A_1471 {strides = array<i32>} : memref<32x128xf32, #tpu.memory_space<vmem>>, vector<1x16xf32>,
    %swap3A_1472 = arith.constant 24 : i32
    %swap3A_1473 = arith.index_cast %swap3A_1472 : i32 to index
    %swap3A_1474 = arith.constant 48 : index
    %swap3A_1475 = tpu.vector_load %arg18[%swap3A_1473, %swap3A_1474] {strides = array<i32>} : memref<32x128xf32, #tpu.memory_space<vmem>>, vector<1x16xf32>,
    %swap3A_1476 = vector.shape_cast %swap3A_1475 : vector<1x16xf32> to vector<16xf32>
    %swap3A_1477 = vector.shape_cast %broadcast_in_dim3A_302 : vector<16xf32> to vector<1x16xf32>
    tpu.vector_store %arg18[%swap3A_1473, %swap3A_1474], %swap3A_1477 {strides = array<i32>} : memref<32x128xf32, #tpu.memory_space<vmem>>, vector<1x16xf32>,
    %swap3A_1478 = arith.constant 24 : i32
    %swap3A_1479 = arith.index_cast %swap3A_1478 : i32 to index
    %swap3A_1480 = arith.constant 64 : index
    %swap3A_1481 = tpu.vector_load %arg18[%swap3A_1479, %swap3A_1480] {strides = array<i32>} : memref<32x128xf32, #tpu.memory_space<vmem>>, vector<1x16xf32>,
    %swap3A_1482 = vector.shape_cast %swap3A_1481 : vector<1x16xf32> to vector<16xf32>
    %swap3A_1483 = vector.shape_cast %broadcast_in_dim3A_302 : vector<16xf32> to vector<1x16xf32>
    tpu.vector_store %arg18[%swap3A_1479, %swap3A_1480], %swap3A_1483 {strides = array<i32>} : memref<32x128xf32, #tpu.memory_space<vmem>>, vector<1x16xf32>,
    %swap3A_1484 = arith.constant 24 : i32
    %swap3A_1485 = arith.index_cast %swap3A_1484 : i32 to index
    %swap3A_1486 = arith.constant 80 : index
    %swap3A_1487 = tpu.vector_load %arg18[%swap3A_1485, %swap3A_1486] {strides = array<i32>} : memref<32x128xf32, #tpu.memory_space<vmem>>, vector<1x16xf32>,
    %swap3A_1488 = vector.shape_cast %swap3A_1487 : vector<1x16xf32> to vector<16xf32>
    %swap3A_1489 = vector.shape_cast %broadcast_in_dim3A_302 : vector<16xf32> to vector<1x16xf32>
    tpu.vector_store %arg18[%swap3A_1485, %swap3A_1486], %swap3A_1489 {strides = array<i32>} : memref<32x128xf32, #tpu.memory_space<vmem>>, vector<1x16xf32>,
    %swap3A_1490 = arith.constant 24 : i32
    %swap3A_1491 = arith.index_cast %swap3A_1490 : i32 to index
    %swap3A_1492 = arith.constant 96 : index
    %swap3A_1493 = tpu.vector_load %arg18[%swap3A_1491, %swap3A_1492] {strides = array<i32>} : memref<32x128xf32, #tpu.memory_space<vmem>>, vector<1x16xf32>,
    %swap3A_1494 = vector.shape_cast %swap3A_1493 : vector<1x16xf32> to vector<16xf32>
    %swap3A_1495 = vector.shape_cast %broadcast_in_dim3A_302 : vector<16xf32> to vector<1x16xf32>
    tpu.vector_store %arg18[%swap3A_1491, %swap3A_1492], %swap3A_1495 {strides = array<i32>} : memref<32x128xf32, #tpu.memory_space<vmem>>, vector<1x16xf32>,
    %swap3A_1496 = arith.constant 24 : i32
    %swap3A_1497 = arith.index_cast %swap3A_1496 : i32 to index
    %swap3A_1498 = arith.constant 112 : index
    %swap3A_1499 = tpu.vector_load %arg18[%swap3A_1497, %swap3A_1498] {strides = array<i32>} : memref<32x128xf32, #tpu.memory_space<vmem>>, vector<1x16xf32>,
    %swap3A_1500 = vector.shape_cast %swap3A_1499 : vector<1x16xf32> to vector<16xf32>
    %swap3A_1501 = vector.shape_cast %broadcast_in_dim3A_302 : vector<16xf32> to vector<1x16xf32>
    tpu.vector_store %arg18[%swap3A_1497, %swap3A_1498], %swap3A_1501 {strides = array<i32>} : memref<32x128xf32, #tpu.memory_space<vmem>>, vector<1x16xf32>,
    %swap3A_1502 = arith.constant 25 : i32
    %swap3A_1503 = arith.index_cast %swap3A_1502 : i32 to index
    %swap3A_1504 = arith.constant 0 : index
    %swap3A_1505 = tpu.vector_load %arg18[%swap3A_1503, %swap3A_1504] {strides = array<i32>} : memref<32x128xf32, #tpu.memory_space<vmem>>, vector<1x16xf32>,
    %swap3A_1506 = vector.shape_cast %swap3A_1505 : vector<1x16xf32> to vector<16xf32>
    %swap3A_1507 = vector.shape_cast %broadcast_in_dim3A_302 : vector<16xf32> to vector<1x16xf32>
    tpu.vector_store %arg18[%swap3A_1503, %swap3A_1504], %swap3A_1507 {strides = array<i32>} : memref<32x128xf32, #tpu.memory_space<vmem>>, vector<1x16xf32>,
    %swap3A_1508 = arith.constant 25 : i32
    %swap3A_1509 = arith.index_cast %swap3A_1508 : i32 to index
    %swap3A_1510 = arith.constant 16 : index
    %swap3A_1511 = tpu.vector_load %arg18[%swap3A_1509, %swap3A_1510] {strides = array<i32>} : memref<32x128xf32, #tpu.memory_space<vmem>>, vector<1x16xf32>,
    %swap3A_1512 = vector.shape_cast %swap3A_1511 : vector<1x16xf32> to vector<16xf32>
    %swap3A_1513 = vector.shape_cast %broadcast_in_dim3A_302 : vector<16xf32> to vector<1x16xf32>
    tpu.vector_store %arg18[%swap3A_1509, %swap3A_1510], %swap3A_1513 {strides = array<i32>} : memref<32x128xf32, #tpu.memory_space<vmem>>, vector<1x16xf32>,
    %swap3A_1514 = arith.constant 25 : i32
    %swap3A_1515 = arith.index_cast %swap3A_1514 : i32 to index
    %swap3A_1516 = arith.constant 32 : index
    %swap3A_1517 = tpu.vector_load %arg18[%swap3A_1515, %swap3A_1516] {strides = array<i32>} : memref<32x128xf32, #tpu.memory_space<vmem>>, vector<1x16xf32>,
    %swap3A_1518 = vector.shape_cast %swap3A_1517 : vector<1x16xf32> to vector<16xf32>
    %swap3A_1519 = vector.shape_cast %broadcast_in_dim3A_302 : vector<16xf32> to vector<1x16xf32>
    tpu.vector_store %arg18[%swap3A_1515, %swap3A_1516], %swap3A_1519 {strides = array<i32>} : memref<32x128xf32, #tpu.memory_space<vmem>>, vector<1x16xf32>,
    %swap3A_1520 = arith.constant 25 : i32
    %swap3A_1521 = arith.index_cast %swap3A_1520 : i32 to index
    %swap3A_1522 = arith.constant 48 : index
    %swap3A_1523 = tpu.vector_load %arg18[%swap3A_1521, %swap3A_1522] {strides = array<i32>} : memref<32x128xf32, #tpu.memory_space<vmem>>, vector<1x16xf32>,
    %swap3A_1524 = vector.shape_cast %swap3A_1523 : vector<1x16xf32> to vector<16xf32>
    %swap3A_1525 = vector.shape_cast %broadcast_in_dim3A_302 : vector<16xf32> to vector<1x16xf32>
    tpu.vector_store %arg18[%swap3A_1521, %swap3A_1522], %swap3A_1525 {strides = array<i32>} : memref<32x128xf32, #tpu.memory_space<vmem>>, vector<1x16xf32>,
    %swap3A_1526 = arith.constant 25 : i32
    %swap3A_1527 = arith.index_cast %swap3A_1526 : i32 to index
    %swap3A_1528 = arith.constant 64 : index
    %swap3A_1529 = tpu.vector_load %arg18[%swap3A_1527, %swap3A_1528] {strides = array<i32>} : memref<32x128xf32, #tpu.memory_space<vmem>>, vector<1x16xf32>,
    %swap3A_1530 = vector.shape_cast %swap3A_1529 : vector<1x16xf32> to vector<16xf32>
    %swap3A_1531 = vector.shape_cast %broadcast_in_dim3A_302 : vector<16xf32> to vector<1x16xf32>
    tpu.vector_store %arg18[%swap3A_1527, %swap3A_1528], %swap3A_1531 {strides = array<i32>} : memref<32x128xf32, #tpu.memory_space<vmem>>, vector<1x16xf32>,
    %swap3A_1532 = arith.constant 25 : i32
    %swap3A_1533 = arith.index_cast %swap3A_1532 : i32 to index
    %swap3A_1534 = arith.constant 80 : index
    %swap3A_1535 = tpu.vector_load %arg18[%swap3A_1533, %swap3A_1534] {strides = array<i32>} : memref<32x128xf32, #tpu.memory_space<vmem>>, vector<1x16xf32>,
    %swap3A_1536 = vector.shape_cast %swap3A_1535 : vector<1x16xf32> to vector<16xf32>
    %swap3A_1537 = vector.shape_cast %broadcast_in_dim3A_302 : vector<16xf32> to vector<1x16xf32>
    tpu.vector_store %arg18[%swap3A_1533, %swap3A_1534], %swap3A_1537 {strides = array<i32>} : memref<32x128xf32, #tpu.memory_space<vmem>>, vector<1x16xf32>,
    %swap3A_1538 = arith.constant 25 : i32
    %swap3A_1539 = arith.index_cast %swap3A_1538 : i32 to index
    %swap3A_1540 = arith.constant 96 : index
    %swap3A_1541 = tpu.vector_load %arg18[%swap3A_1539, %swap3A_1540] {strides = array<i32>} : memref<32x128xf32, #tpu.memory_space<vmem>>, vector<1x16xf32>,
    %swap3A_1542 = vector.shape_cast %swap3A_1541 : vector<1x16xf32> to vector<16xf32>
    %swap3A_1543 = vector.shape_cast %broadcast_in_dim3A_302 : vector<16xf32> to vector<1x16xf32>
    tpu.vector_store %arg18[%swap3A_1539, %swap3A_1540], %swap3A_1543 {strides = array<i32>} : memref<32x128xf32, #tpu.memory_space<vmem>>, vector<1x16xf32>,
    %swap3A_1544 = arith.constant 25 : i32
    %swap3A_1545 = arith.index_cast %swap3A_1544 : i32 to index
    %swap3A_1546 = arith.constant 112 : index
    %swap3A_1547 = tpu.vector_load %arg18[%swap3A_1545, %swap3A_1546] {strides = array<i32>} : memref<32x128xf32, #tpu.memory_space<vmem>>, vector<1x16xf32>,
    %swap3A_1548 = vector.shape_cast %swap3A_1547 : vector<1x16xf32> to vector<16xf32>
    %swap3A_1549 = vector.shape_cast %broadcast_in_dim3A_302 : vector<16xf32> to vector<1x16xf32>
    tpu.vector_store %arg18[%swap3A_1545, %swap3A_1546], %swap3A_1549 {strides = array<i32>} : memref<32x128xf32, #tpu.memory_space<vmem>>, vector<1x16xf32>,
    %swap3A_1550 = arith.constant 26 : i32
    %swap3A_1551 = arith.index_cast %swap3A_1550 : i32 to index
    %swap3A_1552 = arith.constant 0 : index
    %swap3A_1553 = tpu.vector_load %arg18[%swap3A_1551, %swap3A_1552] {strides = array<i32>} : memref<32x128xf32, #tpu.memory_space<vmem>>, vector<1x16xf32>,
    %swap3A_1554 = vector.shape_cast %swap3A_1553 : vector<1x16xf32> to vector<16xf32>
    %swap3A_1555 = vector.shape_cast %broadcast_in_dim3A_302 : vector<16xf32> to vector<1x16xf32>
    tpu.vector_store %arg18[%swap3A_1551, %swap3A_1552], %swap3A_1555 {strides = array<i32>} : memref<32x128xf32, #tpu.memory_space<vmem>>, vector<1x16xf32>,
    %swap3A_1556 = arith.constant 26 : i32
    %swap3A_1557 = arith.index_cast %swap3A_1556 : i32 to index
    %swap3A_1558 = arith.constant 16 : index
    %swap3A_1559 = tpu.vector_load %arg18[%swap3A_1557, %swap3A_1558] {strides = array<i32>} : memref<32x128xf32, #tpu.memory_space<vmem>>, vector<1x16xf32>,
    %swap3A_1560 = vector.shape_cast %swap3A_1559 : vector<1x16xf32> to vector<16xf32>
    %swap3A_1561 = vector.shape_cast %broadcast_in_dim3A_302 : vector<16xf32> to vector<1x16xf32>
    tpu.vector_store %arg18[%swap3A_1557, %swap3A_1558], %swap3A_1561 {strides = array<i32>} : memref<32x128xf32, #tpu.memory_space<vmem>>, vector<1x16xf32>,
    %swap3A_1562 = arith.constant 26 : i32
    %swap3A_1563 = arith.index_cast %swap3A_1562 : i32 to index
    %swap3A_1564 = arith.constant 32 : index
    %swap3A_1565 = tpu.vector_load %arg18[%swap3A_1563, %swap3A_1564] {strides = array<i32>} : memref<32x128xf32, #tpu.memory_space<vmem>>, vector<1x16xf32>,
    %swap3A_1566 = vector.shape_cast %swap3A_1565 : vector<1x16xf32> to vector<16xf32>
    %swap3A_1567 = vector.shape_cast %broadcast_in_dim3A_302 : vector<16xf32> to vector<1x16xf32>
    tpu.vector_store %arg18[%swap3A_1563, %swap3A_1564], %swap3A_1567 {strides = array<i32>} : memref<32x128xf32, #tpu.memory_space<vmem>>, vector<1x16xf32>,
    %swap3A_1568 = arith.constant 26 : i32
    %swap3A_1569 = arith.index_cast %swap3A_1568 : i32 to index
    %swap3A_1570 = arith.constant 48 : index
    %swap3A_1571 = tpu.vector_load %arg18[%swap3A_1569, %swap3A_1570] {strides = array<i32>} : memref<32x128xf32, #tpu.memory_space<vmem>>, vector<1x16xf32>,
    %swap3A_1572 = vector.shape_cast %swap3A_1571 : vector<1x16xf32> to vector<16xf32>
    %swap3A_1573 = vector.shape_cast %broadcast_in_dim3A_302 : vector<16xf32> to vector<1x16xf32>
    tpu.vector_store %arg18[%swap3A_1569, %swap3A_1570], %swap3A_1573 {strides = array<i32>} : memref<32x128xf32, #tpu.memory_space<vmem>>, vector<1x16xf32>,
    %swap3A_1574 = arith.constant 26 : i32
    %swap3A_1575 = arith.index_cast %swap3A_1574 : i32 to index
    %swap3A_1576 = arith.constant 64 : index
    %swap3A_1577 = tpu.vector_load %arg18[%swap3A_1575, %swap3A_1576] {strides = array<i32>} : memref<32x128xf32, #tpu.memory_space<vmem>>, vector<1x16xf32>,
    %swap3A_1578 = vector.shape_cast %swap3A_1577 : vector<1x16xf32> to vector<16xf32>
    %swap3A_1579 = vector.shape_cast %broadcast_in_dim3A_302 : vector<16xf32> to vector<1x16xf32>
    tpu.vector_store %arg18[%swap3A_1575, %swap3A_1576], %swap3A_1579 {strides = array<i32>} : memref<32x128xf32, #tpu.memory_space<vmem>>, vector<1x16xf32>,
    %swap3A_1580 = arith.constant 26 : i32
    %swap3A_1581 = arith.index_cast %swap3A_1580 : i32 to index
    %swap3A_1582 = arith.constant 80 : index
    %swap3A_1583 = tpu.vector_load %arg18[%swap3A_1581, %swap3A_1582] {strides = array<i32>} : memref<32x128xf32, #tpu.memory_space<vmem>>, vector<1x16xf32>,
    %swap3A_1584 = vector.shape_cast %swap3A_1583 : vector<1x16xf32> to vector<16xf32>
    %swap3A_1585 = vector.shape_cast %broadcast_in_dim3A_302 : vector<16xf32> to vector<1x16xf32>
    tpu.vector_store %arg18[%swap3A_1581, %swap3A_1582], %swap3A_1585 {strides = array<i32>} : memref<32x128xf32, #tpu.memory_space<vmem>>, vector<1x16xf32>,
    %swap3A_1586 = arith.constant 26 : i32
    %swap3A_1587 = arith.index_cast %swap3A_1586 : i32 to index
    %swap3A_1588 = arith.constant 96 : index
    %swap3A_1589 = tpu.vector_load %arg18[%swap3A_1587, %swap3A_1588] {strides = array<i32>} : memref<32x128xf32, #tpu.memory_space<vmem>>, vector<1x16xf32>,
    %swap3A_1590 = vector.shape_cast %swap3A_1589 : vector<1x16xf32> to vector<16xf32>
    %swap3A_1591 = vector.shape_cast %broadcast_in_dim3A_302 : vector<16xf32> to vector<1x16xf32>
    tpu.vector_store %arg18[%swap3A_1587, %swap3A_1588], %swap3A_1591 {strides = array<i32>} : memref<32x128xf32, #tpu.memory_space<vmem>>, vector<1x16xf32>,
    %swap3A_1592 = arith.constant 26 : i32
    %swap3A_1593 = arith.index_cast %swap3A_1592 : i32 to index
    %swap3A_1594 = arith.constant 112 : index
    %swap3A_1595 = tpu.vector_load %arg18[%swap3A_1593, %swap3A_1594] {strides = array<i32>} : memref<32x128xf32, #tpu.memory_space<vmem>>, vector<1x16xf32>,
    %swap3A_1596 = vector.shape_cast %swap3A_1595 : vector<1x16xf32> to vector<16xf32>
    %swap3A_1597 = vector.shape_cast %broadcast_in_dim3A_302 : vector<16xf32> to vector<1x16xf32>
    tpu.vector_store %arg18[%swap3A_1593, %swap3A_1594], %swap3A_1597 {strides = array<i32>} : memref<32x128xf32, #tpu.memory_space<vmem>>, vector<1x16xf32>,
    %swap3A_1598 = arith.constant 27 : i32
    %swap3A_1599 = arith.index_cast %swap3A_1598 : i32 to index
    %swap3A_1600 = arith.constant 0 : index
    %swap3A_1601 = tpu.vector_load %arg18[%swap3A_1599, %swap3A_1600] {strides = array<i32>} : memref<32x128xf32, #tpu.memory_space<vmem>>, vector<1x16xf32>,
    %swap3A_1602 = vector.shape_cast %swap3A_1601 : vector<1x16xf32> to vector<16xf32>
    %swap3A_1603 = vector.shape_cast %broadcast_in_dim3A_302 : vector<16xf32> to vector<1x16xf32>
    tpu.vector_store %arg18[%swap3A_1599, %swap3A_1600], %swap3A_1603 {strides = array<i32>} : memref<32x128xf32, #tpu.memory_space<vmem>>, vector<1x16xf32>,
    %swap3A_1604 = arith.constant 27 : i32
    %swap3A_1605 = arith.index_cast %swap3A_1604 : i32 to index
    %swap3A_1606 = arith.constant 16 : index
    %swap3A_1607 = tpu.vector_load %arg18[%swap3A_1605, %swap3A_1606] {strides = array<i32>} : memref<32x128xf32, #tpu.memory_space<vmem>>, vector<1x16xf32>,
    %swap3A_1608 = vector.shape_cast %swap3A_1607 : vector<1x16xf32> to vector<16xf32>
    %swap3A_1609 = vector.shape_cast %broadcast_in_dim3A_302 : vector<16xf32> to vector<1x16xf32>
    tpu.vector_store %arg18[%swap3A_1605, %swap3A_1606], %swap3A_1609 {strides = array<i32>} : memref<32x128xf32, #tpu.memory_space<vmem>>, vector<1x16xf32>,
    %swap3A_1610 = arith.constant 27 : i32
    %swap3A_1611 = arith.index_cast %swap3A_1610 : i32 to index
    %swap3A_1612 = arith.constant 32 : index
    %swap3A_1613 = tpu.vector_load %arg18[%swap3A_1611, %swap3A_1612] {strides = array<i32>} : memref<32x128xf32, #tpu.memory_space<vmem>>, vector<1x16xf32>,
    %swap3A_1614 = vector.shape_cast %swap3A_1613 : vector<1x16xf32> to vector<16xf32>
    %swap3A_1615 = vector.shape_cast %broadcast_in_dim3A_302 : vector<16xf32> to vector<1x16xf32>
    tpu.vector_store %arg18[%swap3A_1611, %swap3A_1612], %swap3A_1615 {strides = array<i32>} : memref<32x128xf32, #tpu.memory_space<vmem>>, vector<1x16xf32>,
    %swap3A_1616 = arith.constant 27 : i32
    %swap3A_1617 = arith.index_cast %swap3A_1616 : i32 to index
    %swap3A_1618 = arith.constant 48 : index
    %swap3A_1619 = tpu.vector_load %arg18[%swap3A_1617, %swap3A_1618] {strides = array<i32>} : memref<32x128xf32, #tpu.memory_space<vmem>>, vector<1x16xf32>,
    %swap3A_1620 = vector.shape_cast %swap3A_1619 : vector<1x16xf32> to vector<16xf32>
    %swap3A_1621 = vector.shape_cast %broadcast_in_dim3A_302 : vector<16xf32> to vector<1x16xf32>
    tpu.vector_store %arg18[%swap3A_1617, %swap3A_1618], %swap3A_1621 {strides = array<i32>} : memref<32x128xf32, #tpu.memory_space<vmem>>, vector<1x16xf32>,
    %swap3A_1622 = arith.constant 27 : i32
    %swap3A_1623 = arith.index_cast %swap3A_1622 : i32 to index
    %swap3A_1624 = arith.constant 64 : index
    %swap3A_1625 = tpu.vector_load %arg18[%swap3A_1623, %swap3A_1624] {strides = array<i32>} : memref<32x128xf32, #tpu.memory_space<vmem>>, vector<1x16xf32>,
    %swap3A_1626 = vector.shape_cast %swap3A_1625 : vector<1x16xf32> to vector<16xf32>
    %swap3A_1627 = vector.shape_cast %broadcast_in_dim3A_302 : vector<16xf32> to vector<1x16xf32>
    tpu.vector_store %arg18[%swap3A_1623, %swap3A_1624], %swap3A_1627 {strides = array<i32>} : memref<32x128xf32, #tpu.memory_space<vmem>>, vector<1x16xf32>,
    %swap3A_1628 = arith.constant 27 : i32
    %swap3A_1629 = arith.index_cast %swap3A_1628 : i32 to index
    %swap3A_1630 = arith.constant 80 : index
    %swap3A_1631 = tpu.vector_load %arg18[%swap3A_1629, %swap3A_1630] {strides = array<i32>} : memref<32x128xf32, #tpu.memory_space<vmem>>, vector<1x16xf32>,
    %swap3A_1632 = vector.shape_cast %swap3A_1631 : vector<1x16xf32> to vector<16xf32>
    %swap3A_1633 = vector.shape_cast %broadcast_in_dim3A_302 : vector<16xf32> to vector<1x16xf32>
    tpu.vector_store %arg18[%swap3A_1629, %swap3A_1630], %swap3A_1633 {strides = array<i32>} : memref<32x128xf32, #tpu.memory_space<vmem>>, vector<1x16xf32>,
    %swap3A_1634 = arith.constant 27 : i32
    %swap3A_1635 = arith.index_cast %swap3A_1634 : i32 to index
    %swap3A_1636 = arith.constant 96 : index
    %swap3A_1637 = tpu.vector_load %arg18[%swap3A_1635, %swap3A_1636] {strides = array<i32>} : memref<32x128xf32, #tpu.memory_space<vmem>>, vector<1x16xf32>,
    %swap3A_1638 = vector.shape_cast %swap3A_1637 : vector<1x16xf32> to vector<16xf32>
    %swap3A_1639 = vector.shape_cast %broadcast_in_dim3A_302 : vector<16xf32> to vector<1x16xf32>
    tpu.vector_store %arg18[%swap3A_1635, %swap3A_1636], %swap3A_1639 {strides = array<i32>} : memref<32x128xf32, #tpu.memory_space<vmem>>, vector<1x16xf32>,
    %swap3A_1640 = arith.constant 27 : i32
    %swap3A_1641 = arith.index_cast %swap3A_1640 : i32 to index
    %swap3A_1642 = arith.constant 112 : index
    %swap3A_1643 = tpu.vector_load %arg18[%swap3A_1641, %swap3A_1642] {strides = array<i32>} : memref<32x128xf32, #tpu.memory_space<vmem>>, vector<1x16xf32>,
    %swap3A_1644 = vector.shape_cast %swap3A_1643 : vector<1x16xf32> to vector<16xf32>
    %swap3A_1645 = vector.shape_cast %broadcast_in_dim3A_302 : vector<16xf32> to vector<1x16xf32>
    tpu.vector_store %arg18[%swap3A_1641, %swap3A_1642], %swap3A_1645 {strides = array<i32>} : memref<32x128xf32, #tpu.memory_space<vmem>>, vector<1x16xf32>,
    %swap3A_1646 = arith.constant 28 : i32
    %swap3A_1647 = arith.index_cast %swap3A_1646 : i32 to index
    %swap3A_1648 = arith.constant 0 : index
    %swap3A_1649 = tpu.vector_load %arg18[%swap3A_1647, %swap3A_1648] {strides = array<i32>} : memref<32x128xf32, #tpu.memory_space<vmem>>, vector<1x16xf32>,
    %swap3A_1650 = vector.shape_cast %swap3A_1649 : vector<1x16xf32> to vector<16xf32>
    %swap3A_1651 = vector.shape_cast %broadcast_in_dim3A_302 : vector<16xf32> to vector<1x16xf32>
    tpu.vector_store %arg18[%swap3A_1647, %swap3A_1648], %swap3A_1651 {strides = array<i32>} : memref<32x128xf32, #tpu.memory_space<vmem>>, vector<1x16xf32>,
    %swap3A_1652 = arith.constant 28 : i32
    %swap3A_1653 = arith.index_cast %swap3A_1652 : i32 to index
    %swap3A_1654 = arith.constant 16 : index
    %swap3A_1655 = tpu.vector_load %arg18[%swap3A_1653, %swap3A_1654] {strides = array<i32>} : memref<32x128xf32, #tpu.memory_space<vmem>>, vector<1x16xf32>,
    %swap3A_1656 = vector.shape_cast %swap3A_1655 : vector<1x16xf32> to vector<16xf32>
    %swap3A_1657 = vector.shape_cast %broadcast_in_dim3A_302 : vector<16xf32> to vector<1x16xf32>
    tpu.vector_store %arg18[%swap3A_1653, %swap3A_1654], %swap3A_1657 {strides = array<i32>} : memref<32x128xf32, #tpu.memory_space<vmem>>, vector<1x16xf32>,
    %swap3A_1658 = arith.constant 28 : i32
    %swap3A_1659 = arith.index_cast %swap3A_1658 : i32 to index
    %swap3A_1660 = arith.constant 32 : index
    %swap3A_1661 = tpu.vector_load %arg18[%swap3A_1659, %swap3A_1660] {strides = array<i32>} : memref<32x128xf32, #tpu.memory_space<vmem>>, vector<1x16xf32>,
    %swap3A_1662 = vector.shape_cast %swap3A_1661 : vector<1x16xf32> to vector<16xf32>
    %swap3A_1663 = vector.shape_cast %broadcast_in_dim3A_302 : vector<16xf32> to vector<1x16xf32>
    tpu.vector_store %arg18[%swap3A_1659, %swap3A_1660], %swap3A_1663 {strides = array<i32>} : memref<32x128xf32, #tpu.memory_space<vmem>>, vector<1x16xf32>,
    %swap3A_1664 = arith.constant 28 : i32
    %swap3A_1665 = arith.index_cast %swap3A_1664 : i32 to index
    %swap3A_1666 = arith.constant 48 : index
    %swap3A_1667 = tpu.vector_load %arg18[%swap3A_1665, %swap3A_1666] {strides = array<i32>} : memref<32x128xf32, #tpu.memory_space<vmem>>, vector<1x16xf32>,
    %swap3A_1668 = vector.shape_cast %swap3A_1667 : vector<1x16xf32> to vector<16xf32>
    %swap3A_1669 = vector.shape_cast %broadcast_in_dim3A_302 : vector<16xf32> to vector<1x16xf32>
    tpu.vector_store %arg18[%swap3A_1665, %swap3A_1666], %swap3A_1669 {strides = array<i32>} : memref<32x128xf32, #tpu.memory_space<vmem>>, vector<1x16xf32>,
    %swap3A_1670 = arith.constant 28 : i32
    %swap3A_1671 = arith.index_cast %swap3A_1670 : i32 to index
    %swap3A_1672 = arith.constant 64 : index
    %swap3A_1673 = tpu.vector_load %arg18[%swap3A_1671, %swap3A_1672] {strides = array<i32>} : memref<32x128xf32, #tpu.memory_space<vmem>>, vector<1x16xf32>,
    %swap3A_1674 = vector.shape_cast %swap3A_1673 : vector<1x16xf32> to vector<16xf32>
    %swap3A_1675 = vector.shape_cast %broadcast_in_dim3A_302 : vector<16xf32> to vector<1x16xf32>
    tpu.vector_store %arg18[%swap3A_1671, %swap3A_1672], %swap3A_1675 {strides = array<i32>} : memref<32x128xf32, #tpu.memory_space<vmem>>, vector<1x16xf32>,
    %swap3A_1676 = arith.constant 28 : i32
    %swap3A_1677 = arith.index_cast %swap3A_1676 : i32 to index
    %swap3A_1678 = arith.constant 80 : index
    %swap3A_1679 = tpu.vector_load %arg18[%swap3A_1677, %swap3A_1678] {strides = array<i32>} : memref<32x128xf32, #tpu.memory_space<vmem>>, vector<1x16xf32>,
    %swap3A_1680 = vector.shape_cast %swap3A_1679 : vector<1x16xf32> to vector<16xf32>
    %swap3A_1681 = vector.shape_cast %broadcast_in_dim3A_302 : vector<16xf32> to vector<1x16xf32>
    tpu.vector_store %arg18[%swap3A_1677, %swap3A_1678], %swap3A_1681 {strides = array<i32>} : memref<32x128xf32, #tpu.memory_space<vmem>>, vector<1x16xf32>,
    %swap3A_1682 = arith.constant 28 : i32
    %swap3A_1683 = arith.index_cast %swap3A_1682 : i32 to index
    %swap3A_1684 = arith.constant 96 : index
    %swap3A_1685 = tpu.vector_load %arg18[%swap3A_1683, %swap3A_1684] {strides = array<i32>} : memref<32x128xf32, #tpu.memory_space<vmem>>, vector<1x16xf32>,
    %swap3A_1686 = vector.shape_cast %swap3A_1685 : vector<1x16xf32> to vector<16xf32>
    %swap3A_1687 = vector.shape_cast %broadcast_in_dim3A_302 : vector<16xf32> to vector<1x16xf32>
    tpu.vector_store %arg18[%swap3A_1683, %swap3A_1684], %swap3A_1687 {strides = array<i32>} : memref<32x128xf32, #tpu.memory_space<vmem>>, vector<1x16xf32>,
    %swap3A_1688 = arith.constant 28 : i32
    %swap3A_1689 = arith.index_cast %swap3A_1688 : i32 to index
    %swap3A_1690 = arith.constant 112 : index
    %swap3A_1691 = tpu.vector_load %arg18[%swap3A_1689, %swap3A_1690] {strides = array<i32>} : memref<32x128xf32, #tpu.memory_space<vmem>>, vector<1x16xf32>,
    %swap3A_1692 = vector.shape_cast %swap3A_1691 : vector<1x16xf32> to vector<16xf32>
    %swap3A_1693 = vector.shape_cast %broadcast_in_dim3A_302 : vector<16xf32> to vector<1x16xf32>
    tpu.vector_store %arg18[%swap3A_1689, %swap3A_1690], %swap3A_1693 {strides = array<i32>} : memref<32x128xf32, #tpu.memory_space<vmem>>, vector<1x16xf32>,
    %swap3A_1694 = arith.constant 29 : i32
    %swap3A_1695 = arith.index_cast %swap3A_1694 : i32 to index
    %swap3A_1696 = arith.constant 0 : index
    %swap3A_1697 = tpu.vector_load %arg18[%swap3A_1695, %swap3A_1696] {strides = array<i32>} : memref<32x128xf32, #tpu.memory_space<vmem>>, vector<1x16xf32>,
    %swap3A_1698 = vector.shape_cast %swap3A_1697 : vector<1x16xf32> to vector<16xf32>
    %swap3A_1699 = vector.shape_cast %broadcast_in_dim3A_302 : vector<16xf32> to vector<1x16xf32>
    tpu.vector_store %arg18[%swap3A_1695, %swap3A_1696], %swap3A_1699 {strides = array<i32>} : memref<32x128xf32, #tpu.memory_space<vmem>>, vector<1x16xf32>,
    %swap3A_1700 = arith.constant 29 : i32
    %swap3A_1701 = arith.index_cast %swap3A_1700 : i32 to index
    %swap3A_1702 = arith.constant 16 : index
    %swap3A_1703 = tpu.vector_load %arg18[%swap3A_1701, %swap3A_1702] {strides = array<i32>} : memref<32x128xf32, #tpu.memory_space<vmem>>, vector<1x16xf32>,
    %swap3A_1704 = vector.shape_cast %swap3A_1703 : vector<1x16xf32> to vector<16xf32>
    %swap3A_1705 = vector.shape_cast %broadcast_in_dim3A_302 : vector<16xf32> to vector<1x16xf32>
    tpu.vector_store %arg18[%swap3A_1701, %swap3A_1702], %swap3A_1705 {strides = array<i32>} : memref<32x128xf32, #tpu.memory_space<vmem>>, vector<1x16xf32>,
    %swap3A_1706 = arith.constant 29 : i32
    %swap3A_1707 = arith.index_cast %swap3A_1706 : i32 to index
    %swap3A_1708 = arith.constant 32 : index
    %swap3A_1709 = tpu.vector_load %arg18[%swap3A_1707, %swap3A_1708] {strides = array<i32>} : memref<32x128xf32, #tpu.memory_space<vmem>>, vector<1x16xf32>,
    %swap3A_1710 = vector.shape_cast %swap3A_1709 : vector<1x16xf32> to vector<16xf32>
    %swap3A_1711 = vector.shape_cast %broadcast_in_dim3A_302 : vector<16xf32> to vector<1x16xf32>
    tpu.vector_store %arg18[%swap3A_1707, %swap3A_1708], %swap3A_1711 {strides = array<i32>} : memref<32x128xf32, #tpu.memory_space<vmem>>, vector<1x16xf32>,
    %swap3A_1712 = arith.constant 29 : i32
    %swap3A_1713 = arith.index_cast %swap3A_1712 : i32 to index
    %swap3A_1714 = arith.constant 48 : index
    %swap3A_1715 = tpu.vector_load %arg18[%swap3A_1713, %swap3A_1714] {strides = array<i32>} : memref<32x128xf32, #tpu.memory_space<vmem>>, vector<1x16xf32>,
    %swap3A_1716 = vector.shape_cast %swap3A_1715 : vector<1x16xf32> to vector<16xf32>
    %swap3A_1717 = vector.shape_cast %broadcast_in_dim3A_302 : vector<16xf32> to vector<1x16xf32>
    tpu.vector_store %arg18[%swap3A_1713, %swap3A_1714], %swap3A_1717 {strides = array<i32>} : memref<32x128xf32, #tpu.memory_space<vmem>>, vector<1x16xf32>,
    %swap3A_1718 = arith.constant 29 : i32
    %swap3A_1719 = arith.index_cast %swap3A_1718 : i32 to index
    %swap3A_1720 = arith.constant 64 : index
    %swap3A_1721 = tpu.vector_load %arg18[%swap3A_1719, %swap3A_1720] {strides = array<i32>} : memref<32x128xf32, #tpu.memory_space<vmem>>, vector<1x16xf32>,
    %swap3A_1722 = vector.shape_cast %swap3A_1721 : vector<1x16xf32> to vector<16xf32>
    %swap3A_1723 = vector.shape_cast %broadcast_in_dim3A_302 : vector<16xf32> to vector<1x16xf32>
    tpu.vector_store %arg18[%swap3A_1719, %swap3A_1720], %swap3A_1723 {strides = array<i32>} : memref<32x128xf32, #tpu.memory_space<vmem>>, vector<1x16xf32>,
    %swap3A_1724 = arith.constant 29 : i32
    %swap3A_1725 = arith.index_cast %swap3A_1724 : i32 to index
    %swap3A_1726 = arith.constant 80 : index
    %swap3A_1727 = tpu.vector_load %arg18[%swap3A_1725, %swap3A_1726] {strides = array<i32>} : memref<32x128xf32, #tpu.memory_space<vmem>>, vector<1x16xf32>,
    %swap3A_1728 = vector.shape_cast %swap3A_1727 : vector<1x16xf32> to vector<16xf32>
    %swap3A_1729 = vector.shape_cast %broadcast_in_dim3A_302 : vector<16xf32> to vector<1x16xf32>
    tpu.vector_store %arg18[%swap3A_1725, %swap3A_1726], %swap3A_1729 {strides = array<i32>} : memref<32x128xf32, #tpu.memory_space<vmem>>, vector<1x16xf32>,
    %swap3A_1730 = arith.constant 29 : i32
    %swap3A_1731 = arith.index_cast %swap3A_1730 : i32 to index
    %swap3A_1732 = arith.constant 96 : index
    %swap3A_1733 = tpu.vector_load %arg18[%swap3A_1731, %swap3A_1732] {strides = array<i32>} : memref<32x128xf32, #tpu.memory_space<vmem>>, vector<1x16xf32>,
    %swap3A_1734 = vector.shape_cast %swap3A_1733 : vector<1x16xf32> to vector<16xf32>
    %swap3A_1735 = vector.shape_cast %broadcast_in_dim3A_302 : vector<16xf32> to vector<1x16xf32>
    tpu.vector_store %arg18[%swap3A_1731, %swap3A_1732], %swap3A_1735 {strides = array<i32>} : memref<32x128xf32, #tpu.memory_space<vmem>>, vector<1x16xf32>,
    %swap3A_1736 = arith.constant 29 : i32
    %swap3A_1737 = arith.index_cast %swap3A_1736 : i32 to index
    %swap3A_1738 = arith.constant 112 : index
    %swap3A_1739 = tpu.vector_load %arg18[%swap3A_1737, %swap3A_1738] {strides = array<i32>} : memref<32x128xf32, #tpu.memory_space<vmem>>, vector<1x16xf32>,
    %swap3A_1740 = vector.shape_cast %swap3A_1739 : vector<1x16xf32> to vector<16xf32>
    %swap3A_1741 = vector.shape_cast %broadcast_in_dim3A_302 : vector<16xf32> to vector<1x16xf32>
    tpu.vector_store %arg18[%swap3A_1737, %swap3A_1738], %swap3A_1741 {strides = array<i32>} : memref<32x128xf32, #tpu.memory_space<vmem>>, vector<1x16xf32>,
    %swap3A_1742 = arith.constant 30 : i32
    %swap3A_1743 = arith.index_cast %swap3A_1742 : i32 to index
    %swap3A_1744 = arith.constant 0 : index
    %swap3A_1745 = tpu.vector_load %arg18[%swap3A_1743, %swap3A_1744] {strides = array<i32>} : memref<32x128xf32, #tpu.memory_space<vmem>>, vector<1x16xf32>,
    %swap3A_1746 = vector.shape_cast %swap3A_1745 : vector<1x16xf32> to vector<16xf32>
    %swap3A_1747 = vector.shape_cast %broadcast_in_dim3A_302 : vector<16xf32> to vector<1x16xf32>
    tpu.vector_store %arg18[%swap3A_1743, %swap3A_1744], %swap3A_1747 {strides = array<i32>} : memref<32x128xf32, #tpu.memory_space<vmem>>, vector<1x16xf32>,
    %swap3A_1748 = arith.constant 30 : i32
    %swap3A_1749 = arith.index_cast %swap3A_1748 : i32 to index
    %swap3A_1750 = arith.constant 16 : index
    %swap3A_1751 = tpu.vector_load %arg18[%swap3A_1749, %swap3A_1750] {strides = array<i32>} : memref<32x128xf32, #tpu.memory_space<vmem>>, vector<1x16xf32>,
    %swap3A_1752 = vector.shape_cast %swap3A_1751 : vector<1x16xf32> to vector<16xf32>
    %swap3A_1753 = vector.shape_cast %broadcast_in_dim3A_302 : vector<16xf32> to vector<1x16xf32>
    tpu.vector_store %arg18[%swap3A_1749, %swap3A_1750], %swap3A_1753 {strides = array<i32>} : memref<32x128xf32, #tpu.memory_space<vmem>>, vector<1x16xf32>,
    %swap3A_1754 = arith.constant 30 : i32
    %swap3A_1755 = arith.index_cast %swap3A_1754 : i32 to index
    %swap3A_1756 = arith.constant 32 : index
    %swap3A_1757 = tpu.vector_load %arg18[%swap3A_1755, %swap3A_1756] {strides = array<i32>} : memref<32x128xf32, #tpu.memory_space<vmem>>, vector<1x16xf32>,
    %swap3A_1758 = vector.shape_cast %swap3A_1757 : vector<1x16xf32> to vector<16xf32>
    %swap3A_1759 = vector.shape_cast %broadcast_in_dim3A_302 : vector<16xf32> to vector<1x16xf32>
    tpu.vector_store %arg18[%swap3A_1755, %swap3A_1756], %swap3A_1759 {strides = array<i32>} : memref<32x128xf32, #tpu.memory_space<vmem>>, vector<1x16xf32>,
    %swap3A_1760 = arith.constant 30 : i32
    %swap3A_1761 = arith.index_cast %swap3A_1760 : i32 to index
    %swap3A_1762 = arith.constant 48 : index
    %swap3A_1763 = tpu.vector_load %arg18[%swap3A_1761, %swap3A_1762] {strides = array<i32>} : memref<32x128xf32, #tpu.memory_space<vmem>>, vector<1x16xf32>,
    %swap3A_1764 = vector.shape_cast %swap3A_1763 : vector<1x16xf32> to vector<16xf32>
    %swap3A_1765 = vector.shape_cast %broadcast_in_dim3A_302 : vector<16xf32> to vector<1x16xf32>
    tpu.vector_store %arg18[%swap3A_1761, %swap3A_1762], %swap3A_1765 {strides = array<i32>} : memref<32x128xf32, #tpu.memory_space<vmem>>, vector<1x16xf32>,
    %swap3A_1766 = arith.constant 30 : i32
    %swap3A_1767 = arith.index_cast %swap3A_1766 : i32 to index
    %swap3A_1768 = arith.constant 64 : index
    %swap3A_1769 = tpu.vector_load %arg18[%swap3A_1767, %swap3A_1768] {strides = array<i32>} : memref<32x128xf32, #tpu.memory_space<vmem>>, vector<1x16xf32>,
    %swap3A_1770 = vector.shape_cast %swap3A_1769 : vector<1x16xf32> to vector<16xf32>
    %swap3A_1771 = vector.shape_cast %broadcast_in_dim3A_302 : vector<16xf32> to vector<1x16xf32>
    tpu.vector_store %arg18[%swap3A_1767, %swap3A_1768], %swap3A_1771 {strides = array<i32>} : memref<32x128xf32, #tpu.memory_space<vmem>>, vector<1x16xf32>,
    %swap3A_1772 = arith.constant 30 : i32
    %swap3A_1773 = arith.index_cast %swap3A_1772 : i32 to index
    %swap3A_1774 = arith.constant 80 : index
    %swap3A_1775 = tpu.vector_load %arg18[%swap3A_1773, %swap3A_1774] {strides = array<i32>} : memref<32x128xf32, #tpu.memory_space<vmem>>, vector<1x16xf32>,
    %swap3A_1776 = vector.shape_cast %swap3A_1775 : vector<1x16xf32> to vector<16xf32>
    %swap3A_1777 = vector.shape_cast %broadcast_in_dim3A_302 : vector<16xf32> to vector<1x16xf32>
    tpu.vector_store %arg18[%swap3A_1773, %swap3A_1774], %swap3A_1777 {strides = array<i32>} : memref<32x128xf32, #tpu.memory_space<vmem>>, vector<1x16xf32>,
    %swap3A_1778 = arith.constant 30 : i32
    %swap3A_1779 = arith.index_cast %swap3A_1778 : i32 to index
    %swap3A_1780 = arith.constant 96 : index
    %swap3A_1781 = tpu.vector_load %arg18[%swap3A_1779, %swap3A_1780] {strides = array<i32>} : memref<32x128xf32, #tpu.memory_space<vmem>>, vector<1x16xf32>,
    %swap3A_1782 = vector.shape_cast %swap3A_1781 : vector<1x16xf32> to vector<16xf32>
    %swap3A_1783 = vector.shape_cast %broadcast_in_dim3A_302 : vector<16xf32> to vector<1x16xf32>
    tpu.vector_store %arg18[%swap3A_1779, %swap3A_1780], %swap3A_1783 {strides = array<i32>} : memref<32x128xf32, #tpu.memory_space<vmem>>, vector<1x16xf32>,
    %swap3A_1784 = arith.constant 30 : i32
    %swap3A_1785 = arith.index_cast %swap3A_1784 : i32 to index
    %swap3A_1786 = arith.constant 112 : index
    %swap3A_1787 = tpu.vector_load %arg18[%swap3A_1785, %swap3A_1786] {strides = array<i32>} : memref<32x128xf32, #tpu.memory_space<vmem>>, vector<1x16xf32>,
    %swap3A_1788 = vector.shape_cast %swap3A_1787 : vector<1x16xf32> to vector<16xf32>
    %swap3A_1789 = vector.shape_cast %broadcast_in_dim3A_302 : vector<16xf32> to vector<1x16xf32>
    tpu.vector_store %arg18[%swap3A_1785, %swap3A_1786], %swap3A_1789 {strides = array<i32>} : memref<32x128xf32, #tpu.memory_space<vmem>>, vector<1x16xf32>,
    %swap3A_1790 = arith.constant 31 : i32
    %swap3A_1791 = arith.index_cast %swap3A_1790 : i32 to index
    %swap3A_1792 = arith.constant 0 : index
    %swap3A_1793 = tpu.vector_load %arg18[%swap3A_1791, %swap3A_1792] {strides = array<i32>} : memref<32x128xf32, #tpu.memory_space<vmem>>, vector<1x16xf32>,
    %swap3A_1794 = vector.shape_cast %swap3A_1793 : vector<1x16xf32> to vector<16xf32>
    %swap3A_1795 = vector.shape_cast %broadcast_in_dim3A_302 : vector<16xf32> to vector<1x16xf32>
    tpu.vector_store %arg18[%swap3A_1791, %swap3A_1792], %swap3A_1795 {strides = array<i32>} : memref<32x128xf32, #tpu.memory_space<vmem>>, vector<1x16xf32>,
    %swap3A_1796 = arith.constant 31 : i32
    %swap3A_1797 = arith.index_cast %swap3A_1796 : i32 to index
    %swap3A_1798 = arith.constant 16 : index
    %swap3A_1799 = tpu.vector_load %arg18[%swap3A_1797, %swap3A_1798] {strides = array<i32>} : memref<32x128xf32, #tpu.memory_space<vmem>>, vector<1x16xf32>,
    %swap3A_1800 = vector.shape_cast %swap3A_1799 : vector<1x16xf32> to vector<16xf32>
    %swap3A_1801 = vector.shape_cast %broadcast_in_dim3A_302 : vector<16xf32> to vector<1x16xf32>
    tpu.vector_store %arg18[%swap3A_1797, %swap3A_1798], %swap3A_1801 {strides = array<i32>} : memref<32x128xf32, #tpu.memory_space<vmem>>, vector<1x16xf32>,
    %swap3A_1802 = arith.constant 31 : i32
    %swap3A_1803 = arith.index_cast %swap3A_1802 : i32 to index
    %swap3A_1804 = arith.constant 32 : index
    %swap3A_1805 = tpu.vector_load %arg18[%swap3A_1803, %swap3A_1804] {strides = array<i32>} : memref<32x128xf32, #tpu.memory_space<vmem>>, vector<1x16xf32>,
    %swap3A_1806 = vector.shape_cast %swap3A_1805 : vector<1x16xf32> to vector<16xf32>
    %swap3A_1807 = vector.shape_cast %broadcast_in_dim3A_302 : vector<16xf32> to vector<1x16xf32>
    tpu.vector_store %arg18[%swap3A_1803, %swap3A_1804], %swap3A_1807 {strides = array<i32>} : memref<32x128xf32, #tpu.memory_space<vmem>>, vector<1x16xf32>,
    %swap3A_1808 = arith.constant 31 : i32
    %swap3A_1809 = arith.index_cast %swap3A_1808 : i32 to index
    %swap3A_1810 = arith.constant 48 : index
    %swap3A_1811 = tpu.vector_load %arg18[%swap3A_1809, %swap3A_1810] {strides = array<i32>} : memref<32x128xf32, #tpu.memory_space<vmem>>, vector<1x16xf32>,
    %swap3A_1812 = vector.shape_cast %swap3A_1811 : vector<1x16xf32> to vector<16xf32>
    %swap3A_1813 = vector.shape_cast %broadcast_in_dim3A_302 : vector<16xf32> to vector<1x16xf32>
    tpu.vector_store %arg18[%swap3A_1809, %swap3A_1810], %swap3A_1813 {strides = array<i32>} : memref<32x128xf32, #tpu.memory_space<vmem>>, vector<1x16xf32>,
    %swap3A_1814 = arith.constant 31 : i32
    %swap3A_1815 = arith.index_cast %swap3A_1814 : i32 to index
    %swap3A_1816 = arith.constant 64 : index
    %swap3A_1817 = tpu.vector_load %arg18[%swap3A_1815, %swap3A_1816] {strides = array<i32>} : memref<32x128xf32, #tpu.memory_space<vmem>>, vector<1x16xf32>,
    %swap3A_1818 = vector.shape_cast %swap3A_1817 : vector<1x16xf32> to vector<16xf32>
    %swap3A_1819 = vector.shape_cast %broadcast_in_dim3A_302 : vector<16xf32> to vector<1x16xf32>
    tpu.vector_store %arg18[%swap3A_1815, %swap3A_1816], %swap3A_1819 {strides = array<i32>} : memref<32x128xf32, #tpu.memory_space<vmem>>, vector<1x16xf32>,
    %swap3A_1820 = arith.constant 31 : i32
    %swap3A_1821 = arith.index_cast %swap3A_1820 : i32 to index
    %swap3A_1822 = arith.constant 80 : index
    %swap3A_1823 = tpu.vector_load %arg18[%swap3A_1821, %swap3A_1822] {strides = array<i32>} : memref<32x128xf32, #tpu.memory_space<vmem>>, vector<1x16xf32>,
    %swap3A_1824 = vector.shape_cast %swap3A_1823 : vector<1x16xf32> to vector<16xf32>
    %swap3A_1825 = vector.shape_cast %broadcast_in_dim3A_302 : vector<16xf32> to vector<1x16xf32>
    tpu.vector_store %arg18[%swap3A_1821, %swap3A_1822], %swap3A_1825 {strides = array<i32>} : memref<32x128xf32, #tpu.memory_space<vmem>>, vector<1x16xf32>,
    %swap3A_1826 = arith.constant 31 : i32
    %swap3A_1827 = arith.index_cast %swap3A_1826 : i32 to index
    %swap3A_1828 = arith.constant 96 : index
    %swap3A_1829 = tpu.vector_load %arg18[%swap3A_1827, %swap3A_1828] {strides = array<i32>} : memref<32x128xf32, #tpu.memory_space<vmem>>, vector<1x16xf32>,
    %swap3A_1830 = vector.shape_cast %swap3A_1829 : vector<1x16xf32> to vector<16xf32>
    %swap3A_1831 = vector.shape_cast %broadcast_in_dim3A_302 : vector<16xf32> to vector<1x16xf32>
    tpu.vector_store %arg18[%swap3A_1827, %swap3A_1828], %swap3A_1831 {strides = array<i32>} : memref<32x128xf32, #tpu.memory_space<vmem>>, vector<1x16xf32>,
    %swap3A_1832 = arith.constant 31 : i32
    %swap3A_1833 = arith.index_cast %swap3A_1832 : i32 to index
    %swap3A_1834 = arith.constant 112 : index
    %swap3A_1835 = tpu.vector_load %arg18[%swap3A_1833, %swap3A_1834] {strides = array<i32>} : memref<32x128xf32, #tpu.memory_space<vmem>>, vector<1x16xf32>,
    %swap3A_1836 = vector.shape_cast %swap3A_1835 : vector<1x16xf32> to vector<16xf32>
    %swap3A_1837 = vector.shape_cast %broadcast_in_dim3A_302 : vector<16xf32> to vector<1x16xf32>
    tpu.vector_store %arg18[%swap3A_1833, %swap3A_1834], %swap3A_1837 {strides = array<i32>} : memref<32x128xf32, #tpu.memory_space<vmem>>, vector<1x16xf32>,
    %scan3A = arith.constant 0 : i32
    %scan3A_1838 = arith.constant 0 : i32
    %scan3A_1839 = arith.constant 20 : i32
    %scan3A_1840 = arith.addi %scan3A_1838, %scan3A_1839 : i32
    %scan3A_1841 = arith.constant 1 : i32
    scf.for %scan3A_2337 = %scan3A_1838 to %scan3A_1840 step %scan3A_1841  : i32 {
      %mul3A_2338 = arith.constant 32 : i32
      %mul3A_2339 = arith.muli %scan3A_2337, %mul3A_2338 : i32
      %add3A_2340 = arith.addi %mul3A_4, %mul3A_2339 : i32
      %multiple_of3A_2341 = tpu.assume_multiple %add3A_2340, 32 : i32
      "tpu.region"() ({
        %run_scoped3A_2342 = tpu.sem_alloc : memref<!tpu.dma_semaphore, #tpu.memory_space<semaphore_mem>>
        %dma_start3A_2343 = arith.constant 0 : i32
        %dma_start3A_2344 = tpu.memref_slice %arg19[%multiple_of3A_2341, %dma_start3A_2343] : memref<10240x128xf32, #tpu.memory_space<vmem_shared>> -> memref<32x128xf32, #tpu.memory_space<vmem_shared>>
        %dma_start3A_2345 = arith.constant 0 : i32
        %dma_start3A_2346 = tpu.memref_slice %arg19[%multiple_of3A_2341, %dma_start3A_2345] : memref<10240x128xf32, #tpu.memory_space<vmem_shared>> -> memref<32x128xf32, #tpu.memory_space<vmem_shared>>
        tpu.enqueue_dma source(%arg18 : memref<32x128xf32, #tpu.memory_space<vmem>>) target(%dma_start3A_2346 : memref<32x128xf32, #tpu.memory_space<vmem_shared>>) target_semaphore(%run_scoped3A_2342 : memref<!tpu.dma_semaphore, #tpu.memory_space<semaphore_mem>>)
        %dma_wait3A_2347 = arith.constant 0 : i32
        %dma_wait3A_2348 = tpu.memref_slice %arg19[%multiple_of3A_2341, %dma_wait3A_2347] : memref<10240x128xf32, #tpu.memory_space<vmem_shared>> -> memref<32x128xf32, #tpu.memory_space<vmem_shared>>
        %dma_wait3A_2349 = arith.constant 0 : i32
        %dma_wait3A_2350 = tpu.memref_slice %arg19[%multiple_of3A_2341, %dma_wait3A_2349] : memref<10240x128xf32, #tpu.memory_space<vmem_shared>> -> memref<32x128xf32, #tpu.memory_space<vmem_shared>>
        tpu.wait_dma2 semaphore(%run_scoped3A_2342 : memref<!tpu.dma_semaphore, #tpu.memory_space<semaphore_mem>>) src(%arg18 : memref<32x128xf32, #tpu.memory_space<vmem>>) dst(%dma_wait3A_2350 : memref<32x128xf32, #tpu.memory_space<vmem_shared>>)
        tpu.yield
      }) : () -> ()
    }
    %scan3A_1842 = arith.constant 20 : i32
    %barrier3A = arith.constant 0 : index
    tpu.barrier barrier_id(%barrier3A)
    %scan3A_1843 = arith.constant 0 : i32
    %scan3A_1844 = arith.constant 0 : i32
    %scan3A_1845 = arith.constant 14 : i32
    %scan3A_1846 = arith.addi %scan3A_1844, %scan3A_1845 : i32
    %scan3A_1847 = arith.constant 1 : i32
    scf.for %scan3A_2337 = %scan3A_1844 to %scan3A_1846 step %scan3A_1847  : i32 {
      %mul3A_2338 = arith.constant 8 : i32
      %mul3A_2339 = arith.muli %scan3A_2337, %mul3A_2338 : i32
      %add3A_2340 = arith.constant 0 : i32
      %add3A_2341 = arith.addi %mul3A_2339, %add3A_2340 : i32
      %dma_wait3A_2342 = arith.constant 0 : i32
      %dma_wait3A_2343 = arith.constant 0 : i32
      %dma_wait3A_2344 = tpu.memref_slice %arg10[%dma_wait3A_2342, %dma_wait3A_2343] : memref<2x80xi32, #tpu.memory_space<vmem>> -> memref<1x80xi32, #tpu.memory_space<vmem>>
      %dma_wait3A_2345 = tpu.memref_squeeze %dma_wait3A_2344 : memref<1x80xi32, #tpu.memory_space<vmem>> -> memref<80xi32, #tpu.memory_space<vmem>>
      %dma_wait3A_2346 = arith.constant 0 : i32
      %dma_wait3A_2347 = arith.constant 0 : i32
      %dma_wait3A_2348 = tpu.memref_slice %arg3[%dma_wait3A_2346, %dma_wait3A_2347] : memref<10000x128xf32, #tpu.memory_space<hbm>> -> memref<10000x128xf32, #tpu.memory_space<hbm>>
      tpu.wait_indirect_dma semaphore(%arg20 : memref<!tpu.dma_semaphore, #tpu.memory_space<semaphore_mem>>) src(%dma_wait3A_2348 : memref<10000x128xf32, #tpu.memory_space<hbm>>) dst(%arg6 : memref<80x128xf32, #tpu.memory_space<vmem>>)
      %run_scoped3A_2349 = arith.constant 1 : i32
      "tpu.region"() ({
        %run_scoped3A_2874 = tpu.sem_alloc : memref<!tpu.dma_semaphore, #tpu.memory_space<semaphore_mem>>
        %dma_start3A_2875 = arith.constant 0 : i32
        %dma_start3A_2876 = tpu.memref_slice %arg10[%run_scoped3A_2349, %dma_start3A_2875] : memref<2x80xi32, #tpu.memory_space<vmem>> -> memref<1x80xi32, #tpu.memory_space<vmem>>
        %dma_start3A_2877 = tpu.memref_squeeze %dma_start3A_2876 : memref<1x80xi32, #tpu.memory_space<vmem>> -> memref<80xi32, #tpu.memory_space<vmem>>
        %dma_start3A_2878 = arith.constant 0 : i32
        %dma_start3A_2879 = arith.constant 0 : i32
        %dma_start3A_2880 = tpu.memref_slice %arg19[%dma_start3A_2878, %dma_start3A_2879] : memref<10240x128xf32, #tpu.memory_space<vmem_shared>> -> memref<10240x128xf32, #tpu.memory_space<vmem_shared>>
        tpu.enqueue_indirect_dma source(%arg6 : memref<80x128xf32, #tpu.memory_space<vmem>>) target(%dma_start3A_2880 : memref<10240x128xf32, #tpu.memory_space<vmem_shared>>) offsets(%dma_start3A_2877 : memref<80xi32, #tpu.memory_space<vmem>>) semaphore(%run_scoped3A_2874 : memref<!tpu.dma_semaphore, #tpu.memory_space<semaphore_mem>>) {add = true}
        %dma_wait3A_2881 = arith.constant 0 : i32
        %dma_wait3A_2882 = tpu.memref_slice %arg10[%run_scoped3A_2349, %dma_wait3A_2881] : memref<2x80xi32, #tpu.memory_space<vmem>> -> memref<1x80xi32, #tpu.memory_space<vmem>>
        %dma_wait3A_2883 = tpu.memref_squeeze %dma_wait3A_2882 : memref<1x80xi32, #tpu.memory_space<vmem>> -> memref<80xi32, #tpu.memory_space<vmem>>
        %dma_wait3A_2884 = arith.constant 0 : i32
        %dma_wait3A_2885 = arith.constant 0 : i32
        %dma_wait3A_2886 = tpu.memref_slice %arg19[%dma_wait3A_2884, %dma_wait3A_2885] : memref<10240x128xf32, #tpu.memory_space<vmem_shared>> -> memref<10240x128xf32, #tpu.memory_space<vmem_shared>>
        tpu.wait_indirect_dma semaphore(%run_scoped3A_2874 : memref<!tpu.dma_semaphore, #tpu.memory_space<semaphore_mem>>) src(%arg6 : memref<80x128xf32, #tpu.memory_space<vmem>>) dst(%dma_wait3A_2886 : memref<10240x128xf32, #tpu.memory_space<vmem_shared>>)
        tpu.yield
      }) : () -> ()
      %add3A_2350 = arith.constant 8 : i32
      %add3A_2351 = arith.addi %add3A_2341, %add3A_2350 : i32
      %mul3A_2352 = arith.constant 80 : i32
      %mul3A_2353 = arith.muli %add3A_2351, %mul3A_2352 : i32
      %add3A_2354 = arith.addi %mul3A_2, %mul3A_2353 : i32
      %multiple_of3A_2355 = tpu.assume_multiple %add3A_2354, 80 : i32
      %dma_start3A_2356 = arith.constant 0 : i32
      %dma_start3A_2357 = arith.constant 0 : i32
      %dma_start3A_2358 = tpu.memref_slice %arg10[%dma_start3A_2356, %dma_start3A_2357] : memref<2x80xi32, #tpu.memory_space<vmem>> -> memref<1x80xi32, #tpu.memory_space<vmem>>
      %dma_start3A_2359 = tpu.memref_squeeze %dma_start3A_2358 : memref<1x80xi32, #tpu.memory_space<vmem>> -> memref<80xi32, #tpu.memory_space<vmem>>
      %dma_start3A_2360 = tpu.memref_slice %arg2[%multiple_of3A_2355] : memref<640000xi32, #tpu.memory_space<hbm>> -> memref<80xi32, #tpu.memory_space<hbm>>
      %dma_start3A_2361 = arith.constant 0 : i32
      %dma_start3A_2362 = tpu.memref_slice %arg10[%dma_start3A_2356, %dma_start3A_2361] : memref<2x80xi32, #tpu.memory_space<vmem>> -> memref<1x80xi32, #tpu.memory_space<vmem>>
      %dma_start3A_2363 = tpu.memref_squeeze %dma_start3A_2362 : memref<1x80xi32, #tpu.memory_space<vmem>> -> memref<80xi32, #tpu.memory_space<vmem>>
      %dma_start3A_2364 = tpu.memref_slice %arg2[%multiple_of3A_2355] : memref<640000xi32, #tpu.memory_space<hbm>> -> memref<80xi32, #tpu.memory_space<hbm>>
      tpu.enqueue_dma source(%dma_start3A_2364 : memref<80xi32, #tpu.memory_space<hbm>>) target(%dma_start3A_2363 : memref<80xi32, #tpu.memory_space<vmem>>) target_semaphore(%arg24 : memref<!tpu.dma_semaphore, #tpu.memory_space<semaphore_mem>>)
      %add3A_2365 = arith.constant 320000 : i32
      %add3A_2366 = arith.addi %add3A_2365, %multiple_of3A_2355 : i32
      %dma_start3A_2367 = arith.constant 1 : i32
      %dma_start3A_2368 = arith.constant 0 : i32
      %dma_start3A_2369 = tpu.memref_slice %arg10[%dma_start3A_2367, %dma_start3A_2368] : memref<2x80xi32, #tpu.memory_space<vmem>> -> memref<1x80xi32, #tpu.memory_space<vmem>>
      %dma_start3A_2370 = tpu.memref_squeeze %dma_start3A_2369 : memref<1x80xi32, #tpu.memory_space<vmem>> -> memref<80xi32, #tpu.memory_space<vmem>>
      %dma_start3A_2371 = tpu.memref_slice %arg2[%add3A_2366] : memref<640000xi32, #tpu.memory_space<hbm>> -> memref<80xi32, #tpu.memory_space<hbm>>
      %dma_start3A_2372 = arith.constant 0 : i32
      %dma_start3A_2373 = tpu.memref_slice %arg10[%dma_start3A_2367, %dma_start3A_2372] : memref<2x80xi32, #tpu.memory_space<vmem>> -> memref<1x80xi32, #tpu.memory_space<vmem>>
      %dma_start3A_2374 = tpu.memref_squeeze %dma_start3A_2373 : memref<1x80xi32, #tpu.memory_space<vmem>> -> memref<80xi32, #tpu.memory_space<vmem>>
      %dma_start3A_2375 = tpu.memref_slice %arg2[%add3A_2366] : memref<640000xi32, #tpu.memory_space<hbm>> -> memref<80xi32, #tpu.memory_space<hbm>>
      tpu.enqueue_dma source(%dma_start3A_2375 : memref<80xi32, #tpu.memory_space<hbm>>) target(%dma_start3A_2374 : memref<80xi32, #tpu.memory_space<vmem>>) target_semaphore(%arg24 : memref<!tpu.dma_semaphore, #tpu.memory_space<semaphore_mem>>)
      %dma_wait3A_2376 = arith.constant 0 : i32
      %dma_wait3A_2377 = arith.constant 0 : i32
      %dma_wait3A_2378 = tpu.memref_slice %arg14[%dma_wait3A_2376, %dma_wait3A_2377] : memref<2x80xi32, #tpu.memory_space<vmem>> -> memref<1x80xi32, #tpu.memory_space<vmem>>
      %dma_wait3A_2379 = tpu.memref_squeeze %dma_wait3A_2378 : memref<1x80xi32, #tpu.memory_space<vmem>> -> memref<80xi32, #tpu.memory_space<vmem>>
      %dma_wait3A_2380 = arith.constant 0 : i32
      %dma_wait3A_2381 = tpu.memref_slice %arg2[%dma_wait3A_2380] : memref<640000xi32, #tpu.memory_space<hbm>> -> memref<80xi32, #tpu.memory_space<hbm>>
      %dma_wait3A_2382 = arith.constant 0 : i32
      %dma_wait3A_2383 = tpu.memref_slice %arg14[%dma_wait3A_2376, %dma_wait3A_2382] : memref<2x80xi32, #tpu.memory_space<vmem>> -> memref<1x80xi32, #tpu.memory_space<vmem>>
      %dma_wait3A_2384 = tpu.memref_squeeze %dma_wait3A_2383 : memref<1x80xi32, #tpu.memory_space<vmem>> -> memref<80xi32, #tpu.memory_space<vmem>>
      %dma_wait3A_2385 = arith.constant 0 : i32
      %dma_wait3A_2386 = tpu.memref_slice %arg2[%dma_wait3A_2385] : memref<640000xi32, #tpu.memory_space<hbm>> -> memref<80xi32, #tpu.memory_space<hbm>>
      tpu.wait_dma2 semaphore(%arg28 : memref<!tpu.dma_semaphore, #tpu.memory_space<semaphore_mem>>) src(%dma_wait3A_2386 : memref<80xi32, #tpu.memory_space<hbm>>) dst(%dma_wait3A_2384 : memref<80xi32, #tpu.memory_space<vmem>>)
      %dma_wait3A_2387 = arith.constant 1 : i32
      %dma_wait3A_2388 = arith.constant 0 : i32
      %dma_wait3A_2389 = tpu.memref_slice %arg14[%dma_wait3A_2387, %dma_wait3A_2388] : memref<2x80xi32, #tpu.memory_space<vmem>> -> memref<1x80xi32, #tpu.memory_space<vmem>>
      %dma_wait3A_2390 = tpu.memref_squeeze %dma_wait3A_2389 : memref<1x80xi32, #tpu.memory_space<vmem>> -> memref<80xi32, #tpu.memory_space<vmem>>
      %dma_wait3A_2391 = arith.constant 0 : i32
      %dma_wait3A_2392 = tpu.memref_slice %arg2[%dma_wait3A_2391] : memref<640000xi32, #tpu.memory_space<hbm>> -> memref<80xi32, #tpu.memory_space<hbm>>
      %dma_wait3A_2393 = arith.constant 0 : i32
      %dma_wait3A_2394 = tpu.memref_slice %arg14[%dma_wait3A_2387, %dma_wait3A_2393] : memref<2x80xi32, #tpu.memory_space<vmem>> -> memref<1x80xi32, #tpu.memory_space<vmem>>
      %dma_wait3A_2395 = tpu.memref_squeeze %dma_wait3A_2394 : memref<1x80xi32, #tpu.memory_space<vmem>> -> memref<80xi32, #tpu.memory_space<vmem>>
      %dma_wait3A_2396 = arith.constant 0 : i32
      %dma_wait3A_2397 = tpu.memref_slice %arg2[%dma_wait3A_2396] : memref<640000xi32, #tpu.memory_space<hbm>> -> memref<80xi32, #tpu.memory_space<hbm>>
      tpu.wait_dma2 semaphore(%arg28 : memref<!tpu.dma_semaphore, #tpu.memory_space<semaphore_mem>>) src(%dma_wait3A_2397 : memref<80xi32, #tpu.memory_space<hbm>>) dst(%dma_wait3A_2395 : memref<80xi32, #tpu.memory_space<vmem>>)
      %dma_start3A_2398 = arith.constant 0 : i32
      %dma_start3A_2399 = arith.constant 0 : i32
      %dma_start3A_2400 = tpu.memref_slice %arg14[%dma_start3A_2398, %dma_start3A_2399] : memref<2x80xi32, #tpu.memory_space<vmem>> -> memref<1x80xi32, #tpu.memory_space<vmem>>
      %dma_start3A_2401 = tpu.memref_squeeze %dma_start3A_2400 : memref<1x80xi32, #tpu.memory_space<vmem>> -> memref<80xi32, #tpu.memory_space<vmem>>
      %dma_start3A_2402 = arith.constant 0 : i32
      %dma_start3A_2403 = arith.constant 0 : i32
      %dma_start3A_2404 = tpu.memref_slice %arg3[%dma_start3A_2402, %dma_start3A_2403] : memref<10000x128xf32, #tpu.memory_space<hbm>> -> memref<10000x128xf32, #tpu.memory_space<hbm>>
      tpu.enqueue_indirect_dma source(%dma_start3A_2404 : memref<10000x128xf32, #tpu.memory_space<hbm>>) target(%arg6 : memref<80x128xf32, #tpu.memory_space<vmem>>) offsets(%dma_start3A_2401 : memref<80xi32, #tpu.memory_space<vmem>>) semaphore(%arg20 : memref<!tpu.dma_semaphore, #tpu.memory_space<semaphore_mem>>)
      %mul3A_2405 = arith.constant 8 : i32
      %mul3A_2406 = arith.muli %scan3A_2337, %mul3A_2405 : i32
      %add3A_2407 = arith.constant 1 : i32
      %add3A_2408 = arith.addi %mul3A_2406, %add3A_2407 : i32
      %dma_wait3A_2409 = arith.constant 0 : i32
      %dma_wait3A_2410 = arith.constant 0 : i32
      %dma_wait3A_2411 = tpu.memref_slice %arg11[%dma_wait3A_2409, %dma_wait3A_2410] : memref<2x80xi32, #tpu.memory_space<vmem>> -> memref<1x80xi32, #tpu.memory_space<vmem>>
      %dma_wait3A_2412 = tpu.memref_squeeze %dma_wait3A_2411 : memref<1x80xi32, #tpu.memory_space<vmem>> -> memref<80xi32, #tpu.memory_space<vmem>>
      %dma_wait3A_2413 = arith.constant 0 : i32
      %dma_wait3A_2414 = arith.constant 0 : i32
      %dma_wait3A_2415 = tpu.memref_slice %arg3[%dma_wait3A_2413, %dma_wait3A_2414] : memref<10000x128xf32, #tpu.memory_space<hbm>> -> memref<10000x128xf32, #tpu.memory_space<hbm>>
      tpu.wait_indirect_dma semaphore(%arg21 : memref<!tpu.dma_semaphore, #tpu.memory_space<semaphore_mem>>) src(%dma_wait3A_2415 : memref<10000x128xf32, #tpu.memory_space<hbm>>) dst(%arg7 : memref<80x128xf32, #tpu.memory_space<vmem>>)
      %run_scoped3A_2416 = arith.constant 1 : i32
      "tpu.region"() ({
        %run_scoped3A_2874 = tpu.sem_alloc : memref<!tpu.dma_semaphore, #tpu.memory_space<semaphore_mem>>
        %dma_start3A_2875 = arith.constant 0 : i32
        %dma_start3A_2876 = tpu.memref_slice %arg11[%run_scoped3A_2416, %dma_start3A_2875] : memref<2x80xi32, #tpu.memory_space<vmem>> -> memref<1x80xi32, #tpu.memory_space<vmem>>
        %dma_start3A_2877 = tpu.memref_squeeze %dma_start3A_2876 : memref<1x80xi32, #tpu.memory_space<vmem>> -> memref<80xi32, #tpu.memory_space<vmem>>
        %dma_start3A_2878 = arith.constant 0 : i32
        %dma_start3A_2879 = arith.constant 0 : i32
        %dma_start3A_2880 = tpu.memref_slice %arg19[%dma_start3A_2878, %dma_start3A_2879] : memref<10240x128xf32, #tpu.memory_space<vmem_shared>> -> memref<10240x128xf32, #tpu.memory_space<vmem_shared>>
        tpu.enqueue_indirect_dma source(%arg7 : memref<80x128xf32, #tpu.memory_space<vmem>>) target(%dma_start3A_2880 : memref<10240x128xf32, #tpu.memory_space<vmem_shared>>) offsets(%dma_start3A_2877 : memref<80xi32, #tpu.memory_space<vmem>>) semaphore(%run_scoped3A_2874 : memref<!tpu.dma_semaphore, #tpu.memory_space<semaphore_mem>>) {add = true}
        %dma_wait3A_2881 = arith.constant 0 : i32
        %dma_wait3A_2882 = tpu.memref_slice %arg11[%run_scoped3A_2416, %dma_wait3A_2881] : memref<2x80xi32, #tpu.memory_space<vmem>> -> memref<1x80xi32, #tpu.memory_space<vmem>>
        %dma_wait3A_2883 = tpu.memref_squeeze %dma_wait3A_2882 : memref<1x80xi32, #tpu.memory_space<vmem>> -> memref<80xi32, #tpu.memory_space<vmem>>
        %dma_wait3A_2884 = arith.constant 0 : i32
        %dma_wait3A_2885 = arith.constant 0 : i32
        %dma_wait3A_2886 = tpu.memref_slice %arg19[%dma_wait3A_2884, %dma_wait3A_2885] : memref<10240x128xf32, #tpu.memory_space<vmem_shared>> -> memref<10240x128xf32, #tpu.memory_space<vmem_shared>>
        tpu.wait_indirect_dma semaphore(%run_scoped3A_2874 : memref<!tpu.dma_semaphore, #tpu.memory_space<semaphore_mem>>) src(%arg7 : memref<80x128xf32, #tpu.memory_space<vmem>>) dst(%dma_wait3A_2886 : memref<10240x128xf32, #tpu.memory_space<vmem_shared>>)
        tpu.yield
      }) : () -> ()
      %add3A_2417 = arith.constant 8 : i32
      %add3A_2418 = arith.addi %add3A_2408, %add3A_2417 : i32
      %mul3A_2419 = arith.constant 80 : i32
      %mul3A_2420 = arith.muli %add3A_2418, %mul3A_2419 : i32
      %add3A_2421 = arith.addi %mul3A_2, %mul3A_2420 : i32
      %multiple_of3A_2422 = tpu.assume_multiple %add3A_2421, 80 : i32
      %dma_start3A_2423 = arith.constant 0 : i32
      %dma_start3A_2424 = arith.constant 0 : i32
      %dma_start3A_2425 = tpu.memref_slice %arg11[%dma_start3A_2423, %dma_start3A_2424] : memref<2x80xi32, #tpu.memory_space<vmem>> -> memref<1x80xi32, #tpu.memory_space<vmem>>
      %dma_start3A_2426 = tpu.memref_squeeze %dma_start3A_2425 : memref<1x80xi32, #tpu.memory_space<vmem>> -> memref<80xi32, #tpu.memory_space<vmem>>
      %dma_start3A_2427 = tpu.memref_slice %arg2[%multiple_of3A_2422] : memref<640000xi32, #tpu.memory_space<hbm>> -> memref<80xi32, #tpu.memory_space<hbm>>
      %dma_start3A_2428 = arith.constant 0 : i32
      %dma_start3A_2429 = tpu.memref_slice %arg11[%dma_start3A_2423, %dma_start3A_2428] : memref<2x80xi32, #tpu.memory_space<vmem>> -> memref<1x80xi32, #tpu.memory_space<vmem>>
      %dma_start3A_2430 = tpu.memref_squeeze %dma_start3A_2429 : memref<1x80xi32, #tpu.memory_space<vmem>> -> memref<80xi32, #tpu.memory_space<vmem>>
      %dma_start3A_2431 = tpu.memref_slice %arg2[%multiple_of3A_2422] : memref<640000xi32, #tpu.memory_space<hbm>> -> memref<80xi32, #tpu.memory_space<hbm>>
      tpu.enqueue_dma source(%dma_start3A_2431 : memref<80xi32, #tpu.memory_space<hbm>>) target(%dma_start3A_2430 : memref<80xi32, #tpu.memory_space<vmem>>) target_semaphore(%arg25 : memref<!tpu.dma_semaphore, #tpu.memory_space<semaphore_mem>>)
      %add3A_2432 = arith.constant 320000 : i32
      %add3A_2433 = arith.addi %add3A_2432, %multiple_of3A_2422 : i32
      %dma_start3A_2434 = arith.constant 1 : i32
      %dma_start3A_2435 = arith.constant 0 : i32
      %dma_start3A_2436 = tpu.memref_slice %arg11[%dma_start3A_2434, %dma_start3A_2435] : memref<2x80xi32, #tpu.memory_space<vmem>> -> memref<1x80xi32, #tpu.memory_space<vmem>>
      %dma_start3A_2437 = tpu.memref_squeeze %dma_start3A_2436 : memref<1x80xi32, #tpu.memory_space<vmem>> -> memref<80xi32, #tpu.memory_space<vmem>>
      %dma_start3A_2438 = tpu.memref_slice %arg2[%add3A_2433] : memref<640000xi32, #tpu.memory_space<hbm>> -> memref<80xi32, #tpu.memory_space<hbm>>
      %dma_start3A_2439 = arith.constant 0 : i32
      %dma_start3A_2440 = tpu.memref_slice %arg11[%dma_start3A_2434, %dma_start3A_2439] : memref<2x80xi32, #tpu.memory_space<vmem>> -> memref<1x80xi32, #tpu.memory_space<vmem>>
      %dma_start3A_2441 = tpu.memref_squeeze %dma_start3A_2440 : memref<1x80xi32, #tpu.memory_space<vmem>> -> memref<80xi32, #tpu.memory_space<vmem>>
      %dma_start3A_2442 = tpu.memref_slice %arg2[%add3A_2433] : memref<640000xi32, #tpu.memory_space<hbm>> -> memref<80xi32, #tpu.memory_space<hbm>>
      tpu.enqueue_dma source(%dma_start3A_2442 : memref<80xi32, #tpu.memory_space<hbm>>) target(%dma_start3A_2441 : memref<80xi32, #tpu.memory_space<vmem>>) target_semaphore(%arg25 : memref<!tpu.dma_semaphore, #tpu.memory_space<semaphore_mem>>)
      %dma_wait3A_2443 = arith.constant 0 : i32
      %dma_wait3A_2444 = arith.constant 0 : i32
      %dma_wait3A_2445 = tpu.memref_slice %arg15[%dma_wait3A_2443, %dma_wait3A_2444] : memref<2x80xi32, #tpu.memory_space<vmem>> -> memref<1x80xi32, #tpu.memory_space<vmem>>
      %dma_wait3A_2446 = tpu.memref_squeeze %dma_wait3A_2445 : memref<1x80xi32, #tpu.memory_space<vmem>> -> memref<80xi32, #tpu.memory_space<vmem>>
      %dma_wait3A_2447 = arith.constant 0 : i32
      %dma_wait3A_2448 = tpu.memref_slice %arg2[%dma_wait3A_2447] : memref<640000xi32, #tpu.memory_space<hbm>> -> memref<80xi32, #tpu.memory_space<hbm>>
      %dma_wait3A_2449 = arith.constant 0 : i32
      %dma_wait3A_2450 = tpu.memref_slice %arg15[%dma_wait3A_2443, %dma_wait3A_2449] : memref<2x80xi32, #tpu.memory_space<vmem>> -> memref<1x80xi32, #tpu.memory_space<vmem>>
      %dma_wait3A_2451 = tpu.memref_squeeze %dma_wait3A_2450 : memref<1x80xi32, #tpu.memory_space<vmem>> -> memref<80xi32, #tpu.memory_space<vmem>>
      %dma_wait3A_2452 = arith.constant 0 : i32
      %dma_wait3A_2453 = tpu.memref_slice %arg2[%dma_wait3A_2452] : memref<640000xi32, #tpu.memory_space<hbm>> -> memref<80xi32, #tpu.memory_space<hbm>>
      tpu.wait_dma2 semaphore(%arg29 : memref<!tpu.dma_semaphore, #tpu.memory_space<semaphore_mem>>) src(%dma_wait3A_2453 : memref<80xi32, #tpu.memory_space<hbm>>) dst(%dma_wait3A_2451 : memref<80xi32, #tpu.memory_space<vmem>>)
      %dma_wait3A_2454 = arith.constant 1 : i32
      %dma_wait3A_2455 = arith.constant 0 : i32
      %dma_wait3A_2456 = tpu.memref_slice %arg15[%dma_wait3A_2454, %dma_wait3A_2455] : memref<2x80xi32, #tpu.memory_space<vmem>> -> memref<1x80xi32, #tpu.memory_space<vmem>>
      %dma_wait3A_2457 = tpu.memref_squeeze %dma_wait3A_2456 : memref<1x80xi32, #tpu.memory_space<vmem>> -> memref<80xi32, #tpu.memory_space<vmem>>
      %dma_wait3A_2458 = arith.constant 0 : i32
      %dma_wait3A_2459 = tpu.memref_slice %arg2[%dma_wait3A_2458] : memref<640000xi32, #tpu.memory_space<hbm>> -> memref<80xi32, #tpu.memory_space<hbm>>
      %dma_wait3A_2460 = arith.constant 0 : i32
      %dma_wait3A_2461 = tpu.memref_slice %arg15[%dma_wait3A_2454, %dma_wait3A_2460] : memref<2x80xi32, #tpu.memory_space<vmem>> -> memref<1x80xi32, #tpu.memory_space<vmem>>
      %dma_wait3A_2462 = tpu.memref_squeeze %dma_wait3A_2461 : memref<1x80xi32, #tpu.memory_space<vmem>> -> memref<80xi32, #tpu.memory_space<vmem>>
      %dma_wait3A_2463 = arith.constant 0 : i32
      %dma_wait3A_2464 = tpu.memref_slice %arg2[%dma_wait3A_2463] : memref<640000xi32, #tpu.memory_space<hbm>> -> memref<80xi32, #tpu.memory_space<hbm>>
      tpu.wait_dma2 semaphore(%arg29 : memref<!tpu.dma_semaphore, #tpu.memory_space<semaphore_mem>>) src(%dma_wait3A_2464 : memref<80xi32, #tpu.memory_space<hbm>>) dst(%dma_wait3A_2462 : memref<80xi32, #tpu.memory_space<vmem>>)
      %dma_start3A_2465 = arith.constant 0 : i32
      %dma_start3A_2466 = arith.constant 0 : i32
      %dma_start3A_2467 = tpu.memref_slice %arg15[%dma_start3A_2465, %dma_start3A_2466] : memref<2x80xi32, #tpu.memory_space<vmem>> -> memref<1x80xi32, #tpu.memory_space<vmem>>
      %dma_start3A_2468 = tpu.memref_squeeze %dma_start3A_2467 : memref<1x80xi32, #tpu.memory_space<vmem>> -> memref<80xi32, #tpu.memory_space<vmem>>
      %dma_start3A_2469 = arith.constant 0 : i32
      %dma_start3A_2470 = arith.constant 0 : i32
      %dma_start3A_2471 = tpu.memref_slice %arg3[%dma_start3A_2469, %dma_start3A_2470] : memref<10000x128xf32, #tpu.memory_space<hbm>> -> memref<10000x128xf32, #tpu.memory_space<hbm>>
      tpu.enqueue_indirect_dma source(%dma_start3A_2471 : memref<10000x128xf32, #tpu.memory_space<hbm>>) target(%arg7 : memref<80x128xf32, #tpu.memory_space<vmem>>) offsets(%dma_start3A_2468 : memref<80xi32, #tpu.memory_space<vmem>>) semaphore(%arg21 : memref<!tpu.dma_semaphore, #tpu.memory_space<semaphore_mem>>)
      %mul3A_2472 = arith.constant 8 : i32
      %mul3A_2473 = arith.muli %scan3A_2337, %mul3A_2472 : i32
      %add3A_2474 = arith.constant 2 : i32
      %add3A_2475 = arith.addi %mul3A_2473, %add3A_2474 : i32
      %dma_wait3A_2476 = arith.constant 0 : i32
      %dma_wait3A_2477 = arith.constant 0 : i32
      %dma_wait3A_2478 = tpu.memref_slice %arg12[%dma_wait3A_2476, %dma_wait3A_2477] : memref<2x80xi32, #tpu.memory_space<vmem>> -> memref<1x80xi32, #tpu.memory_space<vmem>>
      %dma_wait3A_2479 = tpu.memref_squeeze %dma_wait3A_2478 : memref<1x80xi32, #tpu.memory_space<vmem>> -> memref<80xi32, #tpu.memory_space<vmem>>
      %dma_wait3A_2480 = arith.constant 0 : i32
      %dma_wait3A_2481 = arith.constant 0 : i32
      %dma_wait3A_2482 = tpu.memref_slice %arg3[%dma_wait3A_2480, %dma_wait3A_2481] : memref<10000x128xf32, #tpu.memory_space<hbm>> -> memref<10000x128xf32, #tpu.memory_space<hbm>>
      tpu.wait_indirect_dma semaphore(%arg22 : memref<!tpu.dma_semaphore, #tpu.memory_space<semaphore_mem>>) src(%dma_wait3A_2482 : memref<10000x128xf32, #tpu.memory_space<hbm>>) dst(%arg8 : memref<80x128xf32, #tpu.memory_space<vmem>>)
      %run_scoped3A_2483 = arith.constant 1 : i32
      "tpu.region"() ({
        %run_scoped3A_2874 = tpu.sem_alloc : memref<!tpu.dma_semaphore, #tpu.memory_space<semaphore_mem>>
        %dma_start3A_2875 = arith.constant 0 : i32
        %dma_start3A_2876 = tpu.memref_slice %arg12[%run_scoped3A_2483, %dma_start3A_2875] : memref<2x80xi32, #tpu.memory_space<vmem>> -> memref<1x80xi32, #tpu.memory_space<vmem>>
        %dma_start3A_2877 = tpu.memref_squeeze %dma_start3A_2876 : memref<1x80xi32, #tpu.memory_space<vmem>> -> memref<80xi32, #tpu.memory_space<vmem>>
        %dma_start3A_2878 = arith.constant 0 : i32
        %dma_start3A_2879 = arith.constant 0 : i32
        %dma_start3A_2880 = tpu.memref_slice %arg19[%dma_start3A_2878, %dma_start3A_2879] : memref<10240x128xf32, #tpu.memory_space<vmem_shared>> -> memref<10240x128xf32, #tpu.memory_space<vmem_shared>>
        tpu.enqueue_indirect_dma source(%arg8 : memref<80x128xf32, #tpu.memory_space<vmem>>) target(%dma_start3A_2880 : memref<10240x128xf32, #tpu.memory_space<vmem_shared>>) offsets(%dma_start3A_2877 : memref<80xi32, #tpu.memory_space<vmem>>) semaphore(%run_scoped3A_2874 : memref<!tpu.dma_semaphore, #tpu.memory_space<semaphore_mem>>) {add = true}
        %dma_wait3A_2881 = arith.constant 0 : i32
        %dma_wait3A_2882 = tpu.memref_slice %arg12[%run_scoped3A_2483, %dma_wait3A_2881] : memref<2x80xi32, #tpu.memory_space<vmem>> -> memref<1x80xi32, #tpu.memory_space<vmem>>
        %dma_wait3A_2883 = tpu.memref_squeeze %dma_wait3A_2882 : memref<1x80xi32, #tpu.memory_space<vmem>> -> memref<80xi32, #tpu.memory_space<vmem>>
        %dma_wait3A_2884 = arith.constant 0 : i32
        %dma_wait3A_2885 = arith.constant 0 : i32
        %dma_wait3A_2886 = tpu.memref_slice %arg19[%dma_wait3A_2884, %dma_wait3A_2885] : memref<10240x128xf32, #tpu.memory_space<vmem_shared>> -> memref<10240x128xf32, #tpu.memory_space<vmem_shared>>
        tpu.wait_indirect_dma semaphore(%run_scoped3A_2874 : memref<!tpu.dma_semaphore, #tpu.memory_space<semaphore_mem>>) src(%arg8 : memref<80x128xf32, #tpu.memory_space<vmem>>) dst(%dma_wait3A_2886 : memref<10240x128xf32, #tpu.memory_space<vmem_shared>>)
        tpu.yield
      }) : () -> ()
      %add3A_2484 = arith.constant 8 : i32
      %add3A_2485 = arith.addi %add3A_2475, %add3A_2484 : i32
      %mul3A_2486 = arith.constant 80 : i32
      %mul3A_2487 = arith.muli %add3A_2485, %mul3A_2486 : i32
      %add3A_2488 = arith.addi %mul3A_2, %mul3A_2487 : i32
      %multiple_of3A_2489 = tpu.assume_multiple %add3A_2488, 80 : i32
      %dma_start3A_2490 = arith.constant 0 : i32
      %dma_start3A_2491 = arith.constant 0 : i32
      %dma_start3A_2492 = tpu.memref_slice %arg12[%dma_start3A_2490, %dma_start3A_2491] : memref<2x80xi32, #tpu.memory_space<vmem>> -> memref<1x80xi32, #tpu.memory_space<vmem>>
      %dma_start3A_2493 = tpu.memref_squeeze %dma_start3A_2492 : memref<1x80xi32, #tpu.memory_space<vmem>> -> memref<80xi32, #tpu.memory_space<vmem>>
      %dma_start3A_2494 = tpu.memref_slice %arg2[%multiple_of3A_2489] : memref<640000xi32, #tpu.memory_space<hbm>> -> memref<80xi32, #tpu.memory_space<hbm>>
      %dma_start3A_2495 = arith.constant 0 : i32
      %dma_start3A_2496 = tpu.memref_slice %arg12[%dma_start3A_2490, %dma_start3A_2495] : memref<2x80xi32, #tpu.memory_space<vmem>> -> memref<1x80xi32, #tpu.memory_space<vmem>>
      %dma_start3A_2497 = tpu.memref_squeeze %dma_start3A_2496 : memref<1x80xi32, #tpu.memory_space<vmem>> -> memref<80xi32, #tpu.memory_space<vmem>>
      %dma_start3A_2498 = tpu.memref_slice %arg2[%multiple_of3A_2489] : memref<640000xi32, #tpu.memory_space<hbm>> -> memref<80xi32, #tpu.memory_space<hbm>>
      tpu.enqueue_dma source(%dma_start3A_2498 : memref<80xi32, #tpu.memory_space<hbm>>) target(%dma_start3A_2497 : memref<80xi32, #tpu.memory_space<vmem>>) target_semaphore(%arg26 : memref<!tpu.dma_semaphore, #tpu.memory_space<semaphore_mem>>)
      %add3A_2499 = arith.constant 320000 : i32
      %add3A_2500 = arith.addi %add3A_2499, %multiple_of3A_2489 : i32
      %dma_start3A_2501 = arith.constant 1 : i32
      %dma_start3A_2502 = arith.constant 0 : i32
      %dma_start3A_2503 = tpu.memref_slice %arg12[%dma_start3A_2501, %dma_start3A_2502] : memref<2x80xi32, #tpu.memory_space<vmem>> -> memref<1x80xi32, #tpu.memory_space<vmem>>
      %dma_start3A_2504 = tpu.memref_squeeze %dma_start3A_2503 : memref<1x80xi32, #tpu.memory_space<vmem>> -> memref<80xi32, #tpu.memory_space<vmem>>
      %dma_start3A_2505 = tpu.memref_slice %arg2[%add3A_2500] : memref<640000xi32, #tpu.memory_space<hbm>> -> memref<80xi32, #tpu.memory_space<hbm>>
      %dma_start3A_2506 = arith.constant 0 : i32
      %dma_start3A_2507 = tpu.memref_slice %arg12[%dma_start3A_2501, %dma_start3A_2506] : memref<2x80xi32, #tpu.memory_space<vmem>> -> memref<1x80xi32, #tpu.memory_space<vmem>>
      %dma_start3A_2508 = tpu.memref_squeeze %dma_start3A_2507 : memref<1x80xi32, #tpu.memory_space<vmem>> -> memref<80xi32, #tpu.memory_space<vmem>>
      %dma_start3A_2509 = tpu.memref_slice %arg2[%add3A_2500] : memref<640000xi32, #tpu.memory_space<hbm>> -> memref<80xi32, #tpu.memory_space<hbm>>
      tpu.enqueue_dma source(%dma_start3A_2509 : memref<80xi32, #tpu.memory_space<hbm>>) target(%dma_start3A_2508 : memref<80xi32, #tpu.memory_space<vmem>>) target_semaphore(%arg26 : memref<!tpu.dma_semaphore, #tpu.memory_space<semaphore_mem>>)
      %dma_wait3A_2510 = arith.constant 0 : i32
      %dma_wait3A_2511 = arith.constant 0 : i32
      %dma_wait3A_2512 = tpu.memref_slice %arg16[%dma_wait3A_2510, %dma_wait3A_2511] : memref<2x80xi32, #tpu.memory_space<vmem>> -> memref<1x80xi32, #tpu.memory_space<vmem>>
      %dma_wait3A_2513 = tpu.memref_squeeze %dma_wait3A_2512 : memref<1x80xi32, #tpu.memory_space<vmem>> -> memref<80xi32, #tpu.memory_space<vmem>>
      %dma_wait3A_2514 = arith.constant 0 : i32
      %dma_wait3A_2515 = tpu.memref_slice %arg2[%dma_wait3A_2514] : memref<640000xi32, #tpu.memory_space<hbm>> -> memref<80xi32, #tpu.memory_space<hbm>>
      %dma_wait3A_2516 = arith.constant 0 : i32
      %dma_wait3A_2517 = tpu.memref_slice %arg16[%dma_wait3A_2510, %dma_wait3A_2516] : memref<2x80xi32, #tpu.memory_space<vmem>> -> memref<1x80xi32, #tpu.memory_space<vmem>>
      %dma_wait3A_2518 = tpu.memref_squeeze %dma_wait3A_2517 : memref<1x80xi32, #tpu.memory_space<vmem>> -> memref<80xi32, #tpu.memory_space<vmem>>
      %dma_wait3A_2519 = arith.constant 0 : i32
      %dma_wait3A_2520 = tpu.memref_slice %arg2[%dma_wait3A_2519] : memref<640000xi32, #tpu.memory_space<hbm>> -> memref<80xi32, #tpu.memory_space<hbm>>
      tpu.wait_dma2 semaphore(%arg30 : memref<!tpu.dma_semaphore, #tpu.memory_space<semaphore_mem>>) src(%dma_wait3A_2520 : memref<80xi32, #tpu.memory_space<hbm>>) dst(%dma_wait3A_2518 : memref<80xi32, #tpu.memory_space<vmem>>)
      %dma_wait3A_2521 = arith.constant 1 : i32
      %dma_wait3A_2522 = arith.constant 0 : i32
      %dma_wait3A_2523 = tpu.memref_slice %arg16[%dma_wait3A_2521, %dma_wait3A_2522] : memref<2x80xi32, #tpu.memory_space<vmem>> -> memref<1x80xi32, #tpu.memory_space<vmem>>
      %dma_wait3A_2524 = tpu.memref_squeeze %dma_wait3A_2523 : memref<1x80xi32, #tpu.memory_space<vmem>> -> memref<80xi32, #tpu.memory_space<vmem>>
      %dma_wait3A_2525 = arith.constant 0 : i32
      %dma_wait3A_2526 = tpu.memref_slice %arg2[%dma_wait3A_2525] : memref<640000xi32, #tpu.memory_space<hbm>> -> memref<80xi32, #tpu.memory_space<hbm>>
      %dma_wait3A_2527 = arith.constant 0 : i32
      %dma_wait3A_2528 = tpu.memref_slice %arg16[%dma_wait3A_2521, %dma_wait3A_2527] : memref<2x80xi32, #tpu.memory_space<vmem>> -> memref<1x80xi32, #tpu.memory_space<vmem>>
      %dma_wait3A_2529 = tpu.memref_squeeze %dma_wait3A_2528 : memref<1x80xi32, #tpu.memory_space<vmem>> -> memref<80xi32, #tpu.memory_space<vmem>>
      %dma_wait3A_2530 = arith.constant 0 : i32
      %dma_wait3A_2531 = tpu.memref_slice %arg2[%dma_wait3A_2530] : memref<640000xi32, #tpu.memory_space<hbm>> -> memref<80xi32, #tpu.memory_space<hbm>>
      tpu.wait_dma2 semaphore(%arg30 : memref<!tpu.dma_semaphore, #tpu.memory_space<semaphore_mem>>) src(%dma_wait3A_2531 : memref<80xi32, #tpu.memory_space<hbm>>) dst(%dma_wait3A_2529 : memref<80xi32, #tpu.memory_space<vmem>>)
      %dma_start3A_2532 = arith.constant 0 : i32
      %dma_start3A_2533 = arith.constant 0 : i32
      %dma_start3A_2534 = tpu.memref_slice %arg16[%dma_start3A_2532, %dma_start3A_2533] : memref<2x80xi32, #tpu.memory_space<vmem>> -> memref<1x80xi32, #tpu.memory_space<vmem>>
      %dma_start3A_2535 = tpu.memref_squeeze %dma_start3A_2534 : memref<1x80xi32, #tpu.memory_space<vmem>> -> memref<80xi32, #tpu.memory_space<vmem>>
      %dma_start3A_2536 = arith.constant 0 : i32
      %dma_start3A_2537 = arith.constant 0 : i32
      %dma_start3A_2538 = tpu.memref_slice %arg3[%dma_start3A_2536, %dma_start3A_2537] : memref<10000x128xf32, #tpu.memory_space<hbm>> -> memref<10000x128xf32, #tpu.memory_space<hbm>>
      tpu.enqueue_indirect_dma source(%dma_start3A_2538 : memref<10000x128xf32, #tpu.memory_space<hbm>>) target(%arg8 : memref<80x128xf32, #tpu.memory_space<vmem>>) offsets(%dma_start3A_2535 : memref<80xi32, #tpu.memory_space<vmem>>) semaphore(%arg22 : memref<!tpu.dma_semaphore, #tpu.memory_space<semaphore_mem>>)
      %mul3A_2539 = arith.constant 8 : i32
      %mul3A_2540 = arith.muli %scan3A_2337, %mul3A_2539 : i32
      %add3A_2541 = arith.constant 3 : i32
      %add3A_2542 = arith.addi %mul3A_2540, %add3A_2541 : i32
      %dma_wait3A_2543 = arith.constant 0 : i32
      %dma_wait3A_2544 = arith.constant 0 : i32
      %dma_wait3A_2545 = tpu.memref_slice %arg13[%dma_wait3A_2543, %dma_wait3A_2544] : memref<2x80xi32, #tpu.memory_space<vmem>> -> memref<1x80xi32, #tpu.memory_space<vmem>>
      %dma_wait3A_2546 = tpu.memref_squeeze %dma_wait3A_2545 : memref<1x80xi32, #tpu.memory_space<vmem>> -> memref<80xi32, #tpu.memory_space<vmem>>
      %dma_wait3A_2547 = arith.constant 0 : i32
      %dma_wait3A_2548 = arith.constant 0 : i32
      %dma_wait3A_2549 = tpu.memref_slice %arg3[%dma_wait3A_2547, %dma_wait3A_2548] : memref<10000x128xf32, #tpu.memory_space<hbm>> -> memref<10000x128xf32, #tpu.memory_space<hbm>>
      tpu.wait_indirect_dma semaphore(%arg23 : memref<!tpu.dma_semaphore, #tpu.memory_space<semaphore_mem>>) src(%dma_wait3A_2549 : memref<10000x128xf32, #tpu.memory_space<hbm>>) dst(%arg9 : memref<80x128xf32, #tpu.memory_space<vmem>>)
      %run_scoped3A_2550 = arith.constant 1 : i32
      "tpu.region"() ({
        %run_scoped3A_2874 = tpu.sem_alloc : memref<!tpu.dma_semaphore, #tpu.memory_space<semaphore_mem>>
        %dma_start3A_2875 = arith.constant 0 : i32
        %dma_start3A_2876 = tpu.memref_slice %arg13[%run_scoped3A_2550, %dma_start3A_2875] : memref<2x80xi32, #tpu.memory_space<vmem>> -> memref<1x80xi32, #tpu.memory_space<vmem>>
        %dma_start3A_2877 = tpu.memref_squeeze %dma_start3A_2876 : memref<1x80xi32, #tpu.memory_space<vmem>> -> memref<80xi32, #tpu.memory_space<vmem>>
        %dma_start3A_2878 = arith.constant 0 : i32
        %dma_start3A_2879 = arith.constant 0 : i32
        %dma_start3A_2880 = tpu.memref_slice %arg19[%dma_start3A_2878, %dma_start3A_2879] : memref<10240x128xf32, #tpu.memory_space<vmem_shared>> -> memref<10240x128xf32, #tpu.memory_space<vmem_shared>>
        tpu.enqueue_indirect_dma source(%arg9 : memref<80x128xf32, #tpu.memory_space<vmem>>) target(%dma_start3A_2880 : memref<10240x128xf32, #tpu.memory_space<vmem_shared>>) offsets(%dma_start3A_2877 : memref<80xi32, #tpu.memory_space<vmem>>) semaphore(%run_scoped3A_2874 : memref<!tpu.dma_semaphore, #tpu.memory_space<semaphore_mem>>) {add = true}
        %dma_wait3A_2881 = arith.constant 0 : i32
        %dma_wait3A_2882 = tpu.memref_slice %arg13[%run_scoped3A_2550, %dma_wait3A_2881] : memref<2x80xi32, #tpu.memory_space<vmem>> -> memref<1x80xi32, #tpu.memory_space<vmem>>
        %dma_wait3A_2883 = tpu.memref_squeeze %dma_wait3A_2882 : memref<1x80xi32, #tpu.memory_space<vmem>> -> memref<80xi32, #tpu.memory_space<vmem>>
        %dma_wait3A_2884 = arith.constant 0 : i32
        %dma_wait3A_2885 = arith.constant 0 : i32
        %dma_wait3A_2886 = tpu.memref_slice %arg19[%dma_wait3A_2884, %dma_wait3A_2885] : memref<10240x128xf32, #tpu.memory_space<vmem_shared>> -> memref<10240x128xf32, #tpu.memory_space<vmem_shared>>
        tpu.wait_indirect_dma semaphore(%run_scoped3A_2874 : memref<!tpu.dma_semaphore, #tpu.memory_space<semaphore_mem>>) src(%arg9 : memref<80x128xf32, #tpu.memory_space<vmem>>) dst(%dma_wait3A_2886 : memref<10240x128xf32, #tpu.memory_space<vmem_shared>>)
        tpu.yield
      }) : () -> ()
      %add3A_2551 = arith.constant 8 : i32
      %add3A_2552 = arith.addi %add3A_2542, %add3A_2551 : i32
      %mul3A_2553 = arith.constant 80 : i32
      %mul3A_2554 = arith.muli %add3A_2552, %mul3A_2553 : i32
      %add3A_2555 = arith.addi %mul3A_2, %mul3A_2554 : i32
      %multiple_of3A_2556 = tpu.assume_multiple %add3A_2555, 80 : i32
      %dma_start3A_2557 = arith.constant 0 : i32
      %dma_start3A_2558 = arith.constant 0 : i32
      %dma_start3A_2559 = tpu.memref_slice %arg13[%dma_start3A_2557, %dma_start3A_2558] : memref<2x80xi32, #tpu.memory_space<vmem>> -> memref<1x80xi32, #tpu.memory_space<vmem>>
      %dma_start3A_2560 = tpu.memref_squeeze %dma_start3A_2559 : memref<1x80xi32, #tpu.memory_space<vmem>> -> memref<80xi32, #tpu.memory_space<vmem>>
      %dma_start3A_2561 = tpu.memref_slice %arg2[%multiple_of3A_2556] : memref<640000xi32, #tpu.memory_space<hbm>> -> memref<80xi32, #tpu.memory_space<hbm>>
      %dma_start3A_2562 = arith.constant 0 : i32
      %dma_start3A_2563 = tpu.memref_slice %arg13[%dma_start3A_2557, %dma_start3A_2562] : memref<2x80xi32, #tpu.memory_space<vmem>> -> memref<1x80xi32, #tpu.memory_space<vmem>>
      %dma_start3A_2564 = tpu.memref_squeeze %dma_start3A_2563 : memref<1x80xi32, #tpu.memory_space<vmem>> -> memref<80xi32, #tpu.memory_space<vmem>>
      %dma_start3A_2565 = tpu.memref_slice %arg2[%multiple_of3A_2556] : memref<640000xi32, #tpu.memory_space<hbm>> -> memref<80xi32, #tpu.memory_space<hbm>>
      tpu.enqueue_dma source(%dma_start3A_2565 : memref<80xi32, #tpu.memory_space<hbm>>) target(%dma_start3A_2564 : memref<80xi32, #tpu.memory_space<vmem>>) target_semaphore(%arg27 : memref<!tpu.dma_semaphore, #tpu.memory_space<semaphore_mem>>)
      %add3A_2566 = arith.constant 320000 : i32
      %add3A_2567 = arith.addi %add3A_2566, %multiple_of3A_2556 : i32
      %dma_start3A_2568 = arith.constant 1 : i32
      %dma_start3A_2569 = arith.constant 0 : i32
      %dma_start3A_2570 = tpu.memref_slice %arg13[%dma_start3A_2568, %dma_start3A_2569] : memref<2x80xi32, #tpu.memory_space<vmem>> -> memref<1x80xi32, #tpu.memory_space<vmem>>
      %dma_start3A_2571 = tpu.memref_squeeze %dma_start3A_2570 : memref<1x80xi32, #tpu.memory_space<vmem>> -> memref<80xi32, #tpu.memory_space<vmem>>
      %dma_start3A_2572 = tpu.memref_slice %arg2[%add3A_2567] : memref<640000xi32, #tpu.memory_space<hbm>> -> memref<80xi32, #tpu.memory_space<hbm>>
      %dma_start3A_2573 = arith.constant 0 : i32
      %dma_start3A_2574 = tpu.memref_slice %arg13[%dma_start3A_2568, %dma_start3A_2573] : memref<2x80xi32, #tpu.memory_space<vmem>> -> memref<1x80xi32, #tpu.memory_space<vmem>>
      %dma_start3A_2575 = tpu.memref_squeeze %dma_start3A_2574 : memref<1x80xi32, #tpu.memory_space<vmem>> -> memref<80xi32, #tpu.memory_space<vmem>>
      %dma_start3A_2576 = tpu.memref_slice %arg2[%add3A_2567] : memref<640000xi32, #tpu.memory_space<hbm>> -> memref<80xi32, #tpu.memory_space<hbm>>
      tpu.enqueue_dma source(%dma_start3A_2576 : memref<80xi32, #tpu.memory_space<hbm>>) target(%dma_start3A_2575 : memref<80xi32, #tpu.memory_space<vmem>>) target_semaphore(%arg27 : memref<!tpu.dma_semaphore, #tpu.memory_space<semaphore_mem>>)
      %dma_wait3A_2577 = arith.constant 0 : i32
      %dma_wait3A_2578 = arith.constant 0 : i32
      %dma_wait3A_2579 = tpu.memref_slice %arg17[%dma_wait3A_2577, %dma_wait3A_2578] : memref<2x80xi32, #tpu.memory_space<vmem>> -> memref<1x80xi32, #tpu.memory_space<vmem>>
      %dma_wait3A_2580 = tpu.memref_squeeze %dma_wait3A_2579 : memref<1x80xi32, #tpu.memory_space<vmem>> -> memref<80xi32, #tpu.memory_space<vmem>>
      %dma_wait3A_2581 = arith.constant 0 : i32
      %dma_wait3A_2582 = tpu.memref_slice %arg2[%dma_wait3A_2581] : memref<640000xi32, #tpu.memory_space<hbm>> -> memref<80xi32, #tpu.memory_space<hbm>>
      %dma_wait3A_2583 = arith.constant 0 : i32
      %dma_wait3A_2584 = tpu.memref_slice %arg17[%dma_wait3A_2577, %dma_wait3A_2583] : memref<2x80xi32, #tpu.memory_space<vmem>> -> memref<1x80xi32, #tpu.memory_space<vmem>>
      %dma_wait3A_2585 = tpu.memref_squeeze %dma_wait3A_2584 : memref<1x80xi32, #tpu.memory_space<vmem>> -> memref<80xi32, #tpu.memory_space<vmem>>
      %dma_wait3A_2586 = arith.constant 0 : i32
      %dma_wait3A_2587 = tpu.memref_slice %arg2[%dma_wait3A_2586] : memref<640000xi32, #tpu.memory_space<hbm>> -> memref<80xi32, #tpu.memory_space<hbm>>
      tpu.wait_dma2 semaphore(%arg31 : memref<!tpu.dma_semaphore, #tpu.memory_space<semaphore_mem>>) src(%dma_wait3A_2587 : memref<80xi32, #tpu.memory_space<hbm>>) dst(%dma_wait3A_2585 : memref<80xi32, #tpu.memory_space<vmem>>)
      %dma_wait3A_2588 = arith.constant 1 : i32
      %dma_wait3A_2589 = arith.constant 0 : i32
      %dma_wait3A_2590 = tpu.memref_slice %arg17[%dma_wait3A_2588, %dma_wait3A_2589] : memref<2x80xi32, #tpu.memory_space<vmem>> -> memref<1x80xi32, #tpu.memory_space<vmem>>
      %dma_wait3A_2591 = tpu.memref_squeeze %dma_wait3A_2590 : memref<1x80xi32, #tpu.memory_space<vmem>> -> memref<80xi32, #tpu.memory_space<vmem>>
      %dma_wait3A_2592 = arith.constant 0 : i32
      %dma_wait3A_2593 = tpu.memref_slice %arg2[%dma_wait3A_2592] : memref<640000xi32, #tpu.memory_space<hbm>> -> memref<80xi32, #tpu.memory_space<hbm>>
      %dma_wait3A_2594 = arith.constant 0 : i32
      %dma_wait3A_2595 = tpu.memref_slice %arg17[%dma_wait3A_2588, %dma_wait3A_2594] : memref<2x80xi32, #tpu.memory_space<vmem>> -> memref<1x80xi32, #tpu.memory_space<vmem>>
      %dma_wait3A_2596 = tpu.memref_squeeze %dma_wait3A_2595 : memref<1x80xi32, #tpu.memory_space<vmem>> -> memref<80xi32, #tpu.memory_space<vmem>>
      %dma_wait3A_2597 = arith.constant 0 : i32
      %dma_wait3A_2598 = tpu.memref_slice %arg2[%dma_wait3A_2597] : memref<640000xi32, #tpu.memory_space<hbm>> -> memref<80xi32, #tpu.memory_space<hbm>>
      tpu.wait_dma2 semaphore(%arg31 : memref<!tpu.dma_semaphore, #tpu.memory_space<semaphore_mem>>) src(%dma_wait3A_2598 : memref<80xi32, #tpu.memory_space<hbm>>) dst(%dma_wait3A_2596 : memref<80xi32, #tpu.memory_space<vmem>>)
      %dma_start3A_2599 = arith.constant 0 : i32
      %dma_start3A_2600 = arith.constant 0 : i32
      %dma_start3A_2601 = tpu.memref_slice %arg17[%dma_start3A_2599, %dma_start3A_2600] : memref<2x80xi32, #tpu.memory_space<vmem>> -> memref<1x80xi32, #tpu.memory_space<vmem>>
      %dma_start3A_2602 = tpu.memref_squeeze %dma_start3A_2601 : memref<1x80xi32, #tpu.memory_space<vmem>> -> memref<80xi32, #tpu.memory_space<vmem>>
      %dma_start3A_2603 = arith.constant 0 : i32
      %dma_start3A_2604 = arith.constant 0 : i32
      %dma_start3A_2605 = tpu.memref_slice %arg3[%dma_start3A_2603, %dma_start3A_2604] : memref<10000x128xf32, #tpu.memory_space<hbm>> -> memref<10000x128xf32, #tpu.memory_space<hbm>>
      tpu.enqueue_indirect_dma source(%dma_start3A_2605 : memref<10000x128xf32, #tpu.memory_space<hbm>>) target(%arg9 : memref<80x128xf32, #tpu.memory_space<vmem>>) offsets(%dma_start3A_2602 : memref<80xi32, #tpu.memory_space<vmem>>) semaphore(%arg23 : memref<!tpu.dma_semaphore, #tpu.memory_space<semaphore_mem>>)
      %mul3A_2606 = arith.constant 8 : i32
      %mul3A_2607 = arith.muli %scan3A_2337, %mul3A_2606 : i32
      %add3A_2608 = arith.constant 4 : i32
      %add3A_2609 = arith.addi %mul3A_2607, %add3A_2608 : i32
      %dma_wait3A_2610 = arith.constant 0 : i32
      %dma_wait3A_2611 = arith.constant 0 : i32
      %dma_wait3A_2612 = tpu.memref_slice %arg14[%dma_wait3A_2610, %dma_wait3A_2611] : memref<2x80xi32, #tpu.memory_space<vmem>> -> memref<1x80xi32, #tpu.memory_space<vmem>>
      %dma_wait3A_2613 = tpu.memref_squeeze %dma_wait3A_2612 : memref<1x80xi32, #tpu.memory_space<vmem>> -> memref<80xi32, #tpu.memory_space<vmem>>
      %dma_wait3A_2614 = arith.constant 0 : i32
      %dma_wait3A_2615 = arith.constant 0 : i32
      %dma_wait3A_2616 = tpu.memref_slice %arg3[%dma_wait3A_2614, %dma_wait3A_2615] : memref<10000x128xf32, #tpu.memory_space<hbm>> -> memref<10000x128xf32, #tpu.memory_space<hbm>>
      tpu.wait_indirect_dma semaphore(%arg20 : memref<!tpu.dma_semaphore, #tpu.memory_space<semaphore_mem>>) src(%dma_wait3A_2616 : memref<10000x128xf32, #tpu.memory_space<hbm>>) dst(%arg6 : memref<80x128xf32, #tpu.memory_space<vmem>>)
      %run_scoped3A_2617 = arith.constant 1 : i32
      "tpu.region"() ({
        %run_scoped3A_2874 = tpu.sem_alloc : memref<!tpu.dma_semaphore, #tpu.memory_space<semaphore_mem>>
        %dma_start3A_2875 = arith.constant 0 : i32
        %dma_start3A_2876 = tpu.memref_slice %arg14[%run_scoped3A_2617, %dma_start3A_2875] : memref<2x80xi32, #tpu.memory_space<vmem>> -> memref<1x80xi32, #tpu.memory_space<vmem>>
        %dma_start3A_2877 = tpu.memref_squeeze %dma_start3A_2876 : memref<1x80xi32, #tpu.memory_space<vmem>> -> memref<80xi32, #tpu.memory_space<vmem>>
        %dma_start3A_2878 = arith.constant 0 : i32
        %dma_start3A_2879 = arith.constant 0 : i32
        %dma_start3A_2880 = tpu.memref_slice %arg19[%dma_start3A_2878, %dma_start3A_2879] : memref<10240x128xf32, #tpu.memory_space<vmem_shared>> -> memref<10240x128xf32, #tpu.memory_space<vmem_shared>>
        tpu.enqueue_indirect_dma source(%arg6 : memref<80x128xf32, #tpu.memory_space<vmem>>) target(%dma_start3A_2880 : memref<10240x128xf32, #tpu.memory_space<vmem_shared>>) offsets(%dma_start3A_2877 : memref<80xi32, #tpu.memory_space<vmem>>) semaphore(%run_scoped3A_2874 : memref<!tpu.dma_semaphore, #tpu.memory_space<semaphore_mem>>) {add = true}
        %dma_wait3A_2881 = arith.constant 0 : i32
        %dma_wait3A_2882 = tpu.memref_slice %arg14[%run_scoped3A_2617, %dma_wait3A_2881] : memref<2x80xi32, #tpu.memory_space<vmem>> -> memref<1x80xi32, #tpu.memory_space<vmem>>
        %dma_wait3A_2883 = tpu.memref_squeeze %dma_wait3A_2882 : memref<1x80xi32, #tpu.memory_space<vmem>> -> memref<80xi32, #tpu.memory_space<vmem>>
        %dma_wait3A_2884 = arith.constant 0 : i32
        %dma_wait3A_2885 = arith.constant 0 : i32
        %dma_wait3A_2886 = tpu.memref_slice %arg19[%dma_wait3A_2884, %dma_wait3A_2885] : memref<10240x128xf32, #tpu.memory_space<vmem_shared>> -> memref<10240x128xf32, #tpu.memory_space<vmem_shared>>
        tpu.wait_indirect_dma semaphore(%run_scoped3A_2874 : memref<!tpu.dma_semaphore, #tpu.memory_space<semaphore_mem>>) src(%arg6 : memref<80x128xf32, #tpu.memory_space<vmem>>) dst(%dma_wait3A_2886 : memref<10240x128xf32, #tpu.memory_space<vmem_shared>>)
        tpu.yield
      }) : () -> ()
      %add3A_2618 = arith.constant 8 : i32
      %add3A_2619 = arith.addi %add3A_2609, %add3A_2618 : i32
      %mul3A_2620 = arith.constant 80 : i32
      %mul3A_2621 = arith.muli %add3A_2619, %mul3A_2620 : i32
      %add3A_2622 = arith.addi %mul3A_2, %mul3A_2621 : i32
      %multiple_of3A_2623 = tpu.assume_multiple %add3A_2622, 80 : i32
      %dma_start3A_2624 = arith.constant 0 : i32
      %dma_start3A_2625 = arith.constant 0 : i32
      %dma_start3A_2626 = tpu.memref_slice %arg14[%dma_start3A_2624, %dma_start3A_2625] : memref<2x80xi32, #tpu.memory_space<vmem>> -> memref<1x80xi32, #tpu.memory_space<vmem>>
      %dma_start3A_2627 = tpu.memref_squeeze %dma_start3A_2626 : memref<1x80xi32, #tpu.memory_space<vmem>> -> memref<80xi32, #tpu.memory_space<vmem>>
      %dma_start3A_2628 = tpu.memref_slice %arg2[%multiple_of3A_2623] : memref<640000xi32, #tpu.memory_space<hbm>> -> memref<80xi32, #tpu.memory_space<hbm>>
      %dma_start3A_2629 = arith.constant 0 : i32
      %dma_start3A_2630 = tpu.memref_slice %arg14[%dma_start3A_2624, %dma_start3A_2629] : memref<2x80xi32, #tpu.memory_space<vmem>> -> memref<1x80xi32, #tpu.memory_space<vmem>>
      %dma_start3A_2631 = tpu.memref_squeeze %dma_start3A_2630 : memref<1x80xi32, #tpu.memory_space<vmem>> -> memref<80xi32, #tpu.memory_space<vmem>>
      %dma_start3A_2632 = tpu.memref_slice %arg2[%multiple_of3A_2623] : memref<640000xi32, #tpu.memory_space<hbm>> -> memref<80xi32, #tpu.memory_space<hbm>>
      tpu.enqueue_dma source(%dma_start3A_2632 : memref<80xi32, #tpu.memory_space<hbm>>) target(%dma_start3A_2631 : memref<80xi32, #tpu.memory_space<vmem>>) target_semaphore(%arg28 : memref<!tpu.dma_semaphore, #tpu.memory_space<semaphore_mem>>)
      %add3A_2633 = arith.constant 320000 : i32
      %add3A_2634 = arith.addi %add3A_2633, %multiple_of3A_2623 : i32
      %dma_start3A_2635 = arith.constant 1 : i32
      %dma_start3A_2636 = arith.constant 0 : i32
      %dma_start3A_2637 = tpu.memref_slice %arg14[%dma_start3A_2635, %dma_start3A_2636] : memref<2x80xi32, #tpu.memory_space<vmem>> -> memref<1x80xi32, #tpu.memory_space<vmem>>
      %dma_start3A_2638 = tpu.memref_squeeze %dma_start3A_2637 : memref<1x80xi32, #tpu.memory_space<vmem>> -> memref<80xi32, #tpu.memory_space<vmem>>
      %dma_start3A_2639 = tpu.memref_slice %arg2[%add3A_2634] : memref<640000xi32, #tpu.memory_space<hbm>> -> memref<80xi32, #tpu.memory_space<hbm>>
      %dma_start3A_2640 = arith.constant 0 : i32
      %dma_start3A_2641 = tpu.memref_slice %arg14[%dma_start3A_2635, %dma_start3A_2640] : memref<2x80xi32, #tpu.memory_space<vmem>> -> memref<1x80xi32, #tpu.memory_space<vmem>>
      %dma_start3A_2642 = tpu.memref_squeeze %dma_start3A_2641 : memref<1x80xi32, #tpu.memory_space<vmem>> -> memref<80xi32, #tpu.memory_space<vmem>>
      %dma_start3A_2643 = tpu.memref_slice %arg2[%add3A_2634] : memref<640000xi32, #tpu.memory_space<hbm>> -> memref<80xi32, #tpu.memory_space<hbm>>
      tpu.enqueue_dma source(%dma_start3A_2643 : memref<80xi32, #tpu.memory_space<hbm>>) target(%dma_start3A_2642 : memref<80xi32, #tpu.memory_space<vmem>>) target_semaphore(%arg28 : memref<!tpu.dma_semaphore, #tpu.memory_space<semaphore_mem>>)
      %dma_wait3A_2644 = arith.constant 0 : i32
      %dma_wait3A_2645 = arith.constant 0 : i32
      %dma_wait3A_2646 = tpu.memref_slice %arg10[%dma_wait3A_2644, %dma_wait3A_2645] : memref<2x80xi32, #tpu.memory_space<vmem>> -> memref<1x80xi32, #tpu.memory_space<vmem>>
      %dma_wait3A_2647 = tpu.memref_squeeze %dma_wait3A_2646 : memref<1x80xi32, #tpu.memory_space<vmem>> -> memref<80xi32, #tpu.memory_space<vmem>>
      %dma_wait3A_2648 = arith.constant 0 : i32
      %dma_wait3A_2649 = tpu.memref_slice %arg2[%dma_wait3A_2648] : memref<640000xi32, #tpu.memory_space<hbm>> -> memref<80xi32, #tpu.memory_space<hbm>>
      %dma_wait3A_2650 = arith.constant 0 : i32
      %dma_wait3A_2651 = tpu.memref_slice %arg10[%dma_wait3A_2644, %dma_wait3A_2650] : memref<2x80xi32, #tpu.memory_space<vmem>> -> memref<1x80xi32, #tpu.memory_space<vmem>>
      %dma_wait3A_2652 = tpu.memref_squeeze %dma_wait3A_2651 : memref<1x80xi32, #tpu.memory_space<vmem>> -> memref<80xi32, #tpu.memory_space<vmem>>
      %dma_wait3A_2653 = arith.constant 0 : i32
      %dma_wait3A_2654 = tpu.memref_slice %arg2[%dma_wait3A_2653] : memref<640000xi32, #tpu.memory_space<hbm>> -> memref<80xi32, #tpu.memory_space<hbm>>
      tpu.wait_dma2 semaphore(%arg24 : memref<!tpu.dma_semaphore, #tpu.memory_space<semaphore_mem>>) src(%dma_wait3A_2654 : memref<80xi32, #tpu.memory_space<hbm>>) dst(%dma_wait3A_2652 : memref<80xi32, #tpu.memory_space<vmem>>)
      %dma_wait3A_2655 = arith.constant 1 : i32
      %dma_wait3A_2656 = arith.constant 0 : i32
      %dma_wait3A_2657 = tpu.memref_slice %arg10[%dma_wait3A_2655, %dma_wait3A_2656] : memref<2x80xi32, #tpu.memory_space<vmem>> -> memref<1x80xi32, #tpu.memory_space<vmem>>
      %dma_wait3A_2658 = tpu.memref_squeeze %dma_wait3A_2657 : memref<1x80xi32, #tpu.memory_space<vmem>> -> memref<80xi32, #tpu.memory_space<vmem>>
      %dma_wait3A_2659 = arith.constant 0 : i32
      %dma_wait3A_2660 = tpu.memref_slice %arg2[%dma_wait3A_2659] : memref<640000xi32, #tpu.memory_space<hbm>> -> memref<80xi32, #tpu.memory_space<hbm>>
      %dma_wait3A_2661 = arith.constant 0 : i32
      %dma_wait3A_2662 = tpu.memref_slice %arg10[%dma_wait3A_2655, %dma_wait3A_2661] : memref<2x80xi32, #tpu.memory_space<vmem>> -> memref<1x80xi32, #tpu.memory_space<vmem>>
      %dma_wait3A_2663 = tpu.memref_squeeze %dma_wait3A_2662 : memref<1x80xi32, #tpu.memory_space<vmem>> -> memref<80xi32, #tpu.memory_space<vmem>>
      %dma_wait3A_2664 = arith.constant 0 : i32
      %dma_wait3A_2665 = tpu.memref_slice %arg2[%dma_wait3A_2664] : memref<640000xi32, #tpu.memory_space<hbm>> -> memref<80xi32, #tpu.memory_space<hbm>>
      tpu.wait_dma2 semaphore(%arg24 : memref<!tpu.dma_semaphore, #tpu.memory_space<semaphore_mem>>) src(%dma_wait3A_2665 : memref<80xi32, #tpu.memory_space<hbm>>) dst(%dma_wait3A_2663 : memref<80xi32, #tpu.memory_space<vmem>>)
      %dma_start3A_2666 = arith.constant 0 : i32
      %dma_start3A_2667 = arith.constant 0 : i32
      %dma_start3A_2668 = tpu.memref_slice %arg10[%dma_start3A_2666, %dma_start3A_2667] : memref<2x80xi32, #tpu.memory_space<vmem>> -> memref<1x80xi32, #tpu.memory_space<vmem>>
      %dma_start3A_2669 = tpu.memref_squeeze %dma_start3A_2668 : memref<1x80xi32, #tpu.memory_space<vmem>> -> memref<80xi32, #tpu.memory_space<vmem>>
      %dma_start3A_2670 = arith.constant 0 : i32
      %dma_start3A_2671 = arith.constant 0 : i32
      %dma_start3A_2672 = tpu.memref_slice %arg3[%dma_start3A_2670, %dma_start3A_2671] : memref<10000x128xf32, #tpu.memory_space<hbm>> -> memref<10000x128xf32, #tpu.memory_space<hbm>>
      tpu.enqueue_indirect_dma source(%dma_start3A_2672 : memref<10000x128xf32, #tpu.memory_space<hbm>>) target(%arg6 : memref<80x128xf32, #tpu.memory_space<vmem>>) offsets(%dma_start3A_2669 : memref<80xi32, #tpu.memory_space<vmem>>) semaphore(%arg20 : memref<!tpu.dma_semaphore, #tpu.memory_space<semaphore_mem>>)
      %mul3A_2673 = arith.constant 8 : i32
      %mul3A_2674 = arith.muli %scan3A_2337, %mul3A_2673 : i32
      %add3A_2675 = arith.constant 5 : i32
      %add3A_2676 = arith.addi %mul3A_2674, %add3A_2675 : i32
      %dma_wait3A_2677 = arith.constant 0 : i32
      %dma_wait3A_2678 = arith.constant 0 : i32
      %dma_wait3A_2679 = tpu.memref_slice %arg15[%dma_wait3A_2677, %dma_wait3A_2678] : memref<2x80xi32, #tpu.memory_space<vmem>> -> memref<1x80xi32, #tpu.memory_space<vmem>>
      %dma_wait3A_2680 = tpu.memref_squeeze %dma_wait3A_2679 : memref<1x80xi32, #tpu.memory_space<vmem>> -> memref<80xi32, #tpu.memory_space<vmem>>
      %dma_wait3A_2681 = arith.constant 0 : i32
      %dma_wait3A_2682 = arith.constant 0 : i32
      %dma_wait3A_2683 = tpu.memref_slice %arg3[%dma_wait3A_2681, %dma_wait3A_2682] : memref<10000x128xf32, #tpu.memory_space<hbm>> -> memref<10000x128xf32, #tpu.memory_space<hbm>>
      tpu.wait_indirect_dma semaphore(%arg21 : memref<!tpu.dma_semaphore, #tpu.memory_space<semaphore_mem>>) src(%dma_wait3A_2683 : memref<10000x128xf32, #tpu.memory_space<hbm>>) dst(%arg7 : memref<80x128xf32, #tpu.memory_space<vmem>>)
      %run_scoped3A_2684 = arith.constant 1 : i32
      "tpu.region"() ({
        %run_scoped3A_2874 = tpu.sem_alloc : memref<!tpu.dma_semaphore, #tpu.memory_space<semaphore_mem>>
        %dma_start3A_2875 = arith.constant 0 : i32
        %dma_start3A_2876 = tpu.memref_slice %arg15[%run_scoped3A_2684, %dma_start3A_2875] : memref<2x80xi32, #tpu.memory_space<vmem>> -> memref<1x80xi32, #tpu.memory_space<vmem>>
        %dma_start3A_2877 = tpu.memref_squeeze %dma_start3A_2876 : memref<1x80xi32, #tpu.memory_space<vmem>> -> memref<80xi32, #tpu.memory_space<vmem>>
        %dma_start3A_2878 = arith.constant 0 : i32
        %dma_start3A_2879 = arith.constant 0 : i32
        %dma_start3A_2880 = tpu.memref_slice %arg19[%dma_start3A_2878, %dma_start3A_2879] : memref<10240x128xf32, #tpu.memory_space<vmem_shared>> -> memref<10240x128xf32, #tpu.memory_space<vmem_shared>>
        tpu.enqueue_indirect_dma source(%arg7 : memref<80x128xf32, #tpu.memory_space<vmem>>) target(%dma_start3A_2880 : memref<10240x128xf32, #tpu.memory_space<vmem_shared>>) offsets(%dma_start3A_2877 : memref<80xi32, #tpu.memory_space<vmem>>) semaphore(%run_scoped3A_2874 : memref<!tpu.dma_semaphore, #tpu.memory_space<semaphore_mem>>) {add = true}
        %dma_wait3A_2881 = arith.constant 0 : i32
        %dma_wait3A_2882 = tpu.memref_slice %arg15[%run_scoped3A_2684, %dma_wait3A_2881] : memref<2x80xi32, #tpu.memory_space<vmem>> -> memref<1x80xi32, #tpu.memory_space<vmem>>
        %dma_wait3A_2883 = tpu.memref_squeeze %dma_wait3A_2882 : memref<1x80xi32, #tpu.memory_space<vmem>> -> memref<80xi32, #tpu.memory_space<vmem>>
        %dma_wait3A_2884 = arith.constant 0 : i32
        %dma_wait3A_2885 = arith.constant 0 : i32
        %dma_wait3A_2886 = tpu.memref_slice %arg19[%dma_wait3A_2884, %dma_wait3A_2885] : memref<10240x128xf32, #tpu.memory_space<vmem_shared>> -> memref<10240x128xf32, #tpu.memory_space<vmem_shared>>
        tpu.wait_indirect_dma semaphore(%run_scoped3A_2874 : memref<!tpu.dma_semaphore, #tpu.memory_space<semaphore_mem>>) src(%arg7 : memref<80x128xf32, #tpu.memory_space<vmem>>) dst(%dma_wait3A_2886 : memref<10240x128xf32, #tpu.memory_space<vmem_shared>>)
        tpu.yield
      }) : () -> ()
      %add3A_2685 = arith.constant 8 : i32
      %add3A_2686 = arith.addi %add3A_2676, %add3A_2685 : i32
      %mul3A_2687 = arith.constant 80 : i32
      %mul3A_2688 = arith.muli %add3A_2686, %mul3A_2687 : i32
      %add3A_2689 = arith.addi %mul3A_2, %mul3A_2688 : i32
      %multiple_of3A_2690 = tpu.assume_multiple %add3A_2689, 80 : i32
      %dma_start3A_2691 = arith.constant 0 : i32
      %dma_start3A_2692 = arith.constant 0 : i32
      %dma_start3A_2693 = tpu.memref_slice %arg15[%dma_start3A_2691, %dma_start3A_2692] : memref<2x80xi32, #tpu.memory_space<vmem>> -> memref<1x80xi32, #tpu.memory_space<vmem>>
      %dma_start3A_2694 = tpu.memref_squeeze %dma_start3A_2693 : memref<1x80xi32, #tpu.memory_space<vmem>> -> memref<80xi32, #tpu.memory_space<vmem>>
      %dma_start3A_2695 = tpu.memref_slice %arg2[%multiple_of3A_2690] : memref<640000xi32, #tpu.memory_space<hbm>> -> memref<80xi32, #tpu.memory_space<hbm>>
      %dma_start3A_2696 = arith.constant 0 : i32
      %dma_start3A_2697 = tpu.memref_slice %arg15[%dma_start3A_2691, %dma_start3A_2696] : memref<2x80xi32, #tpu.memory_space<vmem>> -> memref<1x80xi32, #tpu.memory_space<vmem>>
      %dma_start3A_2698 = tpu.memref_squeeze %dma_start3A_2697 : memref<1x80xi32, #tpu.memory_space<vmem>> -> memref<80xi32, #tpu.memory_space<vmem>>
      %dma_start3A_2699 = tpu.memref_slice %arg2[%multiple_of3A_2690] : memref<640000xi32, #tpu.memory_space<hbm>> -> memref<80xi32, #tpu.memory_space<hbm>>
      tpu.enqueue_dma source(%dma_start3A_2699 : memref<80xi32, #tpu.memory_space<hbm>>) target(%dma_start3A_2698 : memref<80xi32, #tpu.memory_space<vmem>>) target_semaphore(%arg29 : memref<!tpu.dma_semaphore, #tpu.memory_space<semaphore_mem>>)
      %add3A_2700 = arith.constant 320000 : i32
      %add3A_2701 = arith.addi %add3A_2700, %multiple_of3A_2690 : i32
      %dma_start3A_2702 = arith.constant 1 : i32
      %dma_start3A_2703 = arith.constant 0 : i32
      %dma_start3A_2704 = tpu.memref_slice %arg15[%dma_start3A_2702, %dma_start3A_2703] : memref<2x80xi32, #tpu.memory_space<vmem>> -> memref<1x80xi32, #tpu.memory_space<vmem>>
      %dma_start3A_2705 = tpu.memref_squeeze %dma_start3A_2704 : memref<1x80xi32, #tpu.memory_space<vmem>> -> memref<80xi32, #tpu.memory_space<vmem>>
      %dma_start3A_2706 = tpu.memref_slice %arg2[%add3A_2701] : memref<640000xi32, #tpu.memory_space<hbm>> -> memref<80xi32, #tpu.memory_space<hbm>>
      %dma_start3A_2707 = arith.constant 0 : i32
      %dma_start3A_2708 = tpu.memref_slice %arg15[%dma_start3A_2702, %dma_start3A_2707] : memref<2x80xi32, #tpu.memory_space<vmem>> -> memref<1x80xi32, #tpu.memory_space<vmem>>
      %dma_start3A_2709 = tpu.memref_squeeze %dma_start3A_2708 : memref<1x80xi32, #tpu.memory_space<vmem>> -> memref<80xi32, #tpu.memory_space<vmem>>
      %dma_start3A_2710 = tpu.memref_slice %arg2[%add3A_2701] : memref<640000xi32, #tpu.memory_space<hbm>> -> memref<80xi32, #tpu.memory_space<hbm>>
      tpu.enqueue_dma source(%dma_start3A_2710 : memref<80xi32, #tpu.memory_space<hbm>>) target(%dma_start3A_2709 : memref<80xi32, #tpu.memory_space<vmem>>) target_semaphore(%arg29 : memref<!tpu.dma_semaphore, #tpu.memory_space<semaphore_mem>>)
      %dma_wait3A_2711 = arith.constant 0 : i32
      %dma_wait3A_2712 = arith.constant 0 : i32
      %dma_wait3A_2713 = tpu.memref_slice %arg11[%dma_wait3A_2711, %dma_wait3A_2712] : memref<2x80xi32, #tpu.memory_space<vmem>> -> memref<1x80xi32, #tpu.memory_space<vmem>>
      %dma_wait3A_2714 = tpu.memref_squeeze %dma_wait3A_2713 : memref<1x80xi32, #tpu.memory_space<vmem>> -> memref<80xi32, #tpu.memory_space<vmem>>
      %dma_wait3A_2715 = arith.constant 0 : i32
      %dma_wait3A_2716 = tpu.memref_slice %arg2[%dma_wait3A_2715] : memref<640000xi32, #tpu.memory_space<hbm>> -> memref<80xi32, #tpu.memory_space<hbm>>
      %dma_wait3A_2717 = arith.constant 0 : i32
      %dma_wait3A_2718 = tpu.memref_slice %arg11[%dma_wait3A_2711, %dma_wait3A_2717] : memref<2x80xi32, #tpu.memory_space<vmem>> -> memref<1x80xi32, #tpu.memory_space<vmem>>
      %dma_wait3A_2719 = tpu.memref_squeeze %dma_wait3A_2718 : memref<1x80xi32, #tpu.memory_space<vmem>> -> memref<80xi32, #tpu.memory_space<vmem>>
      %dma_wait3A_2720 = arith.constant 0 : i32
      %dma_wait3A_2721 = tpu.memref_slice %arg2[%dma_wait3A_2720] : memref<640000xi32, #tpu.memory_space<hbm>> -> memref<80xi32, #tpu.memory_space<hbm>>
      tpu.wait_dma2 semaphore(%arg25 : memref<!tpu.dma_semaphore, #tpu.memory_space<semaphore_mem>>) src(%dma_wait3A_2721 : memref<80xi32, #tpu.memory_space<hbm>>) dst(%dma_wait3A_2719 : memref<80xi32, #tpu.memory_space<vmem>>)
      %dma_wait3A_2722 = arith.constant 1 : i32
      %dma_wait3A_2723 = arith.constant 0 : i32
      %dma_wait3A_2724 = tpu.memref_slice %arg11[%dma_wait3A_2722, %dma_wait3A_2723] : memref<2x80xi32, #tpu.memory_space<vmem>> -> memref<1x80xi32, #tpu.memory_space<vmem>>
      %dma_wait3A_2725 = tpu.memref_squeeze %dma_wait3A_2724 : memref<1x80xi32, #tpu.memory_space<vmem>> -> memref<80xi32, #tpu.memory_space<vmem>>
      %dma_wait3A_2726 = arith.constant 0 : i32
      %dma_wait3A_2727 = tpu.memref_slice %arg2[%dma_wait3A_2726] : memref<640000xi32, #tpu.memory_space<hbm>> -> memref<80xi32, #tpu.memory_space<hbm>>
      %dma_wait3A_2728 = arith.constant 0 : i32
      %dma_wait3A_2729 = tpu.memref_slice %arg11[%dma_wait3A_2722, %dma_wait3A_2728] : memref<2x80xi32, #tpu.memory_space<vmem>> -> memref<1x80xi32, #tpu.memory_space<vmem>>
      %dma_wait3A_2730 = tpu.memref_squeeze %dma_wait3A_2729 : memref<1x80xi32, #tpu.memory_space<vmem>> -> memref<80xi32, #tpu.memory_space<vmem>>
      %dma_wait3A_2731 = arith.constant 0 : i32
      %dma_wait3A_2732 = tpu.memref_slice %arg2[%dma_wait3A_2731] : memref<640000xi32, #tpu.memory_space<hbm>> -> memref<80xi32, #tpu.memory_space<hbm>>
      tpu.wait_dma2 semaphore(%arg25 : memref<!tpu.dma_semaphore, #tpu.memory_space<semaphore_mem>>) src(%dma_wait3A_2732 : memref<80xi32, #tpu.memory_space<hbm>>) dst(%dma_wait3A_2730 : memref<80xi32, #tpu.memory_space<vmem>>)
      %dma_start3A_2733 = arith.constant 0 : i32
      %dma_start3A_2734 = arith.constant 0 : i32
      %dma_start3A_2735 = tpu.memref_slice %arg11[%dma_start3A_2733, %dma_start3A_2734] : memref<2x80xi32, #tpu.memory_space<vmem>> -> memref<1x80xi32, #tpu.memory_space<vmem>>
      %dma_start3A_2736 = tpu.memref_squeeze %dma_start3A_2735 : memref<1x80xi32, #tpu.memory_space<vmem>> -> memref<80xi32, #tpu.memory_space<vmem>>
      %dma_start3A_2737 = arith.constant 0 : i32
      %dma_start3A_2738 = arith.constant 0 : i32
      %dma_start3A_2739 = tpu.memref_slice %arg3[%dma_start3A_2737, %dma_start3A_2738] : memref<10000x128xf32, #tpu.memory_space<hbm>> -> memref<10000x128xf32, #tpu.memory_space<hbm>>
      tpu.enqueue_indirect_dma source(%dma_start3A_2739 : memref<10000x128xf32, #tpu.memory_space<hbm>>) target(%arg7 : memref<80x128xf32, #tpu.memory_space<vmem>>) offsets(%dma_start3A_2736 : memref<80xi32, #tpu.memory_space<vmem>>) semaphore(%arg21 : memref<!tpu.dma_semaphore, #tpu.memory_space<semaphore_mem>>)
      %mul3A_2740 = arith.constant 8 : i32
      %mul3A_2741 = arith.muli %scan3A_2337, %mul3A_2740 : i32
      %add3A_2742 = arith.constant 6 : i32
      %add3A_2743 = arith.addi %mul3A_2741, %add3A_2742 : i32
      %dma_wait3A_2744 = arith.constant 0 : i32
      %dma_wait3A_2745 = arith.constant 0 : i32
      %dma_wait3A_2746 = tpu.memref_slice %arg16[%dma_wait3A_2744, %dma_wait3A_2745] : memref<2x80xi32, #tpu.memory_space<vmem>> -> memref<1x80xi32, #tpu.memory_space<vmem>>
      %dma_wait3A_2747 = tpu.memref_squeeze %dma_wait3A_2746 : memref<1x80xi32, #tpu.memory_space<vmem>> -> memref<80xi32, #tpu.memory_space<vmem>>
      %dma_wait3A_2748 = arith.constant 0 : i32
      %dma_wait3A_2749 = arith.constant 0 : i32
      %dma_wait3A_2750 = tpu.memref_slice %arg3[%dma_wait3A_2748, %dma_wait3A_2749] : memref<10000x128xf32, #tpu.memory_space<hbm>> -> memref<10000x128xf32, #tpu.memory_space<hbm>>
      tpu.wait_indirect_dma semaphore(%arg22 : memref<!tpu.dma_semaphore, #tpu.memory_space<semaphore_mem>>) src(%dma_wait3A_2750 : memref<10000x128xf32, #tpu.memory_space<hbm>>) dst(%arg8 : memref<80x128xf32, #tpu.memory_space<vmem>>)
      %run_scoped3A_2751 = arith.constant 1 : i32
      "tpu.region"() ({
        %run_scoped3A_2874 = tpu.sem_alloc : memref<!tpu.dma_semaphore, #tpu.memory_space<semaphore_mem>>
        %dma_start3A_2875 = arith.constant 0 : i32
        %dma_start3A_2876 = tpu.memref_slice %arg16[%run_scoped3A_2751, %dma_start3A_2875] : memref<2x80xi32, #tpu.memory_space<vmem>> -> memref<1x80xi32, #tpu.memory_space<vmem>>
        %dma_start3A_2877 = tpu.memref_squeeze %dma_start3A_2876 : memref<1x80xi32, #tpu.memory_space<vmem>> -> memref<80xi32, #tpu.memory_space<vmem>>
        %dma_start3A_2878 = arith.constant 0 : i32
        %dma_start3A_2879 = arith.constant 0 : i32
        %dma_start3A_2880 = tpu.memref_slice %arg19[%dma_start3A_2878, %dma_start3A_2879] : memref<10240x128xf32, #tpu.memory_space<vmem_shared>> -> memref<10240x128xf32, #tpu.memory_space<vmem_shared>>
        tpu.enqueue_indirect_dma source(%arg8 : memref<80x128xf32, #tpu.memory_space<vmem>>) target(%dma_start3A_2880 : memref<10240x128xf32, #tpu.memory_space<vmem_shared>>) offsets(%dma_start3A_2877 : memref<80xi32, #tpu.memory_space<vmem>>) semaphore(%run_scoped3A_2874 : memref<!tpu.dma_semaphore, #tpu.memory_space<semaphore_mem>>) {add = true}
        %dma_wait3A_2881 = arith.constant 0 : i32
        %dma_wait3A_2882 = tpu.memref_slice %arg16[%run_scoped3A_2751, %dma_wait3A_2881] : memref<2x80xi32, #tpu.memory_space<vmem>> -> memref<1x80xi32, #tpu.memory_space<vmem>>
        %dma_wait3A_2883 = tpu.memref_squeeze %dma_wait3A_2882 : memref<1x80xi32, #tpu.memory_space<vmem>> -> memref<80xi32, #tpu.memory_space<vmem>>
        %dma_wait3A_2884 = arith.constant 0 : i32
        %dma_wait3A_2885 = arith.constant 0 : i32
        %dma_wait3A_2886 = tpu.memref_slice %arg19[%dma_wait3A_2884, %dma_wait3A_2885] : memref<10240x128xf32, #tpu.memory_space<vmem_shared>> -> memref<10240x128xf32, #tpu.memory_space<vmem_shared>>
        tpu.wait_indirect_dma semaphore(%run_scoped3A_2874 : memref<!tpu.dma_semaphore, #tpu.memory_space<semaphore_mem>>) src(%arg8 : memref<80x128xf32, #tpu.memory_space<vmem>>) dst(%dma_wait3A_2886 : memref<10240x128xf32, #tpu.memory_space<vmem_shared>>)
        tpu.yield
      }) : () -> ()
      %add3A_2752 = arith.constant 8 : i32
      %add3A_2753 = arith.addi %add3A_2743, %add3A_2752 : i32
      %mul3A_2754 = arith.constant 80 : i32
      %mul3A_2755 = arith.muli %add3A_2753, %mul3A_2754 : i32
      %add3A_2756 = arith.addi %mul3A_2, %mul3A_2755 : i32
      %multiple_of3A_2757 = tpu.assume_multiple %add3A_2756, 80 : i32
      %dma_start3A_2758 = arith.constant 0 : i32
      %dma_start3A_2759 = arith.constant 0 : i32
      %dma_start3A_2760 = tpu.memref_slice %arg16[%dma_start3A_2758, %dma_start3A_2759] : memref<2x80xi32, #tpu.memory_space<vmem>> -> memref<1x80xi32, #tpu.memory_space<vmem>>
      %dma_start3A_2761 = tpu.memref_squeeze %dma_start3A_2760 : memref<1x80xi32, #tpu.memory_space<vmem>> -> memref<80xi32, #tpu.memory_space<vmem>>
      %dma_start3A_2762 = tpu.memref_slice %arg2[%multiple_of3A_2757] : memref<640000xi32, #tpu.memory_space<hbm>> -> memref<80xi32, #tpu.memory_space<hbm>>
      %dma_start3A_2763 = arith.constant 0 : i32
      %dma_start3A_2764 = tpu.memref_slice %arg16[%dma_start3A_2758, %dma_start3A_2763] : memref<2x80xi32, #tpu.memory_space<vmem>> -> memref<1x80xi32, #tpu.memory_space<vmem>>
      %dma_start3A_2765 = tpu.memref_squeeze %dma_start3A_2764 : memref<1x80xi32, #tpu.memory_space<vmem>> -> memref<80xi32, #tpu.memory_space<vmem>>
      %dma_start3A_2766 = tpu.memref_slice %arg2[%multiple_of3A_2757] : memref<640000xi32, #tpu.memory_space<hbm>> -> memref<80xi32, #tpu.memory_space<hbm>>
      tpu.enqueue_dma source(%dma_start3A_2766 : memref<80xi32, #tpu.memory_space<hbm>>) target(%dma_start3A_2765 : memref<80xi32, #tpu.memory_space<vmem>>) target_semaphore(%arg30 : memref<!tpu.dma_semaphore, #tpu.memory_space<semaphore_mem>>)
      %add3A_2767 = arith.constant 320000 : i32
      %add3A_2768 = arith.addi %add3A_2767, %multiple_of3A_2757 : i32
      %dma_start3A_2769 = arith.constant 1 : i32
      %dma_start3A_2770 = arith.constant 0 : i32
      %dma_start3A_2771 = tpu.memref_slice %arg16[%dma_start3A_2769, %dma_start3A_2770] : memref<2x80xi32, #tpu.memory_space<vmem>> -> memref<1x80xi32, #tpu.memory_space<vmem>>
      %dma_start3A_2772 = tpu.memref_squeeze %dma_start3A_2771 : memref<1x80xi32, #tpu.memory_space<vmem>> -> memref<80xi32, #tpu.memory_space<vmem>>
      %dma_start3A_2773 = tpu.memref_slice %arg2[%add3A_2768] : memref<640000xi32, #tpu.memory_space<hbm>> -> memref<80xi32, #tpu.memory_space<hbm>>
      %dma_start3A_2774 = arith.constant 0 : i32
      %dma_start3A_2775 = tpu.memref_slice %arg16[%dma_start3A_2769, %dma_start3A_2774] : memref<2x80xi32, #tpu.memory_space<vmem>> -> memref<1x80xi32, #tpu.memory_space<vmem>>
      %dma_start3A_2776 = tpu.memref_squeeze %dma_start3A_2775 : memref<1x80xi32, #tpu.memory_space<vmem>> -> memref<80xi32, #tpu.memory_space<vmem>>
      %dma_start3A_2777 = tpu.memref_slice %arg2[%add3A_2768] : memref<640000xi32, #tpu.memory_space<hbm>> -> memref<80xi32, #tpu.memory_space<hbm>>
      tpu.enqueue_dma source(%dma_start3A_2777 : memref<80xi32, #tpu.memory_space<hbm>>) target(%dma_start3A_2776 : memref<80xi32, #tpu.memory_space<vmem>>) target_semaphore(%arg30 : memref<!tpu.dma_semaphore, #tpu.memory_space<semaphore_mem>>)
      %dma_wait3A_2778 = arith.constant 0 : i32
      %dma_wait3A_2779 = arith.constant 0 : i32
      %dma_wait3A_2780 = tpu.memref_slice %arg12[%dma_wait3A_2778, %dma_wait3A_2779] : memref<2x80xi32, #tpu.memory_space<vmem>> -> memref<1x80xi32, #tpu.memory_space<vmem>>
      %dma_wait3A_2781 = tpu.memref_squeeze %dma_wait3A_2780 : memref<1x80xi32, #tpu.memory_space<vmem>> -> memref<80xi32, #tpu.memory_space<vmem>>
      %dma_wait3A_2782 = arith.constant 0 : i32
      %dma_wait3A_2783 = tpu.memref_slice %arg2[%dma_wait3A_2782] : memref<640000xi32, #tpu.memory_space<hbm>> -> memref<80xi32, #tpu.memory_space<hbm>>
      %dma_wait3A_2784 = arith.constant 0 : i32
      %dma_wait3A_2785 = tpu.memref_slice %arg12[%dma_wait3A_2778, %dma_wait3A_2784] : memref<2x80xi32, #tpu.memory_space<vmem>> -> memref<1x80xi32, #tpu.memory_space<vmem>>
      %dma_wait3A_2786 = tpu.memref_squeeze %dma_wait3A_2785 : memref<1x80xi32, #tpu.memory_space<vmem>> -> memref<80xi32, #tpu.memory_space<vmem>>
      %dma_wait3A_2787 = arith.constant 0 : i32
      %dma_wait3A_2788 = tpu.memref_slice %arg2[%dma_wait3A_2787] : memref<640000xi32, #tpu.memory_space<hbm>> -> memref<80xi32, #tpu.memory_space<hbm>>
      tpu.wait_dma2 semaphore(%arg26 : memref<!tpu.dma_semaphore, #tpu.memory_space<semaphore_mem>>) src(%dma_wait3A_2788 : memref<80xi32, #tpu.memory_space<hbm>>) dst(%dma_wait3A_2786 : memref<80xi32, #tpu.memory_space<vmem>>)
      %dma_wait3A_2789 = arith.constant 1 : i32
      %dma_wait3A_2790 = arith.constant 0 : i32
      %dma_wait3A_2791 = tpu.memref_slice %arg12[%dma_wait3A_2789, %dma_wait3A_2790] : memref<2x80xi32, #tpu.memory_space<vmem>> -> memref<1x80xi32, #tpu.memory_space<vmem>>
      %dma_wait3A_2792 = tpu.memref_squeeze %dma_wait3A_2791 : memref<1x80xi32, #tpu.memory_space<vmem>> -> memref<80xi32, #tpu.memory_space<vmem>>
      %dma_wait3A_2793 = arith.constant 0 : i32
      %dma_wait3A_2794 = tpu.memref_slice %arg2[%dma_wait3A_2793] : memref<640000xi32, #tpu.memory_space<hbm>> -> memref<80xi32, #tpu.memory_space<hbm>>
      %dma_wait3A_2795 = arith.constant 0 : i32
      %dma_wait3A_2796 = tpu.memref_slice %arg12[%dma_wait3A_2789, %dma_wait3A_2795] : memref<2x80xi32, #tpu.memory_space<vmem>> -> memref<1x80xi32, #tpu.memory_space<vmem>>
      %dma_wait3A_2797 = tpu.memref_squeeze %dma_wait3A_2796 : memref<1x80xi32, #tpu.memory_space<vmem>> -> memref<80xi32, #tpu.memory_space<vmem>>
      %dma_wait3A_2798 = arith.constant 0 : i32
      %dma_wait3A_2799 = tpu.memref_slice %arg2[%dma_wait3A_2798] : memref<640000xi32, #tpu.memory_space<hbm>> -> memref<80xi32, #tpu.memory_space<hbm>>
      tpu.wait_dma2 semaphore(%arg26 : memref<!tpu.dma_semaphore, #tpu.memory_space<semaphore_mem>>) src(%dma_wait3A_2799 : memref<80xi32, #tpu.memory_space<hbm>>) dst(%dma_wait3A_2797 : memref<80xi32, #tpu.memory_space<vmem>>)
      %dma_start3A_2800 = arith.constant 0 : i32
      %dma_start3A_2801 = arith.constant 0 : i32
      %dma_start3A_2802 = tpu.memref_slice %arg12[%dma_start3A_2800, %dma_start3A_2801] : memref<2x80xi32, #tpu.memory_space<vmem>> -> memref<1x80xi32, #tpu.memory_space<vmem>>
      %dma_start3A_2803 = tpu.memref_squeeze %dma_start3A_2802 : memref<1x80xi32, #tpu.memory_space<vmem>> -> memref<80xi32, #tpu.memory_space<vmem>>
      %dma_start3A_2804 = arith.constant 0 : i32
      %dma_start3A_2805 = arith.constant 0 : i32
      %dma_start3A_2806 = tpu.memref_slice %arg3[%dma_start3A_2804, %dma_start3A_2805] : memref<10000x128xf32, #tpu.memory_space<hbm>> -> memref<10000x128xf32, #tpu.memory_space<hbm>>
      tpu.enqueue_indirect_dma source(%dma_start3A_2806 : memref<10000x128xf32, #tpu.memory_space<hbm>>) target(%arg8 : memref<80x128xf32, #tpu.memory_space<vmem>>) offsets(%dma_start3A_2803 : memref<80xi32, #tpu.memory_space<vmem>>) semaphore(%arg22 : memref<!tpu.dma_semaphore, #tpu.memory_space<semaphore_mem>>)
      %mul3A_2807 = arith.constant 8 : i32
      %mul3A_2808 = arith.muli %scan3A_2337, %mul3A_2807 : i32
      %add3A_2809 = arith.constant 7 : i32
      %add3A_2810 = arith.addi %mul3A_2808, %add3A_2809 : i32
      %dma_wait3A_2811 = arith.constant 0 : i32
      %dma_wait3A_2812 = arith.constant 0 : i32
      %dma_wait3A_2813 = tpu.memref_slice %arg17[%dma_wait3A_2811, %dma_wait3A_2812] : memref<2x80xi32, #tpu.memory_space<vmem>> -> memref<1x80xi32, #tpu.memory_space<vmem>>
      %dma_wait3A_2814 = tpu.memref_squeeze %dma_wait3A_2813 : memref<1x80xi32, #tpu.memory_space<vmem>> -> memref<80xi32, #tpu.memory_space<vmem>>
      %dma_wait3A_2815 = arith.constant 0 : i32
      %dma_wait3A_2816 = arith.constant 0 : i32
      %dma_wait3A_2817 = tpu.memref_slice %arg3[%dma_wait3A_2815, %dma_wait3A_2816] : memref<10000x128xf32, #tpu.memory_space<hbm>> -> memref<10000x128xf32, #tpu.memory_space<hbm>>
      tpu.wait_indirect_dma semaphore(%arg23 : memref<!tpu.dma_semaphore, #tpu.memory_space<semaphore_mem>>) src(%dma_wait3A_2817 : memref<10000x128xf32, #tpu.memory_space<hbm>>) dst(%arg9 : memref<80x128xf32, #tpu.memory_space<vmem>>)
      %run_scoped3A_2818 = arith.constant 1 : i32
      "tpu.region"() ({
        %run_scoped3A_2874 = tpu.sem_alloc : memref<!tpu.dma_semaphore, #tpu.memory_space<semaphore_mem>>
        %dma_start3A_2875 = arith.constant 0 : i32
        %dma_start3A_2876 = tpu.memref_slice %arg17[%run_scoped3A_2818, %dma_start3A_2875] : memref<2x80xi32, #tpu.memory_space<vmem>> -> memref<1x80xi32, #tpu.memory_space<vmem>>
        %dma_start3A_2877 = tpu.memref_squeeze %dma_start3A_2876 : memref<1x80xi32, #tpu.memory_space<vmem>> -> memref<80xi32, #tpu.memory_space<vmem>>
        %dma_start3A_2878 = arith.constant 0 : i32
        %dma_start3A_2879 = arith.constant 0 : i32
        %dma_start3A_2880 = tpu.memref_slice %arg19[%dma_start3A_2878, %dma_start3A_2879] : memref<10240x128xf32, #tpu.memory_space<vmem_shared>> -> memref<10240x128xf32, #tpu.memory_space<vmem_shared>>
        tpu.enqueue_indirect_dma source(%arg9 : memref<80x128xf32, #tpu.memory_space<vmem>>) target(%dma_start3A_2880 : memref<10240x128xf32, #tpu.memory_space<vmem_shared>>) offsets(%dma_start3A_2877 : memref<80xi32, #tpu.memory_space<vmem>>) semaphore(%run_scoped3A_2874 : memref<!tpu.dma_semaphore, #tpu.memory_space<semaphore_mem>>) {add = true}
        %dma_wait3A_2881 = arith.constant 0 : i32
        %dma_wait3A_2882 = tpu.memref_slice %arg17[%run_scoped3A_2818, %dma_wait3A_2881] : memref<2x80xi32, #tpu.memory_space<vmem>> -> memref<1x80xi32, #tpu.memory_space<vmem>>
        %dma_wait3A_2883 = tpu.memref_squeeze %dma_wait3A_2882 : memref<1x80xi32, #tpu.memory_space<vmem>> -> memref<80xi32, #tpu.memory_space<vmem>>
        %dma_wait3A_2884 = arith.constant 0 : i32
        %dma_wait3A_2885 = arith.constant 0 : i32
        %dma_wait3A_2886 = tpu.memref_slice %arg19[%dma_wait3A_2884, %dma_wait3A_2885] : memref<10240x128xf32, #tpu.memory_space<vmem_shared>> -> memref<10240x128xf32, #tpu.memory_space<vmem_shared>>
        tpu.wait_indirect_dma semaphore(%run_scoped3A_2874 : memref<!tpu.dma_semaphore, #tpu.memory_space<semaphore_mem>>) src(%arg9 : memref<80x128xf32, #tpu.memory_space<vmem>>) dst(%dma_wait3A_2886 : memref<10240x128xf32, #tpu.memory_space<vmem_shared>>)
        tpu.yield
      }) : () -> ()
      %add3A_2819 = arith.constant 8 : i32
      %add3A_2820 = arith.addi %add3A_2810, %add3A_2819 : i32
      %mul3A_2821 = arith.constant 80 : i32
      %mul3A_2822 = arith.muli %add3A_2820, %mul3A_2821 : i32
      %add3A_2823 = arith.addi %mul3A_2, %mul3A_2822 : i32
      %multiple_of3A_2824 = tpu.assume_multiple %add3A_2823, 80 : i32
      %dma_start3A_2825 = arith.constant 0 : i32
      %dma_start3A_2826 = arith.constant 0 : i32
      %dma_start3A_2827 = tpu.memref_slice %arg17[%dma_start3A_2825, %dma_start3A_2826] : memref<2x80xi32, #tpu.memory_space<vmem>> -> memref<1x80xi32, #tpu.memory_space<vmem>>
      %dma_start3A_2828 = tpu.memref_squeeze %dma_start3A_2827 : memref<1x80xi32, #tpu.memory_space<vmem>> -> memref<80xi32, #tpu.memory_space<vmem>>
      %dma_start3A_2829 = tpu.memref_slice %arg2[%multiple_of3A_2824] : memref<640000xi32, #tpu.memory_space<hbm>> -> memref<80xi32, #tpu.memory_space<hbm>>
      %dma_start3A_2830 = arith.constant 0 : i32
      %dma_start3A_2831 = tpu.memref_slice %arg17[%dma_start3A_2825, %dma_start3A_2830] : memref<2x80xi32, #tpu.memory_space<vmem>> -> memref<1x80xi32, #tpu.memory_space<vmem>>
      %dma_start3A_2832 = tpu.memref_squeeze %dma_start3A_2831 : memref<1x80xi32, #tpu.memory_space<vmem>> -> memref<80xi32, #tpu.memory_space<vmem>>
      %dma_start3A_2833 = tpu.memref_slice %arg2[%multiple_of3A_2824] : memref<640000xi32, #tpu.memory_space<hbm>> -> memref<80xi32, #tpu.memory_space<hbm>>
      tpu.enqueue_dma source(%dma_start3A_2833 : memref<80xi32, #tpu.memory_space<hbm>>) target(%dma_start3A_2832 : memref<80xi32, #tpu.memory_space<vmem>>) target_semaphore(%arg31 : memref<!tpu.dma_semaphore, #tpu.memory_space<semaphore_mem>>)
      %add3A_2834 = arith.constant 320000 : i32
      %add3A_2835 = arith.addi %add3A_2834, %multiple_of3A_2824 : i32
      %dma_start3A_2836 = arith.constant 1 : i32
      %dma_start3A_2837 = arith.constant 0 : i32
      %dma_start3A_2838 = tpu.memref_slice %arg17[%dma_start3A_2836, %dma_start3A_2837] : memref<2x80xi32, #tpu.memory_space<vmem>> -> memref<1x80xi32, #tpu.memory_space<vmem>>
      %dma_start3A_2839 = tpu.memref_squeeze %dma_start3A_2838 : memref<1x80xi32, #tpu.memory_space<vmem>> -> memref<80xi32, #tpu.memory_space<vmem>>
      %dma_start3A_2840 = tpu.memref_slice %arg2[%add3A_2835] : memref<640000xi32, #tpu.memory_space<hbm>> -> memref<80xi32, #tpu.memory_space<hbm>>
      %dma_start3A_2841 = arith.constant 0 : i32
      %dma_start3A_2842 = tpu.memref_slice %arg17[%dma_start3A_2836, %dma_start3A_2841] : memref<2x80xi32, #tpu.memory_space<vmem>> -> memref<1x80xi32, #tpu.memory_space<vmem>>
      %dma_start3A_2843 = tpu.memref_squeeze %dma_start3A_2842 : memref<1x80xi32, #tpu.memory_space<vmem>> -> memref<80xi32, #tpu.memory_space<vmem>>
      %dma_start3A_2844 = tpu.memref_slice %arg2[%add3A_2835] : memref<640000xi32, #tpu.memory_space<hbm>> -> memref<80xi32, #tpu.memory_space<hbm>>
      tpu.enqueue_dma source(%dma_start3A_2844 : memref<80xi32, #tpu.memory_space<hbm>>) target(%dma_start3A_2843 : memref<80xi32, #tpu.memory_space<vmem>>) target_semaphore(%arg31 : memref<!tpu.dma_semaphore, #tpu.memory_space<semaphore_mem>>)
      %dma_wait3A_2845 = arith.constant 0 : i32
      %dma_wait3A_2846 = arith.constant 0 : i32
      %dma_wait3A_2847 = tpu.memref_slice %arg13[%dma_wait3A_2845, %dma_wait3A_2846] : memref<2x80xi32, #tpu.memory_space<vmem>> -> memref<1x80xi32, #tpu.memory_space<vmem>>
      %dma_wait3A_2848 = tpu.memref_squeeze %dma_wait3A_2847 : memref<1x80xi32, #tpu.memory_space<vmem>> -> memref<80xi32, #tpu.memory_space<vmem>>
      %dma_wait3A_2849 = arith.constant 0 : i32
      %dma_wait3A_2850 = tpu.memref_slice %arg2[%dma_wait3A_2849] : memref<640000xi32, #tpu.memory_space<hbm>> -> memref<80xi32, #tpu.memory_space<hbm>>
      %dma_wait3A_2851 = arith.constant 0 : i32
      %dma_wait3A_2852 = tpu.memref_slice %arg13[%dma_wait3A_2845, %dma_wait3A_2851] : memref<2x80xi32, #tpu.memory_space<vmem>> -> memref<1x80xi32, #tpu.memory_space<vmem>>
      %dma_wait3A_2853 = tpu.memref_squeeze %dma_wait3A_2852 : memref<1x80xi32, #tpu.memory_space<vmem>> -> memref<80xi32, #tpu.memory_space<vmem>>
      %dma_wait3A_2854 = arith.constant 0 : i32
      %dma_wait3A_2855 = tpu.memref_slice %arg2[%dma_wait3A_2854] : memref<640000xi32, #tpu.memory_space<hbm>> -> memref<80xi32, #tpu.memory_space<hbm>>
      tpu.wait_dma2 semaphore(%arg27 : memref<!tpu.dma_semaphore, #tpu.memory_space<semaphore_mem>>) src(%dma_wait3A_2855 : memref<80xi32, #tpu.memory_space<hbm>>) dst(%dma_wait3A_2853 : memref<80xi32, #tpu.memory_space<vmem>>)
      %dma_wait3A_2856 = arith.constant 1 : i32
      %dma_wait3A_2857 = arith.constant 0 : i32
      %dma_wait3A_2858 = tpu.memref_slice %arg13[%dma_wait3A_2856, %dma_wait3A_2857] : memref<2x80xi32, #tpu.memory_space<vmem>> -> memref<1x80xi32, #tpu.memory_space<vmem>>
      %dma_wait3A_2859 = tpu.memref_squeeze %dma_wait3A_2858 : memref<1x80xi32, #tpu.memory_space<vmem>> -> memref<80xi32, #tpu.memory_space<vmem>>
      %dma_wait3A_2860 = arith.constant 0 : i32
      %dma_wait3A_2861 = tpu.memref_slice %arg2[%dma_wait3A_2860] : memref<640000xi32, #tpu.memory_space<hbm>> -> memref<80xi32, #tpu.memory_space<hbm>>
      %dma_wait3A_2862 = arith.constant 0 : i32
      %dma_wait3A_2863 = tpu.memref_slice %arg13[%dma_wait3A_2856, %dma_wait3A_2862] : memref<2x80xi32, #tpu.memory_space<vmem>> -> memref<1x80xi32, #tpu.memory_space<vmem>>
      %dma_wait3A_2864 = tpu.memref_squeeze %dma_wait3A_2863 : memref<1x80xi32, #tpu.memory_space<vmem>> -> memref<80xi32, #tpu.memory_space<vmem>>
      %dma_wait3A_2865 = arith.constant 0 : i32
      %dma_wait3A_2866 = tpu.memref_slice %arg2[%dma_wait3A_2865] : memref<640000xi32, #tpu.memory_space<hbm>> -> memref<80xi32, #tpu.memory_space<hbm>>
      tpu.wait_dma2 semaphore(%arg27 : memref<!tpu.dma_semaphore, #tpu.memory_space<semaphore_mem>>) src(%dma_wait3A_2866 : memref<80xi32, #tpu.memory_space<hbm>>) dst(%dma_wait3A_2864 : memref<80xi32, #tpu.memory_space<vmem>>)
      %dma_start3A_2867 = arith.constant 0 : i32
      %dma_start3A_2868 = arith.constant 0 : i32
      %dma_start3A_2869 = tpu.memref_slice %arg13[%dma_start3A_2867, %dma_start3A_2868] : memref<2x80xi32, #tpu.memory_space<vmem>> -> memref<1x80xi32, #tpu.memory_space<vmem>>
      %dma_start3A_2870 = tpu.memref_squeeze %dma_start3A_2869 : memref<1x80xi32, #tpu.memory_space<vmem>> -> memref<80xi32, #tpu.memory_space<vmem>>
      %dma_start3A_2871 = arith.constant 0 : i32
      %dma_start3A_2872 = arith.constant 0 : i32
      %dma_start3A_2873 = tpu.memref_slice %arg3[%dma_start3A_2871, %dma_start3A_2872] : memref<10000x128xf32, #tpu.memory_space<hbm>> -> memref<10000x128xf32, #tpu.memory_space<hbm>>
      tpu.enqueue_indirect_dma source(%dma_start3A_2873 : memref<10000x128xf32, #tpu.memory_space<hbm>>) target(%arg9 : memref<80x128xf32, #tpu.memory_space<vmem>>) offsets(%dma_start3A_2870 : memref<80xi32, #tpu.memory_space<vmem>>) semaphore(%arg23 : memref<!tpu.dma_semaphore, #tpu.memory_space<semaphore_mem>>)
    }
    %scan3A_1848 = arith.constant 14 : i32
    %dma_wait3A_1849 = arith.constant 0 : i32
    %dma_wait3A_1850 = arith.constant 0 : i32
    %dma_wait3A_1851 = tpu.memref_slice %arg10[%dma_wait3A_1849, %dma_wait3A_1850] : memref<2x80xi32, #tpu.memory_space<vmem>> -> memref<1x80xi32, #tpu.memory_space<vmem>>
    %dma_wait3A_1852 = tpu.memref_squeeze %dma_wait3A_1851 : memref<1x80xi32, #tpu.memory_space<vmem>> -> memref<80xi32, #tpu.memory_space<vmem>>
    %dma_wait3A_1853 = arith.constant 0 : i32
    %dma_wait3A_1854 = arith.constant 0 : i32
    %dma_wait3A_1855 = tpu.memref_slice %arg3[%dma_wait3A_1853, %dma_wait3A_1854] : memref<10000x128xf32, #tpu.memory_space<hbm>> -> memref<10000x128xf32, #tpu.memory_space<hbm>>
    tpu.wait_indirect_dma semaphore(%arg20 : memref<!tpu.dma_semaphore, #tpu.memory_space<semaphore_mem>>) src(%dma_wait3A_1855 : memref<10000x128xf32, #tpu.memory_space<hbm>>) dst(%arg6 : memref<80x128xf32, #tpu.memory_space<vmem>>)
    %run_scoped3A = arith.constant 1 : i32
    "tpu.region"() ({
      %run_scoped3A_2337 = tpu.sem_alloc : memref<!tpu.dma_semaphore, #tpu.memory_space<semaphore_mem>>
      %dma_start3A_2338 = arith.constant 0 : i32
      %dma_start3A_2339 = tpu.memref_slice %arg10[%run_scoped3A, %dma_start3A_2338] : memref<2x80xi32, #tpu.memory_space<vmem>> -> memref<1x80xi32, #tpu.memory_space<vmem>>
      %dma_start3A_2340 = tpu.memref_squeeze %dma_start3A_2339 : memref<1x80xi32, #tpu.memory_space<vmem>> -> memref<80xi32, #tpu.memory_space<vmem>>
      %dma_start3A_2341 = arith.constant 0 : i32
      %dma_start3A_2342 = arith.constant 0 : i32
      %dma_start3A_2343 = tpu.memref_slice %arg19[%dma_start3A_2341, %dma_start3A_2342] : memref<10240x128xf32, #tpu.memory_space<vmem_shared>> -> memref<10240x128xf32, #tpu.memory_space<vmem_shared>>
      tpu.enqueue_indirect_dma source(%arg6 : memref<80x128xf32, #tpu.memory_space<vmem>>) target(%dma_start3A_2343 : memref<10240x128xf32, #tpu.memory_space<vmem_shared>>) offsets(%dma_start3A_2340 : memref<80xi32, #tpu.memory_space<vmem>>) semaphore(%run_scoped3A_2337 : memref<!tpu.dma_semaphore, #tpu.memory_space<semaphore_mem>>) {add = true}
      %dma_wait3A_2344 = arith.constant 0 : i32
      %dma_wait3A_2345 = tpu.memref_slice %arg10[%run_scoped3A, %dma_wait3A_2344] : memref<2x80xi32, #tpu.memory_space<vmem>> -> memref<1x80xi32, #tpu.memory_space<vmem>>
      %dma_wait3A_2346 = tpu.memref_squeeze %dma_wait3A_2345 : memref<1x80xi32, #tpu.memory_space<vmem>> -> memref<80xi32, #tpu.memory_space<vmem>>
      %dma_wait3A_2347 = arith.constant 0 : i32
      %dma_wait3A_2348 = arith.constant 0 : i32
      %dma_wait3A_2349 = tpu.memref_slice %arg19[%dma_wait3A_2347, %dma_wait3A_2348] : memref<10240x128xf32, #tpu.memory_space<vmem_shared>> -> memref<10240x128xf32, #tpu.memory_space<vmem_shared>>
      tpu.wait_indirect_dma semaphore(%run_scoped3A_2337 : memref<!tpu.dma_semaphore, #tpu.memory_space<semaphore_mem>>) src(%arg6 : memref<80x128xf32, #tpu.memory_space<vmem>>) dst(%dma_wait3A_2349 : memref<10240x128xf32, #tpu.memory_space<vmem_shared>>)
      tpu.yield
    }) : () -> ()
    %add3A_1856 = arith.constant 9600 : i32
    %add3A_1857 = arith.addi %mul3A_2, %add3A_1856 : i32
    %multiple_of3A_1858 = tpu.assume_multiple %add3A_1857, 80 : i32
    %dma_start3A_1859 = arith.constant 0 : i32
    %dma_start3A_1860 = arith.constant 0 : i32
    %dma_start3A_1861 = tpu.memref_slice %arg10[%dma_start3A_1859, %dma_start3A_1860] : memref<2x80xi32, #tpu.memory_space<vmem>> -> memref<1x80xi32, #tpu.memory_space<vmem>>
    %dma_start3A_1862 = tpu.memref_squeeze %dma_start3A_1861 : memref<1x80xi32, #tpu.memory_space<vmem>> -> memref<80xi32, #tpu.memory_space<vmem>>
    %dma_start3A_1863 = tpu.memref_slice %arg2[%multiple_of3A_1858] : memref<640000xi32, #tpu.memory_space<hbm>> -> memref<80xi32, #tpu.memory_space<hbm>>
    %dma_start3A_1864 = arith.constant 0 : i32
    %dma_start3A_1865 = tpu.memref_slice %arg10[%dma_start3A_1859, %dma_start3A_1864] : memref<2x80xi32, #tpu.memory_space<vmem>> -> memref<1x80xi32, #tpu.memory_space<vmem>>
    %dma_start3A_1866 = tpu.memref_squeeze %dma_start3A_1865 : memref<1x80xi32, #tpu.memory_space<vmem>> -> memref<80xi32, #tpu.memory_space<vmem>>
    %dma_start3A_1867 = tpu.memref_slice %arg2[%multiple_of3A_1858] : memref<640000xi32, #tpu.memory_space<hbm>> -> memref<80xi32, #tpu.memory_space<hbm>>
    tpu.enqueue_dma source(%dma_start3A_1867 : memref<80xi32, #tpu.memory_space<hbm>>) target(%dma_start3A_1866 : memref<80xi32, #tpu.memory_space<vmem>>) target_semaphore(%arg24 : memref<!tpu.dma_semaphore, #tpu.memory_space<semaphore_mem>>)
    %add3A_1868 = arith.constant 320000 : i32
    %add3A_1869 = arith.addi %add3A_1868, %multiple_of3A_1858 : i32
    %dma_start3A_1870 = arith.constant 1 : i32
    %dma_start3A_1871 = arith.constant 0 : i32
    %dma_start3A_1872 = tpu.memref_slice %arg10[%dma_start3A_1870, %dma_start3A_1871] : memref<2x80xi32, #tpu.memory_space<vmem>> -> memref<1x80xi32, #tpu.memory_space<vmem>>
    %dma_start3A_1873 = tpu.memref_squeeze %dma_start3A_1872 : memref<1x80xi32, #tpu.memory_space<vmem>> -> memref<80xi32, #tpu.memory_space<vmem>>
    %dma_start3A_1874 = tpu.memref_slice %arg2[%add3A_1869] : memref<640000xi32, #tpu.memory_space<hbm>> -> memref<80xi32, #tpu.memory_space<hbm>>
    %dma_start3A_1875 = arith.constant 0 : i32
    %dma_start3A_1876 = tpu.memref_slice %arg10[%dma_start3A_1870, %dma_start3A_1875] : memref<2x80xi32, #tpu.memory_space<vmem>> -> memref<1x80xi32, #tpu.memory_space<vmem>>
    %dma_start3A_1877 = tpu.memref_squeeze %dma_start3A_1876 : memref<1x80xi32, #tpu.memory_space<vmem>> -> memref<80xi32, #tpu.memory_space<vmem>>
    %dma_start3A_1878 = tpu.memref_slice %arg2[%add3A_1869] : memref<640000xi32, #tpu.memory_space<hbm>> -> memref<80xi32, #tpu.memory_space<hbm>>
    tpu.enqueue_dma source(%dma_start3A_1878 : memref<80xi32, #tpu.memory_space<hbm>>) target(%dma_start3A_1877 : memref<80xi32, #tpu.memory_space<vmem>>) target_semaphore(%arg24 : memref<!tpu.dma_semaphore, #tpu.memory_space<semaphore_mem>>)
    %dma_wait3A_1879 = arith.constant 0 : i32
    %dma_wait3A_1880 = arith.constant 0 : i32
    %dma_wait3A_1881 = tpu.memref_slice %arg14[%dma_wait3A_1879, %dma_wait3A_1880] : memref<2x80xi32, #tpu.memory_space<vmem>> -> memref<1x80xi32, #tpu.memory_space<vmem>>
    %dma_wait3A_1882 = tpu.memref_squeeze %dma_wait3A_1881 : memref<1x80xi32, #tpu.memory_space<vmem>> -> memref<80xi32, #tpu.memory_space<vmem>>
    %dma_wait3A_1883 = arith.constant 0 : i32
    %dma_wait3A_1884 = tpu.memref_slice %arg2[%dma_wait3A_1883] : memref<640000xi32, #tpu.memory_space<hbm>> -> memref<80xi32, #tpu.memory_space<hbm>>
    %dma_wait3A_1885 = arith.constant 0 : i32
    %dma_wait3A_1886 = tpu.memref_slice %arg14[%dma_wait3A_1879, %dma_wait3A_1885] : memref<2x80xi32, #tpu.memory_space<vmem>> -> memref<1x80xi32, #tpu.memory_space<vmem>>
    %dma_wait3A_1887 = tpu.memref_squeeze %dma_wait3A_1886 : memref<1x80xi32, #tpu.memory_space<vmem>> -> memref<80xi32, #tpu.memory_space<vmem>>
    %dma_wait3A_1888 = arith.constant 0 : i32
    %dma_wait3A_1889 = tpu.memref_slice %arg2[%dma_wait3A_1888] : memref<640000xi32, #tpu.memory_space<hbm>> -> memref<80xi32, #tpu.memory_space<hbm>>
    tpu.wait_dma2 semaphore(%arg28 : memref<!tpu.dma_semaphore, #tpu.memory_space<semaphore_mem>>) src(%dma_wait3A_1889 : memref<80xi32, #tpu.memory_space<hbm>>) dst(%dma_wait3A_1887 : memref<80xi32, #tpu.memory_space<vmem>>)
    %dma_wait3A_1890 = arith.constant 1 : i32
    %dma_wait3A_1891 = arith.constant 0 : i32
    %dma_wait3A_1892 = tpu.memref_slice %arg14[%dma_wait3A_1890, %dma_wait3A_1891] : memref<2x80xi32, #tpu.memory_space<vmem>> -> memref<1x80xi32, #tpu.memory_space<vmem>>
    %dma_wait3A_1893 = tpu.memref_squeeze %dma_wait3A_1892 : memref<1x80xi32, #tpu.memory_space<vmem>> -> memref<80xi32, #tpu.memory_space<vmem>>
    %dma_wait3A_1894 = arith.constant 0 : i32
    %dma_wait3A_1895 = tpu.memref_slice %arg2[%dma_wait3A_1894] : memref<640000xi32, #tpu.memory_space<hbm>> -> memref<80xi32, #tpu.memory_space<hbm>>
    %dma_wait3A_1896 = arith.constant 0 : i32
    %dma_wait3A_1897 = tpu.memref_slice %arg14[%dma_wait3A_1890, %dma_wait3A_1896] : memref<2x80xi32, #tpu.memory_space<vmem>> -> memref<1x80xi32, #tpu.memory_space<vmem>>
    %dma_wait3A_1898 = tpu.memref_squeeze %dma_wait3A_1897 : memref<1x80xi32, #tpu.memory_space<vmem>> -> memref<80xi32, #tpu.memory_space<vmem>>
    %dma_wait3A_1899 = arith.constant 0 : i32
    %dma_wait3A_1900 = tpu.memref_slice %arg2[%dma_wait3A_1899] : memref<640000xi32, #tpu.memory_space<hbm>> -> memref<80xi32, #tpu.memory_space<hbm>>
    tpu.wait_dma2 semaphore(%arg28 : memref<!tpu.dma_semaphore, #tpu.memory_space<semaphore_mem>>) src(%dma_wait3A_1900 : memref<80xi32, #tpu.memory_space<hbm>>) dst(%dma_wait3A_1898 : memref<80xi32, #tpu.memory_space<vmem>>)
    %dma_start3A_1901 = arith.constant 0 : i32
    %dma_start3A_1902 = arith.constant 0 : i32
    %dma_start3A_1903 = tpu.memref_slice %arg14[%dma_start3A_1901, %dma_start3A_1902] : memref<2x80xi32, #tpu.memory_space<vmem>> -> memref<1x80xi32, #tpu.memory_space<vmem>>
    %dma_start3A_1904 = tpu.memref_squeeze %dma_start3A_1903 : memref<1x80xi32, #tpu.memory_space<vmem>> -> memref<80xi32, #tpu.memory_space<vmem>>
    %dma_start3A_1905 = arith.constant 0 : i32
    %dma_start3A_1906 = arith.constant 0 : i32
    %dma_start3A_1907 = tpu.memref_slice %arg3[%dma_start3A_1905, %dma_start3A_1906] : memref<10000x128xf32, #tpu.memory_space<hbm>> -> memref<10000x128xf32, #tpu.memory_space<hbm>>
    tpu.enqueue_indirect_dma source(%dma_start3A_1907 : memref<10000x128xf32, #tpu.memory_space<hbm>>) target(%arg6 : memref<80x128xf32, #tpu.memory_space<vmem>>) offsets(%dma_start3A_1904 : memref<80xi32, #tpu.memory_space<vmem>>) semaphore(%arg20 : memref<!tpu.dma_semaphore, #tpu.memory_space<semaphore_mem>>)
    %dma_wait3A_1908 = arith.constant 0 : i32
    %dma_wait3A_1909 = arith.constant 0 : i32
    %dma_wait3A_1910 = tpu.memref_slice %arg11[%dma_wait3A_1908, %dma_wait3A_1909] : memref<2x80xi32, #tpu.memory_space<vmem>> -> memref<1x80xi32, #tpu.memory_space<vmem>>
    %dma_wait3A_1911 = tpu.memref_squeeze %dma_wait3A_1910 : memref<1x80xi32, #tpu.memory_space<vmem>> -> memref<80xi32, #tpu.memory_space<vmem>>
    %dma_wait3A_1912 = arith.constant 0 : i32
    %dma_wait3A_1913 = arith.constant 0 : i32
    %dma_wait3A_1914 = tpu.memref_slice %arg3[%dma_wait3A_1912, %dma_wait3A_1913] : memref<10000x128xf32, #tpu.memory_space<hbm>> -> memref<10000x128xf32, #tpu.memory_space<hbm>>
    tpu.wait_indirect_dma semaphore(%arg21 : memref<!tpu.dma_semaphore, #tpu.memory_space<semaphore_mem>>) src(%dma_wait3A_1914 : memref<10000x128xf32, #tpu.memory_space<hbm>>) dst(%arg7 : memref<80x128xf32, #tpu.memory_space<vmem>>)
    %run_scoped3A_1915 = arith.constant 1 : i32
    "tpu.region"() ({
      %run_scoped3A_2337 = tpu.sem_alloc : memref<!tpu.dma_semaphore, #tpu.memory_space<semaphore_mem>>
      %dma_start3A_2338 = arith.constant 0 : i32
      %dma_start3A_2339 = tpu.memref_slice %arg11[%run_scoped3A_1915, %dma_start3A_2338] : memref<2x80xi32, #tpu.memory_space<vmem>> -> memref<1x80xi32, #tpu.memory_space<vmem>>
      %dma_start3A_2340 = tpu.memref_squeeze %dma_start3A_2339 : memref<1x80xi32, #tpu.memory_space<vmem>> -> memref<80xi32, #tpu.memory_space<vmem>>
      %dma_start3A_2341 = arith.constant 0 : i32
      %dma_start3A_2342 = arith.constant 0 : i32
      %dma_start3A_2343 = tpu.memref_slice %arg19[%dma_start3A_2341, %dma_start3A_2342] : memref<10240x128xf32, #tpu.memory_space<vmem_shared>> -> memref<10240x128xf32, #tpu.memory_space<vmem_shared>>
      tpu.enqueue_indirect_dma source(%arg7 : memref<80x128xf32, #tpu.memory_space<vmem>>) target(%dma_start3A_2343 : memref<10240x128xf32, #tpu.memory_space<vmem_shared>>) offsets(%dma_start3A_2340 : memref<80xi32, #tpu.memory_space<vmem>>) semaphore(%run_scoped3A_2337 : memref<!tpu.dma_semaphore, #tpu.memory_space<semaphore_mem>>) {add = true}
      %dma_wait3A_2344 = arith.constant 0 : i32
      %dma_wait3A_2345 = tpu.memref_slice %arg11[%run_scoped3A_1915, %dma_wait3A_2344] : memref<2x80xi32, #tpu.memory_space<vmem>> -> memref<1x80xi32, #tpu.memory_space<vmem>>
      %dma_wait3A_2346 = tpu.memref_squeeze %dma_wait3A_2345 : memref<1x80xi32, #tpu.memory_space<vmem>> -> memref<80xi32, #tpu.memory_space<vmem>>
      %dma_wait3A_2347 = arith.constant 0 : i32
      %dma_wait3A_2348 = arith.constant 0 : i32
      %dma_wait3A_2349 = tpu.memref_slice %arg19[%dma_wait3A_2347, %dma_wait3A_2348] : memref<10240x128xf32, #tpu.memory_space<vmem_shared>> -> memref<10240x128xf32, #tpu.memory_space<vmem_shared>>
      tpu.wait_indirect_dma semaphore(%run_scoped3A_2337 : memref<!tpu.dma_semaphore, #tpu.memory_space<semaphore_mem>>) src(%arg7 : memref<80x128xf32, #tpu.memory_space<vmem>>) dst(%dma_wait3A_2349 : memref<10240x128xf32, #tpu.memory_space<vmem_shared>>)
      tpu.yield
    }) : () -> ()
    %add3A_1916 = arith.constant 9680 : i32
    %add3A_1917 = arith.addi %mul3A_2, %add3A_1916 : i32
    %multiple_of3A_1918 = tpu.assume_multiple %add3A_1917, 80 : i32
    %dma_start3A_1919 = arith.constant 0 : i32
    %dma_start3A_1920 = arith.constant 0 : i32
    %dma_start3A_1921 = tpu.memref_slice %arg11[%dma_start3A_1919, %dma_start3A_1920] : memref<2x80xi32, #tpu.memory_space<vmem>> -> memref<1x80xi32, #tpu.memory_space<vmem>>
    %dma_start3A_1922 = tpu.memref_squeeze %dma_start3A_1921 : memref<1x80xi32, #tpu.memory_space<vmem>> -> memref<80xi32, #tpu.memory_space<vmem>>
    %dma_start3A_1923 = tpu.memref_slice %arg2[%multiple_of3A_1918] : memref<640000xi32, #tpu.memory_space<hbm>> -> memref<80xi32, #tpu.memory_space<hbm>>
    %dma_start3A_1924 = arith.constant 0 : i32
    %dma_start3A_1925 = tpu.memref_slice %arg11[%dma_start3A_1919, %dma_start3A_1924] : memref<2x80xi32, #tpu.memory_space<vmem>> -> memref<1x80xi32, #tpu.memory_space<vmem>>
    %dma_start3A_1926 = tpu.memref_squeeze %dma_start3A_1925 : memref<1x80xi32, #tpu.memory_space<vmem>> -> memref<80xi32, #tpu.memory_space<vmem>>
    %dma_start3A_1927 = tpu.memref_slice %arg2[%multiple_of3A_1918] : memref<640000xi32, #tpu.memory_space<hbm>> -> memref<80xi32, #tpu.memory_space<hbm>>
    tpu.enqueue_dma source(%dma_start3A_1927 : memref<80xi32, #tpu.memory_space<hbm>>) target(%dma_start3A_1926 : memref<80xi32, #tpu.memory_space<vmem>>) target_semaphore(%arg25 : memref<!tpu.dma_semaphore, #tpu.memory_space<semaphore_mem>>)
    %add3A_1928 = arith.constant 320000 : i32
    %add3A_1929 = arith.addi %add3A_1928, %multiple_of3A_1918 : i32
    %dma_start3A_1930 = arith.constant 1 : i32
    %dma_start3A_1931 = arith.constant 0 : i32
    %dma_start3A_1932 = tpu.memref_slice %arg11[%dma_start3A_1930, %dma_start3A_1931] : memref<2x80xi32, #tpu.memory_space<vmem>> -> memref<1x80xi32, #tpu.memory_space<vmem>>
    %dma_start3A_1933 = tpu.memref_squeeze %dma_start3A_1932 : memref<1x80xi32, #tpu.memory_space<vmem>> -> memref<80xi32, #tpu.memory_space<vmem>>
    %dma_start3A_1934 = tpu.memref_slice %arg2[%add3A_1929] : memref<640000xi32, #tpu.memory_space<hbm>> -> memref<80xi32, #tpu.memory_space<hbm>>
    %dma_start3A_1935 = arith.constant 0 : i32
    %dma_start3A_1936 = tpu.memref_slice %arg11[%dma_start3A_1930, %dma_start3A_1935] : memref<2x80xi32, #tpu.memory_space<vmem>> -> memref<1x80xi32, #tpu.memory_space<vmem>>
    %dma_start3A_1937 = tpu.memref_squeeze %dma_start3A_1936 : memref<1x80xi32, #tpu.memory_space<vmem>> -> memref<80xi32, #tpu.memory_space<vmem>>
    %dma_start3A_1938 = tpu.memref_slice %arg2[%add3A_1929] : memref<640000xi32, #tpu.memory_space<hbm>> -> memref<80xi32, #tpu.memory_space<hbm>>
    tpu.enqueue_dma source(%dma_start3A_1938 : memref<80xi32, #tpu.memory_space<hbm>>) target(%dma_start3A_1937 : memref<80xi32, #tpu.memory_space<vmem>>) target_semaphore(%arg25 : memref<!tpu.dma_semaphore, #tpu.memory_space<semaphore_mem>>)
    %dma_wait3A_1939 = arith.constant 0 : i32
    %dma_wait3A_1940 = arith.constant 0 : i32
    %dma_wait3A_1941 = tpu.memref_slice %arg15[%dma_wait3A_1939, %dma_wait3A_1940] : memref<2x80xi32, #tpu.memory_space<vmem>> -> memref<1x80xi32, #tpu.memory_space<vmem>>
    %dma_wait3A_1942 = tpu.memref_squeeze %dma_wait3A_1941 : memref<1x80xi32, #tpu.memory_space<vmem>> -> memref<80xi32, #tpu.memory_space<vmem>>
    %dma_wait3A_1943 = arith.constant 0 : i32
    %dma_wait3A_1944 = tpu.memref_slice %arg2[%dma_wait3A_1943] : memref<640000xi32, #tpu.memory_space<hbm>> -> memref<80xi32, #tpu.memory_space<hbm>>
    %dma_wait3A_1945 = arith.constant 0 : i32
    %dma_wait3A_1946 = tpu.memref_slice %arg15[%dma_wait3A_1939, %dma_wait3A_1945] : memref<2x80xi32, #tpu.memory_space<vmem>> -> memref<1x80xi32, #tpu.memory_space<vmem>>
    %dma_wait3A_1947 = tpu.memref_squeeze %dma_wait3A_1946 : memref<1x80xi32, #tpu.memory_space<vmem>> -> memref<80xi32, #tpu.memory_space<vmem>>
    %dma_wait3A_1948 = arith.constant 0 : i32
    %dma_wait3A_1949 = tpu.memref_slice %arg2[%dma_wait3A_1948] : memref<640000xi32, #tpu.memory_space<hbm>> -> memref<80xi32, #tpu.memory_space<hbm>>
    tpu.wait_dma2 semaphore(%arg29 : memref<!tpu.dma_semaphore, #tpu.memory_space<semaphore_mem>>) src(%dma_wait3A_1949 : memref<80xi32, #tpu.memory_space<hbm>>) dst(%dma_wait3A_1947 : memref<80xi32, #tpu.memory_space<vmem>>)
    %dma_wait3A_1950 = arith.constant 1 : i32
    %dma_wait3A_1951 = arith.constant 0 : i32
    %dma_wait3A_1952 = tpu.memref_slice %arg15[%dma_wait3A_1950, %dma_wait3A_1951] : memref<2x80xi32, #tpu.memory_space<vmem>> -> memref<1x80xi32, #tpu.memory_space<vmem>>
    %dma_wait3A_1953 = tpu.memref_squeeze %dma_wait3A_1952 : memref<1x80xi32, #tpu.memory_space<vmem>> -> memref<80xi32, #tpu.memory_space<vmem>>
    %dma_wait3A_1954 = arith.constant 0 : i32
    %dma_wait3A_1955 = tpu.memref_slice %arg2[%dma_wait3A_1954] : memref<640000xi32, #tpu.memory_space<hbm>> -> memref<80xi32, #tpu.memory_space<hbm>>
    %dma_wait3A_1956 = arith.constant 0 : i32
    %dma_wait3A_1957 = tpu.memref_slice %arg15[%dma_wait3A_1950, %dma_wait3A_1956] : memref<2x80xi32, #tpu.memory_space<vmem>> -> memref<1x80xi32, #tpu.memory_space<vmem>>
    %dma_wait3A_1958 = tpu.memref_squeeze %dma_wait3A_1957 : memref<1x80xi32, #tpu.memory_space<vmem>> -> memref<80xi32, #tpu.memory_space<vmem>>
    %dma_wait3A_1959 = arith.constant 0 : i32
    %dma_wait3A_1960 = tpu.memref_slice %arg2[%dma_wait3A_1959] : memref<640000xi32, #tpu.memory_space<hbm>> -> memref<80xi32, #tpu.memory_space<hbm>>
    tpu.wait_dma2 semaphore(%arg29 : memref<!tpu.dma_semaphore, #tpu.memory_space<semaphore_mem>>) src(%dma_wait3A_1960 : memref<80xi32, #tpu.memory_space<hbm>>) dst(%dma_wait3A_1958 : memref<80xi32, #tpu.memory_space<vmem>>)
    %dma_start3A_1961 = arith.constant 0 : i32
    %dma_start3A_1962 = arith.constant 0 : i32
    %dma_start3A_1963 = tpu.memref_slice %arg15[%dma_start3A_1961, %dma_start3A_1962] : memref<2x80xi32, #tpu.memory_space<vmem>> -> memref<1x80xi32, #tpu.memory_space<vmem>>
    %dma_start3A_1964 = tpu.memref_squeeze %dma_start3A_1963 : memref<1x80xi32, #tpu.memory_space<vmem>> -> memref<80xi32, #tpu.memory_space<vmem>>
    %dma_start3A_1965 = arith.constant 0 : i32
    %dma_start3A_1966 = arith.constant 0 : i32
    %dma_start3A_1967 = tpu.memref_slice %arg3[%dma_start3A_1965, %dma_start3A_1966] : memref<10000x128xf32, #tpu.memory_space<hbm>> -> memref<10000x128xf32, #tpu.memory_space<hbm>>
    tpu.enqueue_indirect_dma source(%dma_start3A_1967 : memref<10000x128xf32, #tpu.memory_space<hbm>>) target(%arg7 : memref<80x128xf32, #tpu.memory_space<vmem>>) offsets(%dma_start3A_1964 : memref<80xi32, #tpu.memory_space<vmem>>) semaphore(%arg21 : memref<!tpu.dma_semaphore, #tpu.memory_space<semaphore_mem>>)
    %dma_wait3A_1968 = arith.constant 0 : i32
    %dma_wait3A_1969 = arith.constant 0 : i32
    %dma_wait3A_1970 = tpu.memref_slice %arg12[%dma_wait3A_1968, %dma_wait3A_1969] : memref<2x80xi32, #tpu.memory_space<vmem>> -> memref<1x80xi32, #tpu.memory_space<vmem>>
    %dma_wait3A_1971 = tpu.memref_squeeze %dma_wait3A_1970 : memref<1x80xi32, #tpu.memory_space<vmem>> -> memref<80xi32, #tpu.memory_space<vmem>>
    %dma_wait3A_1972 = arith.constant 0 : i32
    %dma_wait3A_1973 = arith.constant 0 : i32
    %dma_wait3A_1974 = tpu.memref_slice %arg3[%dma_wait3A_1972, %dma_wait3A_1973] : memref<10000x128xf32, #tpu.memory_space<hbm>> -> memref<10000x128xf32, #tpu.memory_space<hbm>>
    tpu.wait_indirect_dma semaphore(%arg22 : memref<!tpu.dma_semaphore, #tpu.memory_space<semaphore_mem>>) src(%dma_wait3A_1974 : memref<10000x128xf32, #tpu.memory_space<hbm>>) dst(%arg8 : memref<80x128xf32, #tpu.memory_space<vmem>>)
    %run_scoped3A_1975 = arith.constant 1 : i32
    "tpu.region"() ({
      %run_scoped3A_2337 = tpu.sem_alloc : memref<!tpu.dma_semaphore, #tpu.memory_space<semaphore_mem>>
      %dma_start3A_2338 = arith.constant 0 : i32
      %dma_start3A_2339 = tpu.memref_slice %arg12[%run_scoped3A_1975, %dma_start3A_2338] : memref<2x80xi32, #tpu.memory_space<vmem>> -> memref<1x80xi32, #tpu.memory_space<vmem>>
      %dma_start3A_2340 = tpu.memref_squeeze %dma_start3A_2339 : memref<1x80xi32, #tpu.memory_space<vmem>> -> memref<80xi32, #tpu.memory_space<vmem>>
      %dma_start3A_2341 = arith.constant 0 : i32
      %dma_start3A_2342 = arith.constant 0 : i32
      %dma_start3A_2343 = tpu.memref_slice %arg19[%dma_start3A_2341, %dma_start3A_2342] : memref<10240x128xf32, #tpu.memory_space<vmem_shared>> -> memref<10240x128xf32, #tpu.memory_space<vmem_shared>>
      tpu.enqueue_indirect_dma source(%arg8 : memref<80x128xf32, #tpu.memory_space<vmem>>) target(%dma_start3A_2343 : memref<10240x128xf32, #tpu.memory_space<vmem_shared>>) offsets(%dma_start3A_2340 : memref<80xi32, #tpu.memory_space<vmem>>) semaphore(%run_scoped3A_2337 : memref<!tpu.dma_semaphore, #tpu.memory_space<semaphore_mem>>) {add = true}
      %dma_wait3A_2344 = arith.constant 0 : i32
      %dma_wait3A_2345 = tpu.memref_slice %arg12[%run_scoped3A_1975, %dma_wait3A_2344] : memref<2x80xi32, #tpu.memory_space<vmem>> -> memref<1x80xi32, #tpu.memory_space<vmem>>
      %dma_wait3A_2346 = tpu.memref_squeeze %dma_wait3A_2345 : memref<1x80xi32, #tpu.memory_space<vmem>> -> memref<80xi32, #tpu.memory_space<vmem>>
      %dma_wait3A_2347 = arith.constant 0 : i32
      %dma_wait3A_2348 = arith.constant 0 : i32
      %dma_wait3A_2349 = tpu.memref_slice %arg19[%dma_wait3A_2347, %dma_wait3A_2348] : memref<10240x128xf32, #tpu.memory_space<vmem_shared>> -> memref<10240x128xf32, #tpu.memory_space<vmem_shared>>
      tpu.wait_indirect_dma semaphore(%run_scoped3A_2337 : memref<!tpu.dma_semaphore, #tpu.memory_space<semaphore_mem>>) src(%arg8 : memref<80x128xf32, #tpu.memory_space<vmem>>) dst(%dma_wait3A_2349 : memref<10240x128xf32, #tpu.memory_space<vmem_shared>>)
      tpu.yield
    }) : () -> ()
    %add3A_1976 = arith.constant 9760 : i32
    %add3A_1977 = arith.addi %mul3A_2, %add3A_1976 : i32
    %multiple_of3A_1978 = tpu.assume_multiple %add3A_1977, 80 : i32
    %dma_start3A_1979 = arith.constant 0 : i32
    %dma_start3A_1980 = arith.constant 0 : i32
    %dma_start3A_1981 = tpu.memref_slice %arg12[%dma_start3A_1979, %dma_start3A_1980] : memref<2x80xi32, #tpu.memory_space<vmem>> -> memref<1x80xi32, #tpu.memory_space<vmem>>
    %dma_start3A_1982 = tpu.memref_squeeze %dma_start3A_1981 : memref<1x80xi32, #tpu.memory_space<vmem>> -> memref<80xi32, #tpu.memory_space<vmem>>
    %dma_start3A_1983 = tpu.memref_slice %arg2[%multiple_of3A_1978] : memref<640000xi32, #tpu.memory_space<hbm>> -> memref<80xi32, #tpu.memory_space<hbm>>
    %dma_start3A_1984 = arith.constant 0 : i32
    %dma_start3A_1985 = tpu.memref_slice %arg12[%dma_start3A_1979, %dma_start3A_1984] : memref<2x80xi32, #tpu.memory_space<vmem>> -> memref<1x80xi32, #tpu.memory_space<vmem>>
    %dma_start3A_1986 = tpu.memref_squeeze %dma_start3A_1985 : memref<1x80xi32, #tpu.memory_space<vmem>> -> memref<80xi32, #tpu.memory_space<vmem>>
    %dma_start3A_1987 = tpu.memref_slice %arg2[%multiple_of3A_1978] : memref<640000xi32, #tpu.memory_space<hbm>> -> memref<80xi32, #tpu.memory_space<hbm>>
    tpu.enqueue_dma source(%dma_start3A_1987 : memref<80xi32, #tpu.memory_space<hbm>>) target(%dma_start3A_1986 : memref<80xi32, #tpu.memory_space<vmem>>) target_semaphore(%arg26 : memref<!tpu.dma_semaphore, #tpu.memory_space<semaphore_mem>>)
    %add3A_1988 = arith.constant 320000 : i32
    %add3A_1989 = arith.addi %add3A_1988, %multiple_of3A_1978 : i32
    %dma_start3A_1990 = arith.constant 1 : i32
    %dma_start3A_1991 = arith.constant 0 : i32
    %dma_start3A_1992 = tpu.memref_slice %arg12[%dma_start3A_1990, %dma_start3A_1991] : memref<2x80xi32, #tpu.memory_space<vmem>> -> memref<1x80xi32, #tpu.memory_space<vmem>>
    %dma_start3A_1993 = tpu.memref_squeeze %dma_start3A_1992 : memref<1x80xi32, #tpu.memory_space<vmem>> -> memref<80xi32, #tpu.memory_space<vmem>>
    %dma_start3A_1994 = tpu.memref_slice %arg2[%add3A_1989] : memref<640000xi32, #tpu.memory_space<hbm>> -> memref<80xi32, #tpu.memory_space<hbm>>
    %dma_start3A_1995 = arith.constant 0 : i32
    %dma_start3A_1996 = tpu.memref_slice %arg12[%dma_start3A_1990, %dma_start3A_1995] : memref<2x80xi32, #tpu.memory_space<vmem>> -> memref<1x80xi32, #tpu.memory_space<vmem>>
    %dma_start3A_1997 = tpu.memref_squeeze %dma_start3A_1996 : memref<1x80xi32, #tpu.memory_space<vmem>> -> memref<80xi32, #tpu.memory_space<vmem>>
    %dma_start3A_1998 = tpu.memref_slice %arg2[%add3A_1989] : memref<640000xi32, #tpu.memory_space<hbm>> -> memref<80xi32, #tpu.memory_space<hbm>>
    tpu.enqueue_dma source(%dma_start3A_1998 : memref<80xi32, #tpu.memory_space<hbm>>) target(%dma_start3A_1997 : memref<80xi32, #tpu.memory_space<vmem>>) target_semaphore(%arg26 : memref<!tpu.dma_semaphore, #tpu.memory_space<semaphore_mem>>)
    %dma_wait3A_1999 = arith.constant 0 : i32
    %dma_wait3A_2000 = arith.constant 0 : i32
    %dma_wait3A_2001 = tpu.memref_slice %arg16[%dma_wait3A_1999, %dma_wait3A_2000] : memref<2x80xi32, #tpu.memory_space<vmem>> -> memref<1x80xi32, #tpu.memory_space<vmem>>
    %dma_wait3A_2002 = tpu.memref_squeeze %dma_wait3A_2001 : memref<1x80xi32, #tpu.memory_space<vmem>> -> memref<80xi32, #tpu.memory_space<vmem>>
    %dma_wait3A_2003 = arith.constant 0 : i32
    %dma_wait3A_2004 = tpu.memref_slice %arg2[%dma_wait3A_2003] : memref<640000xi32, #tpu.memory_space<hbm>> -> memref<80xi32, #tpu.memory_space<hbm>>
    %dma_wait3A_2005 = arith.constant 0 : i32
    %dma_wait3A_2006 = tpu.memref_slice %arg16[%dma_wait3A_1999, %dma_wait3A_2005] : memref<2x80xi32, #tpu.memory_space<vmem>> -> memref<1x80xi32, #tpu.memory_space<vmem>>
    %dma_wait3A_2007 = tpu.memref_squeeze %dma_wait3A_2006 : memref<1x80xi32, #tpu.memory_space<vmem>> -> memref<80xi32, #tpu.memory_space<vmem>>
    %dma_wait3A_2008 = arith.constant 0 : i32
    %dma_wait3A_2009 = tpu.memref_slice %arg2[%dma_wait3A_2008] : memref<640000xi32, #tpu.memory_space<hbm>> -> memref<80xi32, #tpu.memory_space<hbm>>
    tpu.wait_dma2 semaphore(%arg30 : memref<!tpu.dma_semaphore, #tpu.memory_space<semaphore_mem>>) src(%dma_wait3A_2009 : memref<80xi32, #tpu.memory_space<hbm>>) dst(%dma_wait3A_2007 : memref<80xi32, #tpu.memory_space<vmem>>)
    %dma_wait3A_2010 = arith.constant 1 : i32
    %dma_wait3A_2011 = arith.constant 0 : i32
    %dma_wait3A_2012 = tpu.memref_slice %arg16[%dma_wait3A_2010, %dma_wait3A_2011] : memref<2x80xi32, #tpu.memory_space<vmem>> -> memref<1x80xi32, #tpu.memory_space<vmem>>
    %dma_wait3A_2013 = tpu.memref_squeeze %dma_wait3A_2012 : memref<1x80xi32, #tpu.memory_space<vmem>> -> memref<80xi32, #tpu.memory_space<vmem>>
    %dma_wait3A_2014 = arith.constant 0 : i32
    %dma_wait3A_2015 = tpu.memref_slice %arg2[%dma_wait3A_2014] : memref<640000xi32, #tpu.memory_space<hbm>> -> memref<80xi32, #tpu.memory_space<hbm>>
    %dma_wait3A_2016 = arith.constant 0 : i32
    %dma_wait3A_2017 = tpu.memref_slice %arg16[%dma_wait3A_2010, %dma_wait3A_2016] : memref<2x80xi32, #tpu.memory_space<vmem>> -> memref<1x80xi32, #tpu.memory_space<vmem>>
    %dma_wait3A_2018 = tpu.memref_squeeze %dma_wait3A_2017 : memref<1x80xi32, #tpu.memory_space<vmem>> -> memref<80xi32, #tpu.memory_space<vmem>>
    %dma_wait3A_2019 = arith.constant 0 : i32
    %dma_wait3A_2020 = tpu.memref_slice %arg2[%dma_wait3A_2019] : memref<640000xi32, #tpu.memory_space<hbm>> -> memref<80xi32, #tpu.memory_space<hbm>>
    tpu.wait_dma2 semaphore(%arg30 : memref<!tpu.dma_semaphore, #tpu.memory_space<semaphore_mem>>) src(%dma_wait3A_2020 : memref<80xi32, #tpu.memory_space<hbm>>) dst(%dma_wait3A_2018 : memref<80xi32, #tpu.memory_space<vmem>>)
    %dma_start3A_2021 = arith.constant 0 : i32
    %dma_start3A_2022 = arith.constant 0 : i32
    %dma_start3A_2023 = tpu.memref_slice %arg16[%dma_start3A_2021, %dma_start3A_2022] : memref<2x80xi32, #tpu.memory_space<vmem>> -> memref<1x80xi32, #tpu.memory_space<vmem>>
    %dma_start3A_2024 = tpu.memref_squeeze %dma_start3A_2023 : memref<1x80xi32, #tpu.memory_space<vmem>> -> memref<80xi32, #tpu.memory_space<vmem>>
    %dma_start3A_2025 = arith.constant 0 : i32
    %dma_start3A_2026 = arith.constant 0 : i32
    %dma_start3A_2027 = tpu.memref_slice %arg3[%dma_start3A_2025, %dma_start3A_2026] : memref<10000x128xf32, #tpu.memory_space<hbm>> -> memref<10000x128xf32, #tpu.memory_space<hbm>>
    tpu.enqueue_indirect_dma source(%dma_start3A_2027 : memref<10000x128xf32, #tpu.memory_space<hbm>>) target(%arg8 : memref<80x128xf32, #tpu.memory_space<vmem>>) offsets(%dma_start3A_2024 : memref<80xi32, #tpu.memory_space<vmem>>) semaphore(%arg22 : memref<!tpu.dma_semaphore, #tpu.memory_space<semaphore_mem>>)
    %dma_wait3A_2028 = arith.constant 0 : i32
    %dma_wait3A_2029 = arith.constant 0 : i32
    %dma_wait3A_2030 = tpu.memref_slice %arg13[%dma_wait3A_2028, %dma_wait3A_2029] : memref<2x80xi32, #tpu.memory_space<vmem>> -> memref<1x80xi32, #tpu.memory_space<vmem>>
    %dma_wait3A_2031 = tpu.memref_squeeze %dma_wait3A_2030 : memref<1x80xi32, #tpu.memory_space<vmem>> -> memref<80xi32, #tpu.memory_space<vmem>>
    %dma_wait3A_2032 = arith.constant 0 : i32
    %dma_wait3A_2033 = arith.constant 0 : i32
    %dma_wait3A_2034 = tpu.memref_slice %arg3[%dma_wait3A_2032, %dma_wait3A_2033] : memref<10000x128xf32, #tpu.memory_space<hbm>> -> memref<10000x128xf32, #tpu.memory_space<hbm>>
    tpu.wait_indirect_dma semaphore(%arg23 : memref<!tpu.dma_semaphore, #tpu.memory_space<semaphore_mem>>) src(%dma_wait3A_2034 : memref<10000x128xf32, #tpu.memory_space<hbm>>) dst(%arg9 : memref<80x128xf32, #tpu.memory_space<vmem>>)
    %run_scoped3A_2035 = arith.constant 1 : i32
    "tpu.region"() ({
      %run_scoped3A_2337 = tpu.sem_alloc : memref<!tpu.dma_semaphore, #tpu.memory_space<semaphore_mem>>
      %dma_start3A_2338 = arith.constant 0 : i32
      %dma_start3A_2339 = tpu.memref_slice %arg13[%run_scoped3A_2035, %dma_start3A_2338] : memref<2x80xi32, #tpu.memory_space<vmem>> -> memref<1x80xi32, #tpu.memory_space<vmem>>
      %dma_start3A_2340 = tpu.memref_squeeze %dma_start3A_2339 : memref<1x80xi32, #tpu.memory_space<vmem>> -> memref<80xi32, #tpu.memory_space<vmem>>
      %dma_start3A_2341 = arith.constant 0 : i32
      %dma_start3A_2342 = arith.constant 0 : i32
      %dma_start3A_2343 = tpu.memref_slice %arg19[%dma_start3A_2341, %dma_start3A_2342] : memref<10240x128xf32, #tpu.memory_space<vmem_shared>> -> memref<10240x128xf32, #tpu.memory_space<vmem_shared>>
      tpu.enqueue_indirect_dma source(%arg9 : memref<80x128xf32, #tpu.memory_space<vmem>>) target(%dma_start3A_2343 : memref<10240x128xf32, #tpu.memory_space<vmem_shared>>) offsets(%dma_start3A_2340 : memref<80xi32, #tpu.memory_space<vmem>>) semaphore(%run_scoped3A_2337 : memref<!tpu.dma_semaphore, #tpu.memory_space<semaphore_mem>>) {add = true}
      %dma_wait3A_2344 = arith.constant 0 : i32
      %dma_wait3A_2345 = tpu.memref_slice %arg13[%run_scoped3A_2035, %dma_wait3A_2344] : memref<2x80xi32, #tpu.memory_space<vmem>> -> memref<1x80xi32, #tpu.memory_space<vmem>>
      %dma_wait3A_2346 = tpu.memref_squeeze %dma_wait3A_2345 : memref<1x80xi32, #tpu.memory_space<vmem>> -> memref<80xi32, #tpu.memory_space<vmem>>
      %dma_wait3A_2347 = arith.constant 0 : i32
      %dma_wait3A_2348 = arith.constant 0 : i32
      %dma_wait3A_2349 = tpu.memref_slice %arg19[%dma_wait3A_2347, %dma_wait3A_2348] : memref<10240x128xf32, #tpu.memory_space<vmem_shared>> -> memref<10240x128xf32, #tpu.memory_space<vmem_shared>>
      tpu.wait_indirect_dma semaphore(%run_scoped3A_2337 : memref<!tpu.dma_semaphore, #tpu.memory_space<semaphore_mem>>) src(%arg9 : memref<80x128xf32, #tpu.memory_space<vmem>>) dst(%dma_wait3A_2349 : memref<10240x128xf32, #tpu.memory_space<vmem_shared>>)
      tpu.yield
    }) : () -> ()
    %add3A_2036 = arith.constant 9840 : i32
    %add3A_2037 = arith.addi %mul3A_2, %add3A_2036 : i32
    %multiple_of3A_2038 = tpu.assume_multiple %add3A_2037, 80 : i32
    %dma_start3A_2039 = arith.constant 0 : i32
    %dma_start3A_2040 = arith.constant 0 : i32
    %dma_start3A_2041 = tpu.memref_slice %arg13[%dma_start3A_2039, %dma_start3A_2040] : memref<2x80xi32, #tpu.memory_space<vmem>> -> memref<1x80xi32, #tpu.memory_space<vmem>>
    %dma_start3A_2042 = tpu.memref_squeeze %dma_start3A_2041 : memref<1x80xi32, #tpu.memory_space<vmem>> -> memref<80xi32, #tpu.memory_space<vmem>>
    %dma_start3A_2043 = tpu.memref_slice %arg2[%multiple_of3A_2038] : memref<640000xi32, #tpu.memory_space<hbm>> -> memref<80xi32, #tpu.memory_space<hbm>>
    %dma_start3A_2044 = arith.constant 0 : i32
    %dma_start3A_2045 = tpu.memref_slice %arg13[%dma_start3A_2039, %dma_start3A_2044] : memref<2x80xi32, #tpu.memory_space<vmem>> -> memref<1x80xi32, #tpu.memory_space<vmem>>
    %dma_start3A_2046 = tpu.memref_squeeze %dma_start3A_2045 : memref<1x80xi32, #tpu.memory_space<vmem>> -> memref<80xi32, #tpu.memory_space<vmem>>
    %dma_start3A_2047 = tpu.memref_slice %arg2[%multiple_of3A_2038] : memref<640000xi32, #tpu.memory_space<hbm>> -> memref<80xi32, #tpu.memory_space<hbm>>
    tpu.enqueue_dma source(%dma_start3A_2047 : memref<80xi32, #tpu.memory_space<hbm>>) target(%dma_start3A_2046 : memref<80xi32, #tpu.memory_space<vmem>>) target_semaphore(%arg27 : memref<!tpu.dma_semaphore, #tpu.memory_space<semaphore_mem>>)
    %add3A_2048 = arith.constant 320000 : i32
    %add3A_2049 = arith.addi %add3A_2048, %multiple_of3A_2038 : i32
    %dma_start3A_2050 = arith.constant 1 : i32
    %dma_start3A_2051 = arith.constant 0 : i32
    %dma_start3A_2052 = tpu.memref_slice %arg13[%dma_start3A_2050, %dma_start3A_2051] : memref<2x80xi32, #tpu.memory_space<vmem>> -> memref<1x80xi32, #tpu.memory_space<vmem>>
    %dma_start3A_2053 = tpu.memref_squeeze %dma_start3A_2052 : memref<1x80xi32, #tpu.memory_space<vmem>> -> memref<80xi32, #tpu.memory_space<vmem>>
    %dma_start3A_2054 = tpu.memref_slice %arg2[%add3A_2049] : memref<640000xi32, #tpu.memory_space<hbm>> -> memref<80xi32, #tpu.memory_space<hbm>>
    %dma_start3A_2055 = arith.constant 0 : i32
    %dma_start3A_2056 = tpu.memref_slice %arg13[%dma_start3A_2050, %dma_start3A_2055] : memref<2x80xi32, #tpu.memory_space<vmem>> -> memref<1x80xi32, #tpu.memory_space<vmem>>
    %dma_start3A_2057 = tpu.memref_squeeze %dma_start3A_2056 : memref<1x80xi32, #tpu.memory_space<vmem>> -> memref<80xi32, #tpu.memory_space<vmem>>
    %dma_start3A_2058 = tpu.memref_slice %arg2[%add3A_2049] : memref<640000xi32, #tpu.memory_space<hbm>> -> memref<80xi32, #tpu.memory_space<hbm>>
    tpu.enqueue_dma source(%dma_start3A_2058 : memref<80xi32, #tpu.memory_space<hbm>>) target(%dma_start3A_2057 : memref<80xi32, #tpu.memory_space<vmem>>) target_semaphore(%arg27 : memref<!tpu.dma_semaphore, #tpu.memory_space<semaphore_mem>>)
    %dma_wait3A_2059 = arith.constant 0 : i32
    %dma_wait3A_2060 = arith.constant 0 : i32
    %dma_wait3A_2061 = tpu.memref_slice %arg17[%dma_wait3A_2059, %dma_wait3A_2060] : memref<2x80xi32, #tpu.memory_space<vmem>> -> memref<1x80xi32, #tpu.memory_space<vmem>>
    %dma_wait3A_2062 = tpu.memref_squeeze %dma_wait3A_2061 : memref<1x80xi32, #tpu.memory_space<vmem>> -> memref<80xi32, #tpu.memory_space<vmem>>
    %dma_wait3A_2063 = arith.constant 0 : i32
    %dma_wait3A_2064 = tpu.memref_slice %arg2[%dma_wait3A_2063] : memref<640000xi32, #tpu.memory_space<hbm>> -> memref<80xi32, #tpu.memory_space<hbm>>
    %dma_wait3A_2065 = arith.constant 0 : i32
    %dma_wait3A_2066 = tpu.memref_slice %arg17[%dma_wait3A_2059, %dma_wait3A_2065] : memref<2x80xi32, #tpu.memory_space<vmem>> -> memref<1x80xi32, #tpu.memory_space<vmem>>
    %dma_wait3A_2067 = tpu.memref_squeeze %dma_wait3A_2066 : memref<1x80xi32, #tpu.memory_space<vmem>> -> memref<80xi32, #tpu.memory_space<vmem>>
    %dma_wait3A_2068 = arith.constant 0 : i32
    %dma_wait3A_2069 = tpu.memref_slice %arg2[%dma_wait3A_2068] : memref<640000xi32, #tpu.memory_space<hbm>> -> memref<80xi32, #tpu.memory_space<hbm>>
    tpu.wait_dma2 semaphore(%arg31 : memref<!tpu.dma_semaphore, #tpu.memory_space<semaphore_mem>>) src(%dma_wait3A_2069 : memref<80xi32, #tpu.memory_space<hbm>>) dst(%dma_wait3A_2067 : memref<80xi32, #tpu.memory_space<vmem>>)
    %dma_wait3A_2070 = arith.constant 1 : i32
    %dma_wait3A_2071 = arith.constant 0 : i32
    %dma_wait3A_2072 = tpu.memref_slice %arg17[%dma_wait3A_2070, %dma_wait3A_2071] : memref<2x80xi32, #tpu.memory_space<vmem>> -> memref<1x80xi32, #tpu.memory_space<vmem>>
    %dma_wait3A_2073 = tpu.memref_squeeze %dma_wait3A_2072 : memref<1x80xi32, #tpu.memory_space<vmem>> -> memref<80xi32, #tpu.memory_space<vmem>>
    %dma_wait3A_2074 = arith.constant 0 : i32
    %dma_wait3A_2075 = tpu.memref_slice %arg2[%dma_wait3A_2074] : memref<640000xi32, #tpu.memory_space<hbm>> -> memref<80xi32, #tpu.memory_space<hbm>>
    %dma_wait3A_2076 = arith.constant 0 : i32
    %dma_wait3A_2077 = tpu.memref_slice %arg17[%dma_wait3A_2070, %dma_wait3A_2076] : memref<2x80xi32, #tpu.memory_space<vmem>> -> memref<1x80xi32, #tpu.memory_space<vmem>>
    %dma_wait3A_2078 = tpu.memref_squeeze %dma_wait3A_2077 : memref<1x80xi32, #tpu.memory_space<vmem>> -> memref<80xi32, #tpu.memory_space<vmem>>
    %dma_wait3A_2079 = arith.constant 0 : i32
    %dma_wait3A_2080 = tpu.memref_slice %arg2[%dma_wait3A_2079] : memref<640000xi32, #tpu.memory_space<hbm>> -> memref<80xi32, #tpu.memory_space<hbm>>
    tpu.wait_dma2 semaphore(%arg31 : memref<!tpu.dma_semaphore, #tpu.memory_space<semaphore_mem>>) src(%dma_wait3A_2080 : memref<80xi32, #tpu.memory_space<hbm>>) dst(%dma_wait3A_2078 : memref<80xi32, #tpu.memory_space<vmem>>)
    %dma_start3A_2081 = arith.constant 0 : i32
    %dma_start3A_2082 = arith.constant 0 : i32
    %dma_start3A_2083 = tpu.memref_slice %arg17[%dma_start3A_2081, %dma_start3A_2082] : memref<2x80xi32, #tpu.memory_space<vmem>> -> memref<1x80xi32, #tpu.memory_space<vmem>>
    %dma_start3A_2084 = tpu.memref_squeeze %dma_start3A_2083 : memref<1x80xi32, #tpu.memory_space<vmem>> -> memref<80xi32, #tpu.memory_space<vmem>>
    %dma_start3A_2085 = arith.constant 0 : i32
    %dma_start3A_2086 = arith.constant 0 : i32
    %dma_start3A_2087 = tpu.memref_slice %arg3[%dma_start3A_2085, %dma_start3A_2086] : memref<10000x128xf32, #tpu.memory_space<hbm>> -> memref<10000x128xf32, #tpu.memory_space<hbm>>
    tpu.enqueue_indirect_dma source(%dma_start3A_2087 : memref<10000x128xf32, #tpu.memory_space<hbm>>) target(%arg9 : memref<80x128xf32, #tpu.memory_space<vmem>>) offsets(%dma_start3A_2084 : memref<80xi32, #tpu.memory_space<vmem>>) semaphore(%arg23 : memref<!tpu.dma_semaphore, #tpu.memory_space<semaphore_mem>>)
    %dma_wait3A_2088 = arith.constant 0 : i32
    %dma_wait3A_2089 = arith.constant 0 : i32
    %dma_wait3A_2090 = tpu.memref_slice %arg14[%dma_wait3A_2088, %dma_wait3A_2089] : memref<2x80xi32, #tpu.memory_space<vmem>> -> memref<1x80xi32, #tpu.memory_space<vmem>>
    %dma_wait3A_2091 = tpu.memref_squeeze %dma_wait3A_2090 : memref<1x80xi32, #tpu.memory_space<vmem>> -> memref<80xi32, #tpu.memory_space<vmem>>
    %dma_wait3A_2092 = arith.constant 0 : i32
    %dma_wait3A_2093 = arith.constant 0 : i32
    %dma_wait3A_2094 = tpu.memref_slice %arg3[%dma_wait3A_2092, %dma_wait3A_2093] : memref<10000x128xf32, #tpu.memory_space<hbm>> -> memref<10000x128xf32, #tpu.memory_space<hbm>>
    tpu.wait_indirect_dma semaphore(%arg20 : memref<!tpu.dma_semaphore, #tpu.memory_space<semaphore_mem>>) src(%dma_wait3A_2094 : memref<10000x128xf32, #tpu.memory_space<hbm>>) dst(%arg6 : memref<80x128xf32, #tpu.memory_space<vmem>>)
    %run_scoped3A_2095 = arith.constant 1 : i32
    "tpu.region"() ({
      %run_scoped3A_2337 = tpu.sem_alloc : memref<!tpu.dma_semaphore, #tpu.memory_space<semaphore_mem>>
      %dma_start3A_2338 = arith.constant 0 : i32
      %dma_start3A_2339 = tpu.memref_slice %arg14[%run_scoped3A_2095, %dma_start3A_2338] : memref<2x80xi32, #tpu.memory_space<vmem>> -> memref<1x80xi32, #tpu.memory_space<vmem>>
      %dma_start3A_2340 = tpu.memref_squeeze %dma_start3A_2339 : memref<1x80xi32, #tpu.memory_space<vmem>> -> memref<80xi32, #tpu.memory_space<vmem>>
      %dma_start3A_2341 = arith.constant 0 : i32
      %dma_start3A_2342 = arith.constant 0 : i32
      %dma_start3A_2343 = tpu.memref_slice %arg19[%dma_start3A_2341, %dma_start3A_2342] : memref<10240x128xf32, #tpu.memory_space<vmem_shared>> -> memref<10240x128xf32, #tpu.memory_space<vmem_shared>>
      tpu.enqueue_indirect_dma source(%arg6 : memref<80x128xf32, #tpu.memory_space<vmem>>) target(%dma_start3A_2343 : memref<10240x128xf32, #tpu.memory_space<vmem_shared>>) offsets(%dma_start3A_2340 : memref<80xi32, #tpu.memory_space<vmem>>) semaphore(%run_scoped3A_2337 : memref<!tpu.dma_semaphore, #tpu.memory_space<semaphore_mem>>) {add = true}
      %dma_wait3A_2344 = arith.constant 0 : i32
      %dma_wait3A_2345 = tpu.memref_slice %arg14[%run_scoped3A_2095, %dma_wait3A_2344] : memref<2x80xi32, #tpu.memory_space<vmem>> -> memref<1x80xi32, #tpu.memory_space<vmem>>
      %dma_wait3A_2346 = tpu.memref_squeeze %dma_wait3A_2345 : memref<1x80xi32, #tpu.memory_space<vmem>> -> memref<80xi32, #tpu.memory_space<vmem>>
      %dma_wait3A_2347 = arith.constant 0 : i32
      %dma_wait3A_2348 = arith.constant 0 : i32
      %dma_wait3A_2349 = tpu.memref_slice %arg19[%dma_wait3A_2347, %dma_wait3A_2348] : memref<10240x128xf32, #tpu.memory_space<vmem_shared>> -> memref<10240x128xf32, #tpu.memory_space<vmem_shared>>
      tpu.wait_indirect_dma semaphore(%run_scoped3A_2337 : memref<!tpu.dma_semaphore, #tpu.memory_space<semaphore_mem>>) src(%arg6 : memref<80x128xf32, #tpu.memory_space<vmem>>) dst(%dma_wait3A_2349 : memref<10240x128xf32, #tpu.memory_space<vmem_shared>>)
      tpu.yield
    }) : () -> ()
    %add3A_2096 = arith.constant 9920 : i32
    %add3A_2097 = arith.addi %mul3A_2, %add3A_2096 : i32
    %multiple_of3A_2098 = tpu.assume_multiple %add3A_2097, 80 : i32
    %dma_start3A_2099 = arith.constant 0 : i32
    %dma_start3A_2100 = arith.constant 0 : i32
    %dma_start3A_2101 = tpu.memref_slice %arg14[%dma_start3A_2099, %dma_start3A_2100] : memref<2x80xi32, #tpu.memory_space<vmem>> -> memref<1x80xi32, #tpu.memory_space<vmem>>
    %dma_start3A_2102 = tpu.memref_squeeze %dma_start3A_2101 : memref<1x80xi32, #tpu.memory_space<vmem>> -> memref<80xi32, #tpu.memory_space<vmem>>
    %dma_start3A_2103 = tpu.memref_slice %arg2[%multiple_of3A_2098] : memref<640000xi32, #tpu.memory_space<hbm>> -> memref<80xi32, #tpu.memory_space<hbm>>
    %dma_start3A_2104 = arith.constant 0 : i32
    %dma_start3A_2105 = tpu.memref_slice %arg14[%dma_start3A_2099, %dma_start3A_2104] : memref<2x80xi32, #tpu.memory_space<vmem>> -> memref<1x80xi32, #tpu.memory_space<vmem>>
    %dma_start3A_2106 = tpu.memref_squeeze %dma_start3A_2105 : memref<1x80xi32, #tpu.memory_space<vmem>> -> memref<80xi32, #tpu.memory_space<vmem>>
    %dma_start3A_2107 = tpu.memref_slice %arg2[%multiple_of3A_2098] : memref<640000xi32, #tpu.memory_space<hbm>> -> memref<80xi32, #tpu.memory_space<hbm>>
    tpu.enqueue_dma source(%dma_start3A_2107 : memref<80xi32, #tpu.memory_space<hbm>>) target(%dma_start3A_2106 : memref<80xi32, #tpu.memory_space<vmem>>) target_semaphore(%arg28 : memref<!tpu.dma_semaphore, #tpu.memory_space<semaphore_mem>>)
    %add3A_2108 = arith.constant 320000 : i32
    %add3A_2109 = arith.addi %add3A_2108, %multiple_of3A_2098 : i32
    %dma_start3A_2110 = arith.constant 1 : i32
    %dma_start3A_2111 = arith.constant 0 : i32
    %dma_start3A_2112 = tpu.memref_slice %arg14[%dma_start3A_2110, %dma_start3A_2111] : memref<2x80xi32, #tpu.memory_space<vmem>> -> memref<1x80xi32, #tpu.memory_space<vmem>>
    %dma_start3A_2113 = tpu.memref_squeeze %dma_start3A_2112 : memref<1x80xi32, #tpu.memory_space<vmem>> -> memref<80xi32, #tpu.memory_space<vmem>>
    %dma_start3A_2114 = tpu.memref_slice %arg2[%add3A_2109] : memref<640000xi32, #tpu.memory_space<hbm>> -> memref<80xi32, #tpu.memory_space<hbm>>
    %dma_start3A_2115 = arith.constant 0 : i32
    %dma_start3A_2116 = tpu.memref_slice %arg14[%dma_start3A_2110, %dma_start3A_2115] : memref<2x80xi32, #tpu.memory_space<vmem>> -> memref<1x80xi32, #tpu.memory_space<vmem>>
    %dma_start3A_2117 = tpu.memref_squeeze %dma_start3A_2116 : memref<1x80xi32, #tpu.memory_space<vmem>> -> memref<80xi32, #tpu.memory_space<vmem>>
    %dma_start3A_2118 = tpu.memref_slice %arg2[%add3A_2109] : memref<640000xi32, #tpu.memory_space<hbm>> -> memref<80xi32, #tpu.memory_space<hbm>>
    tpu.enqueue_dma source(%dma_start3A_2118 : memref<80xi32, #tpu.memory_space<hbm>>) target(%dma_start3A_2117 : memref<80xi32, #tpu.memory_space<vmem>>) target_semaphore(%arg28 : memref<!tpu.dma_semaphore, #tpu.memory_space<semaphore_mem>>)
    %dma_wait3A_2119 = arith.constant 0 : i32
    %dma_wait3A_2120 = arith.constant 0 : i32
    %dma_wait3A_2121 = tpu.memref_slice %arg10[%dma_wait3A_2119, %dma_wait3A_2120] : memref<2x80xi32, #tpu.memory_space<vmem>> -> memref<1x80xi32, #tpu.memory_space<vmem>>
    %dma_wait3A_2122 = tpu.memref_squeeze %dma_wait3A_2121 : memref<1x80xi32, #tpu.memory_space<vmem>> -> memref<80xi32, #tpu.memory_space<vmem>>
    %dma_wait3A_2123 = arith.constant 0 : i32
    %dma_wait3A_2124 = tpu.memref_slice %arg2[%dma_wait3A_2123] : memref<640000xi32, #tpu.memory_space<hbm>> -> memref<80xi32, #tpu.memory_space<hbm>>
    %dma_wait3A_2125 = arith.constant 0 : i32
    %dma_wait3A_2126 = tpu.memref_slice %arg10[%dma_wait3A_2119, %dma_wait3A_2125] : memref<2x80xi32, #tpu.memory_space<vmem>> -> memref<1x80xi32, #tpu.memory_space<vmem>>
    %dma_wait3A_2127 = tpu.memref_squeeze %dma_wait3A_2126 : memref<1x80xi32, #tpu.memory_space<vmem>> -> memref<80xi32, #tpu.memory_space<vmem>>
    %dma_wait3A_2128 = arith.constant 0 : i32
    %dma_wait3A_2129 = tpu.memref_slice %arg2[%dma_wait3A_2128] : memref<640000xi32, #tpu.memory_space<hbm>> -> memref<80xi32, #tpu.memory_space<hbm>>
    tpu.wait_dma2 semaphore(%arg24 : memref<!tpu.dma_semaphore, #tpu.memory_space<semaphore_mem>>) src(%dma_wait3A_2129 : memref<80xi32, #tpu.memory_space<hbm>>) dst(%dma_wait3A_2127 : memref<80xi32, #tpu.memory_space<vmem>>)
    %dma_wait3A_2130 = arith.constant 1 : i32
    %dma_wait3A_2131 = arith.constant 0 : i32
    %dma_wait3A_2132 = tpu.memref_slice %arg10[%dma_wait3A_2130, %dma_wait3A_2131] : memref<2x80xi32, #tpu.memory_space<vmem>> -> memref<1x80xi32, #tpu.memory_space<vmem>>
    %dma_wait3A_2133 = tpu.memref_squeeze %dma_wait3A_2132 : memref<1x80xi32, #tpu.memory_space<vmem>> -> memref<80xi32, #tpu.memory_space<vmem>>
    %dma_wait3A_2134 = arith.constant 0 : i32
    %dma_wait3A_2135 = tpu.memref_slice %arg2[%dma_wait3A_2134] : memref<640000xi32, #tpu.memory_space<hbm>> -> memref<80xi32, #tpu.memory_space<hbm>>
    %dma_wait3A_2136 = arith.constant 0 : i32
    %dma_wait3A_2137 = tpu.memref_slice %arg10[%dma_wait3A_2130, %dma_wait3A_2136] : memref<2x80xi32, #tpu.memory_space<vmem>> -> memref<1x80xi32, #tpu.memory_space<vmem>>
    %dma_wait3A_2138 = tpu.memref_squeeze %dma_wait3A_2137 : memref<1x80xi32, #tpu.memory_space<vmem>> -> memref<80xi32, #tpu.memory_space<vmem>>
    %dma_wait3A_2139 = arith.constant 0 : i32
    %dma_wait3A_2140 = tpu.memref_slice %arg2[%dma_wait3A_2139] : memref<640000xi32, #tpu.memory_space<hbm>> -> memref<80xi32, #tpu.memory_space<hbm>>
    tpu.wait_dma2 semaphore(%arg24 : memref<!tpu.dma_semaphore, #tpu.memory_space<semaphore_mem>>) src(%dma_wait3A_2140 : memref<80xi32, #tpu.memory_space<hbm>>) dst(%dma_wait3A_2138 : memref<80xi32, #tpu.memory_space<vmem>>)
    %dma_start3A_2141 = arith.constant 0 : i32
    %dma_start3A_2142 = arith.constant 0 : i32
    %dma_start3A_2143 = tpu.memref_slice %arg10[%dma_start3A_2141, %dma_start3A_2142] : memref<2x80xi32, #tpu.memory_space<vmem>> -> memref<1x80xi32, #tpu.memory_space<vmem>>
    %dma_start3A_2144 = tpu.memref_squeeze %dma_start3A_2143 : memref<1x80xi32, #tpu.memory_space<vmem>> -> memref<80xi32, #tpu.memory_space<vmem>>
    %dma_start3A_2145 = arith.constant 0 : i32
    %dma_start3A_2146 = arith.constant 0 : i32
    %dma_start3A_2147 = tpu.memref_slice %arg3[%dma_start3A_2145, %dma_start3A_2146] : memref<10000x128xf32, #tpu.memory_space<hbm>> -> memref<10000x128xf32, #tpu.memory_space<hbm>>
    tpu.enqueue_indirect_dma source(%dma_start3A_2147 : memref<10000x128xf32, #tpu.memory_space<hbm>>) target(%arg6 : memref<80x128xf32, #tpu.memory_space<vmem>>) offsets(%dma_start3A_2144 : memref<80xi32, #tpu.memory_space<vmem>>) semaphore(%arg20 : memref<!tpu.dma_semaphore, #tpu.memory_space<semaphore_mem>>)
    %dma_wait3A_2148 = arith.constant 0 : i32
    %dma_wait3A_2149 = arith.constant 0 : i32
    %dma_wait3A_2150 = tpu.memref_slice %arg15[%dma_wait3A_2148, %dma_wait3A_2149] : memref<2x80xi32, #tpu.memory_space<vmem>> -> memref<1x80xi32, #tpu.memory_space<vmem>>
    %dma_wait3A_2151 = tpu.memref_squeeze %dma_wait3A_2150 : memref<1x80xi32, #tpu.memory_space<vmem>> -> memref<80xi32, #tpu.memory_space<vmem>>
    %dma_wait3A_2152 = arith.constant 0 : i32
    %dma_wait3A_2153 = arith.constant 0 : i32
    %dma_wait3A_2154 = tpu.memref_slice %arg3[%dma_wait3A_2152, %dma_wait3A_2153] : memref<10000x128xf32, #tpu.memory_space<hbm>> -> memref<10000x128xf32, #tpu.memory_space<hbm>>
    tpu.wait_indirect_dma semaphore(%arg21 : memref<!tpu.dma_semaphore, #tpu.memory_space<semaphore_mem>>) src(%dma_wait3A_2154 : memref<10000x128xf32, #tpu.memory_space<hbm>>) dst(%arg7 : memref<80x128xf32, #tpu.memory_space<vmem>>)
    %run_scoped3A_2155 = arith.constant 1 : i32
    "tpu.region"() ({
      %run_scoped3A_2337 = tpu.sem_alloc : memref<!tpu.dma_semaphore, #tpu.memory_space<semaphore_mem>>
      %dma_start3A_2338 = arith.constant 0 : i32
      %dma_start3A_2339 = tpu.memref_slice %arg15[%run_scoped3A_2155, %dma_start3A_2338] : memref<2x80xi32, #tpu.memory_space<vmem>> -> memref<1x80xi32, #tpu.memory_space<vmem>>
      %dma_start3A_2340 = tpu.memref_squeeze %dma_start3A_2339 : memref<1x80xi32, #tpu.memory_space<vmem>> -> memref<80xi32, #tpu.memory_space<vmem>>
      %dma_start3A_2341 = arith.constant 0 : i32
      %dma_start3A_2342 = arith.constant 0 : i32
      %dma_start3A_2343 = tpu.memref_slice %arg19[%dma_start3A_2341, %dma_start3A_2342] : memref<10240x128xf32, #tpu.memory_space<vmem_shared>> -> memref<10240x128xf32, #tpu.memory_space<vmem_shared>>
      tpu.enqueue_indirect_dma source(%arg7 : memref<80x128xf32, #tpu.memory_space<vmem>>) target(%dma_start3A_2343 : memref<10240x128xf32, #tpu.memory_space<vmem_shared>>) offsets(%dma_start3A_2340 : memref<80xi32, #tpu.memory_space<vmem>>) semaphore(%run_scoped3A_2337 : memref<!tpu.dma_semaphore, #tpu.memory_space<semaphore_mem>>) {add = true}
      %dma_wait3A_2344 = arith.constant 0 : i32
      %dma_wait3A_2345 = tpu.memref_slice %arg15[%run_scoped3A_2155, %dma_wait3A_2344] : memref<2x80xi32, #tpu.memory_space<vmem>> -> memref<1x80xi32, #tpu.memory_space<vmem>>
      %dma_wait3A_2346 = tpu.memref_squeeze %dma_wait3A_2345 : memref<1x80xi32, #tpu.memory_space<vmem>> -> memref<80xi32, #tpu.memory_space<vmem>>
      %dma_wait3A_2347 = arith.constant 0 : i32
      %dma_wait3A_2348 = arith.constant 0 : i32
      %dma_wait3A_2349 = tpu.memref_slice %arg19[%dma_wait3A_2347, %dma_wait3A_2348] : memref<10240x128xf32, #tpu.memory_space<vmem_shared>> -> memref<10240x128xf32, #tpu.memory_space<vmem_shared>>
      tpu.wait_indirect_dma semaphore(%run_scoped3A_2337 : memref<!tpu.dma_semaphore, #tpu.memory_space<semaphore_mem>>) src(%arg7 : memref<80x128xf32, #tpu.memory_space<vmem>>) dst(%dma_wait3A_2349 : memref<10240x128xf32, #tpu.memory_space<vmem_shared>>)
      tpu.yield
    }) : () -> ()
    %dma_wait3A_2156 = arith.constant 0 : i32
    %dma_wait3A_2157 = arith.constant 0 : i32
    %dma_wait3A_2158 = tpu.memref_slice %arg11[%dma_wait3A_2156, %dma_wait3A_2157] : memref<2x80xi32, #tpu.memory_space<vmem>> -> memref<1x80xi32, #tpu.memory_space<vmem>>
    %dma_wait3A_2159 = tpu.memref_squeeze %dma_wait3A_2158 : memref<1x80xi32, #tpu.memory_space<vmem>> -> memref<80xi32, #tpu.memory_space<vmem>>
    %dma_wait3A_2160 = arith.constant 0 : i32
    %dma_wait3A_2161 = tpu.memref_slice %arg2[%dma_wait3A_2160] : memref<640000xi32, #tpu.memory_space<hbm>> -> memref<80xi32, #tpu.memory_space<hbm>>
    %dma_wait3A_2162 = arith.constant 0 : i32
    %dma_wait3A_2163 = tpu.memref_slice %arg11[%dma_wait3A_2156, %dma_wait3A_2162] : memref<2x80xi32, #tpu.memory_space<vmem>> -> memref<1x80xi32, #tpu.memory_space<vmem>>
    %dma_wait3A_2164 = tpu.memref_squeeze %dma_wait3A_2163 : memref<1x80xi32, #tpu.memory_space<vmem>> -> memref<80xi32, #tpu.memory_space<vmem>>
    %dma_wait3A_2165 = arith.constant 0 : i32
    %dma_wait3A_2166 = tpu.memref_slice %arg2[%dma_wait3A_2165] : memref<640000xi32, #tpu.memory_space<hbm>> -> memref<80xi32, #tpu.memory_space<hbm>>
    tpu.wait_dma2 semaphore(%arg25 : memref<!tpu.dma_semaphore, #tpu.memory_space<semaphore_mem>>) src(%dma_wait3A_2166 : memref<80xi32, #tpu.memory_space<hbm>>) dst(%dma_wait3A_2164 : memref<80xi32, #tpu.memory_space<vmem>>)
    %dma_wait3A_2167 = arith.constant 1 : i32
    %dma_wait3A_2168 = arith.constant 0 : i32
    %dma_wait3A_2169 = tpu.memref_slice %arg11[%dma_wait3A_2167, %dma_wait3A_2168] : memref<2x80xi32, #tpu.memory_space<vmem>> -> memref<1x80xi32, #tpu.memory_space<vmem>>
    %dma_wait3A_2170 = tpu.memref_squeeze %dma_wait3A_2169 : memref<1x80xi32, #tpu.memory_space<vmem>> -> memref<80xi32, #tpu.memory_space<vmem>>
    %dma_wait3A_2171 = arith.constant 0 : i32
    %dma_wait3A_2172 = tpu.memref_slice %arg2[%dma_wait3A_2171] : memref<640000xi32, #tpu.memory_space<hbm>> -> memref<80xi32, #tpu.memory_space<hbm>>
    %dma_wait3A_2173 = arith.constant 0 : i32
    %dma_wait3A_2174 = tpu.memref_slice %arg11[%dma_wait3A_2167, %dma_wait3A_2173] : memref<2x80xi32, #tpu.memory_space<vmem>> -> memref<1x80xi32, #tpu.memory_space<vmem>>
    %dma_wait3A_2175 = tpu.memref_squeeze %dma_wait3A_2174 : memref<1x80xi32, #tpu.memory_space<vmem>> -> memref<80xi32, #tpu.memory_space<vmem>>
    %dma_wait3A_2176 = arith.constant 0 : i32
    %dma_wait3A_2177 = tpu.memref_slice %arg2[%dma_wait3A_2176] : memref<640000xi32, #tpu.memory_space<hbm>> -> memref<80xi32, #tpu.memory_space<hbm>>
    tpu.wait_dma2 semaphore(%arg25 : memref<!tpu.dma_semaphore, #tpu.memory_space<semaphore_mem>>) src(%dma_wait3A_2177 : memref<80xi32, #tpu.memory_space<hbm>>) dst(%dma_wait3A_2175 : memref<80xi32, #tpu.memory_space<vmem>>)
    %dma_start3A_2178 = arith.constant 0 : i32
    %dma_start3A_2179 = arith.constant 0 : i32
    %dma_start3A_2180 = tpu.memref_slice %arg11[%dma_start3A_2178, %dma_start3A_2179] : memref<2x80xi32, #tpu.memory_space<vmem>> -> memref<1x80xi32, #tpu.memory_space<vmem>>
    %dma_start3A_2181 = tpu.memref_squeeze %dma_start3A_2180 : memref<1x80xi32, #tpu.memory_space<vmem>> -> memref<80xi32, #tpu.memory_space<vmem>>
    %dma_start3A_2182 = arith.constant 0 : i32
    %dma_start3A_2183 = arith.constant 0 : i32
    %dma_start3A_2184 = tpu.memref_slice %arg3[%dma_start3A_2182, %dma_start3A_2183] : memref<10000x128xf32, #tpu.memory_space<hbm>> -> memref<10000x128xf32, #tpu.memory_space<hbm>>
    tpu.enqueue_indirect_dma source(%dma_start3A_2184 : memref<10000x128xf32, #tpu.memory_space<hbm>>) target(%arg7 : memref<80x128xf32, #tpu.memory_space<vmem>>) offsets(%dma_start3A_2181 : memref<80xi32, #tpu.memory_space<vmem>>) semaphore(%arg21 : memref<!tpu.dma_semaphore, #tpu.memory_space<semaphore_mem>>)
    %dma_wait3A_2185 = arith.constant 0 : i32
    %dma_wait3A_2186 = arith.constant 0 : i32
    %dma_wait3A_2187 = tpu.memref_slice %arg16[%dma_wait3A_2185, %dma_wait3A_2186] : memref<2x80xi32, #tpu.memory_space<vmem>> -> memref<1x80xi32, #tpu.memory_space<vmem>>
    %dma_wait3A_2188 = tpu.memref_squeeze %dma_wait3A_2187 : memref<1x80xi32, #tpu.memory_space<vmem>> -> memref<80xi32, #tpu.memory_space<vmem>>
    %dma_wait3A_2189 = arith.constant 0 : i32
    %dma_wait3A_2190 = arith.constant 0 : i32
    %dma_wait3A_2191 = tpu.memref_slice %arg3[%dma_wait3A_2189, %dma_wait3A_2190] : memref<10000x128xf32, #tpu.memory_space<hbm>> -> memref<10000x128xf32, #tpu.memory_space<hbm>>
    tpu.wait_indirect_dma semaphore(%arg22 : memref<!tpu.dma_semaphore, #tpu.memory_space<semaphore_mem>>) src(%dma_wait3A_2191 : memref<10000x128xf32, #tpu.memory_space<hbm>>) dst(%arg8 : memref<80x128xf32, #tpu.memory_space<vmem>>)
    %run_scoped3A_2192 = arith.constant 1 : i32
    "tpu.region"() ({
      %run_scoped3A_2337 = tpu.sem_alloc : memref<!tpu.dma_semaphore, #tpu.memory_space<semaphore_mem>>
      %dma_start3A_2338 = arith.constant 0 : i32
      %dma_start3A_2339 = tpu.memref_slice %arg16[%run_scoped3A_2192, %dma_start3A_2338] : memref<2x80xi32, #tpu.memory_space<vmem>> -> memref<1x80xi32, #tpu.memory_space<vmem>>
      %dma_start3A_2340 = tpu.memref_squeeze %dma_start3A_2339 : memref<1x80xi32, #tpu.memory_space<vmem>> -> memref<80xi32, #tpu.memory_space<vmem>>
      %dma_start3A_2341 = arith.constant 0 : i32
      %dma_start3A_2342 = arith.constant 0 : i32
      %dma_start3A_2343 = tpu.memref_slice %arg19[%dma_start3A_2341, %dma_start3A_2342] : memref<10240x128xf32, #tpu.memory_space<vmem_shared>> -> memref<10240x128xf32, #tpu.memory_space<vmem_shared>>
      tpu.enqueue_indirect_dma source(%arg8 : memref<80x128xf32, #tpu.memory_space<vmem>>) target(%dma_start3A_2343 : memref<10240x128xf32, #tpu.memory_space<vmem_shared>>) offsets(%dma_start3A_2340 : memref<80xi32, #tpu.memory_space<vmem>>) semaphore(%run_scoped3A_2337 : memref<!tpu.dma_semaphore, #tpu.memory_space<semaphore_mem>>) {add = true}
      %dma_wait3A_2344 = arith.constant 0 : i32
      %dma_wait3A_2345 = tpu.memref_slice %arg16[%run_scoped3A_2192, %dma_wait3A_2344] : memref<2x80xi32, #tpu.memory_space<vmem>> -> memref<1x80xi32, #tpu.memory_space<vmem>>
      %dma_wait3A_2346 = tpu.memref_squeeze %dma_wait3A_2345 : memref<1x80xi32, #tpu.memory_space<vmem>> -> memref<80xi32, #tpu.memory_space<vmem>>
      %dma_wait3A_2347 = arith.constant 0 : i32
      %dma_wait3A_2348 = arith.constant 0 : i32
      %dma_wait3A_2349 = tpu.memref_slice %arg19[%dma_wait3A_2347, %dma_wait3A_2348] : memref<10240x128xf32, #tpu.memory_space<vmem_shared>> -> memref<10240x128xf32, #tpu.memory_space<vmem_shared>>
      tpu.wait_indirect_dma semaphore(%run_scoped3A_2337 : memref<!tpu.dma_semaphore, #tpu.memory_space<semaphore_mem>>) src(%arg8 : memref<80x128xf32, #tpu.memory_space<vmem>>) dst(%dma_wait3A_2349 : memref<10240x128xf32, #tpu.memory_space<vmem_shared>>)
      tpu.yield
    }) : () -> ()
    %dma_wait3A_2193 = arith.constant 0 : i32
    %dma_wait3A_2194 = arith.constant 0 : i32
    %dma_wait3A_2195 = tpu.memref_slice %arg12[%dma_wait3A_2193, %dma_wait3A_2194] : memref<2x80xi32, #tpu.memory_space<vmem>> -> memref<1x80xi32, #tpu.memory_space<vmem>>
    %dma_wait3A_2196 = tpu.memref_squeeze %dma_wait3A_2195 : memref<1x80xi32, #tpu.memory_space<vmem>> -> memref<80xi32, #tpu.memory_space<vmem>>
    %dma_wait3A_2197 = arith.constant 0 : i32
    %dma_wait3A_2198 = tpu.memref_slice %arg2[%dma_wait3A_2197] : memref<640000xi32, #tpu.memory_space<hbm>> -> memref<80xi32, #tpu.memory_space<hbm>>
    %dma_wait3A_2199 = arith.constant 0 : i32
    %dma_wait3A_2200 = tpu.memref_slice %arg12[%dma_wait3A_2193, %dma_wait3A_2199] : memref<2x80xi32, #tpu.memory_space<vmem>> -> memref<1x80xi32, #tpu.memory_space<vmem>>
    %dma_wait3A_2201 = tpu.memref_squeeze %dma_wait3A_2200 : memref<1x80xi32, #tpu.memory_space<vmem>> -> memref<80xi32, #tpu.memory_space<vmem>>
    %dma_wait3A_2202 = arith.constant 0 : i32
    %dma_wait3A_2203 = tpu.memref_slice %arg2[%dma_wait3A_2202] : memref<640000xi32, #tpu.memory_space<hbm>> -> memref<80xi32, #tpu.memory_space<hbm>>
    tpu.wait_dma2 semaphore(%arg26 : memref<!tpu.dma_semaphore, #tpu.memory_space<semaphore_mem>>) src(%dma_wait3A_2203 : memref<80xi32, #tpu.memory_space<hbm>>) dst(%dma_wait3A_2201 : memref<80xi32, #tpu.memory_space<vmem>>)
    %dma_wait3A_2204 = arith.constant 1 : i32
    %dma_wait3A_2205 = arith.constant 0 : i32
    %dma_wait3A_2206 = tpu.memref_slice %arg12[%dma_wait3A_2204, %dma_wait3A_2205] : memref<2x80xi32, #tpu.memory_space<vmem>> -> memref<1x80xi32, #tpu.memory_space<vmem>>
    %dma_wait3A_2207 = tpu.memref_squeeze %dma_wait3A_2206 : memref<1x80xi32, #tpu.memory_space<vmem>> -> memref<80xi32, #tpu.memory_space<vmem>>
    %dma_wait3A_2208 = arith.constant 0 : i32
    %dma_wait3A_2209 = tpu.memref_slice %arg2[%dma_wait3A_2208] : memref<640000xi32, #tpu.memory_space<hbm>> -> memref<80xi32, #tpu.memory_space<hbm>>
    %dma_wait3A_2210 = arith.constant 0 : i32
    %dma_wait3A_2211 = tpu.memref_slice %arg12[%dma_wait3A_2204, %dma_wait3A_2210] : memref<2x80xi32, #tpu.memory_space<vmem>> -> memref<1x80xi32, #tpu.memory_space<vmem>>
    %dma_wait3A_2212 = tpu.memref_squeeze %dma_wait3A_2211 : memref<1x80xi32, #tpu.memory_space<vmem>> -> memref<80xi32, #tpu.memory_space<vmem>>
    %dma_wait3A_2213 = arith.constant 0 : i32
    %dma_wait3A_2214 = tpu.memref_slice %arg2[%dma_wait3A_2213] : memref<640000xi32, #tpu.memory_space<hbm>> -> memref<80xi32, #tpu.memory_space<hbm>>
    tpu.wait_dma2 semaphore(%arg26 : memref<!tpu.dma_semaphore, #tpu.memory_space<semaphore_mem>>) src(%dma_wait3A_2214 : memref<80xi32, #tpu.memory_space<hbm>>) dst(%dma_wait3A_2212 : memref<80xi32, #tpu.memory_space<vmem>>)
    %dma_start3A_2215 = arith.constant 0 : i32
    %dma_start3A_2216 = arith.constant 0 : i32
    %dma_start3A_2217 = tpu.memref_slice %arg12[%dma_start3A_2215, %dma_start3A_2216] : memref<2x80xi32, #tpu.memory_space<vmem>> -> memref<1x80xi32, #tpu.memory_space<vmem>>
    %dma_start3A_2218 = tpu.memref_squeeze %dma_start3A_2217 : memref<1x80xi32, #tpu.memory_space<vmem>> -> memref<80xi32, #tpu.memory_space<vmem>>
    %dma_start3A_2219 = arith.constant 0 : i32
    %dma_start3A_2220 = arith.constant 0 : i32
    %dma_start3A_2221 = tpu.memref_slice %arg3[%dma_start3A_2219, %dma_start3A_2220] : memref<10000x128xf32, #tpu.memory_space<hbm>> -> memref<10000x128xf32, #tpu.memory_space<hbm>>
    tpu.enqueue_indirect_dma source(%dma_start3A_2221 : memref<10000x128xf32, #tpu.memory_space<hbm>>) target(%arg8 : memref<80x128xf32, #tpu.memory_space<vmem>>) offsets(%dma_start3A_2218 : memref<80xi32, #tpu.memory_space<vmem>>) semaphore(%arg22 : memref<!tpu.dma_semaphore, #tpu.memory_space<semaphore_mem>>)
    %dma_wait3A_2222 = arith.constant 0 : i32
    %dma_wait3A_2223 = arith.constant 0 : i32
    %dma_wait3A_2224 = tpu.memref_slice %arg17[%dma_wait3A_2222, %dma_wait3A_2223] : memref<2x80xi32, #tpu.memory_space<vmem>> -> memref<1x80xi32, #tpu.memory_space<vmem>>
    %dma_wait3A_2225 = tpu.memref_squeeze %dma_wait3A_2224 : memref<1x80xi32, #tpu.memory_space<vmem>> -> memref<80xi32, #tpu.memory_space<vmem>>
    %dma_wait3A_2226 = arith.constant 0 : i32
    %dma_wait3A_2227 = arith.constant 0 : i32
    %dma_wait3A_2228 = tpu.memref_slice %arg3[%dma_wait3A_2226, %dma_wait3A_2227] : memref<10000x128xf32, #tpu.memory_space<hbm>> -> memref<10000x128xf32, #tpu.memory_space<hbm>>
    tpu.wait_indirect_dma semaphore(%arg23 : memref<!tpu.dma_semaphore, #tpu.memory_space<semaphore_mem>>) src(%dma_wait3A_2228 : memref<10000x128xf32, #tpu.memory_space<hbm>>) dst(%arg9 : memref<80x128xf32, #tpu.memory_space<vmem>>)
    %run_scoped3A_2229 = arith.constant 1 : i32
    "tpu.region"() ({
      %run_scoped3A_2337 = tpu.sem_alloc : memref<!tpu.dma_semaphore, #tpu.memory_space<semaphore_mem>>
      %dma_start3A_2338 = arith.constant 0 : i32
      %dma_start3A_2339 = tpu.memref_slice %arg17[%run_scoped3A_2229, %dma_start3A_2338] : memref<2x80xi32, #tpu.memory_space<vmem>> -> memref<1x80xi32, #tpu.memory_space<vmem>>
      %dma_start3A_2340 = tpu.memref_squeeze %dma_start3A_2339 : memref<1x80xi32, #tpu.memory_space<vmem>> -> memref<80xi32, #tpu.memory_space<vmem>>
      %dma_start3A_2341 = arith.constant 0 : i32
      %dma_start3A_2342 = arith.constant 0 : i32
      %dma_start3A_2343 = tpu.memref_slice %arg19[%dma_start3A_2341, %dma_start3A_2342] : memref<10240x128xf32, #tpu.memory_space<vmem_shared>> -> memref<10240x128xf32, #tpu.memory_space<vmem_shared>>
      tpu.enqueue_indirect_dma source(%arg9 : memref<80x128xf32, #tpu.memory_space<vmem>>) target(%dma_start3A_2343 : memref<10240x128xf32, #tpu.memory_space<vmem_shared>>) offsets(%dma_start3A_2340 : memref<80xi32, #tpu.memory_space<vmem>>) semaphore(%run_scoped3A_2337 : memref<!tpu.dma_semaphore, #tpu.memory_space<semaphore_mem>>) {add = true}
      %dma_wait3A_2344 = arith.constant 0 : i32
      %dma_wait3A_2345 = tpu.memref_slice %arg17[%run_scoped3A_2229, %dma_wait3A_2344] : memref<2x80xi32, #tpu.memory_space<vmem>> -> memref<1x80xi32, #tpu.memory_space<vmem>>
      %dma_wait3A_2346 = tpu.memref_squeeze %dma_wait3A_2345 : memref<1x80xi32, #tpu.memory_space<vmem>> -> memref<80xi32, #tpu.memory_space<vmem>>
      %dma_wait3A_2347 = arith.constant 0 : i32
      %dma_wait3A_2348 = arith.constant 0 : i32
      %dma_wait3A_2349 = tpu.memref_slice %arg19[%dma_wait3A_2347, %dma_wait3A_2348] : memref<10240x128xf32, #tpu.memory_space<vmem_shared>> -> memref<10240x128xf32, #tpu.memory_space<vmem_shared>>
      tpu.wait_indirect_dma semaphore(%run_scoped3A_2337 : memref<!tpu.dma_semaphore, #tpu.memory_space<semaphore_mem>>) src(%arg9 : memref<80x128xf32, #tpu.memory_space<vmem>>) dst(%dma_wait3A_2349 : memref<10240x128xf32, #tpu.memory_space<vmem_shared>>)
      tpu.yield
    }) : () -> ()
    %dma_wait3A_2230 = arith.constant 0 : i32
    %dma_wait3A_2231 = arith.constant 0 : i32
    %dma_wait3A_2232 = tpu.memref_slice %arg13[%dma_wait3A_2230, %dma_wait3A_2231] : memref<2x80xi32, #tpu.memory_space<vmem>> -> memref<1x80xi32, #tpu.memory_space<vmem>>
    %dma_wait3A_2233 = tpu.memref_squeeze %dma_wait3A_2232 : memref<1x80xi32, #tpu.memory_space<vmem>> -> memref<80xi32, #tpu.memory_space<vmem>>
    %dma_wait3A_2234 = arith.constant 0 : i32
    %dma_wait3A_2235 = tpu.memref_slice %arg2[%dma_wait3A_2234] : memref<640000xi32, #tpu.memory_space<hbm>> -> memref<80xi32, #tpu.memory_space<hbm>>
    %dma_wait3A_2236 = arith.constant 0 : i32
    %dma_wait3A_2237 = tpu.memref_slice %arg13[%dma_wait3A_2230, %dma_wait3A_2236] : memref<2x80xi32, #tpu.memory_space<vmem>> -> memref<1x80xi32, #tpu.memory_space<vmem>>
    %dma_wait3A_2238 = tpu.memref_squeeze %dma_wait3A_2237 : memref<1x80xi32, #tpu.memory_space<vmem>> -> memref<80xi32, #tpu.memory_space<vmem>>
    %dma_wait3A_2239 = arith.constant 0 : i32
    %dma_wait3A_2240 = tpu.memref_slice %arg2[%dma_wait3A_2239] : memref<640000xi32, #tpu.memory_space<hbm>> -> memref<80xi32, #tpu.memory_space<hbm>>
    tpu.wait_dma2 semaphore(%arg27 : memref<!tpu.dma_semaphore, #tpu.memory_space<semaphore_mem>>) src(%dma_wait3A_2240 : memref<80xi32, #tpu.memory_space<hbm>>) dst(%dma_wait3A_2238 : memref<80xi32, #tpu.memory_space<vmem>>)
    %dma_wait3A_2241 = arith.constant 1 : i32
    %dma_wait3A_2242 = arith.constant 0 : i32
    %dma_wait3A_2243 = tpu.memref_slice %arg13[%dma_wait3A_2241, %dma_wait3A_2242] : memref<2x80xi32, #tpu.memory_space<vmem>> -> memref<1x80xi32, #tpu.memory_space<vmem>>
    %dma_wait3A_2244 = tpu.memref_squeeze %dma_wait3A_2243 : memref<1x80xi32, #tpu.memory_space<vmem>> -> memref<80xi32, #tpu.memory_space<vmem>>
    %dma_wait3A_2245 = arith.constant 0 : i32
    %dma_wait3A_2246 = tpu.memref_slice %arg2[%dma_wait3A_2245] : memref<640000xi32, #tpu.memory_space<hbm>> -> memref<80xi32, #tpu.memory_space<hbm>>
    %dma_wait3A_2247 = arith.constant 0 : i32
    %dma_wait3A_2248 = tpu.memref_slice %arg13[%dma_wait3A_2241, %dma_wait3A_2247] : memref<2x80xi32, #tpu.memory_space<vmem>> -> memref<1x80xi32, #tpu.memory_space<vmem>>
    %dma_wait3A_2249 = tpu.memref_squeeze %dma_wait3A_2248 : memref<1x80xi32, #tpu.memory_space<vmem>> -> memref<80xi32, #tpu.memory_space<vmem>>
    %dma_wait3A_2250 = arith.constant 0 : i32
    %dma_wait3A_2251 = tpu.memref_slice %arg2[%dma_wait3A_2250] : memref<640000xi32, #tpu.memory_space<hbm>> -> memref<80xi32, #tpu.memory_space<hbm>>
    tpu.wait_dma2 semaphore(%arg27 : memref<!tpu.dma_semaphore, #tpu.memory_space<semaphore_mem>>) src(%dma_wait3A_2251 : memref<80xi32, #tpu.memory_space<hbm>>) dst(%dma_wait3A_2249 : memref<80xi32, #tpu.memory_space<vmem>>)
    %dma_start3A_2252 = arith.constant 0 : i32
    %dma_start3A_2253 = arith.constant 0 : i32
    %dma_start3A_2254 = tpu.memref_slice %arg13[%dma_start3A_2252, %dma_start3A_2253] : memref<2x80xi32, #tpu.memory_space<vmem>> -> memref<1x80xi32, #tpu.memory_space<vmem>>
    %dma_start3A_2255 = tpu.memref_squeeze %dma_start3A_2254 : memref<1x80xi32, #tpu.memory_space<vmem>> -> memref<80xi32, #tpu.memory_space<vmem>>
    %dma_start3A_2256 = arith.constant 0 : i32
    %dma_start3A_2257 = arith.constant 0 : i32
    %dma_start3A_2258 = tpu.memref_slice %arg3[%dma_start3A_2256, %dma_start3A_2257] : memref<10000x128xf32, #tpu.memory_space<hbm>> -> memref<10000x128xf32, #tpu.memory_space<hbm>>
    tpu.enqueue_indirect_dma source(%dma_start3A_2258 : memref<10000x128xf32, #tpu.memory_space<hbm>>) target(%arg9 : memref<80x128xf32, #tpu.memory_space<vmem>>) offsets(%dma_start3A_2255 : memref<80xi32, #tpu.memory_space<vmem>>) semaphore(%arg23 : memref<!tpu.dma_semaphore, #tpu.memory_space<semaphore_mem>>)
    %dma_wait3A_2259 = arith.constant 0 : i32
    %dma_wait3A_2260 = arith.constant 0 : i32
    %dma_wait3A_2261 = tpu.memref_slice %arg10[%dma_wait3A_2259, %dma_wait3A_2260] : memref<2x80xi32, #tpu.memory_space<vmem>> -> memref<1x80xi32, #tpu.memory_space<vmem>>
    %dma_wait3A_2262 = tpu.memref_squeeze %dma_wait3A_2261 : memref<1x80xi32, #tpu.memory_space<vmem>> -> memref<80xi32, #tpu.memory_space<vmem>>
    %dma_wait3A_2263 = arith.constant 0 : i32
    %dma_wait3A_2264 = arith.constant 0 : i32
    %dma_wait3A_2265 = tpu.memref_slice %arg3[%dma_wait3A_2263, %dma_wait3A_2264] : memref<10000x128xf32, #tpu.memory_space<hbm>> -> memref<10000x128xf32, #tpu.memory_space<hbm>>
    tpu.wait_indirect_dma semaphore(%arg20 : memref<!tpu.dma_semaphore, #tpu.memory_space<semaphore_mem>>) src(%dma_wait3A_2265 : memref<10000x128xf32, #tpu.memory_space<hbm>>) dst(%arg6 : memref<80x128xf32, #tpu.memory_space<vmem>>)
    %run_scoped3A_2266 = arith.constant 1 : i32
    "tpu.region"() ({
      %run_scoped3A_2337 = tpu.sem_alloc : memref<!tpu.dma_semaphore, #tpu.memory_space<semaphore_mem>>
      %dma_start3A_2338 = arith.constant 0 : i32
      %dma_start3A_2339 = tpu.memref_slice %arg10[%run_scoped3A_2266, %dma_start3A_2338] : memref<2x80xi32, #tpu.memory_space<vmem>> -> memref<1x80xi32, #tpu.memory_space<vmem>>
      %dma_start3A_2340 = tpu.memref_squeeze %dma_start3A_2339 : memref<1x80xi32, #tpu.memory_space<vmem>> -> memref<80xi32, #tpu.memory_space<vmem>>
      %dma_start3A_2341 = arith.constant 0 : i32
      %dma_start3A_2342 = arith.constant 0 : i32
      %dma_start3A_2343 = tpu.memref_slice %arg19[%dma_start3A_2341, %dma_start3A_2342] : memref<10240x128xf32, #tpu.memory_space<vmem_shared>> -> memref<10240x128xf32, #tpu.memory_space<vmem_shared>>
      tpu.enqueue_indirect_dma source(%arg6 : memref<80x128xf32, #tpu.memory_space<vmem>>) target(%dma_start3A_2343 : memref<10240x128xf32, #tpu.memory_space<vmem_shared>>) offsets(%dma_start3A_2340 : memref<80xi32, #tpu.memory_space<vmem>>) semaphore(%run_scoped3A_2337 : memref<!tpu.dma_semaphore, #tpu.memory_space<semaphore_mem>>) {add = true}
      %dma_wait3A_2344 = arith.constant 0 : i32
      %dma_wait3A_2345 = tpu.memref_slice %arg10[%run_scoped3A_2266, %dma_wait3A_2344] : memref<2x80xi32, #tpu.memory_space<vmem>> -> memref<1x80xi32, #tpu.memory_space<vmem>>
      %dma_wait3A_2346 = tpu.memref_squeeze %dma_wait3A_2345 : memref<1x80xi32, #tpu.memory_space<vmem>> -> memref<80xi32, #tpu.memory_space<vmem>>
      %dma_wait3A_2347 = arith.constant 0 : i32
      %dma_wait3A_2348 = arith.constant 0 : i32
      %dma_wait3A_2349 = tpu.memref_slice %arg19[%dma_wait3A_2347, %dma_wait3A_2348] : memref<10240x128xf32, #tpu.memory_space<vmem_shared>> -> memref<10240x128xf32, #tpu.memory_space<vmem_shared>>
      tpu.wait_indirect_dma semaphore(%run_scoped3A_2337 : memref<!tpu.dma_semaphore, #tpu.memory_space<semaphore_mem>>) src(%arg6 : memref<80x128xf32, #tpu.memory_space<vmem>>) dst(%dma_wait3A_2349 : memref<10240x128xf32, #tpu.memory_space<vmem_shared>>)
      tpu.yield
    }) : () -> ()
    %dma_wait3A_2267 = arith.constant 0 : i32
    %dma_wait3A_2268 = arith.constant 0 : i32
    %dma_wait3A_2269 = tpu.memref_slice %arg14[%dma_wait3A_2267, %dma_wait3A_2268] : memref<2x80xi32, #tpu.memory_space<vmem>> -> memref<1x80xi32, #tpu.memory_space<vmem>>
    %dma_wait3A_2270 = tpu.memref_squeeze %dma_wait3A_2269 : memref<1x80xi32, #tpu.memory_space<vmem>> -> memref<80xi32, #tpu.memory_space<vmem>>
    %dma_wait3A_2271 = arith.constant 0 : i32
    %dma_wait3A_2272 = tpu.memref_slice %arg2[%dma_wait3A_2271] : memref<640000xi32, #tpu.memory_space<hbm>> -> memref<80xi32, #tpu.memory_space<hbm>>
    %dma_wait3A_2273 = arith.constant 0 : i32
    %dma_wait3A_2274 = tpu.memref_slice %arg14[%dma_wait3A_2267, %dma_wait3A_2273] : memref<2x80xi32, #tpu.memory_space<vmem>> -> memref<1x80xi32, #tpu.memory_space<vmem>>
    %dma_wait3A_2275 = tpu.memref_squeeze %dma_wait3A_2274 : memref<1x80xi32, #tpu.memory_space<vmem>> -> memref<80xi32, #tpu.memory_space<vmem>>
    %dma_wait3A_2276 = arith.constant 0 : i32
    %dma_wait3A_2277 = tpu.memref_slice %arg2[%dma_wait3A_2276] : memref<640000xi32, #tpu.memory_space<hbm>> -> memref<80xi32, #tpu.memory_space<hbm>>
    tpu.wait_dma2 semaphore(%arg28 : memref<!tpu.dma_semaphore, #tpu.memory_space<semaphore_mem>>) src(%dma_wait3A_2277 : memref<80xi32, #tpu.memory_space<hbm>>) dst(%dma_wait3A_2275 : memref<80xi32, #tpu.memory_space<vmem>>)
    %dma_wait3A_2278 = arith.constant 1 : i32
    %dma_wait3A_2279 = arith.constant 0 : i32
    %dma_wait3A_2280 = tpu.memref_slice %arg14[%dma_wait3A_2278, %dma_wait3A_2279] : memref<2x80xi32, #tpu.memory_space<vmem>> -> memref<1x80xi32, #tpu.memory_space<vmem>>
    %dma_wait3A_2281 = tpu.memref_squeeze %dma_wait3A_2280 : memref<1x80xi32, #tpu.memory_space<vmem>> -> memref<80xi32, #tpu.memory_space<vmem>>
    %dma_wait3A_2282 = arith.constant 0 : i32
    %dma_wait3A_2283 = tpu.memref_slice %arg2[%dma_wait3A_2282] : memref<640000xi32, #tpu.memory_space<hbm>> -> memref<80xi32, #tpu.memory_space<hbm>>
    %dma_wait3A_2284 = arith.constant 0 : i32
    %dma_wait3A_2285 = tpu.memref_slice %arg14[%dma_wait3A_2278, %dma_wait3A_2284] : memref<2x80xi32, #tpu.memory_space<vmem>> -> memref<1x80xi32, #tpu.memory_space<vmem>>
    %dma_wait3A_2286 = tpu.memref_squeeze %dma_wait3A_2285 : memref<1x80xi32, #tpu.memory_space<vmem>> -> memref<80xi32, #tpu.memory_space<vmem>>
    %dma_wait3A_2287 = arith.constant 0 : i32
    %dma_wait3A_2288 = tpu.memref_slice %arg2[%dma_wait3A_2287] : memref<640000xi32, #tpu.memory_space<hbm>> -> memref<80xi32, #tpu.memory_space<hbm>>
    tpu.wait_dma2 semaphore(%arg28 : memref<!tpu.dma_semaphore, #tpu.memory_space<semaphore_mem>>) src(%dma_wait3A_2288 : memref<80xi32, #tpu.memory_space<hbm>>) dst(%dma_wait3A_2286 : memref<80xi32, #tpu.memory_space<vmem>>)
    %dma_start3A_2289 = arith.constant 0 : i32
    %dma_start3A_2290 = arith.constant 0 : i32
    %dma_start3A_2291 = tpu.memref_slice %arg14[%dma_start3A_2289, %dma_start3A_2290] : memref<2x80xi32, #tpu.memory_space<vmem>> -> memref<1x80xi32, #tpu.memory_space<vmem>>
    %dma_start3A_2292 = tpu.memref_squeeze %dma_start3A_2291 : memref<1x80xi32, #tpu.memory_space<vmem>> -> memref<80xi32, #tpu.memory_space<vmem>>
    %dma_start3A_2293 = arith.constant 0 : i32
    %dma_start3A_2294 = arith.constant 0 : i32
    %dma_start3A_2295 = tpu.memref_slice %arg3[%dma_start3A_2293, %dma_start3A_2294] : memref<10000x128xf32, #tpu.memory_space<hbm>> -> memref<10000x128xf32, #tpu.memory_space<hbm>>
    tpu.enqueue_indirect_dma source(%dma_start3A_2295 : memref<10000x128xf32, #tpu.memory_space<hbm>>) target(%arg6 : memref<80x128xf32, #tpu.memory_space<vmem>>) offsets(%dma_start3A_2292 : memref<80xi32, #tpu.memory_space<vmem>>) semaphore(%arg20 : memref<!tpu.dma_semaphore, #tpu.memory_space<semaphore_mem>>)
    %dma_wait3A_2296 = arith.constant 0 : i32
    %dma_wait3A_2297 = arith.constant 0 : i32
    %dma_wait3A_2298 = tpu.memref_slice %arg11[%dma_wait3A_2296, %dma_wait3A_2297] : memref<2x80xi32, #tpu.memory_space<vmem>> -> memref<1x80xi32, #tpu.memory_space<vmem>>
    %dma_wait3A_2299 = tpu.memref_squeeze %dma_wait3A_2298 : memref<1x80xi32, #tpu.memory_space<vmem>> -> memref<80xi32, #tpu.memory_space<vmem>>
    %dma_wait3A_2300 = arith.constant 0 : i32
    %dma_wait3A_2301 = arith.constant 0 : i32
    %dma_wait3A_2302 = tpu.memref_slice %arg3[%dma_wait3A_2300, %dma_wait3A_2301] : memref<10000x128xf32, #tpu.memory_space<hbm>> -> memref<10000x128xf32, #tpu.memory_space<hbm>>
    tpu.wait_indirect_dma semaphore(%arg21 : memref<!tpu.dma_semaphore, #tpu.memory_space<semaphore_mem>>) src(%dma_wait3A_2302 : memref<10000x128xf32, #tpu.memory_space<hbm>>) dst(%arg7 : memref<80x128xf32, #tpu.memory_space<vmem>>)
    %run_scoped3A_2303 = arith.constant 1 : i32
    "tpu.region"() ({
      %run_scoped3A_2337 = tpu.sem_alloc : memref<!tpu.dma_semaphore, #tpu.memory_space<semaphore_mem>>
      %dma_start3A_2338 = arith.constant 0 : i32
      %dma_start3A_2339 = tpu.memref_slice %arg11[%run_scoped3A_2303, %dma_start3A_2338] : memref<2x80xi32, #tpu.memory_space<vmem>> -> memref<1x80xi32, #tpu.memory_space<vmem>>
      %dma_start3A_2340 = tpu.memref_squeeze %dma_start3A_2339 : memref<1x80xi32, #tpu.memory_space<vmem>> -> memref<80xi32, #tpu.memory_space<vmem>>
      %dma_start3A_2341 = arith.constant 0 : i32
      %dma_start3A_2342 = arith.constant 0 : i32
      %dma_start3A_2343 = tpu.memref_slice %arg19[%dma_start3A_2341, %dma_start3A_2342] : memref<10240x128xf32, #tpu.memory_space<vmem_shared>> -> memref<10240x128xf32, #tpu.memory_space<vmem_shared>>
      tpu.enqueue_indirect_dma source(%arg7 : memref<80x128xf32, #tpu.memory_space<vmem>>) target(%dma_start3A_2343 : memref<10240x128xf32, #tpu.memory_space<vmem_shared>>) offsets(%dma_start3A_2340 : memref<80xi32, #tpu.memory_space<vmem>>) semaphore(%run_scoped3A_2337 : memref<!tpu.dma_semaphore, #tpu.memory_space<semaphore_mem>>) {add = true}
      %dma_wait3A_2344 = arith.constant 0 : i32
      %dma_wait3A_2345 = tpu.memref_slice %arg11[%run_scoped3A_2303, %dma_wait3A_2344] : memref<2x80xi32, #tpu.memory_space<vmem>> -> memref<1x80xi32, #tpu.memory_space<vmem>>
      %dma_wait3A_2346 = tpu.memref_squeeze %dma_wait3A_2345 : memref<1x80xi32, #tpu.memory_space<vmem>> -> memref<80xi32, #tpu.memory_space<vmem>>
      %dma_wait3A_2347 = arith.constant 0 : i32
      %dma_wait3A_2348 = arith.constant 0 : i32
      %dma_wait3A_2349 = tpu.memref_slice %arg19[%dma_wait3A_2347, %dma_wait3A_2348] : memref<10240x128xf32, #tpu.memory_space<vmem_shared>> -> memref<10240x128xf32, #tpu.memory_space<vmem_shared>>
      tpu.wait_indirect_dma semaphore(%run_scoped3A_2337 : memref<!tpu.dma_semaphore, #tpu.memory_space<semaphore_mem>>) src(%arg7 : memref<80x128xf32, #tpu.memory_space<vmem>>) dst(%dma_wait3A_2349 : memref<10240x128xf32, #tpu.memory_space<vmem_shared>>)
      tpu.yield
    }) : () -> ()
    %dma_wait3A_2304 = arith.constant 0 : i32
    %dma_wait3A_2305 = arith.constant 0 : i32
    %dma_wait3A_2306 = tpu.memref_slice %arg12[%dma_wait3A_2304, %dma_wait3A_2305] : memref<2x80xi32, #tpu.memory_space<vmem>> -> memref<1x80xi32, #tpu.memory_space<vmem>>
    %dma_wait3A_2307 = tpu.memref_squeeze %dma_wait3A_2306 : memref<1x80xi32, #tpu.memory_space<vmem>> -> memref<80xi32, #tpu.memory_space<vmem>>
    %dma_wait3A_2308 = arith.constant 0 : i32
    %dma_wait3A_2309 = arith.constant 0 : i32
    %dma_wait3A_2310 = tpu.memref_slice %arg3[%dma_wait3A_2308, %dma_wait3A_2309] : memref<10000x128xf32, #tpu.memory_space<hbm>> -> memref<10000x128xf32, #tpu.memory_space<hbm>>
    tpu.wait_indirect_dma semaphore(%arg22 : memref<!tpu.dma_semaphore, #tpu.memory_space<semaphore_mem>>) src(%dma_wait3A_2310 : memref<10000x128xf32, #tpu.memory_space<hbm>>) dst(%arg8 : memref<80x128xf32, #tpu.memory_space<vmem>>)
    %run_scoped3A_2311 = arith.constant 1 : i32
    "tpu.region"() ({
      %run_scoped3A_2337 = tpu.sem_alloc : memref<!tpu.dma_semaphore, #tpu.memory_space<semaphore_mem>>
      %dma_start3A_2338 = arith.constant 0 : i32
      %dma_start3A_2339 = tpu.memref_slice %arg12[%run_scoped3A_2311, %dma_start3A_2338] : memref<2x80xi32, #tpu.memory_space<vmem>> -> memref<1x80xi32, #tpu.memory_space<vmem>>
      %dma_start3A_2340 = tpu.memref_squeeze %dma_start3A_2339 : memref<1x80xi32, #tpu.memory_space<vmem>> -> memref<80xi32, #tpu.memory_space<vmem>>
      %dma_start3A_2341 = arith.constant 0 : i32
      %dma_start3A_2342 = arith.constant 0 : i32
      %dma_start3A_2343 = tpu.memref_slice %arg19[%dma_start3A_2341, %dma_start3A_2342] : memref<10240x128xf32, #tpu.memory_space<vmem_shared>> -> memref<10240x128xf32, #tpu.memory_space<vmem_shared>>
      tpu.enqueue_indirect_dma source(%arg8 : memref<80x128xf32, #tpu.memory_space<vmem>>) target(%dma_start3A_2343 : memref<10240x128xf32, #tpu.memory_space<vmem_shared>>) offsets(%dma_start3A_2340 : memref<80xi32, #tpu.memory_space<vmem>>) semaphore(%run_scoped3A_2337 : memref<!tpu.dma_semaphore, #tpu.memory_space<semaphore_mem>>) {add = true}
      %dma_wait3A_2344 = arith.constant 0 : i32
      %dma_wait3A_2345 = tpu.memref_slice %arg12[%run_scoped3A_2311, %dma_wait3A_2344] : memref<2x80xi32, #tpu.memory_space<vmem>> -> memref<1x80xi32, #tpu.memory_space<vmem>>
      %dma_wait3A_2346 = tpu.memref_squeeze %dma_wait3A_2345 : memref<1x80xi32, #tpu.memory_space<vmem>> -> memref<80xi32, #tpu.memory_space<vmem>>
      %dma_wait3A_2347 = arith.constant 0 : i32
      %dma_wait3A_2348 = arith.constant 0 : i32
      %dma_wait3A_2349 = tpu.memref_slice %arg19[%dma_wait3A_2347, %dma_wait3A_2348] : memref<10240x128xf32, #tpu.memory_space<vmem_shared>> -> memref<10240x128xf32, #tpu.memory_space<vmem_shared>>
      tpu.wait_indirect_dma semaphore(%run_scoped3A_2337 : memref<!tpu.dma_semaphore, #tpu.memory_space<semaphore_mem>>) src(%arg8 : memref<80x128xf32, #tpu.memory_space<vmem>>) dst(%dma_wait3A_2349 : memref<10240x128xf32, #tpu.memory_space<vmem_shared>>)
      tpu.yield
    }) : () -> ()
    %dma_wait3A_2312 = arith.constant 0 : i32
    %dma_wait3A_2313 = arith.constant 0 : i32
    %dma_wait3A_2314 = tpu.memref_slice %arg13[%dma_wait3A_2312, %dma_wait3A_2313] : memref<2x80xi32, #tpu.memory_space<vmem>> -> memref<1x80xi32, #tpu.memory_space<vmem>>
    %dma_wait3A_2315 = tpu.memref_squeeze %dma_wait3A_2314 : memref<1x80xi32, #tpu.memory_space<vmem>> -> memref<80xi32, #tpu.memory_space<vmem>>
    %dma_wait3A_2316 = arith.constant 0 : i32
    %dma_wait3A_2317 = arith.constant 0 : i32
    %dma_wait3A_2318 = tpu.memref_slice %arg3[%dma_wait3A_2316, %dma_wait3A_2317] : memref<10000x128xf32, #tpu.memory_space<hbm>> -> memref<10000x128xf32, #tpu.memory_space<hbm>>
    tpu.wait_indirect_dma semaphore(%arg23 : memref<!tpu.dma_semaphore, #tpu.memory_space<semaphore_mem>>) src(%dma_wait3A_2318 : memref<10000x128xf32, #tpu.memory_space<hbm>>) dst(%arg9 : memref<80x128xf32, #tpu.memory_space<vmem>>)
    %run_scoped3A_2319 = arith.constant 1 : i32
    "tpu.region"() ({
      %run_scoped3A_2337 = tpu.sem_alloc : memref<!tpu.dma_semaphore, #tpu.memory_space<semaphore_mem>>
      %dma_start3A_2338 = arith.constant 0 : i32
      %dma_start3A_2339 = tpu.memref_slice %arg13[%run_scoped3A_2319, %dma_start3A_2338] : memref<2x80xi32, #tpu.memory_space<vmem>> -> memref<1x80xi32, #tpu.memory_space<vmem>>
      %dma_start3A_2340 = tpu.memref_squeeze %dma_start3A_2339 : memref<1x80xi32, #tpu.memory_space<vmem>> -> memref<80xi32, #tpu.memory_space<vmem>>
      %dma_start3A_2341 = arith.constant 0 : i32
      %dma_start3A_2342 = arith.constant 0 : i32
      %dma_start3A_2343 = tpu.memref_slice %arg19[%dma_start3A_2341, %dma_start3A_2342] : memref<10240x128xf32, #tpu.memory_space<vmem_shared>> -> memref<10240x128xf32, #tpu.memory_space<vmem_shared>>
      tpu.enqueue_indirect_dma source(%arg9 : memref<80x128xf32, #tpu.memory_space<vmem>>) target(%dma_start3A_2343 : memref<10240x128xf32, #tpu.memory_space<vmem_shared>>) offsets(%dma_start3A_2340 : memref<80xi32, #tpu.memory_space<vmem>>) semaphore(%run_scoped3A_2337 : memref<!tpu.dma_semaphore, #tpu.memory_space<semaphore_mem>>) {add = true}
      %dma_wait3A_2344 = arith.constant 0 : i32
      %dma_wait3A_2345 = tpu.memref_slice %arg13[%run_scoped3A_2319, %dma_wait3A_2344] : memref<2x80xi32, #tpu.memory_space<vmem>> -> memref<1x80xi32, #tpu.memory_space<vmem>>
      %dma_wait3A_2346 = tpu.memref_squeeze %dma_wait3A_2345 : memref<1x80xi32, #tpu.memory_space<vmem>> -> memref<80xi32, #tpu.memory_space<vmem>>
      %dma_wait3A_2347 = arith.constant 0 : i32
      %dma_wait3A_2348 = arith.constant 0 : i32
      %dma_wait3A_2349 = tpu.memref_slice %arg19[%dma_wait3A_2347, %dma_wait3A_2348] : memref<10240x128xf32, #tpu.memory_space<vmem_shared>> -> memref<10240x128xf32, #tpu.memory_space<vmem_shared>>
      tpu.wait_indirect_dma semaphore(%run_scoped3A_2337 : memref<!tpu.dma_semaphore, #tpu.memory_space<semaphore_mem>>) src(%arg9 : memref<80x128xf32, #tpu.memory_space<vmem>>) dst(%dma_wait3A_2349 : memref<10240x128xf32, #tpu.memory_space<vmem_shared>>)
      tpu.yield
    }) : () -> ()
    %dma_wait3A_2320 = arith.constant 0 : i32
    %dma_wait3A_2321 = arith.constant 0 : i32
    %dma_wait3A_2322 = tpu.memref_slice %arg14[%dma_wait3A_2320, %dma_wait3A_2321] : memref<2x80xi32, #tpu.memory_space<vmem>> -> memref<1x80xi32, #tpu.memory_space<vmem>>
    %dma_wait3A_2323 = tpu.memref_squeeze %dma_wait3A_2322 : memref<1x80xi32, #tpu.memory_space<vmem>> -> memref<80xi32, #tpu.memory_space<vmem>>
    %dma_wait3A_2324 = arith.constant 0 : i32
    %dma_wait3A_2325 = arith.constant 0 : i32
    %dma_wait3A_2326 = tpu.memref_slice %arg3[%dma_wait3A_2324, %dma_wait3A_2325] : memref<10000x128xf32, #tpu.memory_space<hbm>> -> memref<10000x128xf32, #tpu.memory_space<hbm>>
    tpu.wait_indirect_dma semaphore(%arg20 : memref<!tpu.dma_semaphore, #tpu.memory_space<semaphore_mem>>) src(%dma_wait3A_2326 : memref<10000x128xf32, #tpu.memory_space<hbm>>) dst(%arg6 : memref<80x128xf32, #tpu.memory_space<vmem>>)
    %run_scoped3A_2327 = arith.constant 1 : i32
    "tpu.region"() ({
      %run_scoped3A_2337 = tpu.sem_alloc : memref<!tpu.dma_semaphore, #tpu.memory_space<semaphore_mem>>
      %dma_start3A_2338 = arith.constant 0 : i32
      %dma_start3A_2339 = tpu.memref_slice %arg14[%run_scoped3A_2327, %dma_start3A_2338] : memref<2x80xi32, #tpu.memory_space<vmem>> -> memref<1x80xi32, #tpu.memory_space<vmem>>
      %dma_start3A_2340 = tpu.memref_squeeze %dma_start3A_2339 : memref<1x80xi32, #tpu.memory_space<vmem>> -> memref<80xi32, #tpu.memory_space<vmem>>
      %dma_start3A_2341 = arith.constant 0 : i32
      %dma_start3A_2342 = arith.constant 0 : i32
      %dma_start3A_2343 = tpu.memref_slice %arg19[%dma_start3A_2341, %dma_start3A_2342] : memref<10240x128xf32, #tpu.memory_space<vmem_shared>> -> memref<10240x128xf32, #tpu.memory_space<vmem_shared>>
      tpu.enqueue_indirect_dma source(%arg6 : memref<80x128xf32, #tpu.memory_space<vmem>>) target(%dma_start3A_2343 : memref<10240x128xf32, #tpu.memory_space<vmem_shared>>) offsets(%dma_start3A_2340 : memref<80xi32, #tpu.memory_space<vmem>>) semaphore(%run_scoped3A_2337 : memref<!tpu.dma_semaphore, #tpu.memory_space<semaphore_mem>>) {add = true}
      %dma_wait3A_2344 = arith.constant 0 : i32
      %dma_wait3A_2345 = tpu.memref_slice %arg14[%run_scoped3A_2327, %dma_wait3A_2344] : memref<2x80xi32, #tpu.memory_space<vmem>> -> memref<1x80xi32, #tpu.memory_space<vmem>>
      %dma_wait3A_2346 = tpu.memref_squeeze %dma_wait3A_2345 : memref<1x80xi32, #tpu.memory_space<vmem>> -> memref<80xi32, #tpu.memory_space<vmem>>
      %dma_wait3A_2347 = arith.constant 0 : i32
      %dma_wait3A_2348 = arith.constant 0 : i32
      %dma_wait3A_2349 = tpu.memref_slice %arg19[%dma_wait3A_2347, %dma_wait3A_2348] : memref<10240x128xf32, #tpu.memory_space<vmem_shared>> -> memref<10240x128xf32, #tpu.memory_space<vmem_shared>>
      tpu.wait_indirect_dma semaphore(%run_scoped3A_2337 : memref<!tpu.dma_semaphore, #tpu.memory_space<semaphore_mem>>) src(%arg6 : memref<80x128xf32, #tpu.memory_space<vmem>>) dst(%dma_wait3A_2349 : memref<10240x128xf32, #tpu.memory_space<vmem_shared>>)
      tpu.yield
    }) : () -> ()
    %barrier3A_2328 = arith.constant 0 : index
    tpu.barrier barrier_id(%barrier3A_2328)
    %multiple_of3A_2329 = tpu.assume_multiple %mul3A_4, 640 : i32
    %eq3A = arith.constant 0 : i32
    %eq3A_2330 = arith.cmpi eq, %arg0, %eq3A : i32
    %convert_element_type3A = arith.extui %eq3A_2330 : i1 to i32
    %cond3A = arith.constant 0 : i32
    %cond3A_2331 = arith.cmpi ne, %convert_element_type3A, %cond3A : i32
    scf.if %cond3A_2331 {
      "tpu.region"() ({
        %run_scoped3A_2337 = tpu.sem_alloc : memref<!tpu.dma_semaphore, #tpu.memory_space<semaphore_mem>>
        %dma_start3A_2338 = arith.constant 0 : i32
        %dma_start3A_2339 = tpu.memref_slice %arg4[%multiple_of3A_2329, %dma_start3A_2338] : memref<10240x128xf32, #tpu.memory_space<hbm>> -> memref<640x128xf32, #tpu.memory_space<hbm>>
        %dma_start3A_2340 = arith.constant 0 : i32
        %dma_start3A_2341 = tpu.memref_slice %arg19[%multiple_of3A_2329, %dma_start3A_2340] : memref<10240x128xf32, #tpu.memory_space<vmem_shared>> -> memref<640x128xf32, #tpu.memory_space<vmem_shared>>
        tpu.enqueue_dma source(%dma_start3A_2341 : memref<640x128xf32, #tpu.memory_space<vmem_shared>>) target(%dma_start3A_2339 : memref<640x128xf32, #tpu.memory_space<hbm>>) target_semaphore(%run_scoped3A_2337 : memref<!tpu.dma_semaphore, #tpu.memory_space<semaphore_mem>>)
        %dma_wait3A_2342 = arith.constant 0 : i32
        %dma_wait3A_2343 = tpu.memref_slice %arg4[%multiple_of3A_2329, %dma_wait3A_2342] : memref<10240x128xf32, #tpu.memory_space<hbm>> -> memref<640x128xf32, #tpu.memory_space<hbm>>
        %dma_wait3A_2344 = arith.constant 0 : i32
        %dma_wait3A_2345 = tpu.memref_slice %arg19[%multiple_of3A_2329, %dma_wait3A_2344] : memref<10240x128xf32, #tpu.memory_space<vmem_shared>> -> memref<640x128xf32, #tpu.memory_space<vmem_shared>>
        tpu.wait_dma2 semaphore(%run_scoped3A_2337 : memref<!tpu.dma_semaphore, #tpu.memory_space<semaphore_mem>>) src(%dma_wait3A_2345 : memref<640x128xf32, #tpu.memory_space<vmem_shared>>) dst(%dma_wait3A_2343 : memref<640x128xf32, #tpu.memory_space<hbm>>)
        tpu.yield
      }) : () -> ()
    } else {
    }
    %eq3A_2332 = arith.constant 1 : i32
    %eq3A_2333 = arith.cmpi eq, %arg0, %eq3A_2332 : i32
    %convert_element_type3A_2334 = arith.extui %eq3A_2333 : i1 to i32
    %cond3A_2335 = arith.constant 0 : i32
    %cond3A_2336 = arith.cmpi ne, %convert_element_type3A_2334, %cond3A_2335 : i32
    scf.if %cond3A_2336 {
      "tpu.region"() ({
        %run_scoped3A_2337 = tpu.sem_alloc : memref<!tpu.dma_semaphore, #tpu.memory_space<semaphore_mem>>
        %dma_start3A_2338 = arith.constant 0 : i32
        %dma_start3A_2339 = tpu.memref_slice %arg5[%multiple_of3A_2329, %dma_start3A_2338] : memref<10240x128xf32, #tpu.memory_space<hbm>> -> memref<640x128xf32, #tpu.memory_space<hbm>>
        %dma_start3A_2340 = arith.constant 0 : i32
        %dma_start3A_2341 = tpu.memref_slice %arg19[%multiple_of3A_2329, %dma_start3A_2340] : memref<10240x128xf32, #tpu.memory_space<vmem_shared>> -> memref<640x128xf32, #tpu.memory_space<vmem_shared>>
        tpu.enqueue_dma source(%dma_start3A_2341 : memref<640x128xf32, #tpu.memory_space<vmem_shared>>) target(%dma_start3A_2339 : memref<640x128xf32, #tpu.memory_space<hbm>>) target_semaphore(%run_scoped3A_2337 : memref<!tpu.dma_semaphore, #tpu.memory_space<semaphore_mem>>)
        %dma_wait3A_2342 = arith.constant 0 : i32
        %dma_wait3A_2343 = tpu.memref_slice %arg5[%multiple_of3A_2329, %dma_wait3A_2342] : memref<10240x128xf32, #tpu.memory_space<hbm>> -> memref<640x128xf32, #tpu.memory_space<hbm>>
        %dma_wait3A_2344 = arith.constant 0 : i32
        %dma_wait3A_2345 = tpu.memref_slice %arg19[%multiple_of3A_2329, %dma_wait3A_2344] : memref<10240x128xf32, #tpu.memory_space<vmem_shared>> -> memref<640x128xf32, #tpu.memory_space<vmem_shared>>
        tpu.wait_dma2 semaphore(%run_scoped3A_2337 : memref<!tpu.dma_semaphore, #tpu.memory_space<semaphore_mem>>) src(%dma_wait3A_2345 : memref<640x128xf32, #tpu.memory_space<vmem_shared>>) dst(%dma_wait3A_2343 : memref<640x128xf32, #tpu.memory_space<hbm>>)
        tpu.yield
      }) : () -> ()
    } else {
    }
    return
  }
}

module attributes {stable_mosaic.version = 14 : i64} {
  func.func @_add_body(%arg0: i32, %arg1: memref<2000x128xf32, #tpu.memory_space<vmem>>, %arg2: memref<2000x128xf32, #tpu.memory_space<vmem>>, %arg3: memref<2000x128xf32, #tpu.memory_space<vmem>>) attributes {dimension_semantics = [#tpu.dimension_semantics<arbitrary>], iteration_bounds = array<i64: 5>, scalar_prefetch = 0 : i64, scratch_operands = 0 : i64, tpu.core_type = #tpu.core_type<tc>, window_params = [{transform_indices = @transform_0, window_bounds = array<i64: 2000, 128>}, {transform_indices = @transform_1, window_bounds = array<i64: 2000, 128>}, {transform_indices = @transform_2, window_bounds = array<i64: 2000, 128>}]} {
    %get3A = arith.constant 0 : index
    %get3A_0 = arith.constant 0 : index
    %get3A_1 = vector.load %arg1[%get3A, %get3A_0] : memref<2000x128xf32, #tpu.memory_space<vmem>>, vector<2000x128xf32>
    %get3A_2 = arith.constant 0 : index
    %get3A_3 = arith.constant 0 : index
    %get3A_4 = vector.load %arg2[%get3A_2, %get3A_3] : memref<2000x128xf32, #tpu.memory_space<vmem>>, vector<2000x128xf32>
    %add3A = arith.addf %get3A_1, %get3A_4 : vector<2000x128xf32>
    %swap3A = arith.constant 0 : index
    %swap3A_5 = arith.constant 0 : index
    %swap3A_6 = vector.load %arg3[%swap3A, %swap3A_5] : memref<2000x128xf32, #tpu.memory_space<vmem>>, vector<2000x128xf32>
    tpu.vector_store %arg3[%swap3A, %swap3A_5], %add3A {strides = array<i32>} : memref<2000x128xf32, #tpu.memory_space<vmem>>, vector<2000x128xf32>,
    return
  }
  func.func @transform_0(%arg0: i32) -> (i32, i32) {
    %c0_i32 = arith.constant 0 : i32
    %c0_i32_0 = arith.constant 0 : i32
    return %arg0, %c0_i32 : i32, i32
  }
  func.func @transform_1(%arg0: i32) -> (i32, i32) {
    %c0_i32 = arith.constant 0 : i32
    %c0_i32_0 = arith.constant 0 : i32
    return %arg0, %c0_i32 : i32, i32
  }
  func.func @transform_2(%arg0: i32) -> (i32, i32) {
    %c0_i32 = arith.constant 0 : i32
    %c0_i32_0 = arith.constant 0 : i32
    return %arg0, %c0_i32 : i32, i32
  }
}

</mosaic_0001>

<sc_bundles>
// kernel: kernel.4.cloned.1.call-start
scs
__scs_entry_jumppad:
0x0: {  	(pc) =	sbr.rel $0x88, $3  }
0x1: {  	(tag) =	ssettag $0x0;
	lr =	simm.s32 $0x1  }
0x2: {  	[smem:$0x3F9F] =	sst lr;
	_ =	strace $0xD0000000  }
0x3: {  	_ = 	snop  }
0x4: {  	_ = 	snop  }
0x5: {  	_ = 	snop  }
0x6: {  	_ = 	snop  }
0x7: {  	_ = 	snop  }
__scs_overlays_trampoline_lowered:
0x8: {  	[smem:$0x3FAE] =	sst s0  }
0x9: {  	[smem:$0x3FAF] =	sst s1  }
0xa: {  	[smem:$0x3FB0] =	sst s2  }
0xb: {  	[smem:$0x3FB1] =	sst s3  }
0xc: {  	[smem:$0x3FB2] =	sst s4  }
0xd: {  	[smem:$0x3FB3] =	sst s5  }
0xe: {  	[smem:$0x3FB4] =	sst s6  }
0xf: {  	[smem:$0x3FB5] =	sst s7  }
0x10: {  	[smem:$0x3FB6] =	sst s8  }
0x11: {  	[smem:$0x3FB7] =	sst s9;
	s0 =	simm.s32 @!p0 $0x0  }
0x12: {  	s1 =	sld [smem:$0x3F9D];
	s0 =	simm.s32 @p0 $0x1  }
0x13: {  	[smem:$0x3FB8] =	sst s0;
	s0 =	simm.s32 @!p1 $0x0  }
0x14: {  	s2 =	sld [smem:$0x3F9C];
	s0 =	simm.s32 @p1 $0x1  }
0x15: {  	[smem:$0x3FB9] =	sst s0;
	s0 =	simm.s32 @!p2 $0x0  }
0x16: {  	s3 =	sld [smem:$0x3FDB];
	s0 =	simm.s32 @p2 $0x1  }
0x17: {  	s4 =	simm.s32 $0x1BF5;
	[smem:$0x3FBB] =	sst s0  }
0x18: {  	s0 =	sld [smem:$0x3F9E];
	_ =	swait.ge [sflag:s4], $0x0  }
0x19: {  	s7 =	sld [smem:$0x3F9F]  }
0x1a: {  	s8 =	sadd.s32 $0xFFFFE003, lr  }
0x1b: {  	s9 =	sadd.s32 $0xFFFFFEF7, lr;
	s5 =	simm.s32 $0xFFFFFFFF;
	p2 =	slt.u32 s8, $0xFFFFF086  }
0x1c: {  	p1 =	slt.u32 s9, $0xF7A;
	s5 =	simm.s32 @!p2 $0x0  }
0x1d: {  	s5 =	simm.s32 @p1 $0x1;
	p0 =	seq.s32 s7, s2  }
0x1e: {  	s7 =	smul.u32 @!p0 $0xF7A, s2;
	p2 =	seq.s32 @!p0 s5, $0x0  }
0x1f: {  	s9 =	smul.u32 $0xF7A, s1;
	s8 =	simm.s32 @!p0 $0x1BF5;
	p2 =	por !p2, p0  }
0x20: {  	[sflag:s8] =	ssyncset.s32 @!p0 $0xFFFFF086;
	s6 =	sadd.s32 @!p0 s3, s7;
	s7 =	simm.s32 @!p0 $0x108  }
0x21: {  	s3 =	sadd.s32 s3, s9;
	s6 =	sadd.s32 @!p0 $0x88, s6;
	s7 =	simm.s32 @p2 $0x1082  }
0x22: {  	[simem:s7], [sflag:s8] =	dma.local @!p0 [hbm:s6], $0xF7A  }
0x23: {  	s9 =	sor.u32 $0xD0000000, s2;
	s6 =	simm.s32 $0x108;
	_ =	swait.ge @!p0 [sflag:s8], $0x0  }
0x24: {  	s3 =	sadd.s32 $0x88, s3;
	s6 =	simm.s32 @!p1 $0x1082;
	[sflag:s4] =	ssyncset.s32 $0xFFFFF086  }
0x25: {  	[simem:s6], [sflag:s4] =	dma.local [hbm:s3], $0xF7A  }
0x26: {  	[smem:$0x3F9F] =	sst s1;
	(tag) =	ssettag s2;
	_ =	strace s9  }
0x27: {  	s1 =	sld [smem:$0x3FAF]  }
0x28: {  	s2 =	sld [smem:$0x3FB0]  }
0x29: {  	s4 =	sld [smem:$0x3FB2]  }
0x2a: {  	p0 =	seq.s32 s5, $0x0;
	s5 =	sld [smem:$0x3FB3]  }
0x2b: {  	s6 =	sld [smem:$0x3FB4]  }
0x2c: {  	s7 =	sld [smem:$0x3FB5]  }
0x2d: {  	s3 =	simm.s32 $0x108;
	s8 =	sld [smem:$0x3FB6]  }
0x2e: {  	s3 =	simm.s32 @!p0 $0x1082;
	s9 =	sld [smem:$0x3FB7]  }
0x2f: {  	lr =	sadd.s32 s0, s3;
	s0 =	sld [smem:$0x3FAE]  }
0x30: {  	s3 =	sld [smem:$0x3FB1]  }
0x31: {  	[smem:$0x3FBA] =	sst s10  }
0x32: {  	s10 =	sld [smem:$0x3FB8];
	_ =	sdelay $0x3  }
0x33: {  	p0 =	seq.s32 s10, $0x1;
	s10 =	sld [smem:$0x3FBA];
	_ =	sdelay $0x3  }
0x34: {  	[smem:$0x3FBA] =	sst s10  }
0x35: {  	s10 =	sld [smem:$0x3FB9];
	_ =	sdelay $0x3  }
0x36: {  	p1 =	seq.s32 s10, $0x1;
	s10 =	sld [smem:$0x3FBA];
	_ =	sdelay $0x3  }
0x37: {  	[smem:$0x3FBA] =	sst s10  }
0x38: {  	s10 =	sld [smem:$0x3FBB]  }
0x39: {  	_ = 	snop;
	(pc) =	sbr.ind lr, $3  }
0x3a: {  	_ = 	snop  }
0x3b: {  	_ = 	snop  }
0x3c: {  	p2 =	seq.s32 s10, $0x1;
	s10 =	sld [smem:$0x3FBA]  }
0x3d: {  	_ =	shalt  }
0x3e: {  	_ =	shalt  }
0x3f: {  	_ =	shalt  }
0x40: {  	_ =	shalt  }
0x41: {  	_ =	shalt  }
0x42: {  	_ =	shalt  }
0x43: {  	_ =	shalt  }
0x44: {  	_ =	shalt  }
0x45: {  	_ =	shalt  }
0x46: {  	_ =	shalt  }
0x47: {  	_ =	shalt  }
0x48: {  	_ =	shalt  }
0x49: {  	_ =	shalt  }
0x4a: {  	_ =	shalt  }
0x4b: {  	_ =	shalt  }
0x4c: {  	_ =	shalt  }
0x4d: {  	_ =	shalt  }
0x4e: {  	_ =	shalt  }
0x4f: {  	_ =	shalt  }
0x50: {  	_ =	shalt  }
0x51: {  	_ =	shalt  }
0x52: {  	_ =	shalt  }
0x53: {  	_ =	shalt  }
0x54: {  	_ =	shalt  }
0x55: {  	_ =	shalt  }
0x56: {  	_ =	shalt  }
0x57: {  	_ =	shalt  }
0x58: {  	_ =	shalt  }
0x59: {  	_ =	shalt  }
0x5a: {  	_ =	shalt  }
0x5b: {  	_ =	shalt  }
0x5c: {  	_ =	shalt  }
0x5d: {  	_ =	shalt  }
0x5e: {  	_ =	shalt  }
0x5f: {  	_ =	shalt  }
0x60: {  	_ =	shalt  }
0x61: {  	_ =	shalt  }
0x62: {  	_ =	shalt  }
0x63: {  	_ =	shalt  }
0x64: {  	_ =	shalt  }
0x65: {  	_ =	shalt  }
0x66: {  	_ =	shalt  }
0x67: {  	_ =	shalt  }
0x68: {  	_ =	shalt  }
0x69: {  	_ =	shalt  }
0x6a: {  	_ =	shalt  }
0x6b: {  	_ =	shalt  }
0x6c: {  	_ =	shalt  }
0x6d: {  	_ =	shalt  }
0x6e: {  	_ =	shalt  }
0x6f: {  	_ =	shalt  }
0x70: {  	_ =	shalt  }
0x71: {  	_ =	shalt  }
0x72: {  	_ =	shalt  }
0x73: {  	_ =	shalt  }
0x74: {  	_ =	shalt  }
0x75: {  	_ =	shalt  }
0x76: {  	_ =	shalt  }
0x77: {  	_ =	shalt  }
0x78: {  	_ =	shalt  }
0x79: {  	_ =	shalt  }
0x7a: {  	_ =	shalt  }
0x7b: {  	_ =	shalt  }
0x7c: {  	_ =	shalt  }
0x7d: {  	_ =	shalt  }
0x7e: {  	_ =	shalt  }
0x7f: {  	_ =	shalt  }
0x80: {  	_ =	shalt  }
0x81: {  	_ =	shalt  }
0x82: {  	_ =	shalt  }
0x83: {  	_ =	shalt  }
0x84: {  	_ =	shalt  }
0x85: {  	_ =	shalt  }
0x86: {  	_ =	shalt  }
0x87: {  	_ =	shalt  }
.Lfunc_end0:
.L_simem_size_0:
called_computation_lowered:
.L_overlay_start_0:
0x88: {  	s2 =	sld [smem:$0x3FD9]  }
0x89: {  	s3 =	sld [smem:$0x3FFE];
	_ =	sdelay $0x1  }
0x8a: {  	s1 =	srdreg.scid  }
0x8b: {  	s0 =	sand.u32 $0x1, s1  }
0x8c: {  	s17 =	sshll.u32 s0, $0xA;
	s2 =	sadd.s32 s3, s2  }
0x8d: {  	s2 =	sadd.s32 s2, s17  }
0x8e: {  	[smem:$0x3FC6] =	sst s2  }
0x8f: {  	_ = 	snop  }
0x90: {  	s2 =	sld [smem:$0x3FC9]  }
0x91: {  	s18 =	sld [smem:$0x3FD0];
	(tm) =	ssettm $0x1  }
0x92: {  	s4 =	sld [smem:$0x3FFB];
	_ =	sdelay $0x3  }
0x93: {  	_ =	strace s4  }
0x94: {  	s4 =	sld [smem:$0x3FFC];
	_ =	sdelay $0x3  }
0x95: {  	_ =	strace s4  }
0x96: {  	s4 =	sld [smem:$0x3FFD];
	_ =	sdelay $0x3  }
0x97: {  	_ =	strace s4  }
0x98: {  	_ =	strace $0x8FFFFFFF  }
0x99: {  	s19 =	sld [smem:$0x3FDB];
	_ =	sdelay $0x1  }
0x9a: {  	s5 =	simm.s32 $_scs_section_size  }
0x9b: {  	s6 =	simm.s32 $_size__tile_overlayer_lowered;
	s7 =	simm.s32 $_tile_overlayer_lowered  }
0x9c: {  	s22 =	simm.s32 $0x1BFF;
	s21 =	sshll.u32 s7, $0x1;
	s4 =	sadd.s32 s5, s19  }
0x9d: {  	s8 =	simm.s32 $0x0;
	s20 =	sshll.u32 s6, $0x1;
	s6 =	sadd.s32 s21, s4  }
0x9e: {  	[timem:s8], [sflag:s22] =	dma.local [hbm:s6], s20  }
0x9f: {  	_ =	swait.ge [sflag:s22], s20  }
0xa0: {  	s5 =	ssub.s32 $0x0, s20;
	[sflag:s22] =	ssyncset.done $0x0  }
0xa1: {  	[sflag:s22] =	ssyncadd.s32 s5;
	_ =	sdelay $0x1  }
0xa2: {  	s23 =	simm.s32 $0x1B8B  }
0xa3: {  	_ =	swait.ge [sflag:s23], $0x1  }
0xa4: {  	[sflag:s23] =	ssyncset.done $0x0  }
0xa5: {  	s25 =	simm.s32 $0x1B8E;
	s24 =	sld [smem:$0x3FFE];
	[sflag:s23] =	ssyncadd.s32 $0xFFFFFFFF  }
0xa6: {  	s26 =	simm.s32 $execute0_lowered;
	[smem:$0x3FD2] =	sst s25  }
0xa7: {  	s6 =	sshll.u32 s26, $0x1;
	_ =	strace $0x80000046;
	[dreg:$0x1] =	wrdreg $0xFFFFFFFF  }
0xa8: {  	s28 =	simm.s32 $_size_execute0_lowered;
	s4 =	sadd.s32 s4, s6;
	[dreg:$0x0] =	wrdreg $0x0  }
0xa9: {  	s6 =	sshll.u32 s28, $0x1;
	[dreg:$0x2] =	wrdreg s4  }
0xaa: {  	[dreg:$0x3] =	wrdreg s6  }
0xab: {  	[dreg:$0x4] =	wrdreg $0xC0  }
0xac: {  	_ =	task [dreg:s8], $0x5FFFF  }
0xad: {  	[dreg:$0x1] =	wrdreg $0xFFFFFFFF  }
0xae: {  	[dreg:$0x0] =	wrdreg $0x60  }
0xaf: {  	[dreg:$0x2] =	wrdreg s18  }
0xb0: {  	[dreg:$0x3] =	wrdreg s2  }
0xb1: {  	[dreg:$0x4] =	wrdreg s24  }
0xb2: {  	[dreg:$0x5] =	wrdreg $0xB8000  }
0xb3: {  	[dreg:$0x6] =	wrdreg $0x9  }
0xb4: {  	_ =	task.clear_ibuf [dreg:s8], $0x7FFFF;
	_ =	strace $0x90000046  }
0xb5: {  	s29 =	simm.s32 $0x9;
	_ =	strace $0x80000048  }
0xb6: {  	_ =	swait.ge [sflag:s29], $0x1  }
0xb7: {  	[sflag:s29] =	ssyncadd.s32 $0xFFFFFFFF  }
0xb8: {  	_ =	strace $0x90000048  }
0xb9: {  	_ =	sfence  }
0xba: {  	s30 =	sld [smem:$0x0];
	_ =	sdelay $0x2  }
0xbb: {  	s31 =	sshll.u32 s1, $0xD;
	s1 =	sshrl.u32 s1, $0x2  }
0xbc: {  	s3 =	sand.u32 $0x4000, s31;
	s1 =	sadd.s32 s1, s30  }
0xbd: {  	s0 =	sor.u32 s3, s0;
	s1 =	sshll.u32 s1, $0x11  }
0xbe: {  	s0 =	sor.u32 s1, s0  }
0xbf: {  	s0 =	sadd.s32 $0x8F2B, s0  }
0xc0: {  	[sflag:s0] =	ssyncadd.remote.s32 $0x1  }
0xc1: {  	_ =	sfence.sel $0xFFFF  }
0xc2: {  	[dreg:$0x0] =	wrdreg $0xFFFFFFFF;
	(pc) =	sbr.abs _section_cstart, $3  }
0xc3: {  	[dreg:$0x1] =	wrdreg $0xFFFFFFFF  }
0xc4: {  	_ =	task.clear_ibuf [dreg:s8], $0x2FFFF;
	_ =	strace $0x9FFFFFFF  }
0xc5: {  	(tm) =	ssettm $0x7FFFFFFF  }
tec
execute0_lowered:
.L_overlay_start_1:
0x0: {  	(tag) =	ssettag $0x1  }
0x1: {  	s0 =	srdreg.scid  }
0x2: {  	s12 =	rddreg [dreg:$0x0];
	s10 =	stileid.u32  }
0x3: {  	s2 =	rddreg [dreg:$0x1];
	s1 =	sand.u32 $0x1, s0;
	s20 =	smul.u32 $0x2710, s10  }
0x4: {  	s6 =	rddreg [dreg:$0x2];
	s17 =	smul.u32 $0x27100, s1  }
0x5: {  	s4 =	rddreg [dreg:$0x3];
	s0 =	sshll.u32 s1, $0x4;
	s3 =	ssub.s32 $0x2, s1  }
0x6: {  	p0 =	seq.s32 s1, $0x1;
	s0 =	sor.u32 s10, s0;
	s1 =	sadd.s32 s20, s17  }
0x7: {  	s5 =	simm.s32 $0x0;
	s0 =	smul.u32 $0x2710, s0;
	s24 =	sadd.s32 $0x4E6B0, s1  }
0x8: {  	[smem:$0x7FF] =	sst s5;
	s7 =	sshrl.u32 s3, $0x1;
	s26 =	sshrl.u32 s24, $0x3  }
0x9: {  	s8 =	sshrl.u32 s0, $0x3;
	s0 =	ssub.s32 s3, s7;
	s29 =	sadd.s32 s26, s12  }
0xa: {  	_ =	strace $0x80000047;
	s0 =	smax.u32 s0, $0x1;
	[dreg:$0x6] =	wrdreg s29  }
0xb: {  	s11 =	sadd.s32 s12, s8;
	[smem:$0x7DE] =	sst s0  }
0xc: {  	s31 =	sadd.s32 $0x9C40, s11;
	[dreg:$0x14] =	wrdreg s11  }
0xd: {  	s7 =	sadd.s32 $0xA, s11;
	[dreg:$0x15] =	wrdreg s31  }
0xe: {  	s8 =	sadd.s32 $0x9C4A, s11;
	[dreg:$0x16] =	wrdreg s7  }
0xf: {  	s9 =	sadd.s32 $0x14, s11;
	[dreg:$0x17] =	wrdreg s8  }
0x10: {  	s13 =	sadd.s32 $0x9C54, s11;
	[dreg:$0x18] =	wrdreg s9  }
0x11: {  	s14 =	sadd.s32 $0x1E, s11;
	[dreg:$0x19] =	wrdreg s13  }
0x12: {  	s15 =	sadd.s32 $0x9C5E, s11;
	[dreg:$0x1a] =	wrdreg s14  }
0x13: {  	s16 =	sadd.s32 $0x28, s11;
	[dreg:$0x1b] =	wrdreg s15  }
0x14: {  	s18 =	sadd.s32 $0x9C68, s11;
	[dreg:$0x1c] =	wrdreg s16  }
0x15: {  	s19 =	sadd.s32 $0x32, s11;
	[dreg:$0x1d] =	wrdreg s18  }
0x16: {  	s23 =	smul.u32 $0x2800, s10;
	s21 =	sadd.s32 $0x9C72, s11;
	[dreg:$0x1e] =	wrdreg s19  }
0x17: {  	s3 =	smul.u32 $0x50000, s10;
	s22 =	sadd.s32 $0x3C, s11;
	[dreg:$0x1f] =	wrdreg s21  }
0x18: {  	s10 =	sadd.s32 $0x410, s1;
	s26 =	sadd.s32 $0x320, s1;
	[smem:$0x7D9] =	sst s22  }
0x19: {  	s9 =	simm.s32 $0x28C00;
	s8 =	sadd.s32 $0x4B0, s1;
	s31 =	sadd.s32 $0x460, s1  }
0x1a: {  	s14 =	sshrl.u32 s10, $0x3;
	s16 =	sadd.s32 $0x4E610, s1;
	s18 =	sadd.s32 $0x3C0, s1  }
0x1b: {  	s19 =	sadd.s32 $0x4E5C0, s1;
	s10 =	sadd.s32 $0x2D0, s1;
	s9 =	simm.s32 @!p0 $0xC00  }
0x1c: {  	s8 =	sshrl.u32 s8, $0x3;
	s15 =	sadd.s32 s14, s12;
	s17 =	sshrl.u32 s16, $0x3  }
0x1d: {  	s21 =	sshrl.u32 s19, $0x3;
	s25 =	sadd.s32 s8, s12;
	[dreg:$0x9] =	wrdreg s15  }
0x1e: {  	s6 =	sadd.s32 s9, s6;
	s22 =	sadd.s32 s21, s12;
	[dreg:$0x5] =	wrdreg s25  }
0x1f: {  	s8 =	sshrl.u32 s31, $0x3;
	s21 =	sadd.s32 $0x9C86, s11;
	[dreg:$0xc] =	wrdreg s22  }
0x20: {  	s31 =	sshrl.u32 s26, $0x3;
	s26 =	sadd.s32 $0xA0FA, s11;
	[smem:$0x7DD] =	sst s21  }
0x21: {  	s9 =	sadd.s32 $0x4E660, s1;
	s6 =	sadd.s32 s6, s23;
	[smem:$0x7E3] =	sst s26  }
0x22: {  	s7 =	sshrl.u32 s9, $0x3;
	s22 =	sadd.s32 $0x280, s1;
	[smem:$0x7DA] =	sst s6  }
0x23: {  	s23 =	sadd.s32 $0x370, s1;
	s6 =	sadd.s32 s8, s12;
	[smem:$0x7DF] =	sst s22  }
0x24: {  	s25 =	sadd.s32 $0x4E570, s1;
	s13 =	sadd.s32 s7, s12;
	[dreg:$0x7] =	wrdreg s6  }
0x25: {  	s7 =	sshrl.u32 s18, $0x3;
	s18 =	sadd.s32 $0x9C7C, s11;
	[dreg:$0x8] =	wrdreg s13  }
0x26: {  	s24 =	sshrl.u32 s23, $0x3;
	s23 =	sadd.s32 $0x4B0, s11;
	[smem:$0x7DB] =	sst s18  }
0x27: {  	s8 =	sadd.s32 $0x4E520, s1;
	s6 =	sadd.s32 s17, s12;
	[smem:$0x7E0] =	sst s23  }
0x28: {  	s20 =	sadd.s32 s7, s12;
	s7 =	sshrl.u32 s25, $0x3;
	[dreg:$0xa] =	wrdreg s6  }
0x29: {  	s13 =	sadd.s32 $0x4E4D0, s1;
	s25 =	sadd.s32 $0x4BA, s11;
	[dreg:$0xb] =	wrdreg s20  }
0x2a: {  	s17 =	sadd.s32 $0x4E480, s1;
	s1 =	sadd.s32 $0x4CE, s11;
	[smem:$0x7E2] =	sst s25  }
0x2b: {  	s6 =	sadd.s32 s24, s12;
	[smem:$0x7E6] =	sst s1  }
0x2c: {  	s29 =	sadd.s32 s7, s12;
	[dreg:$0xd] =	wrdreg s6  }
0x2d: {  	s7 =	sadd.s32 s31, s12;
	[dreg:$0xe] =	wrdreg s29  }
0x2e: {  	s20 =	sadd.s32 $0x46, s11;
	[dreg:$0xf] =	wrdreg s7  }
0x2f: {  	s3 =	sshrl.u32 s3, $0x2;
	s24 =	sadd.s32 $0xA0F0, s11;
	[smem:$0x7DC] =	sst s20  }
0x30: {  	s15 =	sshrl.u32 s13, $0x3;
	s31 =	sadd.s32 $0xA104, s11;
	[smem:$0x7E1] =	sst s24  }
0x31: {  	s13 =	sadd.s32 s3, s4;
	s3 =	sadd.s32 $0xA10E, s11;
	[smem:$0x7E5] =	sst s31  }
0x32: {  	s9 =	sshrl.u32 s8, $0x3;
	[smem:$0x7E7] =	sst s3  }
0x33: {  	s6 =	sadd.s32 s9, s12;
	[smem:$0x7FD] =	sst s13  }
0x34: {  	s16 =	sadd.s32 s15, s12;
	[dreg:$0x10] =	wrdreg s6  }
0x35: {  	s29 =	sadd.s32 $0x4C4, s11;
	[dreg:$0x12] =	wrdreg s16  }
0x36: {  	s8 =	sadd.s32 $0x1000, s13;
	[smem:$0x7E4] =	sst s29  }
0x37: {  	s9 =	sadd.s32 $0x2000, s13;
	[smem:$0x7EA] =	sst s8  }
0x38: {  	s7 =	sshrl.u32 s10, $0x3;
	s10 =	sadd.s32 $0x3000, s13;
	[smem:$0x7EB] =	sst s9  }
0x39: {  	s15 =	sadd.s32 $0x6000, s13;
	[smem:$0x7EC] =	sst s10  }
0x3a: {  	s19 =	sshrl.u32 s17, $0x3;
	s17 =	sadd.s32 $0x8000, s13;
	[smem:$0x7EF] =	sst s15  }
0x3b: {  	s18 =	sadd.s32 $0x9000, s13;
	[smem:$0x7F1] =	sst s17  }
0x3c: {  	s20 =	sadd.s32 $0xB000, s13;
	[smem:$0x7F2] =	sst s18  }
0x3d: {  	s21 =	sadd.s32 $0xC000, s13;
	[smem:$0x7F4] =	sst s20  }
0x3e: {  	s22 =	sadd.s32 $0xD000, s13;
	[smem:$0x7F5] =	sst s21  }
0x3f: {  	s23 =	sadd.s32 $0xE000, s13;
	[smem:$0x7F6] =	sst s22  }
0x40: {  	s24 =	sadd.s32 $0xF000, s13;
	[smem:$0x7F7] =	sst s23  }
0x41: {  	s25 =	sadd.s32 $0x10000, s13;
	[smem:$0x7F8] =	sst s24  }
0x42: {  	s28 =	simm.s32 $0x7;
	s26 =	sadd.s32 $0x11000, s13;
	[smem:$0x7F9] =	sst s25  }
0x43: {  	s30 =	simm.s32 $0x8;
	s31 =	sadd.s32 $0x13000, s13;
	[smem:$0x7FA] =	sst s26  }
0x44: {  	s0 =	simm.s32 $0x3;
	s14 =	sadd.s32 s7, s12;
	[smem:$0x7FC] =	sst s31  }
0x45: {  	s1 =	simm.s32 $0x2;
	s6 =	sadd.s32 s19, s12;
	[dreg:$0x11] =	wrdreg s14  }
0x46: {  	s3 =	simm.s32 $0xA;
	s7 =	sadd.s32 $0xA118, s11;
	[dreg:$0x13] =	wrdreg s6  }
0x47: {  	s16 =	sadd.s32 $0x7000, s13;
	s19 =	sadd.s32 $0xA000, s13;
	[smem:$0x7E9] =	sst s7  }
0x48: {  	s29 =	sadd.s32 $0x12000, s13;
	s22 =	simm.s32 $0x50;
	[smem:$0x7F0] =	sst s16  }
0x49: {  	s25 =	simm.s32 $0xD;
	s23 =	simm.s32 $0x1;
	[smem:$0x7F3] =	sst s19  }
0x4a: {  	s8 =	simm.s32 $0x4;
	s6 =	sadd.s32 $0x4D8, s11;
	[smem:$0x7FB] =	sst s29  }
0x4b: {  	s9 =	simm.s32 $0xC;
	s11 =	sadd.s32 $0x4000, s13;
	[smem:$0x7E8] =	sst s6  }
0x4c: {  	s14 =	sadd.s32 $0x5000, s13;
	s7 =	simm.s32 $0xB;
	[smem:$0x7ED] =	sst s11  }
0x4d: {  	v0 =	vimm.f32 $0.0e+00;
	[smem:$0x7EE] =	sst s14;
	s6 =	simm.s32 $0x9;
	s11 =	simm.s32 $0x0  }
.LBB2_1:
0x4e: {  	[smem:$0x7D8] =	sst s11  }
0x4f: {  	s10 =	rddreg [dreg:$0x14]  }
0x50: {  	s19 =	simm.s32 $0xA000;
	s15 =	rddreg [dreg:$0x15]  }
0x51: {  	[tilespmem:s19], [sflag:$0x5] =	stream.linear.gather [hbm4b:s10+s5], $0x50, $0x38;
	[tilespmem:$0x1F800] =	vst v63  }
0x52: {  	s18 =	simm.s32 $0xA080;
	s16 =	rddreg [dreg:$0x16]  }
0x53: {  	[tilespmem:s18], [sflag:$0x5] =	stream.linear.gather [hbm4b:s15+s5], $0x50, $0x38;
	[tilespmem:$0x1F800] =	vst v63  }
0x54: {  	s29 =	simm.s32 $0xA100;
	s17 =	rddreg [dreg:$0x17]  }
0x55: {  	[tilespmem:s29], [sflag:$0x6] =	stream.linear.gather [hbm4b:s16+s5], $0x50, $0x38;
	[tilespmem:$0x1F800] =	vst v63  }
0x56: {  	s26 =	simm.s32 $0xA180;
	s20 =	rddreg [dreg:$0x18]  }
0x57: {  	[tilespmem:s26], [sflag:$0x6] =	stream.linear.gather [hbm4b:s17+s5], $0x50, $0x38;
	[tilespmem:$0x1F800] =	vst v63  }
0x58: {  	s31 =	simm.s32 $0xA200;
	s21 =	rddreg [dreg:$0x19]  }
0x59: {  	[tilespmem:s31], [sflag:$0x7] =	stream.linear.gather [hbm4b:s20+s5], $0x50, $0x38;
	[tilespmem:$0x1F800] =	vst v63  }
0x5a: {  	s24 =	simm.s32 $0xA280;
	s11 =	rddreg [dreg:$0x1a]  }
0x5b: {  	[tilespmem:s24], [sflag:$0x7] =	stream.linear.gather [hbm4b:s21+s5], $0x50, $0x38;
	[tilespmem:$0x1F800] =	vst v63  }
0x5c: {  	s14 =	simm.s32 $0xA300;
	s15 =	rddreg [dreg:$0x1b]  }
0x5d: {  	[tilespmem:s14], [sflag:$0x8] =	stream.linear.gather [hbm4b:s11+s5], $0x50, $0x38;
	[tilespmem:$0x1F800] =	vst v63  }
0x5e: {  	s16 =	simm.s32 $0xA380;
	s17 =	rddreg [dreg:$0x1c]  }
0x5f: {  	[tilespmem:s16], [sflag:$0x8] =	stream.linear.gather [hbm4b:s15+s5], $0x50, $0x38;
	[tilespmem:$0x1F800] =	vst v63  }
0x60: {  	s20 =	simm.s32 $0xA400;
	s21 =	rddreg [dreg:$0x1d]  }
0x61: {  	[tilespmem:s20], [sflag:$0x9] =	stream.linear.gather [hbm4b:s17+s5], $0x50, $0x38;
	[tilespmem:$0x1F800] =	vst v63  }
0x62: {  	s24 =	simm.s32 $0xA480;
	s15 =	rddreg [dreg:$0x1e]  }
0x63: {  	[tilespmem:s24], [sflag:$0x9] =	stream.linear.gather [hbm4b:s21+s5], $0x50, $0x38;
	[tilespmem:$0x1F800] =	vst v63  }
0x64: {  	s16 =	simm.s32 $0xA500;
	s17 =	rddreg [dreg:$0x1f]  }
0x65: {  	[tilespmem:s16], [sflag:$0xA] =	stream.linear.gather [hbm4b:s15+s5], $0x50, $0x38;
	[tilespmem:$0x1F800] =	vst v63  }
0x66: {  	s20 =	simm.s32 $0xA580;
	s21 =	sld [smem:$0x7D9]  }
0x67: {  	[tilespmem:s20], [sflag:$0xA] =	stream.linear.gather [hbm4b:s17+s5], $0x50, $0x38;
	[tilespmem:$0x1F800] =	vst v63  }
0x68: {  	s24 =	simm.s32 $0xA600;
	s15 =	sld [smem:$0x7DB]  }
0x69: {  	[tilespmem:s24], [sflag:$0xB] =	stream.linear.gather [hbm4b:s21+s5], $0x50, $0x38;
	[tilespmem:$0x1F800] =	vst v63  }
0x6a: {  	s16 =	simm.s32 $0xA680;
	s17 =	sld [smem:$0x7DC]  }
0x6b: {  	[tilespmem:s16], [sflag:$0xB] =	stream.linear.gather [hbm4b:s15+s5], $0x50, $0x38;
	[tilespmem:$0x1F800] =	vst v63  }
0x6c: {  	s20 =	simm.s32 $0xA700;
	s21 =	sld [smem:$0x7DD]  }
0x6d: {  	[tilespmem:s20], [sflag:$0xC] =	stream.linear.gather [hbm4b:s17+s5], $0x50, $0x38;
	[tilespmem:$0x1F800] =	vst v63  }
0x6e: {  	s24 =	simm.s32 $0xA780  }
0x6f: {  	[tilespmem:s24], [sflag:$0xC] =	stream.linear.gather [hbm4b:s21+s5], $0x50, $0x38;
	[tilespmem:$0x1F800] =	vst v63  }
0x70: {  	s21 =	simm.s32 $0x5  }
0x71: {  	_ =	swait.ge [sflag:s21], $0x50  }
0x72: {  	[sflag:s21] =	ssyncset.done $0x0  }
0x73: {  	[sflag:s21] =	ssyncadd.s32 $0xFFFFFFB0  }
0x74: {  	_ =	swait.ge [sflag:s21], $0x50  }
0x75: {  	[sflag:s21] =	ssyncset.done $0x0  }
0x76: {  	s24 =	simm.s32 $0x6;
	[sflag:s21] =	ssyncadd.s32 $0xFFFFFFB0  }
0x77: {  	[tilespmem:s5], [sflag:$0x1] =	stream.indirect.gather [hbm4b:s2+s22], $0x80, s19, s22, $0xb8;
	[tilespmem:$0x1F800] =	vst v63  }
0x78: {  	_ =	swait.ge [sflag:s24], $0x50  }
0x79: {  	[sflag:s24] =	ssyncset.done $0x0  }
0x7a: {  	[sflag:s24] =	ssyncadd.s32 $0xFFFFFFB0  }
0x7b: {  	_ =	swait.ge [sflag:s24], $0x50  }
0x7c: {  	[sflag:s24] =	ssyncset.done $0x0  }
0x7d: {  	s16 =	simm.s32 $0x2800;
	[sflag:s24] =	ssyncadd.s32 $0xFFFFFFB0  }
0x7e: {  	[tilespmem:s16], [sflag:$0x2] =	stream.indirect.gather [hbm4b:s2+s22], $0x80, s29, s22, $0xb8;
	[tilespmem:$0x1F800] =	vst v63  }
0x7f: {  	_ =	swait.ge [sflag:s28], $0x50  }
0x80: {  	[sflag:s28] =	ssyncset.done $0x0  }
0x81: {  	[sflag:s28] =	ssyncadd.s32 $0xFFFFFFB0  }
0x82: {  	_ =	swait.ge [sflag:s28], $0x50  }
0x83: {  	[sflag:s28] =	ssyncset.done $0x0  }
0x84: {  	s17 =	simm.s32 $0x5000;
	[sflag:s28] =	ssyncadd.s32 $0xFFFFFFB0  }
0x85: {  	[tilespmem:s17], [sflag:$0x3] =	stream.indirect.gather [hbm4b:s2+s22], $0x80, s31, s22, $0xb8;
	[tilespmem:$0x1F800] =	vst v63  }
0x86: {  	_ =	swait.ge [sflag:s30], $0x50  }
0x87: {  	[sflag:s30] =	ssyncset.done $0x0  }
0x88: {  	[sflag:s30] =	ssyncadd.s32 $0xFFFFFFB0  }
0x89: {  	_ =	swait.ge [sflag:s30], $0x50  }
0x8a: {  	[sflag:s30] =	ssyncset.done $0x0  }
0x8b: {  	s14 =	simm.s32 $0xA300;
	s20 =	simm.s32 $0x7800;
	[sflag:s30] =	ssyncadd.s32 $0xFFFFFFB0  }
0x8c: {  	[tilespmem:s20], [sflag:$0x4] =	stream.indirect.gather [hbm4b:s2+s22], $0x80, s14, s22, $0xb8;
	[tilespmem:$0x1F800] =	vst v63  }
0x8d: {  	[tilespmem:$0xA800] =	vst v0  }
0x8e: {  	[tilespmem:$0xA810] =	vst v0  }
0x8f: {  	[tilespmem:$0xA820] =	vst v0  }
0x90: {  	[tilespmem:$0xA830] =	vst v0  }
0x91: {  	[tilespmem:$0xA840] =	vst v0  }
0x92: {  	[tilespmem:$0xA850] =	vst v0  }
0x93: {  	[tilespmem:$0xA860] =	vst v0  }
0x94: {  	[tilespmem:$0xA870] =	vst v0  }
0x95: {  	[tilespmem:$0xA880] =	vst v0  }
0x96: {  	[tilespmem:$0xA890] =	vst v0  }
0x97: {  	[tilespmem:$0xA8A0] =	vst v0  }
0x98: {  	[tilespmem:$0xA8B0] =	vst v0  }
0x99: {  	[tilespmem:$0xA8C0] =	vst v0  }
0x9a: {  	[tilespmem:$0xA8D0] =	vst v0  }
0x9b: {  	[tilespmem:$0xA8E0] =	vst v0  }
0x9c: {  	[tilespmem:$0xA8F0] =	vst v0  }
0x9d: {  	[tilespmem:$0xA900] =	vst v0  }
0x9e: {  	[tilespmem:$0xA910] =	vst v0  }
0x9f: {  	[tilespmem:$0xA920] =	vst v0  }
0xa0: {  	[tilespmem:$0xA930] =	vst v0  }
0xa1: {  	[tilespmem:$0xA940] =	vst v0  }
0xa2: {  	[tilespmem:$0xA950] =	vst v0  }
0xa3: {  	[tilespmem:$0xA960] =	vst v0  }
0xa4: {  	[tilespmem:$0xA970] =	vst v0  }
0xa5: {  	[tilespmem:$0xA980] =	vst v0  }
0xa6: {  	[tilespmem:$0xA990] =	vst v0  }
0xa7: {  	[tilespmem:$0xA9A0] =	vst v0  }
0xa8: {  	[tilespmem:$0xA9B0] =	vst v0  }
0xa9: {  	[tilespmem:$0xA9C0] =	vst v0  }
0xaa: {  	[tilespmem:$0xA9D0] =	vst v0  }
0xab: {  	[tilespmem:$0xA9E0] =	vst v0  }
0xac: {  	[tilespmem:$0xA9F0] =	vst v0  }
0xad: {  	[tilespmem:$0xAA00] =	vst v0  }
0xae: {  	[tilespmem:$0xAA10] =	vst v0  }
0xaf: {  	[tilespmem:$0xAA20] =	vst v0  }
0xb0: {  	[tilespmem:$0xAA30] =	vst v0  }
0xb1: {  	[tilespmem:$0xAA40] =	vst v0  }
0xb2: {  	[tilespmem:$0xAA50] =	vst v0  }
0xb3: {  	[tilespmem:$0xAA60] =	vst v0  }
0xb4: {  	[tilespmem:$0xAA70] =	vst v0  }
0xb5: {  	[tilespmem:$0xAA80] =	vst v0  }
0xb6: {  	[tilespmem:$0xAA90] =	vst v0  }
0xb7: {  	[tilespmem:$0xAAA0] =	vst v0  }
0xb8: {  	[tilespmem:$0xAAB0] =	vst v0  }
0xb9: {  	[tilespmem:$0xAAC0] =	vst v0  }
0xba: {  	[tilespmem:$0xAAD0] =	vst v0  }
0xbb: {  	[tilespmem:$0xAAE0] =	vst v0  }
0xbc: {  	[tilespmem:$0xAAF0] =	vst v0  }
0xbd: {  	[tilespmem:$0xAB00] =	vst v0  }
0xbe: {  	[tilespmem:$0xAB10] =	vst v0  }
0xbf: {  	[tilespmem:$0xAB20] =	vst v0  }
0xc0: {  	[tilespmem:$0xAB30] =	vst v0  }
0xc1: {  	[tilespmem:$0xAB40] =	vst v0  }
0xc2: {  	[tilespmem:$0xAB50] =	vst v0  }
0xc3: {  	[tilespmem:$0xAB60] =	vst v0  }
0xc4: {  	[tilespmem:$0xAB70] =	vst v0  }
0xc5: {  	[tilespmem:$0xAB80] =	vst v0  }
0xc6: {  	[tilespmem:$0xAB90] =	vst v0  }
0xc7: {  	[tilespmem:$0xABA0] =	vst v0  }
0xc8: {  	[tilespmem:$0xABB0] =	vst v0  }
0xc9: {  	[tilespmem:$0xABC0] =	vst v0  }
0xca: {  	[tilespmem:$0xABD0] =	vst v0  }
0xcb: {  	[tilespmem:$0xABE0] =	vst v0  }
0xcc: {  	[tilespmem:$0xABF0] =	vst v0  }
0xcd: {  	[tilespmem:$0xAC00] =	vst v0  }
0xce: {  	[tilespmem:$0xAC10] =	vst v0  }
0xcf: {  	[tilespmem:$0xAC20] =	vst v0  }
0xd0: {  	[tilespmem:$0xAC30] =	vst v0  }
0xd1: {  	[tilespmem:$0xAC40] =	vst v0  }
0xd2: {  	[tilespmem:$0xAC50] =	vst v0  }
0xd3: {  	[tilespmem:$0xAC60] =	vst v0  }
0xd4: {  	[tilespmem:$0xAC70] =	vst v0  }
0xd5: {  	[tilespmem:$0xAC80] =	vst v0  }
0xd6: {  	[tilespmem:$0xAC90] =	vst v0  }
0xd7: {  	[tilespmem:$0xACA0] =	vst v0  }
0xd8: {  	[tilespmem:$0xACB0] =	vst v0  }
0xd9: {  	[tilespmem:$0xACC0] =	vst v0  }
0xda: {  	[tilespmem:$0xACD0] =	vst v0  }
0xdb: {  	[tilespmem:$0xACE0] =	vst v0  }
0xdc: {  	[tilespmem:$0xACF0] =	vst v0  }
0xdd: {  	[tilespmem:$0xAD00] =	vst v0  }
0xde: {  	[tilespmem:$0xAD10] =	vst v0  }
0xdf: {  	[tilespmem:$0xAD20] =	vst v0  }
0xe0: {  	[tilespmem:$0xAD30] =	vst v0  }
0xe1: {  	[tilespmem:$0xAD40] =	vst v0  }
0xe2: {  	[tilespmem:$0xAD50] =	vst v0  }
0xe3: {  	[tilespmem:$0xAD60] =	vst v0  }
0xe4: {  	[tilespmem:$0xAD70] =	vst v0  }
0xe5: {  	[tilespmem:$0xAD80] =	vst v0  }
0xe6: {  	[tilespmem:$0xAD90] =	vst v0  }
0xe7: {  	[tilespmem:$0xADA0] =	vst v0  }
0xe8: {  	[tilespmem:$0xADB0] =	vst v0  }
0xe9: {  	[tilespmem:$0xADC0] =	vst v0  }
0xea: {  	[tilespmem:$0xADD0] =	vst v0  }
0xeb: {  	[tilespmem:$0xADE0] =	vst v0  }
0xec: {  	[tilespmem:$0xADF0] =	vst v0  }
0xed: {  	[tilespmem:$0xAE00] =	vst v0  }
0xee: {  	[tilespmem:$0xAE10] =	vst v0  }
0xef: {  	[tilespmem:$0xAE20] =	vst v0  }
0xf0: {  	[tilespmem:$0xAE30] =	vst v0  }
0xf1: {  	[tilespmem:$0xAE40] =	vst v0  }
0xf2: {  	[tilespmem:$0xAE50] =	vst v0  }
0xf3: {  	[tilespmem:$0xAE60] =	vst v0  }
0xf4: {  	[tilespmem:$0xAE70] =	vst v0  }
0xf5: {  	[tilespmem:$0xAE80] =	vst v0  }
0xf6: {  	[tilespmem:$0xAE90] =	vst v0  }
0xf7: {  	[tilespmem:$0xAEA0] =	vst v0  }
0xf8: {  	[tilespmem:$0xAEB0] =	vst v0  }
0xf9: {  	[tilespmem:$0xAEC0] =	vst v0  }
0xfa: {  	[tilespmem:$0xAED0] =	vst v0  }
0xfb: {  	[tilespmem:$0xAEE0] =	vst v0  }
0xfc: {  	[tilespmem:$0xAEF0] =	vst v0  }
0xfd: {  	[tilespmem:$0xAF00] =	vst v0  }
0xfe: {  	[tilespmem:$0xAF10] =	vst v0  }
0xff: {  	[tilespmem:$0xAF20] =	vst v0  }
0x100: {  	[tilespmem:$0xAF30] =	vst v0  }
0x101: {  	[tilespmem:$0xAF40] =	vst v0  }
0x102: {  	[tilespmem:$0xAF50] =	vst v0  }
0x103: {  	[tilespmem:$0xAF60] =	vst v0  }
0x104: {  	[tilespmem:$0xAF70] =	vst v0  }
0x105: {  	[tilespmem:$0xAF80] =	vst v0  }
0x106: {  	[tilespmem:$0xAF90] =	vst v0  }
0x107: {  	[tilespmem:$0xAFA0] =	vst v0  }
0x108: {  	[tilespmem:$0xAFB0] =	vst v0  }
0x109: {  	[tilespmem:$0xAFC0] =	vst v0  }
0x10a: {  	[tilespmem:$0xAFD0] =	vst v0  }
0x10b: {  	[tilespmem:$0xAFE0] =	vst v0  }
0x10c: {  	[tilespmem:$0xAFF0] =	vst v0  }
0x10d: {  	[tilespmem:$0xB000] =	vst v0  }
0x10e: {  	[tilespmem:$0xB010] =	vst v0  }
0x10f: {  	[tilespmem:$0xB020] =	vst v0  }
0x110: {  	[tilespmem:$0xB030] =	vst v0  }
0x111: {  	[tilespmem:$0xB040] =	vst v0  }
0x112: {  	[tilespmem:$0xB050] =	vst v0  }
0x113: {  	[tilespmem:$0xB060] =	vst v0  }
0x114: {  	[tilespmem:$0xB070] =	vst v0  }
0x115: {  	[tilespmem:$0xB080] =	vst v0  }
0x116: {  	[tilespmem:$0xB090] =	vst v0  }
0x117: {  	[tilespmem:$0xB0A0] =	vst v0  }
0x118: {  	[tilespmem:$0xB0B0] =	vst v0  }
0x119: {  	[tilespmem:$0xB0C0] =	vst v0  }
0x11a: {  	[tilespmem:$0xB0D0] =	vst v0  }
0x11b: {  	[tilespmem:$0xB0E0] =	vst v0  }
0x11c: {  	[tilespmem:$0xB0F0] =	vst v0  }
0x11d: {  	[tilespmem:$0xB100] =	vst v0  }
0x11e: {  	[tilespmem:$0xB110] =	vst v0  }
0x11f: {  	[tilespmem:$0xB120] =	vst v0  }
0x120: {  	[tilespmem:$0xB130] =	vst v0  }
0x121: {  	[tilespmem:$0xB140] =	vst v0  }
0x122: {  	[tilespmem:$0xB150] =	vst v0  }
0x123: {  	[tilespmem:$0xB160] =	vst v0  }
0x124: {  	[tilespmem:$0xB170] =	vst v0  }
0x125: {  	[tilespmem:$0xB180] =	vst v0  }
0x126: {  	[tilespmem:$0xB190] =	vst v0  }
0x127: {  	[tilespmem:$0xB1A0] =	vst v0  }
0x128: {  	[tilespmem:$0xB1B0] =	vst v0  }
0x129: {  	[tilespmem:$0xB1C0] =	vst v0  }
0x12a: {  	[tilespmem:$0xB1D0] =	vst v0  }
0x12b: {  	[tilespmem:$0xB1E0] =	vst v0  }
0x12c: {  	[tilespmem:$0xB1F0] =	vst v0  }
0x12d: {  	[tilespmem:$0xB200] =	vst v0  }
0x12e: {  	[tilespmem:$0xB210] =	vst v0  }
0x12f: {  	[tilespmem:$0xB220] =	vst v0  }
0x130: {  	[tilespmem:$0xB230] =	vst v0  }
0x131: {  	[tilespmem:$0xB240] =	vst v0  }
0x132: {  	[tilespmem:$0xB250] =	vst v0  }
0x133: {  	[tilespmem:$0xB260] =	vst v0  }
0x134: {  	[tilespmem:$0xB270] =	vst v0  }
0x135: {  	[tilespmem:$0xB280] =	vst v0  }
0x136: {  	[tilespmem:$0xB290] =	vst v0  }
0x137: {  	[tilespmem:$0xB2A0] =	vst v0  }
0x138: {  	[tilespmem:$0xB2B0] =	vst v0  }
0x139: {  	[tilespmem:$0xB2C0] =	vst v0  }
0x13a: {  	[tilespmem:$0xB2D0] =	vst v0  }
0x13b: {  	[tilespmem:$0xB2E0] =	vst v0  }
0x13c: {  	[tilespmem:$0xB2F0] =	vst v0  }
0x13d: {  	[tilespmem:$0xB300] =	vst v0  }
0x13e: {  	[tilespmem:$0xB310] =	vst v0  }
0x13f: {  	[tilespmem:$0xB320] =	vst v0  }
0x140: {  	[tilespmem:$0xB330] =	vst v0  }
0x141: {  	[tilespmem:$0xB340] =	vst v0  }
0x142: {  	[tilespmem:$0xB350] =	vst v0  }
0x143: {  	[tilespmem:$0xB360] =	vst v0  }
0x144: {  	[tilespmem:$0xB370] =	vst v0  }
0x145: {  	[tilespmem:$0xB380] =	vst v0  }
0x146: {  	[tilespmem:$0xB390] =	vst v0  }
0x147: {  	[tilespmem:$0xB3A0] =	vst v0  }
0x148: {  	[tilespmem:$0xB3B0] =	vst v0  }
0x149: {  	[tilespmem:$0xB3C0] =	vst v0  }
0x14a: {  	[tilespmem:$0xB3D0] =	vst v0  }
0x14b: {  	[tilespmem:$0xB3E0] =	vst v0  }
0x14c: {  	[tilespmem:$0xB3F0] =	vst v0  }
0x14d: {  	[tilespmem:$0xB400] =	vst v0  }
0x14e: {  	[tilespmem:$0xB410] =	vst v0  }
0x14f: {  	[tilespmem:$0xB420] =	vst v0  }
0x150: {  	[tilespmem:$0xB430] =	vst v0  }
0x151: {  	[tilespmem:$0xB440] =	vst v0  }
0x152: {  	[tilespmem:$0xB450] =	vst v0  }
0x153: {  	[tilespmem:$0xB460] =	vst v0  }
0x154: {  	[tilespmem:$0xB470] =	vst v0  }
0x155: {  	[tilespmem:$0xB480] =	vst v0  }
0x156: {  	[tilespmem:$0xB490] =	vst v0  }
0x157: {  	[tilespmem:$0xB4A0] =	vst v0  }
0x158: {  	[tilespmem:$0xB4B0] =	vst v0  }
0x159: {  	[tilespmem:$0xB4C0] =	vst v0  }
0x15a: {  	[tilespmem:$0xB4D0] =	vst v0  }
0x15b: {  	[tilespmem:$0xB4E0] =	vst v0  }
0x15c: {  	[tilespmem:$0xB4F0] =	vst v0  }
0x15d: {  	[tilespmem:$0xB500] =	vst v0  }
0x15e: {  	[tilespmem:$0xB510] =	vst v0  }
0x15f: {  	[tilespmem:$0xB520] =	vst v0  }
0x160: {  	[tilespmem:$0xB530] =	vst v0  }
0x161: {  	[tilespmem:$0xB540] =	vst v0  }
0x162: {  	[tilespmem:$0xB550] =	vst v0  }
0x163: {  	[tilespmem:$0xB560] =	vst v0  }
0x164: {  	[tilespmem:$0xB570] =	vst v0  }
0x165: {  	[tilespmem:$0xB580] =	vst v0  }
0x166: {  	[tilespmem:$0xB590] =	vst v0  }
0x167: {  	[tilespmem:$0xB5A0] =	vst v0  }
0x168: {  	[tilespmem:$0xB5B0] =	vst v0  }
0x169: {  	[tilespmem:$0xB5C0] =	vst v0  }
0x16a: {  	[tilespmem:$0xB5D0] =	vst v0  }
0x16b: {  	[tilespmem:$0xB5E0] =	vst v0  }
0x16c: {  	[tilespmem:$0xB5F0] =	vst v0  }
0x16d: {  	[tilespmem:$0xB600] =	vst v0  }
0x16e: {  	[tilespmem:$0xB610] =	vst v0  }
0x16f: {  	[tilespmem:$0xB620] =	vst v0  }
0x170: {  	[tilespmem:$0xB630] =	vst v0  }
0x171: {  	[tilespmem:$0xB640] =	vst v0  }
0x172: {  	[tilespmem:$0xB650] =	vst v0  }
0x173: {  	[tilespmem:$0xB660] =	vst v0  }
0x174: {  	[tilespmem:$0xB670] =	vst v0  }
0x175: {  	[tilespmem:$0xB680] =	vst v0  }
0x176: {  	[tilespmem:$0xB690] =	vst v0  }
0x177: {  	[tilespmem:$0xB6A0] =	vst v0  }
0x178: {  	[tilespmem:$0xB6B0] =	vst v0  }
0x179: {  	[tilespmem:$0xB6C0] =	vst v0  }
0x17a: {  	[tilespmem:$0xB6D0] =	vst v0  }
0x17b: {  	[tilespmem:$0xB6E0] =	vst v0  }
0x17c: {  	[tilespmem:$0xB6F0] =	vst v0  }
0x17d: {  	[tilespmem:$0xB700] =	vst v0  }
0x17e: {  	[tilespmem:$0xB710] =	vst v0  }
0x17f: {  	[tilespmem:$0xB720] =	vst v0  }
0x180: {  	[tilespmem:$0xB730] =	vst v0  }
0x181: {  	[tilespmem:$0xB740] =	vst v0  }
0x182: {  	[tilespmem:$0xB750] =	vst v0  }
0x183: {  	[tilespmem:$0xB760] =	vst v0  }
0x184: {  	[tilespmem:$0xB770] =	vst v0  }
0x185: {  	[tilespmem:$0xB780] =	vst v0  }
0x186: {  	[tilespmem:$0xB790] =	vst v0  }
0x187: {  	[tilespmem:$0xB7A0] =	vst v0  }
0x188: {  	[tilespmem:$0xB7B0] =	vst v0  }
0x189: {  	[tilespmem:$0xB7C0] =	vst v0  }
0x18a: {  	[tilespmem:$0xB7D0] =	vst v0  }
0x18b: {  	[tilespmem:$0xB7E0] =	vst v0  }
0x18c: {  	s11 =	simm.s32 $0xA800;
	[tilespmem:$0xB7F0] =	vst v0  }
0x18d: {  	[spmem:s13] =	stream.linear.scatter [tilespmem:s11], [sflag:$0xD], $0x1000, $0x38;
	[tilespmem:$0x1F800] =	vst v63  }
0x18e: {  	_ =	swait.ge [sflag:s25], $0x1000  }
0x18f: {  	s15 =	sld [smem:$0x7EA]  }
0x190: {  	[sflag:s25] =	ssyncset.done $0x0  }
0x191: {  	[sflag:s25] =	ssyncadd.s32 $0xFFFFF000  }
0x192: {  	[spmem:s15] =	stream.linear.scatter [tilespmem:s11], [sflag:$0xD], $0x1000, $0x38;
	[tilespmem:$0x1F800] =	vst v63  }
0x193: {  	_ =	swait.ge [sflag:s25], $0x1000  }
0x194: {  	s13 =	sld [smem:$0x7EB]  }
0x195: {  	[sflag:s25] =	ssyncset.done $0x0  }
0x196: {  	[sflag:s25] =	ssyncadd.s32 $0xFFFFF000  }
0x197: {  	[spmem:s13] =	stream.linear.scatter [tilespmem:s11], [sflag:$0xD], $0x1000, $0x38;
	[tilespmem:$0x1F800] =	vst v63  }
0x198: {  	_ =	swait.ge [sflag:s25], $0x1000  }
0x199: {  	s14 =	sld [smem:$0x7EC]  }
0x19a: {  	[sflag:s25] =	ssyncset.done $0x0  }
0x19b: {  	[sflag:s25] =	ssyncadd.s32 $0xFFFFF000  }
0x19c: {  	[spmem:s14] =	stream.linear.scatter [tilespmem:s11], [sflag:$0xD], $0x1000, $0x38;
	[tilespmem:$0x1F800] =	vst v63  }
0x19d: {  	_ =	swait.ge [sflag:s25], $0x1000  }
0x19e: {  	s15 =	sld [smem:$0x7ED]  }
0x19f: {  	[sflag:s25] =	ssyncset.done $0x0  }
0x1a0: {  	[sflag:s25] =	ssyncadd.s32 $0xFFFFF000  }
0x1a1: {  	[spmem:s15] =	stream.linear.scatter [tilespmem:s11], [sflag:$0xD], $0x1000, $0x38;
	[tilespmem:$0x1F800] =	vst v63  }
0x1a2: {  	_ =	swait.ge [sflag:s25], $0x1000  }
0x1a3: {  	s13 =	sld [smem:$0x7EE]  }
0x1a4: {  	[sflag:s25] =	ssyncset.done $0x0  }
0x1a5: {  	[sflag:s25] =	ssyncadd.s32 $0xFFFFF000  }
0x1a6: {  	[spmem:s13] =	stream.linear.scatter [tilespmem:s11], [sflag:$0xD], $0x1000, $0x38;
	[tilespmem:$0x1F800] =	vst v63  }
0x1a7: {  	_ =	swait.ge [sflag:s25], $0x1000  }
0x1a8: {  	s14 =	sld [smem:$0x7EF]  }
0x1a9: {  	[sflag:s25] =	ssyncset.done $0x0  }
0x1aa: {  	[sflag:s25] =	ssyncadd.s32 $0xFFFFF000  }
0x1ab: {  	[spmem:s14] =	stream.linear.scatter [tilespmem:s11], [sflag:$0xD], $0x1000, $0x38;
	[tilespmem:$0x1F800] =	vst v63  }
0x1ac: {  	_ =	swait.ge [sflag:s25], $0x1000  }
0x1ad: {  	s15 =	sld [smem:$0x7F0]  }
0x1ae: {  	[sflag:s25] =	ssyncset.done $0x0  }
0x1af: {  	[sflag:s25] =	ssyncadd.s32 $0xFFFFF000  }
0x1b0: {  	[spmem:s15] =	stream.linear.scatter [tilespmem:s11], [sflag:$0xD], $0x1000, $0x38;
	[tilespmem:$0x1F800] =	vst v63  }
0x1b1: {  	_ =	swait.ge [sflag:s25], $0x1000  }
0x1b2: {  	s13 =	sld [smem:$0x7F1]  }
0x1b3: {  	[sflag:s25] =	ssyncset.done $0x0  }
0x1b4: {  	[sflag:s25] =	ssyncadd.s32 $0xFFFFF000  }
0x1b5: {  	[spmem:s13] =	stream.linear.scatter [tilespmem:s11], [sflag:$0xD], $0x1000, $0x38;
	[tilespmem:$0x1F800] =	vst v63  }
0x1b6: {  	_ =	swait.ge [sflag:s25], $0x1000  }
0x1b7: {  	s14 =	sld [smem:$0x7F2]  }
0x1b8: {  	[sflag:s25] =	ssyncset.done $0x0  }
0x1b9: {  	[sflag:s25] =	ssyncadd.s32 $0xFFFFF000  }
0x1ba: {  	[spmem:s14] =	stream.linear.scatter [tilespmem:s11], [sflag:$0xD], $0x1000, $0x38;
	[tilespmem:$0x1F800] =	vst v63  }
0x1bb: {  	_ =	swait.ge [sflag:s25], $0x1000  }
0x1bc: {  	s15 =	sld [smem:$0x7F3]  }
0x1bd: {  	[sflag:s25] =	ssyncset.done $0x0  }
0x1be: {  	[sflag:s25] =	ssyncadd.s32 $0xFFFFF000  }
0x1bf: {  	[spmem:s15] =	stream.linear.scatter [tilespmem:s11], [sflag:$0xD], $0x1000, $0x38;
	[tilespmem:$0x1F800] =	vst v63  }
0x1c0: {  	_ =	swait.ge [sflag:s25], $0x1000  }
0x1c1: {  	s13 =	sld [smem:$0x7F4]  }
0x1c2: {  	[sflag:s25] =	ssyncset.done $0x0  }
0x1c3: {  	[sflag:s25] =	ssyncadd.s32 $0xFFFFF000  }
0x1c4: {  	[spmem:s13] =	stream.linear.scatter [tilespmem:s11], [sflag:$0xD], $0x1000, $0x38;
	[tilespmem:$0x1F800] =	vst v63  }
0x1c5: {  	_ =	swait.ge [sflag:s25], $0x1000  }
0x1c6: {  	s14 =	sld [smem:$0x7F5]  }
0x1c7: {  	[sflag:s25] =	ssyncset.done $0x0  }
0x1c8: {  	[sflag:s25] =	ssyncadd.s32 $0xFFFFF000  }
0x1c9: {  	[spmem:s14] =	stream.linear.scatter [tilespmem:s11], [sflag:$0xD], $0x1000, $0x38;
	[tilespmem:$0x1F800] =	vst v63  }
0x1ca: {  	_ =	swait.ge [sflag:s25], $0x1000  }
0x1cb: {  	s15 =	sld [smem:$0x7F6]  }
0x1cc: {  	[sflag:s25] =	ssyncset.done $0x0  }
0x1cd: {  	[sflag:s25] =	ssyncadd.s32 $0xFFFFF000  }
0x1ce: {  	[spmem:s15] =	stream.linear.scatter [tilespmem:s11], [sflag:$0xD], $0x1000, $0x38;
	[tilespmem:$0x1F800] =	vst v63  }
0x1cf: {  	_ =	swait.ge [sflag:s25], $0x1000  }
0x1d0: {  	s13 =	sld [smem:$0x7F7]  }
0x1d1: {  	[sflag:s25] =	ssyncset.done $0x0  }
0x1d2: {  	[sflag:s25] =	ssyncadd.s32 $0xFFFFF000  }
0x1d3: {  	[spmem:s13] =	stream.linear.scatter [tilespmem:s11], [sflag:$0xD], $0x1000, $0x38;
	[tilespmem:$0x1F800] =	vst v63  }
0x1d4: {  	_ =	swait.ge [sflag:s25], $0x1000  }
0x1d5: {  	s14 =	sld [smem:$0x7F8]  }
0x1d6: {  	[sflag:s25] =	ssyncset.done $0x0  }
0x1d7: {  	[sflag:s25] =	ssyncadd.s32 $0xFFFFF000  }
0x1d8: {  	[spmem:s14] =	stream.linear.scatter [tilespmem:s11], [sflag:$0xD], $0x1000, $0x38;
	[tilespmem:$0x1F800] =	vst v63  }
0x1d9: {  	_ =	swait.ge [sflag:s25], $0x1000  }
0x1da: {  	s15 =	sld [smem:$0x7F9]  }
0x1db: {  	[sflag:s25] =	ssyncset.done $0x0  }
0x1dc: {  	[sflag:s25] =	ssyncadd.s32 $0xFFFFF000  }
0x1dd: {  	[spmem:s15] =	stream.linear.scatter [tilespmem:s11], [sflag:$0xD], $0x1000, $0x38;
	[tilespmem:$0x1F800] =	vst v63  }
0x1de: {  	_ =	swait.ge [sflag:s25], $0x1000  }
0x1df: {  	s13 =	sld [smem:$0x7FA]  }
0x1e0: {  	[sflag:s25] =	ssyncset.done $0x0  }
0x1e1: {  	[sflag:s25] =	ssyncadd.s32 $0xFFFFF000  }
0x1e2: {  	[spmem:s13] =	stream.linear.scatter [tilespmem:s11], [sflag:$0xD], $0x1000, $0x38;
	[tilespmem:$0x1F800] =	vst v63  }
0x1e3: {  	_ =	swait.ge [sflag:s25], $0x1000  }
0x1e4: {  	s14 =	sld [smem:$0x7FB]  }
0x1e5: {  	[sflag:s25] =	ssyncset.done $0x0  }
0x1e6: {  	[sflag:s25] =	ssyncadd.s32 $0xFFFFF000  }
0x1e7: {  	[spmem:s14] =	stream.linear.scatter [tilespmem:s11], [sflag:$0xD], $0x1000, $0x38;
	[tilespmem:$0x1F800] =	vst v63  }
0x1e8: {  	_ =	swait.ge [sflag:s25], $0x1000  }
0x1e9: {  	s15 =	sld [smem:$0x7FC]  }
0x1ea: {  	[sflag:s25] =	ssyncset.done $0x0  }
0x1eb: {  	[sflag:s25] =	ssyncadd.s32 $0xFFFFF000  }
0x1ec: {  	[spmem:s15] =	stream.linear.scatter [tilespmem:s11], [sflag:$0xD], $0x1000, $0x38;
	[tilespmem:$0x1F800] =	vst v63  }
0x1ed: {  	_ =	swait.ge [sflag:s25], $0x1000  }
0x1ee: {  	[sflag:s25] =	ssyncset.done $0x0  }
0x1ef: {  	[sflag:s25] =	ssyncadd.s32 $0xFFFFF000  }
0x1f0: {  	[bflag:$0x0] =	sbarrier.arrive $0xFFFF  }
0x1f1: {  	_ =	swait.ge [sflag:s23], $0x2800  }
0x1f2: {  	[sflag:s23] =	ssyncset.done $0x0  }
0x1f3: {  	[sflag:s23] =	ssyncadd.s32 $0xFFFFD800  }
0x1f4: {  	[spmem:s4] =	stream.indirect.scatter.add.f32 [tilespmem:s5], [sflag:$0xD], $0x80, s18, s22, $0xb8;
	[tilespmem:$0x1F800] =	vst v63  }
0x1f5: {  	_ =	swait.ge [sflag:s25], $0x2800  }
0x1f6: {  	s13 =	sld [smem:$0x7DF];
	_ =	sdelay $0x2  }
0x1f7: {  	[sflag:s25] =	ssyncset.done $0x0;
	s11 =	sshrl.u32 s13, $0x3  }
0x1f8: {  	s14 =	rddreg [dreg:$0x13];
	[sflag:s25] =	ssyncadd.s32 $0xFFFFD800;
	s10 =	sadd.s32 s12, s11  }
0x1f9: {  	[tilespmem:s19], [sflag:$0x5] =	stream.linear.gather [hbm4b:s10+s5], $0x50, $0x38;
	[tilespmem:$0x1F800] =	vst v63  }
0x1fa: {  	s15 =	sadd.s32 $0x0, s14  }
0x1fb: {  	[tilespmem:s18], [sflag:$0x5] =	stream.linear.gather [hbm4b:s15+s5], $0x50, $0x38;
	[tilespmem:$0x1F800] =	vst v63  }
0x1fc: {  	_ =	swait.ge [sflag:s6], $0x50  }
0x1fd: {  	[sflag:s6] =	ssyncset.done $0x0  }
0x1fe: {  	[sflag:s6] =	ssyncadd.s32 $0xFFFFFFB0  }
0x1ff: {  	_ =	swait.ge [sflag:s6], $0x50  }
0x200: {  	[sflag:s6] =	ssyncset.done $0x0  }
0x201: {  	s15 =	simm.s32 $0xA400;
	[sflag:s6] =	ssyncadd.s32 $0xFFFFFFB0  }
0x202: {  	[tilespmem:s5], [sflag:$0x1] =	stream.indirect.gather [hbm4b:s2+s22], $0x80, s15, s22, $0xb8;
	[tilespmem:$0x1F800] =	vst v63  }
0x203: {  	_ =	swait.ge [sflag:s1], $0x2800  }
0x204: {  	[sflag:s1] =	ssyncset.done $0x0  }
0x205: {  	[sflag:s1] =	ssyncadd.s32 $0xFFFFD800  }
0x206: {  	[spmem:s4] =	stream.indirect.scatter.add.f32 [tilespmem:s16], [sflag:$0xD], $0x80, s26, s22, $0xb8;
	[tilespmem:$0x1F800] =	vst v63  }
0x207: {  	_ =	swait.ge [sflag:s25], $0x2800  }
0x208: {  	s11 =	rddreg [dreg:$0x11];
	[sflag:s25] =	ssyncset.done $0x0  }
0x209: {  	s12 =	rddreg [dreg:$0x12];
	[sflag:s25] =	ssyncadd.s32 $0xFFFFD800;
	s10 =	sadd.s32 $0x0, s11  }
0x20a: {  	[tilespmem:s29], [sflag:$0x6] =	stream.linear.gather [hbm4b:s10+s5], $0x50, $0x38;
	[tilespmem:$0x1F800] =	vst v63  }
0x20b: {  	s14 =	sadd.s32 $0x0, s12  }
0x20c: {  	[tilespmem:s26], [sflag:$0x6] =	stream.linear.gather [hbm4b:s14+s5], $0x50, $0x38;
	[tilespmem:$0x1F800] =	vst v63  }
0x20d: {  	_ =	swait.ge [sflag:s3], $0x50  }
0x20e: {  	[sflag:s3] =	ssyncset.done $0x0  }
0x20f: {  	[sflag:s3] =	ssyncadd.s32 $0xFFFFFFB0  }
0x210: {  	_ =	swait.ge [sflag:s3], $0x50  }
0x211: {  	[sflag:s3] =	ssyncset.done $0x0  }
0x212: {  	s14 =	simm.s32 $0xA500;
	[sflag:s3] =	ssyncadd.s32 $0xFFFFFFB0  }
0x213: {  	[tilespmem:s16], [sflag:$0x2] =	stream.indirect.gather [hbm4b:s2+s22], $0x80, s14, s22, $0xb8;
	[tilespmem:$0x1F800] =	vst v63  }
0x214: {  	_ =	swait.ge [sflag:s0], $0x2800  }
0x215: {  	[sflag:s0] =	ssyncset.done $0x0  }
0x216: {  	s12 =	simm.s32 $0xA280;
	[sflag:s0] =	ssyncadd.s32 $0xFFFFD800  }
0x217: {  	[spmem:s4] =	stream.indirect.scatter.add.f32 [tilespmem:s17], [sflag:$0xD], $0x80, s12, s22, $0xb8;
	[tilespmem:$0x1F800] =	vst v63  }
0x218: {  	_ =	swait.ge [sflag:s25], $0x2800  }
0x219: {  	s18 =	rddreg [dreg:$0xf];
	[sflag:s25] =	ssyncset.done $0x0  }
0x21a: {  	s26 =	rddreg [dreg:$0x10];
	[sflag:s25] =	ssyncadd.s32 $0xFFFFD800;
	s10 =	sadd.s32 $0x0, s18  }
0x21b: {  	[tilespmem:s31], [sflag:$0x7] =	stream.linear.gather [hbm4b:s10+s5], $0x50, $0x38;
	[tilespmem:$0x1F800] =	vst v63  }
0x21c: {  	s11 =	sadd.s32 $0x0, s26  }
0x21d: {  	[tilespmem:s12], [sflag:$0x7] =	stream.linear.gather [hbm4b:s11+s5], $0x50, $0x38;
	[tilespmem:$0x1F800] =	vst v63  }
0x21e: {  	_ =	swait.ge [sflag:s7], $0x50  }
0x21f: {  	[sflag:s7] =	ssyncset.done $0x0  }
0x220: {  	[sflag:s7] =	ssyncadd.s32 $0xFFFFFFB0  }
0x221: {  	_ =	swait.ge [sflag:s7], $0x50  }
0x222: {  	[sflag:s7] =	ssyncset.done $0x0  }
0x223: {  	s26 =	simm.s32 $0xA600;
	[sflag:s7] =	ssyncadd.s32 $0xFFFFFFB0  }
0x224: {  	[tilespmem:s17], [sflag:$0x3] =	stream.indirect.gather [hbm4b:s2+s22], $0x80, s26, s22, $0xb8;
	[tilespmem:$0x1F800] =	vst v63  }
0x225: {  	_ =	swait.ge [sflag:s8], $0x2800  }
0x226: {  	[sflag:s8] =	ssyncset.done $0x0  }
0x227: {  	s12 =	simm.s32 $0xA380;
	[sflag:s8] =	ssyncadd.s32 $0xFFFFD800  }
0x228: {  	[spmem:s4] =	stream.indirect.scatter.add.f32 [tilespmem:s20], [sflag:$0xD], $0x80, s12, s22, $0xb8;
	[tilespmem:$0x1F800] =	vst v63  }
0x229: {  	_ =	swait.ge [sflag:s25], $0x2800  }
0x22a: {  	s18 =	rddreg [dreg:$0xd]  }
0x22b: {  	[sflag:s25] =	ssyncset.done $0x0;
	s11 =	rddreg [dreg:$0xe]  }
0x22c: {  	[sflag:s25] =	ssyncadd.s32 $0xFFFFD800;
	s10 =	sadd.s32 $0x0, s18;
	s18 =	simm.s32 $0xA300  }
0x22d: {  	[tilespmem:s18], [sflag:$0x8] =	stream.linear.gather [hbm4b:s10+s5], $0x50, $0x38;
	[tilespmem:$0x1F800] =	vst v63  }
0x22e: {  	s18 =	sadd.s32 $0x0, s11  }
0x22f: {  	[tilespmem:s12], [sflag:$0x8] =	stream.linear.gather [hbm4b:s18+s5], $0x50, $0x38;
	[tilespmem:$0x1F800] =	vst v63  }
0x230: {  	_ =	swait.ge [sflag:s9], $0x50  }
0x231: {  	[sflag:s9] =	ssyncset.done $0x0  }
0x232: {  	[sflag:s9] =	ssyncadd.s32 $0xFFFFFFB0  }
0x233: {  	_ =	swait.ge [sflag:s9], $0x50  }
0x234: {  	[sflag:s9] =	ssyncset.done $0x0  }
0x235: {  	s18 =	simm.s32 $0xA700;
	[sflag:s9] =	ssyncadd.s32 $0xFFFFFFB0  }
0x236: {  	[tilespmem:s20], [sflag:$0x4] =	stream.indirect.gather [hbm4b:s2+s22], $0x80, s18, s22, $0xb8;
	[tilespmem:$0x1F800] =	vst v63  }
0x237: {  	_ =	swait.ge [sflag:s23], $0x2800  }
0x238: {  	[sflag:s23] =	ssyncset.done $0x0  }
0x239: {  	s12 =	simm.s32 $0xA480;
	[sflag:s23] =	ssyncadd.s32 $0xFFFFD800  }
0x23a: {  	[spmem:s4] =	stream.indirect.scatter.add.f32 [tilespmem:s5], [sflag:$0xD], $0x80, s12, s22, $0xb8;
	[tilespmem:$0x1F800] =	vst v63  }
0x23b: {  	_ =	swait.ge [sflag:s25], $0x2800  }
0x23c: {  	s10 =	rddreg [dreg:$0xb];
	[sflag:s25] =	ssyncset.done $0x0  }
0x23d: {  	s11 =	rddreg [dreg:$0xc];
	[sflag:s25] =	ssyncadd.s32 $0xFFFFD800;
	s10 =	sadd.s32 $0x0, s10  }
0x23e: {  	[tilespmem:s15], [sflag:$0x9] =	stream.linear.gather [hbm4b:s10+s5], $0x50, $0x38;
	[tilespmem:$0x1F800] =	vst v63  }
0x23f: {  	s11 =	sadd.s32 $0x0, s11  }
0x240: {  	[tilespmem:s12], [sflag:$0x9] =	stream.linear.gather [hbm4b:s11+s5], $0x50, $0x38;
	[tilespmem:$0x1F800] =	vst v63  }
0x241: {  	_ =	swait.ge [sflag:s21], $0x50  }
0x242: {  	[sflag:s21] =	ssyncset.done $0x0  }
0x243: {  	[sflag:s21] =	ssyncadd.s32 $0xFFFFFFB0  }
0x244: {  	_ =	swait.ge [sflag:s21], $0x50  }
0x245: {  	[sflag:s21] =	ssyncset.done $0x0  }
0x246: {  	[sflag:s21] =	ssyncadd.s32 $0xFFFFFFB0  }
0x247: {  	[tilespmem:s5], [sflag:$0x1] =	stream.indirect.gather [hbm4b:s2+s22], $0x80, s19, s22, $0xb8;
	[tilespmem:$0x1F800] =	vst v63  }
0x248: {  	_ =	swait.ge [sflag:s1], $0x2800  }
0x249: {  	[sflag:s1] =	ssyncset.done $0x0  }
0x24a: {  	s15 =	simm.s32 $0xA580;
	[sflag:s1] =	ssyncadd.s32 $0xFFFFD800  }
0x24b: {  	[spmem:s4] =	stream.indirect.scatter.add.f32 [tilespmem:s16], [sflag:$0xD], $0x80, s15, s22, $0xb8;
	[tilespmem:$0x1F800] =	vst v63  }
0x24c: {  	_ =	swait.ge [sflag:s25], $0x2800  }
0x24d: {  	s19 =	rddreg [dreg:$0x9];
	[sflag:s25] =	ssyncset.done $0x0  }
0x24e: {  	s21 =	rddreg [dreg:$0xa];
	[sflag:s25] =	ssyncadd.s32 $0xFFFFD800;
	s10 =	sadd.s32 $0x0, s19  }
0x24f: {  	[tilespmem:s14], [sflag:$0xA] =	stream.linear.gather [hbm4b:s10+s5], $0x50, $0x38;
	[tilespmem:$0x1F800] =	vst v63  }
0x250: {  	s14 =	sadd.s32 $0x0, s21  }
0x251: {  	[tilespmem:s15], [sflag:$0xA] =	stream.linear.gather [hbm4b:s14+s5], $0x50, $0x38;
	[tilespmem:$0x1F800] =	vst v63  }
0x252: {  	_ =	swait.ge [sflag:s24], $0x50  }
0x253: {  	[sflag:s24] =	ssyncset.done $0x0  }
0x254: {  	[sflag:s24] =	ssyncadd.s32 $0xFFFFFFB0  }
0x255: {  	_ =	swait.ge [sflag:s24], $0x50  }
0x256: {  	[sflag:s24] =	ssyncset.done $0x0  }
0x257: {  	[sflag:s24] =	ssyncadd.s32 $0xFFFFFFB0  }
0x258: {  	[tilespmem:s16], [sflag:$0x2] =	stream.indirect.gather [hbm4b:s2+s22], $0x80, s29, s22, $0xb8;
	[tilespmem:$0x1F800] =	vst v63  }
0x259: {  	_ =	swait.ge [sflag:s0], $0x2800  }
0x25a: {  	[sflag:s0] =	ssyncset.done $0x0  }
0x25b: {  	s15 =	simm.s32 $0xA680;
	[sflag:s0] =	ssyncadd.s32 $0xFFFFD800  }
0x25c: {  	[spmem:s4] =	stream.indirect.scatter.add.f32 [tilespmem:s17], [sflag:$0xD], $0x80, s15, s22, $0xb8;
	[tilespmem:$0x1F800] =	vst v63  }
0x25d: {  	_ =	swait.ge [sflag:s25], $0x2800  }
0x25e: {  	s16 =	rddreg [dreg:$0x7];
	[sflag:s25] =	ssyncset.done $0x0  }
0x25f: {  	s19 =	rddreg [dreg:$0x8];
	[sflag:s25] =	ssyncadd.s32 $0xFFFFD800;
	s10 =	sadd.s32 $0x0, s16  }
0x260: {  	[tilespmem:s26], [sflag:$0xB] =	stream.linear.gather [hbm4b:s10+s5], $0x50, $0x38;
	[tilespmem:$0x1F800] =	vst v63  }
0x261: {  	s21 =	sadd.s32 $0x0, s19  }
0x262: {  	[tilespmem:s15], [sflag:$0xB] =	stream.linear.gather [hbm4b:s21+s5], $0x50, $0x38;
	[tilespmem:$0x1F800] =	vst v63  }
0x263: {  	_ =	swait.ge [sflag:s28], $0x50  }
0x264: {  	[sflag:s28] =	ssyncset.done $0x0  }
0x265: {  	[sflag:s28] =	ssyncadd.s32 $0xFFFFFFB0  }
0x266: {  	_ =	swait.ge [sflag:s28], $0x50  }
0x267: {  	[sflag:s28] =	ssyncset.done $0x0  }
0x268: {  	[sflag:s28] =	ssyncadd.s32 $0xFFFFFFB0  }
0x269: {  	[tilespmem:s17], [sflag:$0x3] =	stream.indirect.gather [hbm4b:s2+s22], $0x80, s31, s22, $0xb8;
	[tilespmem:$0x1F800] =	vst v63  }
0x26a: {  	_ =	swait.ge [sflag:s8], $0x2800  }
0x26b: {  	[sflag:s8] =	ssyncset.done $0x0  }
0x26c: {  	s24 =	simm.s32 $0xA780;
	[sflag:s8] =	ssyncadd.s32 $0xFFFFD800  }
0x26d: {  	[spmem:s4] =	stream.indirect.scatter.add.f32 [tilespmem:s20], [sflag:$0xD], $0x80, s24, s22, $0xb8;
	[tilespmem:$0x1F800] =	vst v63  }
0x26e: {  	_ =	swait.ge [sflag:s25], $0x2800  }
0x26f: {  	s26 =	rddreg [dreg:$0x5];
	[sflag:s25] =	ssyncset.done $0x0  }
0x270: {  	s29 =	rddreg [dreg:$0x6];
	[sflag:s25] =	ssyncadd.s32 $0xFFFFD800;
	s10 =	sadd.s32 $0x0, s26  }
0x271: {  	[tilespmem:s18], [sflag:$0xC] =	stream.linear.gather [hbm4b:s10+s5], $0x50, $0x38;
	[tilespmem:$0x1F800] =	vst v63  }
0x272: {  	s31 =	sadd.s32 $0x0, s29  }
0x273: {  	[tilespmem:s24], [sflag:$0xC] =	stream.linear.gather [hbm4b:s31+s5], $0x50, $0x38;
	[tilespmem:$0x1F800] =	vst v63  }
0x274: {  	_ =	swait.ge [sflag:s30], $0x50  }
0x275: {  	[sflag:s30] =	ssyncset.done $0x0  }
0x276: {  	[sflag:s30] =	ssyncadd.s32 $0xFFFFFFB0  }
0x277: {  	_ =	swait.ge [sflag:s30], $0x50  }
0x278: {  	[sflag:s30] =	ssyncset.done $0x0  }
0x279: {  	s11 =	sadd.s32 $0x280, s13;
	s10 =	simm.s32 $0x50;
	[sflag:s30] =	ssyncadd.s32 $0xFFFFFFB0  }
.LBB2_2:
0x27a: {  	s20 =	simm.s32 $0xA300;
	s24 =	simm.s32 $0x7800  }
0x27b: {  	[tilespmem:s24], [sflag:$0x4] =	stream.indirect.gather [hbm4b:s2+s22], $0x80, s20, s22, $0xb8;
	[tilespmem:$0x1F800] =	vst v63  }
0x27c: {  	_ =	swait.ge [sflag:s23], $0x2800  }
0x27d: {  	[sflag:s23] =	ssyncset.done $0x0  }
0x27e: {  	s17 =	simm.s32 $0xA080;
	[sflag:s23] =	ssyncadd.s32 $0xFFFFD800  }
0x27f: {  	[spmem:s4] =	stream.indirect.scatter.add.f32 [tilespmem:s5], [sflag:$0xD], $0x80, s17, s22, $0xb8;
	[tilespmem:$0x1F800] =	vst v63  }
0x280: {  	_ =	swait.ge [sflag:s25], $0x2800  }
0x281: {  	[sflag:s25] =	ssyncset.done $0x0  }
0x282: {  	[sflag:s25] =	ssyncadd.s32 $0xFFFFD800  }
0x283: {  	s12 =	smov.u32 s10;
	s13 =	sshrl.u32 s11, $0x3;
	s14 =	rddreg [dreg:$0x0]  }
0x284: {  	s16 =	simm.s32 $0xA000;
	s15 =	rddreg [dreg:$0x13];
	s13 =	sadd.s32 s14, s13  }
0x285: {  	[tilespmem:s16], [sflag:$0x5] =	stream.linear.gather [hbm4b:s13+s5], $0x50, $0x38;
	[tilespmem:$0x1F800] =	vst v63  }
0x286: {  	s18 =	sadd.s32 s12, s15  }
0x287: {  	[tilespmem:s17], [sflag:$0x5] =	stream.linear.gather [hbm4b:s18+s5], $0x50, $0x38;
	[tilespmem:$0x1F800] =	vst v63  }
0x288: {  	_ =	swait.ge [sflag:s6], $0x50  }
0x289: {  	[sflag:s6] =	ssyncset.done $0x0  }
0x28a: {  	[sflag:s6] =	ssyncadd.s32 $0xFFFFFFB0  }
0x28b: {  	_ =	swait.ge [sflag:s6], $0x50  }
0x28c: {  	[sflag:s6] =	ssyncset.done $0x0  }
0x28d: {  	s26 =	simm.s32 $0xA400;
	[sflag:s6] =	ssyncadd.s32 $0xFFFFFFB0  }
0x28e: {  	[tilespmem:s5], [sflag:$0x1] =	stream.indirect.gather [hbm4b:s2+s22], $0x80, s26, s22, $0xb8;
	[tilespmem:$0x1F800] =	vst v63  }
0x28f: {  	_ =	swait.ge [sflag:s1], $0x2800  }
0x290: {  	[sflag:s1] =	ssyncset.done $0x0  }
0x291: {  	s14 =	simm.s32 $0x2800;
	s18 =	simm.s32 $0xA180;
	[sflag:s1] =	ssyncadd.s32 $0xFFFFD800  }
0x292: {  	[spmem:s4] =	stream.indirect.scatter.add.f32 [tilespmem:s14], [sflag:$0xD], $0x80, s18, s22, $0xb8;
	[tilespmem:$0x1F800] =	vst v63  }
0x293: {  	_ =	swait.ge [sflag:s25], $0x2800  }
0x294: {  	s17 =	simm.s32 $0xA100;
	s19 =	rddreg [dreg:$0x11];
	[sflag:s25] =	ssyncset.done $0x0  }
0x295: {  	s21 =	rddreg [dreg:$0x12];
	[sflag:s25] =	ssyncadd.s32 $0xFFFFD800;
	s13 =	sadd.s32 s12, s19  }
0x296: {  	[tilespmem:s17], [sflag:$0x6] =	stream.linear.gather [hbm4b:s13+s5], $0x50, $0x38;
	[tilespmem:$0x1F800] =	vst v63  }
0x297: {  	s15 =	sadd.s32 s12, s21  }
0x298: {  	[tilespmem:s18], [sflag:$0x6] =	stream.linear.gather [hbm4b:s15+s5], $0x50, $0x38;
	[tilespmem:$0x1F800] =	vst v63  }
0x299: {  	_ =	swait.ge [sflag:s3], $0x50  }
0x29a: {  	[sflag:s3] =	ssyncset.done $0x0  }
0x29b: {  	[sflag:s3] =	ssyncadd.s32 $0xFFFFFFB0  }
0x29c: {  	_ =	swait.ge [sflag:s3], $0x50  }
0x29d: {  	[sflag:s3] =	ssyncset.done $0x0  }
0x29e: {  	s29 =	simm.s32 $0xA500;
	[sflag:s3] =	ssyncadd.s32 $0xFFFFFFB0  }
0x29f: {  	[tilespmem:s14], [sflag:$0x2] =	stream.indirect.gather [hbm4b:s2+s22], $0x80, s29, s22, $0xb8;
	[tilespmem:$0x1F800] =	vst v63  }
0x2a0: {  	_ =	swait.ge [sflag:s0], $0x2800  }
0x2a1: {  	[sflag:s0] =	ssyncset.done $0x0  }
0x2a2: {  	s19 =	simm.s32 $0xA280;
	s21 =	simm.s32 $0x5000;
	[sflag:s0] =	ssyncadd.s32 $0xFFFFD800  }
0x2a3: {  	[spmem:s4] =	stream.indirect.scatter.add.f32 [tilespmem:s21], [sflag:$0xD], $0x80, s19, s22, $0xb8;
	[tilespmem:$0x1F800] =	vst v63  }
0x2a4: {  	_ =	swait.ge [sflag:s25], $0x2800  }
0x2a5: {  	s18 =	rddreg [dreg:$0xf]  }
0x2a6: {  	[sflag:s25] =	ssyncset.done $0x0;
	s15 =	rddreg [dreg:$0x10]  }
0x2a7: {  	[sflag:s25] =	ssyncadd.s32 $0xFFFFD800;
	s13 =	sadd.s32 s12, s18;
	s18 =	simm.s32 $0xA200  }
0x2a8: {  	[tilespmem:s18], [sflag:$0x7] =	stream.linear.gather [hbm4b:s13+s5], $0x50, $0x38;
	[tilespmem:$0x1F800] =	vst v63  }
0x2a9: {  	s15 =	sadd.s32 s12, s15  }
0x2aa: {  	[tilespmem:s19], [sflag:$0x7] =	stream.linear.gather [hbm4b:s15+s5], $0x50, $0x38;
	[tilespmem:$0x1F800] =	vst v63  }
0x2ab: {  	_ =	swait.ge [sflag:s7], $0x50  }
0x2ac: {  	[sflag:s7] =	ssyncset.done $0x0  }
0x2ad: {  	[sflag:s7] =	ssyncadd.s32 $0xFFFFFFB0  }
0x2ae: {  	_ =	swait.ge [sflag:s7], $0x50  }
0x2af: {  	[sflag:s7] =	ssyncset.done $0x0  }
0x2b0: {  	s31 =	simm.s32 $0xA600;
	[sflag:s7] =	ssyncadd.s32 $0xFFFFFFB0  }
0x2b1: {  	[tilespmem:s21], [sflag:$0x3] =	stream.indirect.gather [hbm4b:s2+s22], $0x80, s31, s22, $0xb8;
	[tilespmem:$0x1F800] =	vst v63  }
0x2b2: {  	_ =	swait.ge [sflag:s8], $0x2800  }
0x2b3: {  	[sflag:s8] =	ssyncset.done $0x0  }
0x2b4: {  	s19 =	simm.s32 $0xA380;
	[sflag:s8] =	ssyncadd.s32 $0xFFFFD800  }
0x2b5: {  	[spmem:s4] =	stream.indirect.scatter.add.f32 [tilespmem:s24], [sflag:$0xD], $0x80, s19, s22, $0xb8;
	[tilespmem:$0x1F800] =	vst v63  }
0x2b6: {  	_ =	swait.ge [sflag:s25], $0x2800  }
0x2b7: {  	s13 =	rddreg [dreg:$0xd];
	[sflag:s25] =	ssyncset.done $0x0  }
0x2b8: {  	s15 =	rddreg [dreg:$0xe];
	[sflag:s25] =	ssyncadd.s32 $0xFFFFD800;
	s13 =	sadd.s32 s12, s13  }
0x2b9: {  	[tilespmem:s20], [sflag:$0x8] =	stream.linear.gather [hbm4b:s13+s5], $0x50, $0x38;
	[tilespmem:$0x1F800] =	vst v63  }
0x2ba: {  	s20 =	sadd.s32 s12, s15  }
0x2bb: {  	[tilespmem:s19], [sflag:$0x8] =	stream.linear.gather [hbm4b:s20+s5], $0x50, $0x38;
	[tilespmem:$0x1F800] =	vst v63  }
0x2bc: {  	_ =	swait.ge [sflag:s9], $0x50  }
0x2bd: {  	[sflag:s9] =	ssyncset.done $0x0  }
0x2be: {  	[sflag:s9] =	ssyncadd.s32 $0xFFFFFFB0  }
0x2bf: {  	_ =	swait.ge [sflag:s9], $0x50  }
0x2c0: {  	[sflag:s9] =	ssyncset.done $0x0  }
0x2c1: {  	s20 =	simm.s32 $0xA700;
	[sflag:s9] =	ssyncadd.s32 $0xFFFFFFB0  }
0x2c2: {  	[tilespmem:s24], [sflag:$0x4] =	stream.indirect.gather [hbm4b:s2+s22], $0x80, s20, s22, $0xb8;
	[tilespmem:$0x1F800] =	vst v63  }
0x2c3: {  	_ =	swait.ge [sflag:s23], $0x2800  }
0x2c4: {  	[sflag:s23] =	ssyncset.done $0x0  }
0x2c5: {  	s19 =	simm.s32 $0xA480;
	[sflag:s23] =	ssyncadd.s32 $0xFFFFD800  }
0x2c6: {  	[spmem:s4] =	stream.indirect.scatter.add.f32 [tilespmem:s5], [sflag:$0xD], $0x80, s19, s22, $0xb8;
	[tilespmem:$0x1F800] =	vst v63  }
0x2c7: {  	_ =	swait.ge [sflag:s25], $0x2800  }
0x2c8: {  	s13 =	rddreg [dreg:$0xb];
	[sflag:s25] =	ssyncset.done $0x0  }
0x2c9: {  	s15 =	rddreg [dreg:$0xc];
	[sflag:s25] =	ssyncadd.s32 $0xFFFFD800;
	s13 =	sadd.s32 s12, s13  }
0x2ca: {  	[tilespmem:s26], [sflag:$0x9] =	stream.linear.gather [hbm4b:s13+s5], $0x50, $0x38;
	[tilespmem:$0x1F800] =	vst v63  }
0x2cb: {  	s26 =	sadd.s32 s12, s15;
	s15 =	simm.s32 $0x5  }
0x2cc: {  	[tilespmem:s19], [sflag:$0x9] =	stream.linear.gather [hbm4b:s26+s5], $0x50, $0x38;
	[tilespmem:$0x1F800] =	vst v63  }
0x2cd: {  	_ =	swait.ge [sflag:s15], $0x50  }
0x2ce: {  	[sflag:s15] =	ssyncset.done $0x0  }
0x2cf: {  	[sflag:s15] =	ssyncadd.s32 $0xFFFFFFB0  }
0x2d0: {  	_ =	swait.ge [sflag:s15], $0x50  }
0x2d1: {  	[sflag:s15] =	ssyncset.done $0x0  }
0x2d2: {  	[sflag:s15] =	ssyncadd.s32 $0xFFFFFFB0  }
0x2d3: {  	[tilespmem:s5], [sflag:$0x1] =	stream.indirect.gather [hbm4b:s2+s22], $0x80, s16, s22, $0xb8;
	[tilespmem:$0x1F800] =	vst v63  }
0x2d4: {  	_ =	swait.ge [sflag:s1], $0x2800  }
0x2d5: {  	[sflag:s1] =	ssyncset.done $0x0  }
0x2d6: {  	s19 =	simm.s32 $0xA580;
	[sflag:s1] =	ssyncadd.s32 $0xFFFFD800  }
0x2d7: {  	[spmem:s4] =	stream.indirect.scatter.add.f32 [tilespmem:s14], [sflag:$0xD], $0x80, s19, s22, $0xb8;
	[tilespmem:$0x1F800] =	vst v63  }
0x2d8: {  	_ =	swait.ge [sflag:s25], $0x2800  }
0x2d9: {  	s16 =	rddreg [dreg:$0x9];
	[sflag:s25] =	ssyncset.done $0x0  }
0x2da: {  	s26 =	rddreg [dreg:$0xa];
	[sflag:s25] =	ssyncadd.s32 $0xFFFFD800;
	s13 =	sadd.s32 s12, s16  }
0x2db: {  	[tilespmem:s29], [sflag:$0xA] =	stream.linear.gather [hbm4b:s13+s5], $0x50, $0x38;
	[tilespmem:$0x1F800] =	vst v63  }
0x2dc: {  	s15 =	sadd.s32 s12, s26  }
0x2dd: {  	[tilespmem:s19], [sflag:$0xA] =	stream.linear.gather [hbm4b:s15+s5], $0x50, $0x38;
	[tilespmem:$0x1F800] =	vst v63  }
0x2de: {  	s19 =	simm.s32 $0x6  }
0x2df: {  	_ =	swait.ge [sflag:s19], $0x50  }
0x2e0: {  	[sflag:s19] =	ssyncset.done $0x0  }
0x2e1: {  	[sflag:s19] =	ssyncadd.s32 $0xFFFFFFB0  }
0x2e2: {  	_ =	swait.ge [sflag:s19], $0x50  }
0x2e3: {  	[sflag:s19] =	ssyncset.done $0x0  }
0x2e4: {  	[sflag:s19] =	ssyncadd.s32 $0xFFFFFFB0  }
0x2e5: {  	[tilespmem:s14], [sflag:$0x2] =	stream.indirect.gather [hbm4b:s2+s22], $0x80, s17, s22, $0xb8;
	[tilespmem:$0x1F800] =	vst v63  }
0x2e6: {  	_ =	swait.ge [sflag:s0], $0x2800  }
0x2e7: {  	[sflag:s0] =	ssyncset.done $0x0  }
0x2e8: {  	s17 =	simm.s32 $0xA680;
	[sflag:s0] =	ssyncadd.s32 $0xFFFFD800  }
0x2e9: {  	[spmem:s4] =	stream.indirect.scatter.add.f32 [tilespmem:s21], [sflag:$0xD], $0x80, s17, s22, $0xb8;
	[tilespmem:$0x1F800] =	vst v63  }
0x2ea: {  	_ =	swait.ge [sflag:s25], $0x2800  }
0x2eb: {  	s26 =	rddreg [dreg:$0x7];
	[sflag:s25] =	ssyncset.done $0x0  }
0x2ec: {  	s14 =	rddreg [dreg:$0x8];
	[sflag:s25] =	ssyncadd.s32 $0xFFFFD800;
	s13 =	sadd.s32 s12, s26  }
0x2ed: {  	[tilespmem:s31], [sflag:$0xB] =	stream.linear.gather [hbm4b:s13+s5], $0x50, $0x38;
	[tilespmem:$0x1F800] =	vst v63  }
0x2ee: {  	s26 =	sadd.s32 s12, s14  }
0x2ef: {  	[tilespmem:s17], [sflag:$0xB] =	stream.linear.gather [hbm4b:s26+s5], $0x50, $0x38;
	[tilespmem:$0x1F800] =	vst v63  }
0x2f0: {  	_ =	swait.ge [sflag:s28], $0x50  }
0x2f1: {  	[sflag:s28] =	ssyncset.done $0x0  }
0x2f2: {  	[sflag:s28] =	ssyncadd.s32 $0xFFFFFFB0  }
0x2f3: {  	_ =	swait.ge [sflag:s28], $0x50  }
0x2f4: {  	[sflag:s28] =	ssyncset.done $0x0  }
0x2f5: {  	[sflag:s28] =	ssyncadd.s32 $0xFFFFFFB0  }
0x2f6: {  	[tilespmem:s21], [sflag:$0x3] =	stream.indirect.gather [hbm4b:s2+s22], $0x80, s18, s22, $0xb8;
	[tilespmem:$0x1F800] =	vst v63  }
0x2f7: {  	_ =	swait.ge [sflag:s8], $0x2800  }
0x2f8: {  	[sflag:s8] =	ssyncset.done $0x0  }
0x2f9: {  	s14 =	simm.s32 $0xA780;
	[sflag:s8] =	ssyncadd.s32 $0xFFFFD800  }
0x2fa: {  	[spmem:s4] =	stream.indirect.scatter.add.f32 [tilespmem:s24], [sflag:$0xD], $0x80, s14, s22, $0xb8;
	[tilespmem:$0x1F800] =	vst v63  }
0x2fb: {  	_ =	swait.ge [sflag:s25], $0x2800  }
0x2fc: {  	s21 =	rddreg [dreg:$0x5];
	[sflag:s25] =	ssyncset.done $0x0  }
0x2fd: {  	s24 =	rddreg [dreg:$0x6];
	[sflag:s25] =	ssyncadd.s32 $0xFFFFD800;
	s13 =	sadd.s32 s12, s21  }
0x2fe: {  	[tilespmem:s20], [sflag:$0xC] =	stream.linear.gather [hbm4b:s13+s5], $0x50, $0x38;
	[tilespmem:$0x1F800] =	vst v63  }
0x2ff: {  	s12 =	sadd.s32 s12, s24  }
0x300: {  	[tilespmem:s14], [sflag:$0xC] =	stream.linear.gather [hbm4b:s12+s5], $0x50, $0x38;
	[tilespmem:$0x1F800] =	vst v63  }
0x301: {  	p0 =	sne.s32 s10, $0x410;
	_ =	swait.ge [sflag:s30], $0x50  }
.Ltmp0:
0x302: {  	[sflag:s30] =	ssyncset.done $0x0;
	(pc) =	sbr.rel @p0 .LBB2_2-.Ltmp0, $4  }
0x303: {  	s10 =	sadd.s32 $0x50, s10;
	s11 =	sadd.s32 $0x280, s11;
	[sflag:s30] =	ssyncadd.s32 $0xFFFFFFB0  }
0x304: {  	s16 =	simm.s32 $0xA500;
	s29 =	simm.s32 $0xA580;
	_ =	swait.ge [sflag:s30], $0x50  }
0x305: {  	s19 =	simm.s32 $0xA600;
	s31 =	simm.s32 $0xA680;
	[sflag:s30] =	ssyncset.done $0x0  }
0x306: {  	s26 =	simm.s32 $0xA700;
	s18 =	simm.s32 $0xA780;
	[sflag:s30] =	ssyncadd.s32 $0xFFFFFFB0  }
0x307: {  	s10 =	simm.s32 $0xA300;
	s24 =	simm.s32 $0x7800  }
0x308: {  	[tilespmem:s24], [sflag:$0x4] =	stream.indirect.gather [hbm4b:s2+s22], $0x80, s10, s22, $0xb8;
	[tilespmem:$0x1F800] =	vst v63  }
0x309: {  	_ =	swait.ge [sflag:s23], $0x2800  }
0x30a: {  	[sflag:s23] =	ssyncset.done $0x0  }
0x30b: {  	s12 =	simm.s32 $0xA080;
	[sflag:s23] =	ssyncadd.s32 $0xFFFFD800  }
0x30c: {  	[spmem:s4] =	stream.indirect.scatter.add.f32 [tilespmem:s5], [sflag:$0xD], $0x80, s12, s22, $0xb8;
	[tilespmem:$0x1F800] =	vst v63  }
0x30d: {  	_ =	swait.ge [sflag:s25], $0x2800  }
0x30e: {  	s14 =	sld [smem:$0x7E0]  }
0x30f: {  	[sflag:s25] =	ssyncset.done $0x0  }
0x310: {  	s11 =	simm.s32 $0xA000;
	s15 =	sld [smem:$0x7E1];
	[sflag:s25] =	ssyncadd.s32 $0xFFFFD800  }
0x311: {  	[tilespmem:s11], [sflag:$0x5] =	stream.linear.gather [hbm4b:s14+s5], $0x50, $0x38;
	[tilespmem:$0x1F800] =	vst v63  }
0x312: {  	_ = 	snop  }
0x313: {  	[tilespmem:s12], [sflag:$0x5] =	stream.linear.gather [hbm4b:s15+s5], $0x50, $0x38;
	[tilespmem:$0x1F800] =	vst v63  }
0x314: {  	_ =	swait.ge [sflag:s6], $0x50  }
0x315: {  	[sflag:s6] =	ssyncset.done $0x0  }
0x316: {  	[sflag:s6] =	ssyncadd.s32 $0xFFFFFFB0  }
0x317: {  	_ =	swait.ge [sflag:s6], $0x50  }
0x318: {  	[sflag:s6] =	ssyncset.done $0x0  }
0x319: {  	s20 =	simm.s32 $0xA400;
	[sflag:s6] =	ssyncadd.s32 $0xFFFFFFB0  }
0x31a: {  	[tilespmem:s5], [sflag:$0x1] =	stream.indirect.gather [hbm4b:s2+s22], $0x80, s20, s22, $0xb8;
	[tilespmem:$0x1F800] =	vst v63  }
0x31b: {  	_ =	swait.ge [sflag:s1], $0x2800  }
0x31c: {  	[sflag:s1] =	ssyncset.done $0x0  }
0x31d: {  	s14 =	simm.s32 $0x2800;
	s15 =	simm.s32 $0xA180;
	[sflag:s1] =	ssyncadd.s32 $0xFFFFD800  }
0x31e: {  	[spmem:s4] =	stream.indirect.scatter.add.f32 [tilespmem:s14], [sflag:$0xD], $0x80, s15, s22, $0xb8;
	[tilespmem:$0x1F800] =	vst v63  }
0x31f: {  	_ =	swait.ge [sflag:s25], $0x2800  }
0x320: {  	s17 =	sld [smem:$0x7E2]  }
0x321: {  	[sflag:s25] =	ssyncset.done $0x0  }
0x322: {  	s13 =	simm.s32 $0xA100;
	s21 =	sld [smem:$0x7E3];
	[sflag:s25] =	ssyncadd.s32 $0xFFFFD800  }
0x323: {  	[tilespmem:s13], [sflag:$0x6] =	stream.linear.gather [hbm4b:s17+s5], $0x50, $0x38;
	[tilespmem:$0x1F800] =	vst v63  }
0x324: {  	_ = 	snop  }
0x325: {  	[tilespmem:s15], [sflag:$0x6] =	stream.linear.gather [hbm4b:s21+s5], $0x50, $0x38;
	[tilespmem:$0x1F800] =	vst v63  }
0x326: {  	_ =	swait.ge [sflag:s3], $0x50  }
0x327: {  	[sflag:s3] =	ssyncset.done $0x0  }
0x328: {  	[sflag:s3] =	ssyncadd.s32 $0xFFFFFFB0  }
0x329: {  	_ =	swait.ge [sflag:s3], $0x50  }
0x32a: {  	[sflag:s3] =	ssyncset.done $0x0  }
0x32b: {  	[sflag:s3] =	ssyncadd.s32 $0xFFFFFFB0  }
0x32c: {  	[tilespmem:s14], [sflag:$0x2] =	stream.indirect.gather [hbm4b:s2+s22], $0x80, s16, s22, $0xb8;
	[tilespmem:$0x1F800] =	vst v63  }
0x32d: {  	_ =	swait.ge [sflag:s0], $0x2800  }
0x32e: {  	[sflag:s0] =	ssyncset.done $0x0  }
0x32f: {  	s17 =	simm.s32 $0xA280;
	s21 =	simm.s32 $0x5000;
	[sflag:s0] =	ssyncadd.s32 $0xFFFFD800  }
0x330: {  	[spmem:s4] =	stream.indirect.scatter.add.f32 [tilespmem:s21], [sflag:$0xD], $0x80, s17, s22, $0xb8;
	[tilespmem:$0x1F800] =	vst v63  }
0x331: {  	_ =	swait.ge [sflag:s25], $0x2800  }
0x332: {  	s12 =	sld [smem:$0x7E4]  }
0x333: {  	[sflag:s25] =	ssyncset.done $0x0  }
0x334: {  	s16 =	simm.s32 $0xA200;
	[sflag:s25] =	ssyncadd.s32 $0xFFFFD800  }
0x335: {  	[tilespmem:s16], [sflag:$0x7] =	stream.linear.gather [hbm4b:s12+s5], $0x50, $0x38;
	[tilespmem:$0x1F800] =	vst v63  }
0x336: {  	s12 =	sld [smem:$0x7E5];
	_ =	sdelay $0x2  }
0x337: {  	[tilespmem:s17], [sflag:$0x7] =	stream.linear.gather [hbm4b:s12+s5], $0x50, $0x38;
	[tilespmem:$0x1F800] =	vst v63  }
0x338: {  	_ =	swait.ge [sflag:s7], $0x50  }
0x339: {  	[sflag:s7] =	ssyncset.done $0x0  }
0x33a: {  	[sflag:s7] =	ssyncadd.s32 $0xFFFFFFB0  }
0x33b: {  	_ =	swait.ge [sflag:s7], $0x50  }
0x33c: {  	[sflag:s7] =	ssyncset.done $0x0  }
0x33d: {  	[sflag:s7] =	ssyncadd.s32 $0xFFFFFFB0  }
0x33e: {  	[tilespmem:s21], [sflag:$0x3] =	stream.indirect.gather [hbm4b:s2+s22], $0x80, s19, s22, $0xb8;
	[tilespmem:$0x1F800] =	vst v63  }
0x33f: {  	_ =	swait.ge [sflag:s8], $0x2800  }
0x340: {  	[sflag:s8] =	ssyncset.done $0x0  }
0x341: {  	s19 =	simm.s32 $0xA380;
	[sflag:s8] =	ssyncadd.s32 $0xFFFFD800  }
0x342: {  	[spmem:s4] =	stream.indirect.scatter.add.f32 [tilespmem:s24], [sflag:$0xD], $0x80, s19, s22, $0xb8;
	[tilespmem:$0x1F800] =	vst v63  }
0x343: {  	_ =	swait.ge [sflag:s25], $0x2800  }
0x344: {  	s10 =	sld [smem:$0x7E6]  }
0x345: {  	[sflag:s25] =	ssyncset.done $0x0  }
0x346: {  	s12 =	simm.s32 $0xA300;
	[sflag:s25] =	ssyncadd.s32 $0xFFFFD800  }
0x347: {  	[tilespmem:s12], [sflag:$0x8] =	stream.linear.gather [hbm4b:s10+s5], $0x50, $0x38;
	[tilespmem:$0x1F800] =	vst v63  }
0x348: {  	s10 =	sld [smem:$0x7E7];
	_ =	sdelay $0x2  }
0x349: {  	[tilespmem:s19], [sflag:$0x8] =	stream.linear.gather [hbm4b:s10+s5], $0x50, $0x38;
	[tilespmem:$0x1F800] =	vst v63  }
0x34a: {  	_ =	swait.ge [sflag:s9], $0x50  }
0x34b: {  	[sflag:s9] =	ssyncset.done $0x0  }
0x34c: {  	[sflag:s9] =	ssyncadd.s32 $0xFFFFFFB0  }
0x34d: {  	_ =	swait.ge [sflag:s9], $0x50  }
0x34e: {  	[sflag:s9] =	ssyncset.done $0x0  }
0x34f: {  	[sflag:s9] =	ssyncadd.s32 $0xFFFFFFB0  }
0x350: {  	[tilespmem:s24], [sflag:$0x4] =	stream.indirect.gather [hbm4b:s2+s22], $0x80, s26, s22, $0xb8;
	[tilespmem:$0x1F800] =	vst v63  }
0x351: {  	_ =	swait.ge [sflag:s23], $0x2800  }
0x352: {  	[sflag:s23] =	ssyncset.done $0x0  }
0x353: {  	s26 =	simm.s32 $0xA480;
	[sflag:s23] =	ssyncadd.s32 $0xFFFFD800  }
0x354: {  	[spmem:s4] =	stream.indirect.scatter.add.f32 [tilespmem:s5], [sflag:$0xD], $0x80, s26, s22, $0xb8;
	[tilespmem:$0x1F800] =	vst v63  }
0x355: {  	_ =	swait.ge [sflag:s25], $0x2800  }
0x356: {  	s10 =	sld [smem:$0x7E8]  }
0x357: {  	[sflag:s25] =	ssyncset.done $0x0  }
0x358: {  	[sflag:s25] =	ssyncadd.s32 $0xFFFFD800  }
0x359: {  	[tilespmem:s20], [sflag:$0x9] =	stream.linear.gather [hbm4b:s10+s5], $0x50, $0x38;
	[tilespmem:$0x1F800] =	vst v63  }
0x35a: {  	s10 =	sld [smem:$0x7E9];
	_ =	sdelay $0x2  }
0x35b: {  	[tilespmem:s26], [sflag:$0x9] =	stream.linear.gather [hbm4b:s10+s5], $0x50, $0x38;
	[tilespmem:$0x1F800] =	vst v63  }
0x35c: {  	s10 =	simm.s32 $0x5  }
0x35d: {  	_ =	swait.ge [sflag:s10], $0x50  }
0x35e: {  	[sflag:s10] =	ssyncset.done $0x0  }
0x35f: {  	[sflag:s10] =	ssyncadd.s32 $0xFFFFFFB0  }
0x360: {  	_ =	swait.ge [sflag:s10], $0x50  }
0x361: {  	[sflag:s10] =	ssyncset.done $0x0  }
0x362: {  	[sflag:s10] =	ssyncadd.s32 $0xFFFFFFB0  }
0x363: {  	[tilespmem:s5], [sflag:$0x1] =	stream.indirect.gather [hbm4b:s2+s22], $0x80, s11, s22, $0xb8;
	[tilespmem:$0x1F800] =	vst v63  }
0x364: {  	_ =	swait.ge [sflag:s1], $0x2800  }
0x365: {  	[sflag:s1] =	ssyncset.done $0x0  }
0x366: {  	[sflag:s1] =	ssyncadd.s32 $0xFFFFD800  }
0x367: {  	[spmem:s4] =	stream.indirect.scatter.add.f32 [tilespmem:s14], [sflag:$0xD], $0x80, s29, s22, $0xb8;
	[tilespmem:$0x1F800] =	vst v63  }
0x368: {  	_ =	swait.ge [sflag:s25], $0x2800  }
0x369: {  	[sflag:s25] =	ssyncset.done $0x0  }
0x36a: {  	s11 =	simm.s32 $0x6;
	[sflag:s25] =	ssyncadd.s32 $0xFFFFD800  }
0x36b: {  	_ =	swait.ge [sflag:s11], $0x50  }
0x36c: {  	[sflag:s11] =	ssyncset.done $0x0  }
0x36d: {  	[sflag:s11] =	ssyncadd.s32 $0xFFFFFFB0  }
0x36e: {  	_ =	swait.ge [sflag:s11], $0x50  }
0x36f: {  	[sflag:s11] =	ssyncset.done $0x0  }
0x370: {  	[sflag:s11] =	ssyncadd.s32 $0xFFFFFFB0  }
0x371: {  	[tilespmem:s14], [sflag:$0x2] =	stream.indirect.gather [hbm4b:s2+s22], $0x80, s13, s22, $0xb8;
	[tilespmem:$0x1F800] =	vst v63  }
0x372: {  	_ =	swait.ge [sflag:s0], $0x2800  }
0x373: {  	[sflag:s0] =	ssyncset.done $0x0  }
0x374: {  	[sflag:s0] =	ssyncadd.s32 $0xFFFFD800  }
0x375: {  	[spmem:s4] =	stream.indirect.scatter.add.f32 [tilespmem:s21], [sflag:$0xD], $0x80, s31, s22, $0xb8;
	[tilespmem:$0x1F800] =	vst v63  }
0x376: {  	_ =	swait.ge [sflag:s25], $0x2800  }
0x377: {  	[sflag:s25] =	ssyncset.done $0x0  }
0x378: {  	[sflag:s25] =	ssyncadd.s32 $0xFFFFD800  }
0x379: {  	_ =	swait.ge [sflag:s28], $0x50  }
0x37a: {  	[sflag:s28] =	ssyncset.done $0x0  }
0x37b: {  	[sflag:s28] =	ssyncadd.s32 $0xFFFFFFB0  }
0x37c: {  	_ =	swait.ge [sflag:s28], $0x50  }
0x37d: {  	[sflag:s28] =	ssyncset.done $0x0  }
0x37e: {  	[sflag:s28] =	ssyncadd.s32 $0xFFFFFFB0  }
0x37f: {  	[tilespmem:s21], [sflag:$0x3] =	stream.indirect.gather [hbm4b:s2+s22], $0x80, s16, s22, $0xb8;
	[tilespmem:$0x1F800] =	vst v63  }
0x380: {  	_ =	swait.ge [sflag:s8], $0x2800  }
0x381: {  	[sflag:s8] =	ssyncset.done $0x0  }
0x382: {  	[sflag:s8] =	ssyncadd.s32 $0xFFFFD800  }
0x383: {  	[spmem:s4] =	stream.indirect.scatter.add.f32 [tilespmem:s24], [sflag:$0xD], $0x80, s18, s22, $0xb8;
	[tilespmem:$0x1F800] =	vst v63  }
0x384: {  	_ =	swait.ge [sflag:s25], $0x2800  }
0x385: {  	[sflag:s25] =	ssyncset.done $0x0  }
0x386: {  	[sflag:s25] =	ssyncadd.s32 $0xFFFFD800  }
0x387: {  	_ =	swait.ge [sflag:s30], $0x50  }
0x388: {  	[sflag:s30] =	ssyncset.done $0x0  }
0x389: {  	[sflag:s30] =	ssyncadd.s32 $0xFFFFFFB0  }
0x38a: {  	_ =	swait.ge [sflag:s30], $0x50  }
0x38b: {  	[sflag:s30] =	ssyncset.done $0x0  }
0x38c: {  	s12 =	simm.s32 $0xA300;
	[sflag:s30] =	ssyncadd.s32 $0xFFFFFFB0  }
0x38d: {  	[tilespmem:s24], [sflag:$0x4] =	stream.indirect.gather [hbm4b:s2+s22], $0x80, s12, s22, $0xb8;
	[tilespmem:$0x1F800] =	vst v63  }
0x38e: {  	_ =	swait.ge [sflag:s23], $0x2800  }
0x38f: {  	[sflag:s23] =	ssyncset.done $0x0  }
0x390: {  	s18 =	simm.s32 $0xA080;
	[sflag:s23] =	ssyncadd.s32 $0xFFFFD800  }
0x391: {  	[spmem:s4] =	stream.indirect.scatter.add.f32 [tilespmem:s5], [sflag:$0xD], $0x80, s18, s22, $0xb8;
	[tilespmem:$0x1F800] =	vst v63  }
0x392: {  	_ =	swait.ge [sflag:s25], $0x2800  }
0x393: {  	[sflag:s25] =	ssyncset.done $0x0  }
0x394: {  	[sflag:s25] =	ssyncadd.s32 $0xFFFFD800  }
0x395: {  	_ =	swait.ge [sflag:s6], $0x50  }
0x396: {  	[sflag:s6] =	ssyncset.done $0x0  }
0x397: {  	[sflag:s6] =	ssyncadd.s32 $0xFFFFFFB0  }
0x398: {  	_ =	swait.ge [sflag:s6], $0x50  }
0x399: {  	[sflag:s6] =	ssyncset.done $0x0  }
0x39a: {  	[sflag:s6] =	ssyncadd.s32 $0xFFFFFFB0  }
0x39b: {  	[tilespmem:s5], [sflag:$0x1] =	stream.indirect.gather [hbm4b:s2+s22], $0x80, s20, s22, $0xb8;
	[tilespmem:$0x1F800] =	vst v63  }
0x39c: {  	_ =	swait.ge [sflag:s1], $0x2800  }
0x39d: {  	[sflag:s1] =	ssyncset.done $0x0  }
0x39e: {  	[sflag:s1] =	ssyncadd.s32 $0xFFFFD800  }
0x39f: {  	[spmem:s4] =	stream.indirect.scatter.add.f32 [tilespmem:s14], [sflag:$0xD], $0x80, s15, s22, $0xb8;
	[tilespmem:$0x1F800] =	vst v63  }
0x3a0: {  	_ =	swait.ge [sflag:s25], $0x2800  }
0x3a1: {  	[sflag:s25] =	ssyncset.done $0x0  }
0x3a2: {  	[sflag:s25] =	ssyncadd.s32 $0xFFFFD800  }
0x3a3: {  	_ =	swait.ge [sflag:s0], $0x2800  }
0x3a4: {  	[sflag:s0] =	ssyncset.done $0x0  }
0x3a5: {  	[sflag:s0] =	ssyncadd.s32 $0xFFFFD800  }
0x3a6: {  	[spmem:s4] =	stream.indirect.scatter.add.f32 [tilespmem:s21], [sflag:$0xD], $0x80, s17, s22, $0xb8;
	[tilespmem:$0x1F800] =	vst v63  }
0x3a7: {  	_ =	swait.ge [sflag:s25], $0x2800  }
0x3a8: {  	[sflag:s25] =	ssyncset.done $0x0  }
0x3a9: {  	[sflag:s25] =	ssyncadd.s32 $0xFFFFD800  }
0x3aa: {  	_ =	swait.ge [sflag:s8], $0x2800  }
0x3ab: {  	[sflag:s8] =	ssyncset.done $0x0  }
0x3ac: {  	[sflag:s8] =	ssyncadd.s32 $0xFFFFD800  }
0x3ad: {  	[spmem:s4] =	stream.indirect.scatter.add.f32 [tilespmem:s24], [sflag:$0xD], $0x80, s19, s22, $0xb8;
	[tilespmem:$0x1F800] =	vst v63  }
0x3ae: {  	_ =	swait.ge [sflag:s25], $0x2800  }
0x3af: {  	[sflag:s25] =	ssyncset.done $0x0  }
0x3b0: {  	[sflag:s25] =	ssyncadd.s32 $0xFFFFD800  }
0x3b1: {  	_ =	swait.ge [sflag:s23], $0x2800  }
0x3b2: {  	[sflag:s23] =	ssyncset.done $0x0  }
0x3b3: {  	[sflag:s23] =	ssyncadd.s32 $0xFFFFD800  }
0x3b4: {  	[spmem:s4] =	stream.indirect.scatter.add.f32 [tilespmem:s5], [sflag:$0xD], $0x80, s26, s22, $0xb8;
	[tilespmem:$0x1F800] =	vst v63  }
0x3b5: {  	_ =	swait.ge [sflag:s25], $0x2800  }
0x3b6: {  	[sflag:s25] =	ssyncset.done $0x0  }
0x3b7: {  	[sflag:s25] =	ssyncadd.s32 $0xFFFFD800  }
0x3b8: {  	[bflag:$0x0] =	sbarrier.arrive $0xFFFF  }
0x3b9: {  	s13 =	sld [smem:$0x7FD]  }
0x3ba: {  	s21 =	stileid.u32;
	s26 =	sld [smem:$0x7DA]  }
0x3bb: {  	s10 =	sshll.u32 s21, $0x6  }
0x3bc: {  	s10 =	sor.u32 $0x1C0D, s10;
	s24 =	sshrl.u32 s13, $0x3  }
0x3bd: {  	[hbm:s26], [sflag:s10] =	dma.local [spmem:s24], $0x2800  }
0x3be: {  	_ =	swait.ge [sflag:s25], $0x2800  }
0x3bf: {  	s29 =	sld [smem:$0x7D8]  }
0x3c0: {  	s31 =	sld [smem:$0x7DE];
	_ =	sdelay $0x1  }
0x3c1: {  	s11 =	sadd.s32 $0x1, s29  }
0x3c2: {  	p0 =	sne.s32 s11, s31  }
.Ltmp1:
0x3c3: {  	_ = 	snop;
	(pc) =	sbr.rel @p0 .LBB2_1-.Ltmp1, $4  }
0x3c4: {  	_ = 	snop  }
0x3c5: {  	[sflag:s25] =	ssyncset.done $0x0  }
0x3c6: {  	[sflag:s25] =	ssyncadd.s32 $0xFFFFD800  }
0x3c7: {  	s12 =	rddreg [dreg:$0x0]  }
0x3c8: {  	_ =	sfence.sel $0x180000  }
0x3c9: {  	[bflag:$0x0] =	sbarrier.arrive $0xFFFF  }
0x3ca: {  	_ =	strace $0x90000047  }
0x3cb: {  	s0 =	stileid.u32;
	[bflag:$0x2] =	sbarrier.arrive $0xFFFF  }
0x3cc: {  	p0 =	sne.s32 s0, $0x0;
	s0 =	rddreg [dreg:$0x4]  }
0x3cd: {  	s0 =	sadd.s32 @!p0 $0x100000, s0  }
0x3ce: {  	[sflag:s0] =	ssyncadd.tile.s32 @!p0 $0x1;
	_ =	shalt  }
.Lfunc_end2:
_tile_overlayer_lowered:
.L_overlay_start_2:
0x3cf: {  	(tag) =	ssettag $0x2  }
0x3d0: {  	s0 =	rddreg [dreg:$0x0];
	s2 =	stileid.u32  }
0x3d1: {  	s1 =	rddreg [dreg:$0x1];
	p0 =	sne.s32 s2, $0x0  }
0x3d2: {  	s3 =	rddreg [dreg:$0x2];
	[bflag:$0x3] =	sbarrier.arrive $0xFFFF;
	s2 =	simm.s32 @!p0 $0x1C0D  }
0x3d3: {  	[timem:s3], [sflag:s2] =	dma.local @!p0 [hbm:s0], s1  }
0x3d4: {  	s0 =	simm.s32 @!p0 $0xD  }
0x3d5: {  	_ =	swait.ge @!p0 [sflag:s0], s1  }
0x3d6: {  	s1 =	ssub.s32 @!p0 $0x0, s1;
	[sflag:s0] =	ssyncset.done @!p0 $0x0  }
0x3d7: {  	[sflag:s0] =	ssyncadd.s32 @!p0 s1  }
0x3d8: {  	[bflag:$0x3] =	sbarrier.arrive $0xFFFF  }
0x3d9: {  	_ =	shalt  }

</sc_bundles>
